<compile_context>
chip_gen: v7x
topology: tpu7x:2x2x1
jax: 0.10.2.dev20260603
libtpu: 0.0.44.dev20260713+nightly
codegen_flags: <defaults>
</compile_context>

<pallas_src>
import functools

import jax
import jax.numpy as jnp
from jax import lax
from jax.experimental import pallas as pl
from jax.experimental.pallas import tpu as pltpu
from jax.experimental.pallas import tpu_sc as plsc

N = 10000
IN = 128
H = 8
C = 16
HC = H * C
E = 320000
EP = E + N

K = 80
NW = 32
NB = 3
CH = 129
E_PAD = NW * K * CH
PER_W = CH * K

R_ROWS = 10016
ROWS_PER_TILE = R_ROWS // 16

_BN = 2000


def _tc_prep_body(x_ref, w_ref, asf_ref, adf_ref, q_ref, xp_ref, as_ref, ad_ref):
    xp = jnp.dot(x_ref[...], w_ref[...], preferred_element_type=jnp.float32,
                 precision=lax.Precision.HIGHEST)
    xp_ref[...] = xp
    as_ref[...] = jnp.dot(xp * asf_ref[...], q_ref[...],
                          preferred_element_type=jnp.float32,
                          precision=lax.Precision.HIGHEST)
    ad_ref[...] = jnp.dot(xp * adf_ref[...], q_ref[...],
                          preferred_element_type=jnp.float32,
                          precision=lax.Precision.HIGHEST)


def _tc_prep(x, W, att_src_flat, att_dst_flat, Q):
    grid = (N // _BN,)
    return pl.pallas_call(
        _tc_prep_body,
        grid=grid,
        in_specs=[
            pl.BlockSpec((_BN, IN), lambda i: (i, 0)),
            pl.BlockSpec((IN, HC), lambda i: (0, 0)),
            pl.BlockSpec((1, HC), lambda i: (0, 0)),
            pl.BlockSpec((1, HC), lambda i: (0, 0)),
            pl.BlockSpec((HC, 16), lambda i: (0, 0)),
        ],
        out_specs=[
            pl.BlockSpec((_BN, HC), lambda i: (i, 0)),
            pl.BlockSpec((_BN, 16), lambda i: (i, 0)),
            pl.BlockSpec((_BN, 16), lambda i: (i, 0)),
        ],
        out_shape=[
            jax.ShapeDtypeStruct((N, HC), jnp.float32),
            jax.ShapeDtypeStruct((N, 16), jnp.float32),
            jax.ShapeDtypeStruct((N, 16), jnp.float32),
        ],
    )(x, W, att_src_flat, att_dst_flat, Q)


def _splat(v, h):
    idx = jnp.full((16, 1), h, dtype=jnp.int32)
    dn = lax.GatherDimensionNumbers(offset_dims=(), collapsed_slice_dims=(0,),
                                    start_index_map=(0,))
    return lax.gather(v, idx, dn, slice_sizes=(1,),
                      mode=lax.GatherScatterMode.PROMISE_IN_BOUNDS)


def _sc_body(xp_h, as_h, ad_h, sidx_h, z128_h, z16_h,
             s_out, d_out,
             s_sh, d_sh, sidxv, dsts, rows, asv, adv,
             isem, gsem_r, gsem_a, gsem_b, ssem_s, ssem_d):
    cid = lax.axis_index("c")
    sid = lax.axis_index("s")
    wid = sid * 2 + cid

    pltpu.sync_copy(z128_h, s_sh.at[pl.ds(sid * ROWS_PER_TILE, ROWS_PER_TILE)])
    pltpu.sync_copy(z16_h, d_sh.at[pl.ds(sid * ROWS_PER_TILE, ROWS_PER_TILE)])
    plsc.subcore_barrier()

    base0 = wid * PER_W

    def idx_issue(ch, b):
        base = base0 + ch * K
        pltpu.async_copy(sidx_h.at[:, pl.ds(base, K)], sidxv.at[b],
                         isem.at[b])

    def idx_wait(b):
        pltpu.make_async_copy(sidx_h.at[:, pl.ds(0, K)], sidxv.at[b],
                              isem.at[b]).wait()

    def gather_issue(b):
        pltpu.async_copy(xp_h.at[sidxv.at[b, 0]], rows.at[b], gsem_r.at[b])
        pltpu.async_copy(as_h.at[sidxv.at[b, 0]], asv.at[b], gsem_a.at[b])
        pltpu.async_copy(ad_h.at[sidxv.at[b, 1]], adv.at[b], gsem_b.at[b])

    def gather_wait(b):
        pltpu.make_async_copy(xp_h.at[sidxv.at[b, 0]], rows.at[b],
                              gsem_r.at[b]).wait()
        pltpu.make_async_copy(as_h.at[sidxv.at[b, 0]], asv.at[b],
                              gsem_a.at[b]).wait()
        pltpu.make_async_copy(ad_h.at[sidxv.at[b, 1]], adv.at[b],
                              gsem_b.at[b]).wait()

    def scatter_issue(b):
        pltpu.async_copy(asv.at[b], d_sh.at[dsts.at[b]], ssem_d.at[b],
                         add=True)
        pltpu.async_copy(rows.at[b], s_sh.at[dsts.at[b]], ssem_s.at[b],
                         add=True)

    def scatter_wait(b):
        pltpu.make_async_copy(asv.at[b], d_sh.at[dsts.at[b]],
                              ssem_d.at[b]).wait()
        pltpu.make_async_copy(rows.at[b], s_sh.at[dsts.at[b]],
                              ssem_s.at[b]).wait()

    idx_issue(0, 0)
    idx_wait(0)
    gather_issue(0)
    idx_issue(1, 1)
    idx_wait(1)
    gather_issue(1)
    idx_issue(2, 2)

    @pl.loop(0, CH, step=NB)
    def _chunk(ch0):
        for b in range(NB):
            ch = ch0 + b
            nxt = (b + 2) % NB
            gather_wait(b)

            for j in range(K // 16):
                dsts.at[b][pl.ds(16 * j, 16)] = (
                    sidxv.at[b, 1][pl.ds(16 * j, 16)])

            @pl.when(ch + 3 < CH)
            def _():
                idx_issue(ch + 3, b)

            @pl.when(ch + 2 < CH)
            def _():
                @pl.when(ch >= 1)
                def _():
                    scatter_wait(nxt)
                idx_wait(nxt)
                gather_issue(nxt)

            @plsc.parallel_loop(0, K, unroll=4)
            def _edge(k):
                a = asv.at[b][k] + adv.at[b][k]
                w = jnp.exp(jnp.maximum(a, 0.2 * a))
                asv.at[b][k] = w
                for h in range(H):
                    sl = pl.ds(16 * h, 16)
                    rows.at[b][k, sl] = rows.at[b][k, sl] * _splat(w, h)

            scatter_issue(b)

    scatter_wait(0)
    scatter_wait(1)
    scatter_wait(2)

    plsc.subcore_barrier()
    sl = pl.ds(sid * ROWS_PER_TILE, ROWS_PER_TILE)
    pltpu.sync_copy(s_sh.at[sl], s_out.at[cid].at[sl])
    pltpu.sync_copy(d_sh.at[sl], d_out.at[cid].at[sl])


def _sc_edge_pass(xp, asrc, adst, sidx, z128, z16):
    mesh = plsc.VectorSubcoreMesh(core_axis_name="c", subcore_axis_name="s")
    f = pl.kernel(
        _sc_body,
        compiler_params=pltpu.CompilerParams(use_tc_tiling_on_sc=False),
        out_type=[
            jax.ShapeDtypeStruct((2, R_ROWS, HC), jnp.float32),
            jax.ShapeDtypeStruct((2, R_ROWS, 16), jnp.float32),
        ],
        mesh=mesh,
        scratch_types=[
            pltpu.VMEM_SHARED((R_ROWS, HC), jnp.float32),
            pltpu.VMEM_SHARED((R_ROWS, 16), jnp.float32),
            pltpu.VMEM((NB, 2, K), jnp.int32),
            pltpu.VMEM((NB, K), jnp.int32),
            pltpu.VMEM((NB, K, HC), jnp.float32),
            pltpu.VMEM((NB, K, 16), jnp.float32),
            pltpu.VMEM((NB, K, 16), jnp.float32),
            pltpu.SemaphoreType.DMA((NB,)),
            pltpu.SemaphoreType.DMA((NB,)),
            pltpu.SemaphoreType.DMA((NB,)),
            pltpu.SemaphoreType.DMA((NB,)),
            pltpu.SemaphoreType.DMA((NB,)),
            pltpu.SemaphoreType.DMA((NB,)),
        ],
    )
    return f(xp, asrc, adst, sidx, z128, z16)


def _tc_combine_body(s_ref, d_ref, r16_ref, b_ref, o_ref):
    s = s_ref[0] + s_ref[1]
    d = d_ref[0] + d_ref[1]
    r = 1.0 / (d + 1e-16)
    rex = jnp.dot(r, r16_ref[...], preferred_element_type=jnp.float32,
                  precision=lax.Precision.HIGHEST)
    o_ref[...] = jnp.maximum(s * rex + b_ref[...], 0.0)


def _tc_combine(S, D, R16, bias_row):
    grid = (N // _BN,)
    return pl.pallas_call(
        _tc_combine_body,
        grid=grid,
        in_specs=[
            pl.BlockSpec((2, _BN, HC), lambda i: (0, i, 0)),
            pl.BlockSpec((2, _BN, 16), lambda i: (0, i, 0)),
            pl.BlockSpec((16, HC), lambda i: (0, 0)),
            pl.BlockSpec((1, HC), lambda i: (0, 0)),
        ],
        out_specs=pl.BlockSpec((_BN, HC), lambda i: (i, 0)),
        out_shape=jax.ShapeDtypeStruct((N, HC), jnp.float32),
    )(S, D, R16, bias_row)


@jax.jit
def kernel(x, x_0, edge_index, W, att_src, att_dst, bias):
    del x_0

    loop = jnp.arange(N, dtype=jnp.int32)
    src = jnp.concatenate([edge_index[0].astype(jnp.int32), loop,
                           jnp.zeros((E_PAD - EP,), jnp.int32)])
    dst = jnp.concatenate([edge_index[1].astype(jnp.int32), loop,
                           jnp.full((E_PAD - EP,), N, jnp.int32)])
    sidx = jnp.stack([src, dst])

    lane = jnp.arange(HC, dtype=jnp.int32)
    head16 = jnp.arange(16, dtype=jnp.int32)
    Q = (head16[None, :] == (lane[:, None] // C)).astype(jnp.float32)
    R16 = ((head16[:, None] == (lane[None, :] // C)) &
           (head16[:, None] < H)).astype(jnp.float32)

    asf = att_src.reshape(1, HC)
    adf = att_dst.reshape(1, HC)
    z128 = jnp.zeros((ROWS_PER_TILE, HC), jnp.float32)
    z16 = jnp.zeros((ROWS_PER_TILE, 16), jnp.float32)

    xp, asrc, adst = _tc_prep(x, W, asf, adf, Q)
    S, D = _sc_edge_pass(xp, asrc, adst, sidx, z128, z16)
    return _tc_combine(S, D, R16, bias.reshape(1, HC))

# --- scband reference (transcript-rebuilt; emitter-appended) ---
"""Pipeline reference for scband-gatconv-6150393168664 (READ-ONLY COPY).

The authoritative reference and input builder live on the scoring server;
editing this copy changes nothing except your own understanding.
"""

import jax, jax.numpy as jnp
import numpy as np

N = 10000
E = 320000
IN = 128
H = 8
C = 16


def setup_inputs(seed: int = 0) -> dict:
    key = jax.random.key(seed)
    k1, k2, k3, k4, k5, k6 = jax.random.split(key, 6)
    x = jax.random.normal(k1, (N, IN), dtype=jnp.float32)
    x_0 = jax.random.normal(k2, (N, IN), dtype=jnp.float32)
    edge_index = jax.random.randint(k3, (2, E), 0, N, dtype=jnp.int32)
    W = jax.random.normal(k4, (IN, H * C), dtype=jnp.float32) * (1.0 / np.sqrt(IN))
    att_src = jax.random.normal(k5, (1, H, C), dtype=jnp.float32) * 0.1
    att_dst = jax.random.normal(k6, (1, H, C), dtype=jnp.float32) * 0.1
    bias = jnp.zeros((H * C,), dtype=jnp.float32)
    return {"x": x, "x_0": x_0, "edge_index": edge_index, "W": W,
            "att_src": att_src, "att_dst": att_dst, "bias": bias}


def reference(x, x_0, edge_index, W, att_src, att_dst, bias):
    n = x.shape[0]
    # PyG GATConv adds self-loops by default
    loop = jnp.arange(n, dtype=edge_index.dtype)
    src = jnp.concatenate([edge_index[0], loop])
    dst = jnp.concatenate([edge_index[1], loop])
    # linear projection (no bias inside lin), reshape to heads
    xp = (x @ W).reshape(n, H, C)
    # attention logits per node
    a_src = jnp.sum(xp * att_src, axis=-1)  # [N, H]
    a_dst = jnp.sum(xp * att_dst, axis=-1)  # [N, H]
    # per-edge attention
    alpha = a_src[src] + a_dst[dst]          # gather [E', H]
    alpha = jax.nn.leaky_relu(alpha, 0.2)
    # segment softmax over incoming edges of each dst node
    amax = jax.ops.segment_max(alpha, dst, num_segments=n)
    alpha = jnp.exp(alpha - amax[dst])
    denom = jax.ops.segment_sum(alpha, dst, num_segments=n)
    alpha = alpha / (denom[dst] + 1e-16)
    # weighted message aggregation (scatter-add)
    msg = xp[src] * alpha[..., None]         # [E', H, C]
    out = jax.ops.segment_sum(msg, dst, num_segments=n)  # [N, H, C]
    out = out.reshape(n, H * C) + bias
    # unlinear = ReLU activation (norm=None)
    return jax.nn.relu(out)

if __name__ == "__main__":
    import jax
    _d = setup_inputs()
    print(jax.jit(kernel)(*tuple(_d.values())))

</pallas_src>

<mosaic_0001>
#map = affine_map<(d0, d1) -> (0, 0)>
#map1 = affine_map<(d0, d1) -> (0, 0, 0)>
module attributes {stable_mosaic.version = 14 : i64} {
  func.func @_sc_body(%arg0: i32, %arg1: i32, %arg2: memref<10000x128xf32, #tpu.memory_space<hbm>>, %arg3: memref<10000x16xf32, #tpu.memory_space<hbm>>, %arg4: memref<10000x16xf32, #tpu.memory_space<hbm>>, %arg5: memref<2x330240xi32, #tpu.memory_space<hbm>>, %arg6: memref<626x128xf32, #tpu.memory_space<hbm>>, %arg7: memref<626x16xf32, #tpu.memory_space<hbm>>, %arg8: memref<2x10016x128xf32, #tpu.memory_space<hbm>>, %arg9: memref<2x10016x16xf32, #tpu.memory_space<hbm>>, %arg10: memref<10016x128xf32, #tpu.memory_space<vmem_shared>>, %arg11: memref<10016x16xf32, #tpu.memory_space<vmem_shared>>, %arg12: memref<3x2x80xi32, #tpu.memory_space<vmem>>, %arg13: memref<3x80xi32, #tpu.memory_space<vmem>>, %arg14: memref<3x80x128xf32, #tpu.memory_space<vmem>>, %arg15: memref<3x80x16xf32, #tpu.memory_space<vmem>>, %arg16: memref<3x80x16xf32, #tpu.memory_space<vmem>>, %arg17: memref<3x!tpu.dma_semaphore, #tpu.memory_space<semaphore_mem>>, %arg18: memref<3x!tpu.dma_semaphore, #tpu.memory_space<semaphore_mem>>, %arg19: memref<3x!tpu.dma_semaphore, #tpu.memory_space<semaphore_mem>>, %arg20: memref<3x!tpu.dma_semaphore, #tpu.memory_space<semaphore_mem>>, %arg21: memref<3x!tpu.dma_semaphore, #tpu.memory_space<semaphore_mem>>, %arg22: memref<3x!tpu.dma_semaphore, #tpu.memory_space<semaphore_mem>>) attributes {dimension_semantics = [#tpu.dimension_semantics<core_parallel>, #tpu.dimension_semantics<subcore_parallel>], iteration_bounds = array<i64: 2, 16>, scalar_prefetch = 0 : i64, scratch_operands = 13 : i64, tpu.core_type = #tpu.core_type<sc_vector_subcore>, window_params = [{transform_indices = #map}, {transform_indices = #map}, {transform_indices = #map}, {transform_indices = #map}, {transform_indices = #map}, {transform_indices = #map}, {transform_indices = #map1}, {transform_indices = #map1}]} {
    %mul3A = arith.constant 2 : i32
    %mul3A_0 = arith.muli %arg1, %mul3A : i32
    %add3A = arith.addi %mul3A_0, %arg0 : i32
    %mul3A_1 = arith.constant 626 : i32
    %mul3A_2 = arith.muli %arg1, %mul3A_1 : i32
    "tpu.region"() ({
      %run_scoped3A = tpu.sem_alloc : memref<!tpu.dma_semaphore, #tpu.memory_space<semaphore_mem>>
      %dma_start3A_288 = arith.constant 0 : i32
      %dma_start3A_289 = tpu.memref_slice %arg10[%mul3A_2, %dma_start3A_288] : memref<10016x128xf32, #tpu.memory_space<vmem_shared>> -> memref<626x128xf32, #tpu.memory_space<vmem_shared>>
      tpu.enqueue_dma source(%arg6 : memref<626x128xf32, #tpu.memory_space<hbm>>) target(%dma_start3A_289 : memref<626x128xf32, #tpu.memory_space<vmem_shared>>) target_semaphore(%run_scoped3A : memref<!tpu.dma_semaphore, #tpu.memory_space<semaphore_mem>>)
      %dma_wait3A_290 = arith.constant 0 : i32
      %dma_wait3A_291 = tpu.memref_slice %arg10[%mul3A_2, %dma_wait3A_290] : memref<10016x128xf32, #tpu.memory_space<vmem_shared>> -> memref<626x128xf32, #tpu.memory_space<vmem_shared>>
      tpu.wait_dma2 semaphore(%run_scoped3A : memref<!tpu.dma_semaphore, #tpu.memory_space<semaphore_mem>>) src(%arg6 : memref<626x128xf32, #tpu.memory_space<hbm>>) dst(%dma_wait3A_291 : memref<626x128xf32, #tpu.memory_space<vmem_shared>>)
      tpu.yield
    }) : () -> ()
    %mul3A_3 = arith.constant 626 : i32
    %mul3A_4 = arith.muli %arg1, %mul3A_3 : i32
    "tpu.region"() ({
      %run_scoped3A = tpu.sem_alloc : memref<!tpu.dma_semaphore, #tpu.memory_space<semaphore_mem>>
      %dma_start3A_288 = arith.constant 0 : i32
      %dma_start3A_289 = tpu.memref_slice %arg11[%mul3A_4, %dma_start3A_288] : memref<10016x16xf32, #tpu.memory_space<vmem_shared>> -> memref<626x16xf32, #tpu.memory_space<vmem_shared>>
      tpu.enqueue_dma source(%arg7 : memref<626x16xf32, #tpu.memory_space<hbm>>) target(%dma_start3A_289 : memref<626x16xf32, #tpu.memory_space<vmem_shared>>) target_semaphore(%run_scoped3A : memref<!tpu.dma_semaphore, #tpu.memory_space<semaphore_mem>>)
      %dma_wait3A_290 = arith.constant 0 : i32
      %dma_wait3A_291 = tpu.memref_slice %arg11[%mul3A_4, %dma_wait3A_290] : memref<10016x16xf32, #tpu.memory_space<vmem_shared>> -> memref<626x16xf32, #tpu.memory_space<vmem_shared>>
      tpu.wait_dma2 semaphore(%run_scoped3A : memref<!tpu.dma_semaphore, #tpu.memory_space<semaphore_mem>>) src(%arg7 : memref<626x16xf32, #tpu.memory_space<hbm>>) dst(%dma_wait3A_291 : memref<626x16xf32, #tpu.memory_space<vmem_shared>>)
      tpu.yield
    }) : () -> ()
    %barrier3A = arith.constant 0 : index
    tpu.barrier barrier_id(%barrier3A)
    %mul3A_5 = arith.constant 10320 : i32
    %mul3A_6 = arith.muli %add3A, %mul3A_5 : i32
    %add3A_7 = arith.constant 0 : i32
    %add3A_8 = arith.addi %mul3A_6, %add3A_7 : i32
    %dma_start3A = arith.constant 0 : i32
    %dma_start3A_9 = arith.constant 0 : i32
    %dma_start3A_10 = arith.constant 0 : i32
    %dma_start3A_11 = arith.constant 0 : i32
    %dma_start3A_12 = tpu.memref_slice %arg12[%dma_start3A, %dma_start3A_10, %dma_start3A_11] : memref<3x2x80xi32, #tpu.memory_space<vmem>> -> memref<1x2x80xi32, #tpu.memory_space<vmem>>
    %dma_start3A_13 = tpu.memref_squeeze %dma_start3A_12 : memref<1x2x80xi32, #tpu.memory_space<vmem>> -> memref<2x80xi32, #tpu.memory_space<vmem>>
    %dma_start3A_14 = arith.constant 0 : i32
    %dma_start3A_15 = tpu.memref_slice %arg5[%dma_start3A_14, %add3A_8] : memref<2x330240xi32, #tpu.memory_space<hbm>> -> memref<2x80xi32, #tpu.memory_space<hbm>>
    %dma_start3A_16 = tpu.memref_slice %arg17[%dma_start3A_9] : memref<3x!tpu.dma_semaphore, #tpu.memory_space<semaphore_mem>> -> memref<1x!tpu.dma_semaphore, #tpu.memory_space<semaphore_mem>>
    %dma_start3A_17 = tpu.memref_squeeze %dma_start3A_16 : memref<1x!tpu.dma_semaphore, #tpu.memory_space<semaphore_mem>> -> memref<!tpu.dma_semaphore, #tpu.memory_space<semaphore_mem>>
    %dma_start3A_18 = arith.constant 0 : i32
    %dma_start3A_19 = arith.constant 0 : i32
    %dma_start3A_20 = tpu.memref_slice %arg12[%dma_start3A, %dma_start3A_18, %dma_start3A_19] : memref<3x2x80xi32, #tpu.memory_space<vmem>> -> memref<1x2x80xi32, #tpu.memory_space<vmem>>
    %dma_start3A_21 = tpu.memref_squeeze %dma_start3A_20 : memref<1x2x80xi32, #tpu.memory_space<vmem>> -> memref<2x80xi32, #tpu.memory_space<vmem>>
    %dma_start3A_22 = arith.constant 0 : i32
    %dma_start3A_23 = tpu.memref_slice %arg5[%dma_start3A_22, %add3A_8] : memref<2x330240xi32, #tpu.memory_space<hbm>> -> memref<2x80xi32, #tpu.memory_space<hbm>>
    tpu.enqueue_dma source(%dma_start3A_23 : memref<2x80xi32, #tpu.memory_space<hbm>>) target(%dma_start3A_21 : memref<2x80xi32, #tpu.memory_space<vmem>>) target_semaphore(%dma_start3A_17 : memref<!tpu.dma_semaphore, #tpu.memory_space<semaphore_mem>>)
    %dma_wait3A = arith.constant 0 : i32
    %dma_wait3A_24 = arith.constant 0 : i32
    %dma_wait3A_25 = arith.constant 0 : i32
    %dma_wait3A_26 = arith.constant 0 : i32
    %dma_wait3A_27 = tpu.memref_slice %arg12[%dma_wait3A, %dma_wait3A_25, %dma_wait3A_26] : memref<3x2x80xi32, #tpu.memory_space<vmem>> -> memref<1x2x80xi32, #tpu.memory_space<vmem>>
    %dma_wait3A_28 = tpu.memref_squeeze %dma_wait3A_27 : memref<1x2x80xi32, #tpu.memory_space<vmem>> -> memref<2x80xi32, #tpu.memory_space<vmem>>
    %dma_wait3A_29 = arith.constant 0 : i32
    %dma_wait3A_30 = arith.constant 0 : i32
    %dma_wait3A_31 = tpu.memref_slice %arg5[%dma_wait3A_29, %dma_wait3A_30] : memref<2x330240xi32, #tpu.memory_space<hbm>> -> memref<2x80xi32, #tpu.memory_space<hbm>>
    %dma_wait3A_32 = tpu.memref_slice %arg17[%dma_wait3A_24] : memref<3x!tpu.dma_semaphore, #tpu.memory_space<semaphore_mem>> -> memref<1x!tpu.dma_semaphore, #tpu.memory_space<semaphore_mem>>
    %dma_wait3A_33 = tpu.memref_squeeze %dma_wait3A_32 : memref<1x!tpu.dma_semaphore, #tpu.memory_space<semaphore_mem>> -> memref<!tpu.dma_semaphore, #tpu.memory_space<semaphore_mem>>
    %dma_wait3A_34 = arith.constant 0 : i32
    %dma_wait3A_35 = arith.constant 0 : i32
    %dma_wait3A_36 = tpu.memref_slice %arg12[%dma_wait3A, %dma_wait3A_34, %dma_wait3A_35] : memref<3x2x80xi32, #tpu.memory_space<vmem>> -> memref<1x2x80xi32, #tpu.memory_space<vmem>>
    %dma_wait3A_37 = tpu.memref_squeeze %dma_wait3A_36 : memref<1x2x80xi32, #tpu.memory_space<vmem>> -> memref<2x80xi32, #tpu.memory_space<vmem>>
    %dma_wait3A_38 = arith.constant 0 : i32
    %dma_wait3A_39 = arith.constant 0 : i32
    %dma_wait3A_40 = tpu.memref_slice %arg5[%dma_wait3A_38, %dma_wait3A_39] : memref<2x330240xi32, #tpu.memory_space<hbm>> -> memref<2x80xi32, #tpu.memory_space<hbm>>
    tpu.wait_dma2 semaphore(%dma_wait3A_33 : memref<!tpu.dma_semaphore, #tpu.memory_space<semaphore_mem>>) src(%dma_wait3A_40 : memref<2x80xi32, #tpu.memory_space<hbm>>) dst(%dma_wait3A_37 : memref<2x80xi32, #tpu.memory_space<vmem>>)
    %dma_start3A_41 = arith.constant 0 : i32
    %dma_start3A_42 = arith.constant 0 : i32
    %dma_start3A_43 = arith.constant 0 : i32
    %dma_start3A_44 = arith.constant 0 : i32
    %dma_start3A_45 = arith.constant 0 : i32
    %dma_start3A_46 = arith.constant 0 : i32
    %dma_start3A_47 = tpu.memref_slice %arg14[%dma_start3A_43, %dma_start3A_45, %dma_start3A_46] : memref<3x80x128xf32, #tpu.memory_space<vmem>> -> memref<1x80x128xf32, #tpu.memory_space<vmem>>
    %dma_start3A_48 = tpu.memref_squeeze %dma_start3A_47 : memref<1x80x128xf32, #tpu.memory_space<vmem>> -> memref<80x128xf32, #tpu.memory_space<vmem>>
    %dma_start3A_49 = arith.constant 0 : i32
    %dma_start3A_50 = tpu.memref_slice %arg12[%dma_start3A_41, %dma_start3A_42, %dma_start3A_49] : memref<3x2x80xi32, #tpu.memory_space<vmem>> -> memref<1x1x80xi32, #tpu.memory_space<vmem>>
    %dma_start3A_51 = tpu.memref_squeeze %dma_start3A_50 : memref<1x1x80xi32, #tpu.memory_space<vmem>> -> memref<80xi32, #tpu.memory_space<vmem>>
    %dma_start3A_52 = arith.constant 0 : i32
    %dma_start3A_53 = arith.constant 0 : i32
    %dma_start3A_54 = tpu.memref_slice %arg2[%dma_start3A_52, %dma_start3A_53] : memref<10000x128xf32, #tpu.memory_space<hbm>> -> memref<10000x128xf32, #tpu.memory_space<hbm>>
    %dma_start3A_55 = tpu.memref_slice %arg18[%dma_start3A_44] : memref<3x!tpu.dma_semaphore, #tpu.memory_space<semaphore_mem>> -> memref<1x!tpu.dma_semaphore, #tpu.memory_space<semaphore_mem>>
    %dma_start3A_56 = tpu.memref_squeeze %dma_start3A_55 : memref<1x!tpu.dma_semaphore, #tpu.memory_space<semaphore_mem>> -> memref<!tpu.dma_semaphore, #tpu.memory_space<semaphore_mem>>
    tpu.enqueue_indirect_dma source(%dma_start3A_54 : memref<10000x128xf32, #tpu.memory_space<hbm>>) target(%dma_start3A_48 : memref<80x128xf32, #tpu.memory_space<vmem>>) offsets(%dma_start3A_51 : memref<80xi32, #tpu.memory_space<vmem>>) semaphore(%dma_start3A_56 : memref<!tpu.dma_semaphore, #tpu.memory_space<semaphore_mem>>)
    %dma_start3A_57 = arith.constant 0 : i32
    %dma_start3A_58 = arith.constant 0 : i32
    %dma_start3A_59 = arith.constant 0 : i32
    %dma_start3A_60 = arith.constant 0 : i32
    %dma_start3A_61 = arith.constant 0 : i32
    %dma_start3A_62 = arith.constant 0 : i32
    %dma_start3A_63 = tpu.memref_slice %arg15[%dma_start3A_59, %dma_start3A_61, %dma_start3A_62] : memref<3x80x16xf32, #tpu.memory_space<vmem>> -> memref<1x80x16xf32, #tpu.memory_space<vmem>>
    %dma_start3A_64 = tpu.memref_squeeze %dma_start3A_63 : memref<1x80x16xf32, #tpu.memory_space<vmem>> -> memref<80x16xf32, #tpu.memory_space<vmem>>
    %dma_start3A_65 = arith.constant 0 : i32
    %dma_start3A_66 = tpu.memref_slice %arg12[%dma_start3A_57, %dma_start3A_58, %dma_start3A_65] : memref<3x2x80xi32, #tpu.memory_space<vmem>> -> memref<1x1x80xi32, #tpu.memory_space<vmem>>
    %dma_start3A_67 = tpu.memref_squeeze %dma_start3A_66 : memref<1x1x80xi32, #tpu.memory_space<vmem>> -> memref<80xi32, #tpu.memory_space<vmem>>
    %dma_start3A_68 = arith.constant 0 : i32
    %dma_start3A_69 = arith.constant 0 : i32
    %dma_start3A_70 = tpu.memref_slice %arg3[%dma_start3A_68, %dma_start3A_69] : memref<10000x16xf32, #tpu.memory_space<hbm>> -> memref<10000x16xf32, #tpu.memory_space<hbm>>
    %dma_start3A_71 = tpu.memref_slice %arg19[%dma_start3A_60] : memref<3x!tpu.dma_semaphore, #tpu.memory_space<semaphore_mem>> -> memref<1x!tpu.dma_semaphore, #tpu.memory_space<semaphore_mem>>
    %dma_start3A_72 = tpu.memref_squeeze %dma_start3A_71 : memref<1x!tpu.dma_semaphore, #tpu.memory_space<semaphore_mem>> -> memref<!tpu.dma_semaphore, #tpu.memory_space<semaphore_mem>>
    tpu.enqueue_indirect_dma source(%dma_start3A_70 : memref<10000x16xf32, #tpu.memory_space<hbm>>) target(%dma_start3A_64 : memref<80x16xf32, #tpu.memory_space<vmem>>) offsets(%dma_start3A_67 : memref<80xi32, #tpu.memory_space<vmem>>) semaphore(%dma_start3A_72 : memref<!tpu.dma_semaphore, #tpu.memory_space<semaphore_mem>>)
    %dma_start3A_73 = arith.constant 0 : i32
    %dma_start3A_74 = arith.constant 1 : i32
    %dma_start3A_75 = arith.constant 0 : i32
    %dma_start3A_76 = arith.constant 0 : i32
    %dma_start3A_77 = arith.constant 0 : i32
    %dma_start3A_78 = arith.constant 0 : i32
    %dma_start3A_79 = tpu.memref_slice %arg16[%dma_start3A_75, %dma_start3A_77, %dma_start3A_78] : memref<3x80x16xf32, #tpu.memory_space<vmem>> -> memref<1x80x16xf32, #tpu.memory_space<vmem>>
    %dma_start3A_80 = tpu.memref_squeeze %dma_start3A_79 : memref<1x80x16xf32, #tpu.memory_space<vmem>> -> memref<80x16xf32, #tpu.memory_space<vmem>>
    %dma_start3A_81 = arith.constant 0 : i32
    %dma_start3A_82 = tpu.memref_slice %arg12[%dma_start3A_73, %dma_start3A_74, %dma_start3A_81] : memref<3x2x80xi32, #tpu.memory_space<vmem>> -> memref<1x1x80xi32, #tpu.memory_space<vmem>>
    %dma_start3A_83 = tpu.memref_squeeze %dma_start3A_82 : memref<1x1x80xi32, #tpu.memory_space<vmem>> -> memref<80xi32, #tpu.memory_space<vmem>>
    %dma_start3A_84 = arith.constant 0 : i32
    %dma_start3A_85 = arith.constant 0 : i32
    %dma_start3A_86 = tpu.memref_slice %arg4[%dma_start3A_84, %dma_start3A_85] : memref<10000x16xf32, #tpu.memory_space<hbm>> -> memref<10000x16xf32, #tpu.memory_space<hbm>>
    %dma_start3A_87 = tpu.memref_slice %arg20[%dma_start3A_76] : memref<3x!tpu.dma_semaphore, #tpu.memory_space<semaphore_mem>> -> memref<1x!tpu.dma_semaphore, #tpu.memory_space<semaphore_mem>>
    %dma_start3A_88 = tpu.memref_squeeze %dma_start3A_87 : memref<1x!tpu.dma_semaphore, #tpu.memory_space<semaphore_mem>> -> memref<!tpu.dma_semaphore, #tpu.memory_space<semaphore_mem>>
    tpu.enqueue_indirect_dma source(%dma_start3A_86 : memref<10000x16xf32, #tpu.memory_space<hbm>>) target(%dma_start3A_80 : memref<80x16xf32, #tpu.memory_space<vmem>>) offsets(%dma_start3A_83 : memref<80xi32, #tpu.memory_space<vmem>>) semaphore(%dma_start3A_88 : memref<!tpu.dma_semaphore, #tpu.memory_space<semaphore_mem>>)
    %add3A_89 = arith.constant 80 : i32
    %add3A_90 = arith.addi %mul3A_6, %add3A_89 : i32
    %dma_start3A_91 = arith.constant 1 : i32
    %dma_start3A_92 = arith.constant 1 : i32
    %dma_start3A_93 = arith.constant 0 : i32
    %dma_start3A_94 = arith.constant 0 : i32
    %dma_start3A_95 = tpu.memref_slice %arg12[%dma_start3A_91, %dma_start3A_93, %dma_start3A_94] : memref<3x2x80xi32, #tpu.memory_space<vmem>> -> memref<1x2x80xi32, #tpu.memory_space<vmem>>
    %dma_start3A_96 = tpu.memref_squeeze %dma_start3A_95 : memref<1x2x80xi32, #tpu.memory_space<vmem>> -> memref<2x80xi32, #tpu.memory_space<vmem>>
    %dma_start3A_97 = arith.constant 0 : i32
    %dma_start3A_98 = tpu.memref_slice %arg5[%dma_start3A_97, %add3A_90] : memref<2x330240xi32, #tpu.memory_space<hbm>> -> memref<2x80xi32, #tpu.memory_space<hbm>>
    %dma_start3A_99 = tpu.memref_slice %arg17[%dma_start3A_92] : memref<3x!tpu.dma_semaphore, #tpu.memory_space<semaphore_mem>> -> memref<1x!tpu.dma_semaphore, #tpu.memory_space<semaphore_mem>>
    %dma_start3A_100 = tpu.memref_squeeze %dma_start3A_99 : memref<1x!tpu.dma_semaphore, #tpu.memory_space<semaphore_mem>> -> memref<!tpu.dma_semaphore, #tpu.memory_space<semaphore_mem>>
    %dma_start3A_101 = arith.constant 0 : i32
    %dma_start3A_102 = arith.constant 0 : i32
    %dma_start3A_103 = tpu.memref_slice %arg12[%dma_start3A_91, %dma_start3A_101, %dma_start3A_102] : memref<3x2x80xi32, #tpu.memory_space<vmem>> -> memref<1x2x80xi32, #tpu.memory_space<vmem>>
    %dma_start3A_104 = tpu.memref_squeeze %dma_start3A_103 : memref<1x2x80xi32, #tpu.memory_space<vmem>> -> memref<2x80xi32, #tpu.memory_space<vmem>>
    %dma_start3A_105 = arith.constant 0 : i32
    %dma_start3A_106 = tpu.memref_slice %arg5[%dma_start3A_105, %add3A_90] : memref<2x330240xi32, #tpu.memory_space<hbm>> -> memref<2x80xi32, #tpu.memory_space<hbm>>
    tpu.enqueue_dma source(%dma_start3A_106 : memref<2x80xi32, #tpu.memory_space<hbm>>) target(%dma_start3A_104 : memref<2x80xi32, #tpu.memory_space<vmem>>) target_semaphore(%dma_start3A_100 : memref<!tpu.dma_semaphore, #tpu.memory_space<semaphore_mem>>)
    %dma_wait3A_107 = arith.constant 1 : i32
    %dma_wait3A_108 = arith.constant 1 : i32
    %dma_wait3A_109 = arith.constant 0 : i32
    %dma_wait3A_110 = arith.constant 0 : i32
    %dma_wait3A_111 = tpu.memref_slice %arg12[%dma_wait3A_107, %dma_wait3A_109, %dma_wait3A_110] : memref<3x2x80xi32, #tpu.memory_space<vmem>> -> memref<1x2x80xi32, #tpu.memory_space<vmem>>
    %dma_wait3A_112 = tpu.memref_squeeze %dma_wait3A_111 : memref<1x2x80xi32, #tpu.memory_space<vmem>> -> memref<2x80xi32, #tpu.memory_space<vmem>>
    %dma_wait3A_113 = arith.constant 0 : i32
    %dma_wait3A_114 = arith.constant 0 : i32
    %dma_wait3A_115 = tpu.memref_slice %arg5[%dma_wait3A_113, %dma_wait3A_114] : memref<2x330240xi32, #tpu.memory_space<hbm>> -> memref<2x80xi32, #tpu.memory_space<hbm>>
    %dma_wait3A_116 = tpu.memref_slice %arg17[%dma_wait3A_108] : memref<3x!tpu.dma_semaphore, #tpu.memory_space<semaphore_mem>> -> memref<1x!tpu.dma_semaphore, #tpu.memory_space<semaphore_mem>>
    %dma_wait3A_117 = tpu.memref_squeeze %dma_wait3A_116 : memref<1x!tpu.dma_semaphore, #tpu.memory_space<semaphore_mem>> -> memref<!tpu.dma_semaphore, #tpu.memory_space<semaphore_mem>>
    %dma_wait3A_118 = arith.constant 0 : i32
    %dma_wait3A_119 = arith.constant 0 : i32
    %dma_wait3A_120 = tpu.memref_slice %arg12[%dma_wait3A_107, %dma_wait3A_118, %dma_wait3A_119] : memref<3x2x80xi32, #tpu.memory_space<vmem>> -> memref<1x2x80xi32, #tpu.memory_space<vmem>>
    %dma_wait3A_121 = tpu.memref_squeeze %dma_wait3A_120 : memref<1x2x80xi32, #tpu.memory_space<vmem>> -> memref<2x80xi32, #tpu.memory_space<vmem>>
    %dma_wait3A_122 = arith.constant 0 : i32
    %dma_wait3A_123 = arith.constant 0 : i32
    %dma_wait3A_124 = tpu.memref_slice %arg5[%dma_wait3A_122, %dma_wait3A_123] : memref<2x330240xi32, #tpu.memory_space<hbm>> -> memref<2x80xi32, #tpu.memory_space<hbm>>
    tpu.wait_dma2 semaphore(%dma_wait3A_117 : memref<!tpu.dma_semaphore, #tpu.memory_space<semaphore_mem>>) src(%dma_wait3A_124 : memref<2x80xi32, #tpu.memory_space<hbm>>) dst(%dma_wait3A_121 : memref<2x80xi32, #tpu.memory_space<vmem>>)
    %dma_start3A_125 = arith.constant 1 : i32
    %dma_start3A_126 = arith.constant 0 : i32
    %dma_start3A_127 = arith.constant 1 : i32
    %dma_start3A_128 = arith.constant 1 : i32
    %dma_start3A_129 = arith.constant 0 : i32
    %dma_start3A_130 = arith.constant 0 : i32
    %dma_start3A_131 = tpu.memref_slice %arg14[%dma_start3A_127, %dma_start3A_129, %dma_start3A_130] : memref<3x80x128xf32, #tpu.memory_space<vmem>> -> memref<1x80x128xf32, #tpu.memory_space<vmem>>
    %dma_start3A_132 = tpu.memref_squeeze %dma_start3A_131 : memref<1x80x128xf32, #tpu.memory_space<vmem>> -> memref<80x128xf32, #tpu.memory_space<vmem>>
    %dma_start3A_133 = arith.constant 0 : i32
    %dma_start3A_134 = tpu.memref_slice %arg12[%dma_start3A_125, %dma_start3A_126, %dma_start3A_133] : memref<3x2x80xi32, #tpu.memory_space<vmem>> -> memref<1x1x80xi32, #tpu.memory_space<vmem>>
    %dma_start3A_135 = tpu.memref_squeeze %dma_start3A_134 : memref<1x1x80xi32, #tpu.memory_space<vmem>> -> memref<80xi32, #tpu.memory_space<vmem>>
    %dma_start3A_136 = arith.constant 0 : i32
    %dma_start3A_137 = arith.constant 0 : i32
    %dma_start3A_138 = tpu.memref_slice %arg2[%dma_start3A_136, %dma_start3A_137] : memref<10000x128xf32, #tpu.memory_space<hbm>> -> memref<10000x128xf32, #tpu.memory_space<hbm>>
    %dma_start3A_139 = tpu.memref_slice %arg18[%dma_start3A_128] : memref<3x!tpu.dma_semaphore, #tpu.memory_space<semaphore_mem>> -> memref<1x!tpu.dma_semaphore, #tpu.memory_space<semaphore_mem>>
    %dma_start3A_140 = tpu.memref_squeeze %dma_start3A_139 : memref<1x!tpu.dma_semaphore, #tpu.memory_space<semaphore_mem>> -> memref<!tpu.dma_semaphore, #tpu.memory_space<semaphore_mem>>
    tpu.enqueue_indirect_dma source(%dma_start3A_138 : memref<10000x128xf32, #tpu.memory_space<hbm>>) target(%dma_start3A_132 : memref<80x128xf32, #tpu.memory_space<vmem>>) offsets(%dma_start3A_135 : memref<80xi32, #tpu.memory_space<vmem>>) semaphore(%dma_start3A_140 : memref<!tpu.dma_semaphore, #tpu.memory_space<semaphore_mem>>)
    %dma_start3A_141 = arith.constant 1 : i32
    %dma_start3A_142 = arith.constant 0 : i32
    %dma_start3A_143 = arith.constant 1 : i32
    %dma_start3A_144 = arith.constant 1 : i32
    %dma_start3A_145 = arith.constant 0 : i32
    %dma_start3A_146 = arith.constant 0 : i32
    %dma_start3A_147 = tpu.memref_slice %arg15[%dma_start3A_143, %dma_start3A_145, %dma_start3A_146] : memref<3x80x16xf32, #tpu.memory_space<vmem>> -> memref<1x80x16xf32, #tpu.memory_space<vmem>>
    %dma_start3A_148 = tpu.memref_squeeze %dma_start3A_147 : memref<1x80x16xf32, #tpu.memory_space<vmem>> -> memref<80x16xf32, #tpu.memory_space<vmem>>
    %dma_start3A_149 = arith.constant 0 : i32
    %dma_start3A_150 = tpu.memref_slice %arg12[%dma_start3A_141, %dma_start3A_142, %dma_start3A_149] : memref<3x2x80xi32, #tpu.memory_space<vmem>> -> memref<1x1x80xi32, #tpu.memory_space<vmem>>
    %dma_start3A_151 = tpu.memref_squeeze %dma_start3A_150 : memref<1x1x80xi32, #tpu.memory_space<vmem>> -> memref<80xi32, #tpu.memory_space<vmem>>
    %dma_start3A_152 = arith.constant 0 : i32
    %dma_start3A_153 = arith.constant 0 : i32
    %dma_start3A_154 = tpu.memref_slice %arg3[%dma_start3A_152, %dma_start3A_153] : memref<10000x16xf32, #tpu.memory_space<hbm>> -> memref<10000x16xf32, #tpu.memory_space<hbm>>
    %dma_start3A_155 = tpu.memref_slice %arg19[%dma_start3A_144] : memref<3x!tpu.dma_semaphore, #tpu.memory_space<semaphore_mem>> -> memref<1x!tpu.dma_semaphore, #tpu.memory_space<semaphore_mem>>
    %dma_start3A_156 = tpu.memref_squeeze %dma_start3A_155 : memref<1x!tpu.dma_semaphore, #tpu.memory_space<semaphore_mem>> -> memref<!tpu.dma_semaphore, #tpu.memory_space<semaphore_mem>>
    tpu.enqueue_indirect_dma source(%dma_start3A_154 : memref<10000x16xf32, #tpu.memory_space<hbm>>) target(%dma_start3A_148 : memref<80x16xf32, #tpu.memory_space<vmem>>) offsets(%dma_start3A_151 : memref<80xi32, #tpu.memory_space<vmem>>) semaphore(%dma_start3A_156 : memref<!tpu.dma_semaphore, #tpu.memory_space<semaphore_mem>>)
    %dma_start3A_157 = arith.constant 1 : i32
    %dma_start3A_158 = arith.constant 1 : i32
    %dma_start3A_159 = arith.constant 1 : i32
    %dma_start3A_160 = arith.constant 1 : i32
    %dma_start3A_161 = arith.constant 0 : i32
    %dma_start3A_162 = arith.constant 0 : i32
    %dma_start3A_163 = tpu.memref_slice %arg16[%dma_start3A_159, %dma_start3A_161, %dma_start3A_162] : memref<3x80x16xf32, #tpu.memory_space<vmem>> -> memref<1x80x16xf32, #tpu.memory_space<vmem>>
    %dma_start3A_164 = tpu.memref_squeeze %dma_start3A_163 : memref<1x80x16xf32, #tpu.memory_space<vmem>> -> memref<80x16xf32, #tpu.memory_space<vmem>>
    %dma_start3A_165 = arith.constant 0 : i32
    %dma_start3A_166 = tpu.memref_slice %arg12[%dma_start3A_157, %dma_start3A_158, %dma_start3A_165] : memref<3x2x80xi32, #tpu.memory_space<vmem>> -> memref<1x1x80xi32, #tpu.memory_space<vmem>>
    %dma_start3A_167 = tpu.memref_squeeze %dma_start3A_166 : memref<1x1x80xi32, #tpu.memory_space<vmem>> -> memref<80xi32, #tpu.memory_space<vmem>>
    %dma_start3A_168 = arith.constant 0 : i32
    %dma_start3A_169 = arith.constant 0 : i32
    %dma_start3A_170 = tpu.memref_slice %arg4[%dma_start3A_168, %dma_start3A_169] : memref<10000x16xf32, #tpu.memory_space<hbm>> -> memref<10000x16xf32, #tpu.memory_space<hbm>>
    %dma_start3A_171 = tpu.memref_slice %arg20[%dma_start3A_160] : memref<3x!tpu.dma_semaphore, #tpu.memory_space<semaphore_mem>> -> memref<1x!tpu.dma_semaphore, #tpu.memory_space<semaphore_mem>>
    %dma_start3A_172 = tpu.memref_squeeze %dma_start3A_171 : memref<1x!tpu.dma_semaphore, #tpu.memory_space<semaphore_mem>> -> memref<!tpu.dma_semaphore, #tpu.memory_space<semaphore_mem>>
    tpu.enqueue_indirect_dma source(%dma_start3A_170 : memref<10000x16xf32, #tpu.memory_space<hbm>>) target(%dma_start3A_164 : memref<80x16xf32, #tpu.memory_space<vmem>>) offsets(%dma_start3A_167 : memref<80xi32, #tpu.memory_space<vmem>>) semaphore(%dma_start3A_172 : memref<!tpu.dma_semaphore, #tpu.memory_space<semaphore_mem>>)
    %add3A_173 = arith.constant 160 : i32
    %add3A_174 = arith.addi %mul3A_6, %add3A_173 : i32
    %dma_start3A_175 = arith.constant 2 : i32
    %dma_start3A_176 = arith.constant 2 : i32
    %dma_start3A_177 = arith.constant 0 : i32
    %dma_start3A_178 = arith.constant 0 : i32
    %dma_start3A_179 = tpu.memref_slice %arg12[%dma_start3A_175, %dma_start3A_177, %dma_start3A_178] : memref<3x2x80xi32, #tpu.memory_space<vmem>> -> memref<1x2x80xi32, #tpu.memory_space<vmem>>
    %dma_start3A_180 = tpu.memref_squeeze %dma_start3A_179 : memref<1x2x80xi32, #tpu.memory_space<vmem>> -> memref<2x80xi32, #tpu.memory_space<vmem>>
    %dma_start3A_181 = arith.constant 0 : i32
    %dma_start3A_182 = tpu.memref_slice %arg5[%dma_start3A_181, %add3A_174] : memref<2x330240xi32, #tpu.memory_space<hbm>> -> memref<2x80xi32, #tpu.memory_space<hbm>>
    %dma_start3A_183 = tpu.memref_slice %arg17[%dma_start3A_176] : memref<3x!tpu.dma_semaphore, #tpu.memory_space<semaphore_mem>> -> memref<1x!tpu.dma_semaphore, #tpu.memory_space<semaphore_mem>>
    %dma_start3A_184 = tpu.memref_squeeze %dma_start3A_183 : memref<1x!tpu.dma_semaphore, #tpu.memory_space<semaphore_mem>> -> memref<!tpu.dma_semaphore, #tpu.memory_space<semaphore_mem>>
    %dma_start3A_185 = arith.constant 0 : i32
    %dma_start3A_186 = arith.constant 0 : i32
    %dma_start3A_187 = tpu.memref_slice %arg12[%dma_start3A_175, %dma_start3A_185, %dma_start3A_186] : memref<3x2x80xi32, #tpu.memory_space<vmem>> -> memref<1x2x80xi32, #tpu.memory_space<vmem>>
    %dma_start3A_188 = tpu.memref_squeeze %dma_start3A_187 : memref<1x2x80xi32, #tpu.memory_space<vmem>> -> memref<2x80xi32, #tpu.memory_space<vmem>>
    %dma_start3A_189 = arith.constant 0 : i32
    %dma_start3A_190 = tpu.memref_slice %arg5[%dma_start3A_189, %add3A_174] : memref<2x330240xi32, #tpu.memory_space<hbm>> -> memref<2x80xi32, #tpu.memory_space<hbm>>
    tpu.enqueue_dma source(%dma_start3A_190 : memref<2x80xi32, #tpu.memory_space<hbm>>) target(%dma_start3A_188 : memref<2x80xi32, #tpu.memory_space<vmem>>) target_semaphore(%dma_start3A_184 : memref<!tpu.dma_semaphore, #tpu.memory_space<semaphore_mem>>)
    %scan3A = arith.constant 0 : i32
    %scan3A_191 = arith.constant 43 : i32
    %scan3A_192 = arith.addi %scan3A, %scan3A_191 : i32
    %scan3A_193 = arith.constant 1 : i32
    scf.for %scan3A_288 = %scan3A to %scan3A_192 step %scan3A_193  : i32 {
      %mul3A_289 = arith.constant 3 : i32
      %mul3A_290 = arith.muli %scan3A_288, %mul3A_289 : i32
      %add3A_291 = arith.constant 0 : i32
      %add3A_292 = arith.addi %add3A_291, %mul3A_290 : i32
      %add3A_293 = arith.constant 0 : i32
      %add3A_294 = arith.addi %add3A_292, %add3A_293 : i32
      %dma_wait3A_295 = arith.constant 0 : i32
      %dma_wait3A_296 = arith.constant 0 : i32
      %dma_wait3A_297 = arith.constant 0 : i32
      %dma_wait3A_298 = arith.constant 0 : i32
      %dma_wait3A_299 = arith.constant 0 : i32
      %dma_wait3A_300 = arith.constant 0 : i32
      %dma_wait3A_301 = tpu.memref_slice %arg14[%dma_wait3A_297, %dma_wait3A_299, %dma_wait3A_300] : memref<3x80x128xf32, #tpu.memory_space<vmem>> -> memref<1x80x128xf32, #tpu.memory_space<vmem>>
      %dma_wait3A_302 = tpu.memref_squeeze %dma_wait3A_301 : memref<1x80x128xf32, #tpu.memory_space<vmem>> -> memref<80x128xf32, #tpu.memory_space<vmem>>
      %dma_wait3A_303 = arith.constant 0 : i32
      %dma_wait3A_304 = tpu.memref_slice %arg12[%dma_wait3A_295, %dma_wait3A_296, %dma_wait3A_303] : memref<3x2x80xi32, #tpu.memory_space<vmem>> -> memref<1x1x80xi32, #tpu.memory_space<vmem>>
      %dma_wait3A_305 = tpu.memref_squeeze %dma_wait3A_304 : memref<1x1x80xi32, #tpu.memory_space<vmem>> -> memref<80xi32, #tpu.memory_space<vmem>>
      %dma_wait3A_306 = arith.constant 0 : i32
      %dma_wait3A_307 = arith.constant 0 : i32
      %dma_wait3A_308 = tpu.memref_slice %arg2[%dma_wait3A_306, %dma_wait3A_307] : memref<10000x128xf32, #tpu.memory_space<hbm>> -> memref<10000x128xf32, #tpu.memory_space<hbm>>
      %dma_wait3A_309 = tpu.memref_slice %arg18[%dma_wait3A_298] : memref<3x!tpu.dma_semaphore, #tpu.memory_space<semaphore_mem>> -> memref<1x!tpu.dma_semaphore, #tpu.memory_space<semaphore_mem>>
      %dma_wait3A_310 = tpu.memref_squeeze %dma_wait3A_309 : memref<1x!tpu.dma_semaphore, #tpu.memory_space<semaphore_mem>> -> memref<!tpu.dma_semaphore, #tpu.memory_space<semaphore_mem>>
      tpu.wait_indirect_dma semaphore(%dma_wait3A_310 : memref<!tpu.dma_semaphore, #tpu.memory_space<semaphore_mem>>) src(%dma_wait3A_308 : memref<10000x128xf32, #tpu.memory_space<hbm>>) dst(%dma_wait3A_302 : memref<80x128xf32, #tpu.memory_space<vmem>>)
      %dma_wait3A_311 = arith.constant 0 : i32
      %dma_wait3A_312 = arith.constant 0 : i32
      %dma_wait3A_313 = arith.constant 0 : i32
      %dma_wait3A_314 = arith.constant 0 : i32
      %dma_wait3A_315 = arith.constant 0 : i32
      %dma_wait3A_316 = arith.constant 0 : i32
      %dma_wait3A_317 = tpu.memref_slice %arg15[%dma_wait3A_313, %dma_wait3A_315, %dma_wait3A_316] : memref<3x80x16xf32, #tpu.memory_space<vmem>> -> memref<1x80x16xf32, #tpu.memory_space<vmem>>
      %dma_wait3A_318 = tpu.memref_squeeze %dma_wait3A_317 : memref<1x80x16xf32, #tpu.memory_space<vmem>> -> memref<80x16xf32, #tpu.memory_space<vmem>>
      %dma_wait3A_319 = arith.constant 0 : i32
      %dma_wait3A_320 = tpu.memref_slice %arg12[%dma_wait3A_311, %dma_wait3A_312, %dma_wait3A_319] : memref<3x2x80xi32, #tpu.memory_space<vmem>> -> memref<1x1x80xi32, #tpu.memory_space<vmem>>
      %dma_wait3A_321 = tpu.memref_squeeze %dma_wait3A_320 : memref<1x1x80xi32, #tpu.memory_space<vmem>> -> memref<80xi32, #tpu.memory_space<vmem>>
      %dma_wait3A_322 = arith.constant 0 : i32
      %dma_wait3A_323 = arith.constant 0 : i32
      %dma_wait3A_324 = tpu.memref_slice %arg3[%dma_wait3A_322, %dma_wait3A_323] : memref<10000x16xf32, #tpu.memory_space<hbm>> -> memref<10000x16xf32, #tpu.memory_space<hbm>>
      %dma_wait3A_325 = tpu.memref_slice %arg19[%dma_wait3A_314] : memref<3x!tpu.dma_semaphore, #tpu.memory_space<semaphore_mem>> -> memref<1x!tpu.dma_semaphore, #tpu.memory_space<semaphore_mem>>
      %dma_wait3A_326 = tpu.memref_squeeze %dma_wait3A_325 : memref<1x!tpu.dma_semaphore, #tpu.memory_space<semaphore_mem>> -> memref<!tpu.dma_semaphore, #tpu.memory_space<semaphore_mem>>
      tpu.wait_indirect_dma semaphore(%dma_wait3A_326 : memref<!tpu.dma_semaphore, #tpu.memory_space<semaphore_mem>>) src(%dma_wait3A_324 : memref<10000x16xf32, #tpu.memory_space<hbm>>) dst(%dma_wait3A_318 : memref<80x16xf32, #tpu.memory_space<vmem>>)
      %dma_wait3A_327 = arith.constant 0 : i32
      %dma_wait3A_328 = arith.constant 1 : i32
      %dma_wait3A_329 = arith.constant 0 : i32
      %dma_wait3A_330 = arith.constant 0 : i32
      %dma_wait3A_331 = arith.constant 0 : i32
      %dma_wait3A_332 = arith.constant 0 : i32
      %dma_wait3A_333 = tpu.memref_slice %arg16[%dma_wait3A_329, %dma_wait3A_331, %dma_wait3A_332] : memref<3x80x16xf32, #tpu.memory_space<vmem>> -> memref<1x80x16xf32, #tpu.memory_space<vmem>>
      %dma_wait3A_334 = tpu.memref_squeeze %dma_wait3A_333 : memref<1x80x16xf32, #tpu.memory_space<vmem>> -> memref<80x16xf32, #tpu.memory_space<vmem>>
      %dma_wait3A_335 = arith.constant 0 : i32
      %dma_wait3A_336 = tpu.memref_slice %arg12[%dma_wait3A_327, %dma_wait3A_328, %dma_wait3A_335] : memref<3x2x80xi32, #tpu.memory_space<vmem>> -> memref<1x1x80xi32, #tpu.memory_space<vmem>>
      %dma_wait3A_337 = tpu.memref_squeeze %dma_wait3A_336 : memref<1x1x80xi32, #tpu.memory_space<vmem>> -> memref<80xi32, #tpu.memory_space<vmem>>
      %dma_wait3A_338 = arith.constant 0 : i32
      %dma_wait3A_339 = arith.constant 0 : i32
      %dma_wait3A_340 = tpu.memref_slice %arg4[%dma_wait3A_338, %dma_wait3A_339] : memref<10000x16xf32, #tpu.memory_space<hbm>> -> memref<10000x16xf32, #tpu.memory_space<hbm>>
      %dma_wait3A_341 = tpu.memref_slice %arg20[%dma_wait3A_330] : memref<3x!tpu.dma_semaphore, #tpu.memory_space<semaphore_mem>> -> memref<1x!tpu.dma_semaphore, #tpu.memory_space<semaphore_mem>>
      %dma_wait3A_342 = tpu.memref_squeeze %dma_wait3A_341 : memref<1x!tpu.dma_semaphore, #tpu.memory_space<semaphore_mem>> -> memref<!tpu.dma_semaphore, #tpu.memory_space<semaphore_mem>>
      tpu.wait_indirect_dma semaphore(%dma_wait3A_342 : memref<!tpu.dma_semaphore, #tpu.memory_space<semaphore_mem>>) src(%dma_wait3A_340 : memref<10000x16xf32, #tpu.memory_space<hbm>>) dst(%dma_wait3A_334 : memref<80x16xf32, #tpu.memory_space<vmem>>)
      %get3A = arith.constant 0 : i32
      %get3A_343 = arith.constant 1 : i32
      %get3A_344 = arith.constant 0 : i32
      %get3A_345 = tpu.memref_slice %arg12[%get3A, %get3A_343, %get3A_344] : memref<3x2x80xi32, #tpu.memory_space<vmem>> -> memref<1x1x80xi32, #tpu.memory_space<vmem>>
      %get3A_346 = tpu.memref_squeeze %get3A_345 : memref<1x1x80xi32, #tpu.memory_space<vmem>> -> memref<80xi32, #tpu.memory_space<vmem>>
      %get3A_347 = arith.constant 0 : index
      %get3A_348 = tpu.vector_load %get3A_346[%get3A_347] {strides = array<i32>} : memref<80xi32, #tpu.memory_space<vmem>>, vector<16xi32>,
      %get3A_349 = vector.shape_cast %get3A_348 : vector<16xi32> to vector<16xi32>
      %swap3A = arith.constant 0 : i32
      %swap3A_350 = arith.constant 0 : i32
      %swap3A_351 = tpu.memref_slice %arg13[%swap3A, %swap3A_350] : memref<3x80xi32, #tpu.memory_space<vmem>> -> memref<1x80xi32, #tpu.memory_space<vmem>>
      %swap3A_352 = tpu.memref_squeeze %swap3A_351 : memref<1x80xi32, #tpu.memory_space<vmem>> -> memref<80xi32, #tpu.memory_space<vmem>>
      %swap3A_353 = arith.constant 0 : index
      %swap3A_354 = tpu.vector_load %swap3A_352[%swap3A_353] {strides = array<i32>} : memref<80xi32, #tpu.memory_space<vmem>>, vector<16xi32>,
      %swap3A_355 = vector.shape_cast %swap3A_354 : vector<16xi32> to vector<16xi32>
      %swap3A_356 = vector.shape_cast %get3A_349 : vector<16xi32> to vector<16xi32>
      tpu.vector_store %swap3A_352[%swap3A_353], %swap3A_356 {strides = array<i32>} : memref<80xi32, #tpu.memory_space<vmem>>, vector<16xi32>,
      %get3A_357 = arith.constant 0 : i32
      %get3A_358 = arith.constant 1 : i32
      %get3A_359 = arith.constant 0 : i32
      %get3A_360 = tpu.memref_slice %arg12[%get3A_357, %get3A_358, %get3A_359] : memref<3x2x80xi32, #tpu.memory_space<vmem>> -> memref<1x1x80xi32, #tpu.memory_space<vmem>>
      %get3A_361 = tpu.memref_squeeze %get3A_360 : memref<1x1x80xi32, #tpu.memory_space<vmem>> -> memref<80xi32, #tpu.memory_space<vmem>>
      %get3A_362 = arith.constant 16 : index
      %get3A_363 = tpu.vector_load %get3A_361[%get3A_362] {strides = array<i32>} : memref<80xi32, #tpu.memory_space<vmem>>, vector<16xi32>,
      %get3A_364 = vector.shape_cast %get3A_363 : vector<16xi32> to vector<16xi32>
      %swap3A_365 = arith.constant 0 : i32
      %swap3A_366 = arith.constant 0 : i32
      %swap3A_367 = tpu.memref_slice %arg13[%swap3A_365, %swap3A_366] : memref<3x80xi32, #tpu.memory_space<vmem>> -> memref<1x80xi32, #tpu.memory_space<vmem>>
      %swap3A_368 = tpu.memref_squeeze %swap3A_367 : memref<1x80xi32, #tpu.memory_space<vmem>> -> memref<80xi32, #tpu.memory_space<vmem>>
      %swap3A_369 = arith.constant 16 : index
      %swap3A_370 = tpu.vector_load %swap3A_368[%swap3A_369] {strides = array<i32>} : memref<80xi32, #tpu.memory_space<vmem>>, vector<16xi32>,
      %swap3A_371 = vector.shape_cast %swap3A_370 : vector<16xi32> to vector<16xi32>
      %swap3A_372 = vector.shape_cast %get3A_364 : vector<16xi32> to vector<16xi32>
      tpu.vector_store %swap3A_368[%swap3A_369], %swap3A_372 {strides = array<i32>} : memref<80xi32, #tpu.memory_space<vmem>>, vector<16xi32>,
      %get3A_373 = arith.constant 0 : i32
      %get3A_374 = arith.constant 1 : i32
      %get3A_375 = arith.constant 0 : i32
      %get3A_376 = tpu.memref_slice %arg12[%get3A_373, %get3A_374, %get3A_375] : memref<3x2x80xi32, #tpu.memory_space<vmem>> -> memref<1x1x80xi32, #tpu.memory_space<vmem>>
      %get3A_377 = tpu.memref_squeeze %get3A_376 : memref<1x1x80xi32, #tpu.memory_space<vmem>> -> memref<80xi32, #tpu.memory_space<vmem>>
      %get3A_378 = arith.constant 32 : index
      %get3A_379 = tpu.vector_load %get3A_377[%get3A_378] {strides = array<i32>} : memref<80xi32, #tpu.memory_space<vmem>>, vector<16xi32>,
      %get3A_380 = vector.shape_cast %get3A_379 : vector<16xi32> to vector<16xi32>
      %swap3A_381 = arith.constant 0 : i32
      %swap3A_382 = arith.constant 0 : i32
      %swap3A_383 = tpu.memref_slice %arg13[%swap3A_381, %swap3A_382] : memref<3x80xi32, #tpu.memory_space<vmem>> -> memref<1x80xi32, #tpu.memory_space<vmem>>
      %swap3A_384 = tpu.memref_squeeze %swap3A_383 : memref<1x80xi32, #tpu.memory_space<vmem>> -> memref<80xi32, #tpu.memory_space<vmem>>
      %swap3A_385 = arith.constant 32 : index
      %swap3A_386 = tpu.vector_load %swap3A_384[%swap3A_385] {strides = array<i32>} : memref<80xi32, #tpu.memory_space<vmem>>, vector<16xi32>,
      %swap3A_387 = vector.shape_cast %swap3A_386 : vector<16xi32> to vector<16xi32>
      %swap3A_388 = vector.shape_cast %get3A_380 : vector<16xi32> to vector<16xi32>
      tpu.vector_store %swap3A_384[%swap3A_385], %swap3A_388 {strides = array<i32>} : memref<80xi32, #tpu.memory_space<vmem>>, vector<16xi32>,
      %get3A_389 = arith.constant 0 : i32
      %get3A_390 = arith.constant 1 : i32
      %get3A_391 = arith.constant 0 : i32
      %get3A_392 = tpu.memref_slice %arg12[%get3A_389, %get3A_390, %get3A_391] : memref<3x2x80xi32, #tpu.memory_space<vmem>> -> memref<1x1x80xi32, #tpu.memory_space<vmem>>
      %get3A_393 = tpu.memref_squeeze %get3A_392 : memref<1x1x80xi32, #tpu.memory_space<vmem>> -> memref<80xi32, #tpu.memory_space<vmem>>
      %get3A_394 = arith.constant 48 : index
      %get3A_395 = tpu.vector_load %get3A_393[%get3A_394] {strides = array<i32>} : memref<80xi32, #tpu.memory_space<vmem>>, vector<16xi32>,
      %get3A_396 = vector.shape_cast %get3A_395 : vector<16xi32> to vector<16xi32>
      %swap3A_397 = arith.constant 0 : i32
      %swap3A_398 = arith.constant 0 : i32
      %swap3A_399 = tpu.memref_slice %arg13[%swap3A_397, %swap3A_398] : memref<3x80xi32, #tpu.memory_space<vmem>> -> memref<1x80xi32, #tpu.memory_space<vmem>>
      %swap3A_400 = tpu.memref_squeeze %swap3A_399 : memref<1x80xi32, #tpu.memory_space<vmem>> -> memref<80xi32, #tpu.memory_space<vmem>>
      %swap3A_401 = arith.constant 48 : index
      %swap3A_402 = tpu.vector_load %swap3A_400[%swap3A_401] {strides = array<i32>} : memref<80xi32, #tpu.memory_space<vmem>>, vector<16xi32>,
      %swap3A_403 = vector.shape_cast %swap3A_402 : vector<16xi32> to vector<16xi32>
      %swap3A_404 = vector.shape_cast %get3A_396 : vector<16xi32> to vector<16xi32>
      tpu.vector_store %swap3A_400[%swap3A_401], %swap3A_404 {strides = array<i32>} : memref<80xi32, #tpu.memory_space<vmem>>, vector<16xi32>,
      %get3A_405 = arith.constant 0 : i32
      %get3A_406 = arith.constant 1 : i32
      %get3A_407 = arith.constant 0 : i32
      %get3A_408 = tpu.memref_slice %arg12[%get3A_405, %get3A_406, %get3A_407] : memref<3x2x80xi32, #tpu.memory_space<vmem>> -> memref<1x1x80xi32, #tpu.memory_space<vmem>>
      %get3A_409 = tpu.memref_squeeze %get3A_408 : memref<1x1x80xi32, #tpu.memory_space<vmem>> -> memref<80xi32, #tpu.memory_space<vmem>>
      %get3A_410 = arith.constant 64 : index
      %get3A_411 = tpu.vector_load %get3A_409[%get3A_410] {strides = array<i32>} : memref<80xi32, #tpu.memory_space<vmem>>, vector<16xi32>,
      %get3A_412 = vector.shape_cast %get3A_411 : vector<16xi32> to vector<16xi32>
      %swap3A_413 = arith.constant 0 : i32
      %swap3A_414 = arith.constant 0 : i32
      %swap3A_415 = tpu.memref_slice %arg13[%swap3A_413, %swap3A_414] : memref<3x80xi32, #tpu.memory_space<vmem>> -> memref<1x80xi32, #tpu.memory_space<vmem>>
      %swap3A_416 = tpu.memref_squeeze %swap3A_415 : memref<1x80xi32, #tpu.memory_space<vmem>> -> memref<80xi32, #tpu.memory_space<vmem>>
      %swap3A_417 = arith.constant 64 : index
      %swap3A_418 = tpu.vector_load %swap3A_416[%swap3A_417] {strides = array<i32>} : memref<80xi32, #tpu.memory_space<vmem>>, vector<16xi32>,
      %swap3A_419 = vector.shape_cast %swap3A_418 : vector<16xi32> to vector<16xi32>
      %swap3A_420 = vector.shape_cast %get3A_412 : vector<16xi32> to vector<16xi32>
      tpu.vector_store %swap3A_416[%swap3A_417], %swap3A_420 {strides = array<i32>} : memref<80xi32, #tpu.memory_space<vmem>>, vector<16xi32>,
      %add3A_421 = arith.constant 3 : i32
      %add3A_422 = arith.addi %add3A_294, %add3A_421 : i32
      %lt3A = arith.constant 129 : i32
      %lt3A_423 = arith.cmpi slt, %add3A_422, %lt3A : i32
      %convert_element_type3A = arith.extui %lt3A_423 : i1 to i32
      %cond3A = arith.constant 0 : i32
      %cond3A_424 = arith.cmpi ne, %convert_element_type3A, %cond3A : i32
      scf.if %cond3A_424 {
        %add3A_818 = arith.constant 3 : i32
        %add3A_819 = arith.addi %add3A_294, %add3A_818 : i32
        %mul3A_820 = arith.constant 80 : i32
        %mul3A_821 = arith.muli %add3A_819, %mul3A_820 : i32
        %add3A_822 = arith.addi %mul3A_6, %mul3A_821 : i32
        %dma_start3A_823 = arith.constant 0 : i32
        %dma_start3A_824 = arith.constant 0 : i32
        %dma_start3A_825 = arith.constant 0 : i32
        %dma_start3A_826 = arith.constant 0 : i32
        %dma_start3A_827 = tpu.memref_slice %arg12[%dma_start3A_823, %dma_start3A_825, %dma_start3A_826] : memref<3x2x80xi32, #tpu.memory_space<vmem>> -> memref<1x2x80xi32, #tpu.memory_space<vmem>>
        %dma_start3A_828 = tpu.memref_squeeze %dma_start3A_827 : memref<1x2x80xi32, #tpu.memory_space<vmem>> -> memref<2x80xi32, #tpu.memory_space<vmem>>
        %dma_start3A_829 = arith.constant 0 : i32
        %dma_start3A_830 = tpu.memref_slice %arg5[%dma_start3A_829, %add3A_822] : memref<2x330240xi32, #tpu.memory_space<hbm>> -> memref<2x80xi32, #tpu.memory_space<hbm>>
        %dma_start3A_831 = tpu.memref_slice %arg17[%dma_start3A_824] : memref<3x!tpu.dma_semaphore, #tpu.memory_space<semaphore_mem>> -> memref<1x!tpu.dma_semaphore, #tpu.memory_space<semaphore_mem>>
        %dma_start3A_832 = tpu.memref_squeeze %dma_start3A_831 : memref<1x!tpu.dma_semaphore, #tpu.memory_space<semaphore_mem>> -> memref<!tpu.dma_semaphore, #tpu.memory_space<semaphore_mem>>
        %dma_start3A_833 = arith.constant 0 : i32
        %dma_start3A_834 = arith.constant 0 : i32
        %dma_start3A_835 = tpu.memref_slice %arg12[%dma_start3A_823, %dma_start3A_833, %dma_start3A_834] : memref<3x2x80xi32, #tpu.memory_space<vmem>> -> memref<1x2x80xi32, #tpu.memory_space<vmem>>
        %dma_start3A_836 = tpu.memref_squeeze %dma_start3A_835 : memref<1x2x80xi32, #tpu.memory_space<vmem>> -> memref<2x80xi32, #tpu.memory_space<vmem>>
        %dma_start3A_837 = arith.constant 0 : i32
        %dma_start3A_838 = tpu.memref_slice %arg5[%dma_start3A_837, %add3A_822] : memref<2x330240xi32, #tpu.memory_space<hbm>> -> memref<2x80xi32, #tpu.memory_space<hbm>>
        tpu.enqueue_dma source(%dma_start3A_838 : memref<2x80xi32, #tpu.memory_space<hbm>>) target(%dma_start3A_836 : memref<2x80xi32, #tpu.memory_space<vmem>>) target_semaphore(%dma_start3A_832 : memref<!tpu.dma_semaphore, #tpu.memory_space<semaphore_mem>>)
      } else {
      }
      %add3A_425 = arith.constant 2 : i32
      %add3A_426 = arith.addi %add3A_294, %add3A_425 : i32
      %lt3A_427 = arith.constant 129 : i32
      %lt3A_428 = arith.cmpi slt, %add3A_426, %lt3A_427 : i32
      %convert_element_type3A_429 = arith.extui %lt3A_428 : i1 to i32
      %cond3A_430 = arith.constant 0 : i32
      %cond3A_431 = arith.cmpi ne, %convert_element_type3A_429, %cond3A_430 : i32
      scf.if %cond3A_431 {
        %ge3A = arith.constant 1 : i32
        %ge3A_818 = arith.cmpi sge, %add3A_294, %ge3A : i32
        %convert_element_type3A_819 = arith.extui %ge3A_818 : i1 to i32
        %cond3A_820 = arith.constant 0 : i32
        %cond3A_821 = arith.cmpi ne, %convert_element_type3A_819, %cond3A_820 : i32
        scf.if %cond3A_821 {
          %dma_wait3A_888 = arith.constant 2 : i32
          %dma_wait3A_889 = arith.constant 2 : i32
          %dma_wait3A_890 = arith.constant 2 : i32
          %dma_wait3A_891 = arith.constant 0 : i32
          %dma_wait3A_892 = arith.constant 0 : i32
          %dma_wait3A_893 = tpu.memref_slice %arg15[%dma_wait3A_888, %dma_wait3A_891, %dma_wait3A_892] : memref<3x80x16xf32, #tpu.memory_space<vmem>> -> memref<1x80x16xf32, #tpu.memory_space<vmem>>
          %dma_wait3A_894 = tpu.memref_squeeze %dma_wait3A_893 : memref<1x80x16xf32, #tpu.memory_space<vmem>> -> memref<80x16xf32, #tpu.memory_space<vmem>>
          %dma_wait3A_895 = arith.constant 0 : i32
          %dma_wait3A_896 = tpu.memref_slice %arg13[%dma_wait3A_889, %dma_wait3A_895] : memref<3x80xi32, #tpu.memory_space<vmem>> -> memref<1x80xi32, #tpu.memory_space<vmem>>
          %dma_wait3A_897 = tpu.memref_squeeze %dma_wait3A_896 : memref<1x80xi32, #tpu.memory_space<vmem>> -> memref<80xi32, #tpu.memory_space<vmem>>
          %dma_wait3A_898 = arith.constant 0 : i32
          %dma_wait3A_899 = arith.constant 0 : i32
          %dma_wait3A_900 = tpu.memref_slice %arg11[%dma_wait3A_898, %dma_wait3A_899] : memref<10016x16xf32, #tpu.memory_space<vmem_shared>> -> memref<10016x16xf32, #tpu.memory_space<vmem_shared>>
          %dma_wait3A_901 = tpu.memref_slice %arg22[%dma_wait3A_890] : memref<3x!tpu.dma_semaphore, #tpu.memory_space<semaphore_mem>> -> memref<1x!tpu.dma_semaphore, #tpu.memory_space<semaphore_mem>>
          %dma_wait3A_902 = tpu.memref_squeeze %dma_wait3A_901 : memref<1x!tpu.dma_semaphore, #tpu.memory_space<semaphore_mem>> -> memref<!tpu.dma_semaphore, #tpu.memory_space<semaphore_mem>>
          tpu.wait_indirect_dma semaphore(%dma_wait3A_902 : memref<!tpu.dma_semaphore, #tpu.memory_space<semaphore_mem>>) src(%dma_wait3A_894 : memref<80x16xf32, #tpu.memory_space<vmem>>) dst(%dma_wait3A_900 : memref<10016x16xf32, #tpu.memory_space<vmem_shared>>)
          %dma_wait3A_903 = arith.constant 2 : i32
          %dma_wait3A_904 = arith.constant 2 : i32
          %dma_wait3A_905 = arith.constant 2 : i32
          %dma_wait3A_906 = arith.constant 0 : i32
          %dma_wait3A_907 = arith.constant 0 : i32
          %dma_wait3A_908 = tpu.memref_slice %arg14[%dma_wait3A_903, %dma_wait3A_906, %dma_wait3A_907] : memref<3x80x128xf32, #tpu.memory_space<vmem>> -> memref<1x80x128xf32, #tpu.memory_space<vmem>>
          %dma_wait3A_909 = tpu.memref_squeeze %dma_wait3A_908 : memref<1x80x128xf32, #tpu.memory_space<vmem>> -> memref<80x128xf32, #tpu.memory_space<vmem>>
          %dma_wait3A_910 = arith.constant 0 : i32
          %dma_wait3A_911 = tpu.memref_slice %arg13[%dma_wait3A_904, %dma_wait3A_910] : memref<3x80xi32, #tpu.memory_space<vmem>> -> memref<1x80xi32, #tpu.memory_space<vmem>>
          %dma_wait3A_912 = tpu.memref_squeeze %dma_wait3A_911 : memref<1x80xi32, #tpu.memory_space<vmem>> -> memref<80xi32, #tpu.memory_space<vmem>>
          %dma_wait3A_913 = arith.constant 0 : i32
          %dma_wait3A_914 = arith.constant 0 : i32
          %dma_wait3A_915 = tpu.memref_slice %arg10[%dma_wait3A_913, %dma_wait3A_914] : memref<10016x128xf32, #tpu.memory_space<vmem_shared>> -> memref<10016x128xf32, #tpu.memory_space<vmem_shared>>
          %dma_wait3A_916 = tpu.memref_slice %arg21[%dma_wait3A_905] : memref<3x!tpu.dma_semaphore, #tpu.memory_space<semaphore_mem>> -> memref<1x!tpu.dma_semaphore, #tpu.memory_space<semaphore_mem>>
          %dma_wait3A_917 = tpu.memref_squeeze %dma_wait3A_916 : memref<1x!tpu.dma_semaphore, #tpu.memory_space<semaphore_mem>> -> memref<!tpu.dma_semaphore, #tpu.memory_space<semaphore_mem>>
          tpu.wait_indirect_dma semaphore(%dma_wait3A_917 : memref<!tpu.dma_semaphore, #tpu.memory_space<semaphore_mem>>) src(%dma_wait3A_909 : memref<80x128xf32, #tpu.memory_space<vmem>>) dst(%dma_wait3A_915 : memref<10016x128xf32, #tpu.memory_space<vmem_shared>>)
        } else {
        }
        %dma_wait3A_822 = arith.constant 2 : i32
        %dma_wait3A_823 = arith.constant 2 : i32
        %dma_wait3A_824 = arith.constant 0 : i32
        %dma_wait3A_825 = arith.constant 0 : i32
        %dma_wait3A_826 = tpu.memref_slice %arg12[%dma_wait3A_822, %dma_wait3A_824, %dma_wait3A_825] : memref<3x2x80xi32, #tpu.memory_space<vmem>> -> memref<1x2x80xi32, #tpu.memory_space<vmem>>
        %dma_wait3A_827 = tpu.memref_squeeze %dma_wait3A_826 : memref<1x2x80xi32, #tpu.memory_space<vmem>> -> memref<2x80xi32, #tpu.memory_space<vmem>>
        %dma_wait3A_828 = arith.constant 0 : i32
        %dma_wait3A_829 = arith.constant 0 : i32
        %dma_wait3A_830 = tpu.memref_slice %arg5[%dma_wait3A_828, %dma_wait3A_829] : memref<2x330240xi32, #tpu.memory_space<hbm>> -> memref<2x80xi32, #tpu.memory_space<hbm>>
        %dma_wait3A_831 = tpu.memref_slice %arg17[%dma_wait3A_823] : memref<3x!tpu.dma_semaphore, #tpu.memory_space<semaphore_mem>> -> memref<1x!tpu.dma_semaphore, #tpu.memory_space<semaphore_mem>>
        %dma_wait3A_832 = tpu.memref_squeeze %dma_wait3A_831 : memref<1x!tpu.dma_semaphore, #tpu.memory_space<semaphore_mem>> -> memref<!tpu.dma_semaphore, #tpu.memory_space<semaphore_mem>>
        %dma_wait3A_833 = arith.constant 0 : i32
        %dma_wait3A_834 = arith.constant 0 : i32
        %dma_wait3A_835 = tpu.memref_slice %arg12[%dma_wait3A_822, %dma_wait3A_833, %dma_wait3A_834] : memref<3x2x80xi32, #tpu.memory_space<vmem>> -> memref<1x2x80xi32, #tpu.memory_space<vmem>>
        %dma_wait3A_836 = tpu.memref_squeeze %dma_wait3A_835 : memref<1x2x80xi32, #tpu.memory_space<vmem>> -> memref<2x80xi32, #tpu.memory_space<vmem>>
        %dma_wait3A_837 = arith.constant 0 : i32
        %dma_wait3A_838 = arith.constant 0 : i32
        %dma_wait3A_839 = tpu.memref_slice %arg5[%dma_wait3A_837, %dma_wait3A_838] : memref<2x330240xi32, #tpu.memory_space<hbm>> -> memref<2x80xi32, #tpu.memory_space<hbm>>
        tpu.wait_dma2 semaphore(%dma_wait3A_832 : memref<!tpu.dma_semaphore, #tpu.memory_space<semaphore_mem>>) src(%dma_wait3A_839 : memref<2x80xi32, #tpu.memory_space<hbm>>) dst(%dma_wait3A_836 : memref<2x80xi32, #tpu.memory_space<vmem>>)
        %dma_start3A_840 = arith.constant 2 : i32
        %dma_start3A_841 = arith.constant 0 : i32
        %dma_start3A_842 = arith.constant 2 : i32
        %dma_start3A_843 = arith.constant 2 : i32
        %dma_start3A_844 = arith.constant 0 : i32
        %dma_start3A_845 = arith.constant 0 : i32
        %dma_start3A_846 = tpu.memref_slice %arg14[%dma_start3A_842, %dma_start3A_844, %dma_start3A_845] : memref<3x80x128xf32, #tpu.memory_space<vmem>> -> memref<1x80x128xf32, #tpu.memory_space<vmem>>
        %dma_start3A_847 = tpu.memref_squeeze %dma_start3A_846 : memref<1x80x128xf32, #tpu.memory_space<vmem>> -> memref<80x128xf32, #tpu.memory_space<vmem>>
        %dma_start3A_848 = arith.constant 0 : i32
        %dma_start3A_849 = tpu.memref_slice %arg12[%dma_start3A_840, %dma_start3A_841, %dma_start3A_848] : memref<3x2x80xi32, #tpu.memory_space<vmem>> -> memref<1x1x80xi32, #tpu.memory_space<vmem>>
        %dma_start3A_850 = tpu.memref_squeeze %dma_start3A_849 : memref<1x1x80xi32, #tpu.memory_space<vmem>> -> memref<80xi32, #tpu.memory_space<vmem>>
        %dma_start3A_851 = arith.constant 0 : i32
        %dma_start3A_852 = arith.constant 0 : i32
        %dma_start3A_853 = tpu.memref_slice %arg2[%dma_start3A_851, %dma_start3A_852] : memref<10000x128xf32, #tpu.memory_space<hbm>> -> memref<10000x128xf32, #tpu.memory_space<hbm>>
        %dma_start3A_854 = tpu.memref_slice %arg18[%dma_start3A_843] : memref<3x!tpu.dma_semaphore, #tpu.memory_space<semaphore_mem>> -> memref<1x!tpu.dma_semaphore, #tpu.memory_space<semaphore_mem>>
        %dma_start3A_855 = tpu.memref_squeeze %dma_start3A_854 : memref<1x!tpu.dma_semaphore, #tpu.memory_space<semaphore_mem>> -> memref<!tpu.dma_semaphore, #tpu.memory_space<semaphore_mem>>
        tpu.enqueue_indirect_dma source(%dma_start3A_853 : memref<10000x128xf32, #tpu.memory_space<hbm>>) target(%dma_start3A_847 : memref<80x128xf32, #tpu.memory_space<vmem>>) offsets(%dma_start3A_850 : memref<80xi32, #tpu.memory_space<vmem>>) semaphore(%dma_start3A_855 : memref<!tpu.dma_semaphore, #tpu.memory_space<semaphore_mem>>)
        %dma_start3A_856 = arith.constant 2 : i32
        %dma_start3A_857 = arith.constant 0 : i32
        %dma_start3A_858 = arith.constant 2 : i32
        %dma_start3A_859 = arith.constant 2 : i32
        %dma_start3A_860 = arith.constant 0 : i32
        %dma_start3A_861 = arith.constant 0 : i32
        %dma_start3A_862 = tpu.memref_slice %arg15[%dma_start3A_858, %dma_start3A_860, %dma_start3A_861] : memref<3x80x16xf32, #tpu.memory_space<vmem>> -> memref<1x80x16xf32, #tpu.memory_space<vmem>>
        %dma_start3A_863 = tpu.memref_squeeze %dma_start3A_862 : memref<1x80x16xf32, #tpu.memory_space<vmem>> -> memref<80x16xf32, #tpu.memory_space<vmem>>
        %dma_start3A_864 = arith.constant 0 : i32
        %dma_start3A_865 = tpu.memref_slice %arg12[%dma_start3A_856, %dma_start3A_857, %dma_start3A_864] : memref<3x2x80xi32, #tpu.memory_space<vmem>> -> memref<1x1x80xi32, #tpu.memory_space<vmem>>
        %dma_start3A_866 = tpu.memref_squeeze %dma_start3A_865 : memref<1x1x80xi32, #tpu.memory_space<vmem>> -> memref<80xi32, #tpu.memory_space<vmem>>
        %dma_start3A_867 = arith.constant 0 : i32
        %dma_start3A_868 = arith.constant 0 : i32
        %dma_start3A_869 = tpu.memref_slice %arg3[%dma_start3A_867, %dma_start3A_868] : memref<10000x16xf32, #tpu.memory_space<hbm>> -> memref<10000x16xf32, #tpu.memory_space<hbm>>
        %dma_start3A_870 = tpu.memref_slice %arg19[%dma_start3A_859] : memref<3x!tpu.dma_semaphore, #tpu.memory_space<semaphore_mem>> -> memref<1x!tpu.dma_semaphore, #tpu.memory_space<semaphore_mem>>
        %dma_start3A_871 = tpu.memref_squeeze %dma_start3A_870 : memref<1x!tpu.dma_semaphore, #tpu.memory_space<semaphore_mem>> -> memref<!tpu.dma_semaphore, #tpu.memory_space<semaphore_mem>>
        tpu.enqueue_indirect_dma source(%dma_start3A_869 : memref<10000x16xf32, #tpu.memory_space<hbm>>) target(%dma_start3A_863 : memref<80x16xf32, #tpu.memory_space<vmem>>) offsets(%dma_start3A_866 : memref<80xi32, #tpu.memory_space<vmem>>) semaphore(%dma_start3A_871 : memref<!tpu.dma_semaphore, #tpu.memory_space<semaphore_mem>>)
        %dma_start3A_872 = arith.constant 2 : i32
        %dma_start3A_873 = arith.constant 1 : i32
        %dma_start3A_874 = arith.constant 2 : i32
        %dma_start3A_875 = arith.constant 2 : i32
        %dma_start3A_876 = arith.constant 0 : i32
        %dma_start3A_877 = arith.constant 0 : i32
        %dma_start3A_878 = tpu.memref_slice %arg16[%dma_start3A_874, %dma_start3A_876, %dma_start3A_877] : memref<3x80x16xf32, #tpu.memory_space<vmem>> -> memref<1x80x16xf32, #tpu.memory_space<vmem>>
        %dma_start3A_879 = tpu.memref_squeeze %dma_start3A_878 : memref<1x80x16xf32, #tpu.memory_space<vmem>> -> memref<80x16xf32, #tpu.memory_space<vmem>>
        %dma_start3A_880 = arith.constant 0 : i32
        %dma_start3A_881 = tpu.memref_slice %arg12[%dma_start3A_872, %dma_start3A_873, %dma_start3A_880] : memref<3x2x80xi32, #tpu.memory_space<vmem>> -> memref<1x1x80xi32, #tpu.memory_space<vmem>>
        %dma_start3A_882 = tpu.memref_squeeze %dma_start3A_881 : memref<1x1x80xi32, #tpu.memory_space<vmem>> -> memref<80xi32, #tpu.memory_space<vmem>>
        %dma_start3A_883 = arith.constant 0 : i32
        %dma_start3A_884 = arith.constant 0 : i32
        %dma_start3A_885 = tpu.memref_slice %arg4[%dma_start3A_883, %dma_start3A_884] : memref<10000x16xf32, #tpu.memory_space<hbm>> -> memref<10000x16xf32, #tpu.memory_space<hbm>>
        %dma_start3A_886 = tpu.memref_slice %arg20[%dma_start3A_875] : memref<3x!tpu.dma_semaphore, #tpu.memory_space<semaphore_mem>> -> memref<1x!tpu.dma_semaphore, #tpu.memory_space<semaphore_mem>>
        %dma_start3A_887 = tpu.memref_squeeze %dma_start3A_886 : memref<1x!tpu.dma_semaphore, #tpu.memory_space<semaphore_mem>> -> memref<!tpu.dma_semaphore, #tpu.memory_space<semaphore_mem>>
        tpu.enqueue_indirect_dma source(%dma_start3A_885 : memref<10000x16xf32, #tpu.memory_space<hbm>>) target(%dma_start3A_879 : memref<80x16xf32, #tpu.memory_space<vmem>>) offsets(%dma_start3A_882 : memref<80xi32, #tpu.memory_space<vmem>>) semaphore(%dma_start3A_887 : memref<!tpu.dma_semaphore, #tpu.memory_space<semaphore_mem>>)
      } else {
      }
      %parallel_loop3A = arith.constant 0 : i32
      %parallel_loop3A_432 = arith.constant 80 : i32
      %parallel_loop3A_433 = arith.constant 1 : i32
      scf.for %parallel_loop3A_818 = %parallel_loop3A to %parallel_loop3A_432 step %parallel_loop3A_433  : i32 {
        %parallel_loop3A_819 = arith.constant 0 : i32
        %parallel_loop3A_820 = arith.constant 0 : i32
        %parallel_loop3A_821 = arith.constant 0 : i32
        %parallel_loop3A_822 = tpu.memref_slice %arg15[%parallel_loop3A_819, %parallel_loop3A_820, %parallel_loop3A_821] : memref<3x80x16xf32, #tpu.memory_space<vmem>> -> memref<1x80x16xf32, #tpu.memory_space<vmem>>
        %parallel_loop3A_823 = tpu.memref_squeeze %parallel_loop3A_822 : memref<1x80x16xf32, #tpu.memory_space<vmem>> -> memref<80x16xf32, #tpu.memory_space<vmem>>
        %parallel_loop3A_824 = arith.index_cast %parallel_loop3A_818 : i32 to index
        %parallel_loop3A_825 = arith.constant 0 : index
        %parallel_loop3A_826 = tpu.vector_load %parallel_loop3A_823[%parallel_loop3A_824, %parallel_loop3A_825] {strides = array<i32>} : memref<80x16xf32, #tpu.memory_space<vmem>>, vector<1x16xf32>,
        %parallel_loop3A_827 = vector.shape_cast %parallel_loop3A_826 : vector<1x16xf32> to vector<16xf32>
        %parallel_loop3A_828 = arith.constant 0 : i32
        %parallel_loop3A_829 = arith.constant 0 : i32
        %parallel_loop3A_830 = arith.constant 0 : i32
        %parallel_loop3A_831 = tpu.memref_slice %arg16[%parallel_loop3A_828, %parallel_loop3A_829, %parallel_loop3A_830] : memref<3x80x16xf32, #tpu.memory_space<vmem>> -> memref<1x80x16xf32, #tpu.memory_space<vmem>>
        %parallel_loop3A_832 = tpu.memref_squeeze %parallel_loop3A_831 : memref<1x80x16xf32, #tpu.memory_space<vmem>> -> memref<80x16xf32, #tpu.memory_space<vmem>>
        %parallel_loop3A_833 = arith.index_cast %parallel_loop3A_818 : i32 to index
        %parallel_loop3A_834 = arith.constant 0 : index
        %parallel_loop3A_835 = tpu.vector_load %parallel_loop3A_832[%parallel_loop3A_833, %parallel_loop3A_834] {strides = array<i32>} : memref<80x16xf32, #tpu.memory_space<vmem>>, vector<1x16xf32>,
        %parallel_loop3A_836 = vector.shape_cast %parallel_loop3A_835 : vector<1x16xf32> to vector<16xf32>
        %parallel_loop3A_837 = arith.addf %parallel_loop3A_827, %parallel_loop3A_836 : vector<16xf32>
        %parallel_loop3A_838 = arith.constant 2.000000e-01 : f32
        %parallel_loop3A_839 = vector.broadcast %parallel_loop3A_838 : f32 to vector<16xf32>
        %parallel_loop3A_840 = arith.mulf %parallel_loop3A_839, %parallel_loop3A_837 : vector<16xf32>
        %parallel_loop3A_841 = arith.maximumf %parallel_loop3A_837, %parallel_loop3A_840 : vector<16xf32>
        %parallel_loop3A_842 = math.exp %parallel_loop3A_841 : vector<16xf32>
        %parallel_loop3A_843 = arith.constant 0 : i32
        %parallel_loop3A_844 = arith.constant 0 : i32
        %parallel_loop3A_845 = arith.constant 0 : i32
        %parallel_loop3A_846 = tpu.memref_slice %arg15[%parallel_loop3A_843, %parallel_loop3A_844, %parallel_loop3A_845] : memref<3x80x16xf32, #tpu.memory_space<vmem>> -> memref<1x80x16xf32, #tpu.memory_space<vmem>>
        %parallel_loop3A_847 = tpu.memref_squeeze %parallel_loop3A_846 : memref<1x80x16xf32, #tpu.memory_space<vmem>> -> memref<80x16xf32, #tpu.memory_space<vmem>>
        %parallel_loop3A_848 = arith.index_cast %parallel_loop3A_818 : i32 to index
        %parallel_loop3A_849 = arith.constant 0 : index
        %parallel_loop3A_850 = tpu.vector_load %parallel_loop3A_847[%parallel_loop3A_848, %parallel_loop3A_849] {strides = array<i32>} : memref<80x16xf32, #tpu.memory_space<vmem>>, vector<1x16xf32>,
        %parallel_loop3A_851 = vector.shape_cast %parallel_loop3A_850 : vector<1x16xf32> to vector<16xf32>
        %parallel_loop3A_852 = vector.shape_cast %parallel_loop3A_842 : vector<16xf32> to vector<1x16xf32>
        tpu.vector_store %parallel_loop3A_847[%parallel_loop3A_848, %parallel_loop3A_849], %parallel_loop3A_852 {strides = array<i32>} : memref<80x16xf32, #tpu.memory_space<vmem>>, vector<1x16xf32>,
        %parallel_loop3A_853 = arith.constant 0 : i32
        %parallel_loop3A_854 = arith.constant 0 : i32
        %parallel_loop3A_855 = arith.constant 0 : i32
        %parallel_loop3A_856 = tpu.memref_slice %arg14[%parallel_loop3A_853, %parallel_loop3A_854, %parallel_loop3A_855] : memref<3x80x128xf32, #tpu.memory_space<vmem>> -> memref<1x80x128xf32, #tpu.memory_space<vmem>>
        %parallel_loop3A_857 = tpu.memref_squeeze %parallel_loop3A_856 : memref<1x80x128xf32, #tpu.memory_space<vmem>> -> memref<80x128xf32, #tpu.memory_space<vmem>>
        %parallel_loop3A_858 = arith.index_cast %parallel_loop3A_818 : i32 to index
        %parallel_loop3A_859 = arith.constant 0 : index
        %parallel_loop3A_860 = tpu.vector_load %parallel_loop3A_857[%parallel_loop3A_858, %parallel_loop3A_859] {strides = array<i32>} : memref<80x128xf32, #tpu.memory_space<vmem>>, vector<1x16xf32>,
        %parallel_loop3A_861 = vector.shape_cast %parallel_loop3A_860 : vector<1x16xf32> to vector<16xf32>
        %parallel_loop3A_862 = arith.constant 0 : i32
        %parallel_loop3A_863 = vector.broadcast %parallel_loop3A_862 : i32 to vector<16x1xi32>
        %parallel_loop3A_864 = vector.shape_cast %parallel_loop3A_863 : vector<16x1xi32> to vector<16xi32>
        %parallel_loop3A_865 = tpu.dynamic_gather %parallel_loop3A_842[%parallel_loop3A_864] in [0] : vector<16xf32>, vector<16xi32> -> vector<16xf32>
        %parallel_loop3A_866 = arith.mulf %parallel_loop3A_861, %parallel_loop3A_865 : vector<16xf32>
        %parallel_loop3A_867 = arith.constant 0 : i32
        %parallel_loop3A_868 = arith.constant 0 : i32
        %parallel_loop3A_869 = arith.constant 0 : i32
        %parallel_loop3A_870 = tpu.memref_slice %arg14[%parallel_loop3A_867, %parallel_loop3A_868, %parallel_loop3A_869] : memref<3x80x128xf32, #tpu.memory_space<vmem>> -> memref<1x80x128xf32, #tpu.memory_space<vmem>>
        %parallel_loop3A_871 = tpu.memref_squeeze %parallel_loop3A_870 : memref<1x80x128xf32, #tpu.memory_space<vmem>> -> memref<80x128xf32, #tpu.memory_space<vmem>>
        %parallel_loop3A_872 = arith.index_cast %parallel_loop3A_818 : i32 to index
        %parallel_loop3A_873 = arith.constant 0 : index
        %parallel_loop3A_874 = tpu.vector_load %parallel_loop3A_871[%parallel_loop3A_872, %parallel_loop3A_873] {strides = array<i32>} : memref<80x128xf32, #tpu.memory_space<vmem>>, vector<1x16xf32>,
        %parallel_loop3A_875 = vector.shape_cast %parallel_loop3A_874 : vector<1x16xf32> to vector<16xf32>
        %parallel_loop3A_876 = vector.shape_cast %parallel_loop3A_866 : vector<16xf32> to vector<1x16xf32>
        tpu.vector_store %parallel_loop3A_871[%parallel_loop3A_872, %parallel_loop3A_873], %parallel_loop3A_876 {strides = array<i32>} : memref<80x128xf32, #tpu.memory_space<vmem>>, vector<1x16xf32>,
        %parallel_loop3A_877 = arith.constant 0 : i32
        %parallel_loop3A_878 = arith.constant 0 : i32
        %parallel_loop3A_879 = arith.constant 0 : i32
        %parallel_loop3A_880 = tpu.memref_slice %arg14[%parallel_loop3A_877, %parallel_loop3A_878, %parallel_loop3A_879] : memref<3x80x128xf32, #tpu.memory_space<vmem>> -> memref<1x80x128xf32, #tpu.memory_space<vmem>>
        %parallel_loop3A_881 = tpu.memref_squeeze %parallel_loop3A_880 : memref<1x80x128xf32, #tpu.memory_space<vmem>> -> memref<80x128xf32, #tpu.memory_space<vmem>>
        %parallel_loop3A_882 = arith.index_cast %parallel_loop3A_818 : i32 to index
        %parallel_loop3A_883 = arith.constant 16 : index
        %parallel_loop3A_884 = tpu.vector_load %parallel_loop3A_881[%parallel_loop3A_882, %parallel_loop3A_883] {strides = array<i32>} : memref<80x128xf32, #tpu.memory_space<vmem>>, vector<1x16xf32>,
        %parallel_loop3A_885 = vector.shape_cast %parallel_loop3A_884 : vector<1x16xf32> to vector<16xf32>
        %parallel_loop3A_886 = arith.constant 1 : i32
        %parallel_loop3A_887 = vector.broadcast %parallel_loop3A_886 : i32 to vector<16x1xi32>
        %parallel_loop3A_888 = vector.shape_cast %parallel_loop3A_887 : vector<16x1xi32> to vector<16xi32>
        %parallel_loop3A_889 = tpu.dynamic_gather %parallel_loop3A_842[%parallel_loop3A_888] in [0] : vector<16xf32>, vector<16xi32> -> vector<16xf32>
        %parallel_loop3A_890 = arith.mulf %parallel_loop3A_885, %parallel_loop3A_889 : vector<16xf32>
        %parallel_loop3A_891 = arith.constant 0 : i32
        %parallel_loop3A_892 = arith.constant 0 : i32
        %parallel_loop3A_893 = arith.constant 0 : i32
        %parallel_loop3A_894 = tpu.memref_slice %arg14[%parallel_loop3A_891, %parallel_loop3A_892, %parallel_loop3A_893] : memref<3x80x128xf32, #tpu.memory_space<vmem>> -> memref<1x80x128xf32, #tpu.memory_space<vmem>>
        %parallel_loop3A_895 = tpu.memref_squeeze %parallel_loop3A_894 : memref<1x80x128xf32, #tpu.memory_space<vmem>> -> memref<80x128xf32, #tpu.memory_space<vmem>>
        %parallel_loop3A_896 = arith.index_cast %parallel_loop3A_818 : i32 to index
        %parallel_loop3A_897 = arith.constant 16 : index
        %parallel_loop3A_898 = tpu.vector_load %parallel_loop3A_895[%parallel_loop3A_896, %parallel_loop3A_897] {strides = array<i32>} : memref<80x128xf32, #tpu.memory_space<vmem>>, vector<1x16xf32>,
        %parallel_loop3A_899 = vector.shape_cast %parallel_loop3A_898 : vector<1x16xf32> to vector<16xf32>
        %parallel_loop3A_900 = vector.shape_cast %parallel_loop3A_890 : vector<16xf32> to vector<1x16xf32>
        tpu.vector_store %parallel_loop3A_895[%parallel_loop3A_896, %parallel_loop3A_897], %parallel_loop3A_900 {strides = array<i32>} : memref<80x128xf32, #tpu.memory_space<vmem>>, vector<1x16xf32>,
        %parallel_loop3A_901 = arith.constant 0 : i32
        %parallel_loop3A_902 = arith.constant 0 : i32
        %parallel_loop3A_903 = arith.constant 0 : i32
        %parallel_loop3A_904 = tpu.memref_slice %arg14[%parallel_loop3A_901, %parallel_loop3A_902, %parallel_loop3A_903] : memref<3x80x128xf32, #tpu.memory_space<vmem>> -> memref<1x80x128xf32, #tpu.memory_space<vmem>>
        %parallel_loop3A_905 = tpu.memref_squeeze %parallel_loop3A_904 : memref<1x80x128xf32, #tpu.memory_space<vmem>> -> memref<80x128xf32, #tpu.memory_space<vmem>>
        %parallel_loop3A_906 = arith.index_cast %parallel_loop3A_818 : i32 to index
        %parallel_loop3A_907 = arith.constant 32 : index
        %parallel_loop3A_908 = tpu.vector_load %parallel_loop3A_905[%parallel_loop3A_906, %parallel_loop3A_907] {strides = array<i32>} : memref<80x128xf32, #tpu.memory_space<vmem>>, vector<1x16xf32>,
        %parallel_loop3A_909 = vector.shape_cast %parallel_loop3A_908 : vector<1x16xf32> to vector<16xf32>
        %parallel_loop3A_910 = arith.constant 2 : i32
        %parallel_loop3A_911 = vector.broadcast %parallel_loop3A_910 : i32 to vector<16x1xi32>
        %parallel_loop3A_912 = vector.shape_cast %parallel_loop3A_911 : vector<16x1xi32> to vector<16xi32>
        %parallel_loop3A_913 = tpu.dynamic_gather %parallel_loop3A_842[%parallel_loop3A_912] in [0] : vector<16xf32>, vector<16xi32> -> vector<16xf32>
        %parallel_loop3A_914 = arith.mulf %parallel_loop3A_909, %parallel_loop3A_913 : vector<16xf32>
        %parallel_loop3A_915 = arith.constant 0 : i32
        %parallel_loop3A_916 = arith.constant 0 : i32
        %parallel_loop3A_917 = arith.constant 0 : i32
        %parallel_loop3A_918 = tpu.memref_slice %arg14[%parallel_loop3A_915, %parallel_loop3A_916, %parallel_loop3A_917] : memref<3x80x128xf32, #tpu.memory_space<vmem>> -> memref<1x80x128xf32, #tpu.memory_space<vmem>>
        %parallel_loop3A_919 = tpu.memref_squeeze %parallel_loop3A_918 : memref<1x80x128xf32, #tpu.memory_space<vmem>> -> memref<80x128xf32, #tpu.memory_space<vmem>>
        %parallel_loop3A_920 = arith.index_cast %parallel_loop3A_818 : i32 to index
        %parallel_loop3A_921 = arith.constant 32 : index
        %parallel_loop3A_922 = tpu.vector_load %parallel_loop3A_919[%parallel_loop3A_920, %parallel_loop3A_921] {strides = array<i32>} : memref<80x128xf32, #tpu.memory_space<vmem>>, vector<1x16xf32>,
        %parallel_loop3A_923 = vector.shape_cast %parallel_loop3A_922 : vector<1x16xf32> to vector<16xf32>
        %parallel_loop3A_924 = vector.shape_cast %parallel_loop3A_914 : vector<16xf32> to vector<1x16xf32>
        tpu.vector_store %parallel_loop3A_919[%parallel_loop3A_920, %parallel_loop3A_921], %parallel_loop3A_924 {strides = array<i32>} : memref<80x128xf32, #tpu.memory_space<vmem>>, vector<1x16xf32>,
        %parallel_loop3A_925 = arith.constant 0 : i32
        %parallel_loop3A_926 = arith.constant 0 : i32
        %parallel_loop3A_927 = arith.constant 0 : i32
        %parallel_loop3A_928 = tpu.memref_slice %arg14[%parallel_loop3A_925, %parallel_loop3A_926, %parallel_loop3A_927] : memref<3x80x128xf32, #tpu.memory_space<vmem>> -> memref<1x80x128xf32, #tpu.memory_space<vmem>>
        %parallel_loop3A_929 = tpu.memref_squeeze %parallel_loop3A_928 : memref<1x80x128xf32, #tpu.memory_space<vmem>> -> memref<80x128xf32, #tpu.memory_space<vmem>>
        %parallel_loop3A_930 = arith.index_cast %parallel_loop3A_818 : i32 to index
        %parallel_loop3A_931 = arith.constant 48 : index
        %parallel_loop3A_932 = tpu.vector_load %parallel_loop3A_929[%parallel_loop3A_930, %parallel_loop3A_931] {strides = array<i32>} : memref<80x128xf32, #tpu.memory_space<vmem>>, vector<1x16xf32>,
        %parallel_loop3A_933 = vector.shape_cast %parallel_loop3A_932 : vector<1x16xf32> to vector<16xf32>
        %parallel_loop3A_934 = arith.constant 3 : i32
        %parallel_loop3A_935 = vector.broadcast %parallel_loop3A_934 : i32 to vector<16x1xi32>
        %parallel_loop3A_936 = vector.shape_cast %parallel_loop3A_935 : vector<16x1xi32> to vector<16xi32>
        %parallel_loop3A_937 = tpu.dynamic_gather %parallel_loop3A_842[%parallel_loop3A_936] in [0] : vector<16xf32>, vector<16xi32> -> vector<16xf32>
        %parallel_loop3A_938 = arith.mulf %parallel_loop3A_933, %parallel_loop3A_937 : vector<16xf32>
        %parallel_loop3A_939 = arith.constant 0 : i32
        %parallel_loop3A_940 = arith.constant 0 : i32
        %parallel_loop3A_941 = arith.constant 0 : i32
        %parallel_loop3A_942 = tpu.memref_slice %arg14[%parallel_loop3A_939, %parallel_loop3A_940, %parallel_loop3A_941] : memref<3x80x128xf32, #tpu.memory_space<vmem>> -> memref<1x80x128xf32, #tpu.memory_space<vmem>>
        %parallel_loop3A_943 = tpu.memref_squeeze %parallel_loop3A_942 : memref<1x80x128xf32, #tpu.memory_space<vmem>> -> memref<80x128xf32, #tpu.memory_space<vmem>>
        %parallel_loop3A_944 = arith.index_cast %parallel_loop3A_818 : i32 to index
        %parallel_loop3A_945 = arith.constant 48 : index
        %parallel_loop3A_946 = tpu.vector_load %parallel_loop3A_943[%parallel_loop3A_944, %parallel_loop3A_945] {strides = array<i32>} : memref<80x128xf32, #tpu.memory_space<vmem>>, vector<1x16xf32>,
        %parallel_loop3A_947 = vector.shape_cast %parallel_loop3A_946 : vector<1x16xf32> to vector<16xf32>
        %parallel_loop3A_948 = vector.shape_cast %parallel_loop3A_938 : vector<16xf32> to vector<1x16xf32>
        tpu.vector_store %parallel_loop3A_943[%parallel_loop3A_944, %parallel_loop3A_945], %parallel_loop3A_948 {strides = array<i32>} : memref<80x128xf32, #tpu.memory_space<vmem>>, vector<1x16xf32>,
        %parallel_loop3A_949 = arith.constant 0 : i32
        %parallel_loop3A_950 = arith.constant 0 : i32
        %parallel_loop3A_951 = arith.constant 0 : i32
        %parallel_loop3A_952 = tpu.memref_slice %arg14[%parallel_loop3A_949, %parallel_loop3A_950, %parallel_loop3A_951] : memref<3x80x128xf32, #tpu.memory_space<vmem>> -> memref<1x80x128xf32, #tpu.memory_space<vmem>>
        %parallel_loop3A_953 = tpu.memref_squeeze %parallel_loop3A_952 : memref<1x80x128xf32, #tpu.memory_space<vmem>> -> memref<80x128xf32, #tpu.memory_space<vmem>>
        %parallel_loop3A_954 = arith.index_cast %parallel_loop3A_818 : i32 to index
        %parallel_loop3A_955 = arith.constant 64 : index
        %parallel_loop3A_956 = tpu.vector_load %parallel_loop3A_953[%parallel_loop3A_954, %parallel_loop3A_955] {strides = array<i32>} : memref<80x128xf32, #tpu.memory_space<vmem>>, vector<1x16xf32>,
        %parallel_loop3A_957 = vector.shape_cast %parallel_loop3A_956 : vector<1x16xf32> to vector<16xf32>
        %parallel_loop3A_958 = arith.constant 4 : i32
        %parallel_loop3A_959 = vector.broadcast %parallel_loop3A_958 : i32 to vector<16x1xi32>
        %parallel_loop3A_960 = vector.shape_cast %parallel_loop3A_959 : vector<16x1xi32> to vector<16xi32>
        %parallel_loop3A_961 = tpu.dynamic_gather %parallel_loop3A_842[%parallel_loop3A_960] in [0] : vector<16xf32>, vector<16xi32> -> vector<16xf32>
        %parallel_loop3A_962 = arith.mulf %parallel_loop3A_957, %parallel_loop3A_961 : vector<16xf32>
        %parallel_loop3A_963 = arith.constant 0 : i32
        %parallel_loop3A_964 = arith.constant 0 : i32
        %parallel_loop3A_965 = arith.constant 0 : i32
        %parallel_loop3A_966 = tpu.memref_slice %arg14[%parallel_loop3A_963, %parallel_loop3A_964, %parallel_loop3A_965] : memref<3x80x128xf32, #tpu.memory_space<vmem>> -> memref<1x80x128xf32, #tpu.memory_space<vmem>>
        %parallel_loop3A_967 = tpu.memref_squeeze %parallel_loop3A_966 : memref<1x80x128xf32, #tpu.memory_space<vmem>> -> memref<80x128xf32, #tpu.memory_space<vmem>>
        %parallel_loop3A_968 = arith.index_cast %parallel_loop3A_818 : i32 to index
        %parallel_loop3A_969 = arith.constant 64 : index
        %parallel_loop3A_970 = tpu.vector_load %parallel_loop3A_967[%parallel_loop3A_968, %parallel_loop3A_969] {strides = array<i32>} : memref<80x128xf32, #tpu.memory_space<vmem>>, vector<1x16xf32>,
        %parallel_loop3A_971 = vector.shape_cast %parallel_loop3A_970 : vector<1x16xf32> to vector<16xf32>
        %parallel_loop3A_972 = vector.shape_cast %parallel_loop3A_962 : vector<16xf32> to vector<1x16xf32>
        tpu.vector_store %parallel_loop3A_967[%parallel_loop3A_968, %parallel_loop3A_969], %parallel_loop3A_972 {strides = array<i32>} : memref<80x128xf32, #tpu.memory_space<vmem>>, vector<1x16xf32>,
        %parallel_loop3A_973 = arith.constant 0 : i32
        %parallel_loop3A_974 = arith.constant 0 : i32
        %parallel_loop3A_975 = arith.constant 0 : i32
        %parallel_loop3A_976 = tpu.memref_slice %arg14[%parallel_loop3A_973, %parallel_loop3A_974, %parallel_loop3A_975] : memref<3x80x128xf32, #tpu.memory_space<vmem>> -> memref<1x80x128xf32, #tpu.memory_space<vmem>>
        %parallel_loop3A_977 = tpu.memref_squeeze %parallel_loop3A_976 : memref<1x80x128xf32, #tpu.memory_space<vmem>> -> memref<80x128xf32, #tpu.memory_space<vmem>>
        %parallel_loop3A_978 = arith.index_cast %parallel_loop3A_818 : i32 to index
        %parallel_loop3A_979 = arith.constant 80 : index
        %parallel_loop3A_980 = tpu.vector_load %parallel_loop3A_977[%parallel_loop3A_978, %parallel_loop3A_979] {strides = array<i32>} : memref<80x128xf32, #tpu.memory_space<vmem>>, vector<1x16xf32>,
        %parallel_loop3A_981 = vector.shape_cast %parallel_loop3A_980 : vector<1x16xf32> to vector<16xf32>
        %parallel_loop3A_982 = arith.constant 5 : i32
        %parallel_loop3A_983 = vector.broadcast %parallel_loop3A_982 : i32 to vector<16x1xi32>
        %parallel_loop3A_984 = vector.shape_cast %parallel_loop3A_983 : vector<16x1xi32> to vector<16xi32>
        %parallel_loop3A_985 = tpu.dynamic_gather %parallel_loop3A_842[%parallel_loop3A_984] in [0] : vector<16xf32>, vector<16xi32> -> vector<16xf32>
        %parallel_loop3A_986 = arith.mulf %parallel_loop3A_981, %parallel_loop3A_985 : vector<16xf32>
        %parallel_loop3A_987 = arith.constant 0 : i32
        %parallel_loop3A_988 = arith.constant 0 : i32
        %parallel_loop3A_989 = arith.constant 0 : i32
        %parallel_loop3A_990 = tpu.memref_slice %arg14[%parallel_loop3A_987, %parallel_loop3A_988, %parallel_loop3A_989] : memref<3x80x128xf32, #tpu.memory_space<vmem>> -> memref<1x80x128xf32, #tpu.memory_space<vmem>>
        %parallel_loop3A_991 = tpu.memref_squeeze %parallel_loop3A_990 : memref<1x80x128xf32, #tpu.memory_space<vmem>> -> memref<80x128xf32, #tpu.memory_space<vmem>>
        %parallel_loop3A_992 = arith.index_cast %parallel_loop3A_818 : i32 to index
        %parallel_loop3A_993 = arith.constant 80 : index
        %parallel_loop3A_994 = tpu.vector_load %parallel_loop3A_991[%parallel_loop3A_992, %parallel_loop3A_993] {strides = array<i32>} : memref<80x128xf32, #tpu.memory_space<vmem>>, vector<1x16xf32>,
        %parallel_loop3A_995 = vector.shape_cast %parallel_loop3A_994 : vector<1x16xf32> to vector<16xf32>
        %parallel_loop3A_996 = vector.shape_cast %parallel_loop3A_986 : vector<16xf32> to vector<1x16xf32>
        tpu.vector_store %parallel_loop3A_991[%parallel_loop3A_992, %parallel_loop3A_993], %parallel_loop3A_996 {strides = array<i32>} : memref<80x128xf32, #tpu.memory_space<vmem>>, vector<1x16xf32>,
        %parallel_loop3A_997 = arith.constant 0 : i32
        %parallel_loop3A_998 = arith.constant 0 : i32
        %parallel_loop3A_999 = arith.constant 0 : i32
        %parallel_loop3A_1000 = tpu.memref_slice %arg14[%parallel_loop3A_997, %parallel_loop3A_998, %parallel_loop3A_999] : memref<3x80x128xf32, #tpu.memory_space<vmem>> -> memref<1x80x128xf32, #tpu.memory_space<vmem>>
        %parallel_loop3A_1001 = tpu.memref_squeeze %parallel_loop3A_1000 : memref<1x80x128xf32, #tpu.memory_space<vmem>> -> memref<80x128xf32, #tpu.memory_space<vmem>>
        %parallel_loop3A_1002 = arith.index_cast %parallel_loop3A_818 : i32 to index
        %parallel_loop3A_1003 = arith.constant 96 : index
        %parallel_loop3A_1004 = tpu.vector_load %parallel_loop3A_1001[%parallel_loop3A_1002, %parallel_loop3A_1003] {strides = array<i32>} : memref<80x128xf32, #tpu.memory_space<vmem>>, vector<1x16xf32>,
        %parallel_loop3A_1005 = vector.shape_cast %parallel_loop3A_1004 : vector<1x16xf32> to vector<16xf32>
        %parallel_loop3A_1006 = arith.constant 6 : i32
        %parallel_loop3A_1007 = vector.broadcast %parallel_loop3A_1006 : i32 to vector<16x1xi32>
        %parallel_loop3A_1008 = vector.shape_cast %parallel_loop3A_1007 : vector<16x1xi32> to vector<16xi32>
        %parallel_loop3A_1009 = tpu.dynamic_gather %parallel_loop3A_842[%parallel_loop3A_1008] in [0] : vector<16xf32>, vector<16xi32> -> vector<16xf32>
        %parallel_loop3A_1010 = arith.mulf %parallel_loop3A_1005, %parallel_loop3A_1009 : vector<16xf32>
        %parallel_loop3A_1011 = arith.constant 0 : i32
        %parallel_loop3A_1012 = arith.constant 0 : i32
        %parallel_loop3A_1013 = arith.constant 0 : i32
        %parallel_loop3A_1014 = tpu.memref_slice %arg14[%parallel_loop3A_1011, %parallel_loop3A_1012, %parallel_loop3A_1013] : memref<3x80x128xf32, #tpu.memory_space<vmem>> -> memref<1x80x128xf32, #tpu.memory_space<vmem>>
        %parallel_loop3A_1015 = tpu.memref_squeeze %parallel_loop3A_1014 : memref<1x80x128xf32, #tpu.memory_space<vmem>> -> memref<80x128xf32, #tpu.memory_space<vmem>>
        %parallel_loop3A_1016 = arith.index_cast %parallel_loop3A_818 : i32 to index
        %parallel_loop3A_1017 = arith.constant 96 : index
        %parallel_loop3A_1018 = tpu.vector_load %parallel_loop3A_1015[%parallel_loop3A_1016, %parallel_loop3A_1017] {strides = array<i32>} : memref<80x128xf32, #tpu.memory_space<vmem>>, vector<1x16xf32>,
        %parallel_loop3A_1019 = vector.shape_cast %parallel_loop3A_1018 : vector<1x16xf32> to vector<16xf32>
        %parallel_loop3A_1020 = vector.shape_cast %parallel_loop3A_1010 : vector<16xf32> to vector<1x16xf32>
        tpu.vector_store %parallel_loop3A_1015[%parallel_loop3A_1016, %parallel_loop3A_1017], %parallel_loop3A_1020 {strides = array<i32>} : memref<80x128xf32, #tpu.memory_space<vmem>>, vector<1x16xf32>,
        %parallel_loop3A_1021 = arith.constant 0 : i32
        %parallel_loop3A_1022 = arith.constant 0 : i32
        %parallel_loop3A_1023 = arith.constant 0 : i32
        %parallel_loop3A_1024 = tpu.memref_slice %arg14[%parallel_loop3A_1021, %parallel_loop3A_1022, %parallel_loop3A_1023] : memref<3x80x128xf32, #tpu.memory_space<vmem>> -> memref<1x80x128xf32, #tpu.memory_space<vmem>>
        %parallel_loop3A_1025 = tpu.memref_squeeze %parallel_loop3A_1024 : memref<1x80x128xf32, #tpu.memory_space<vmem>> -> memref<80x128xf32, #tpu.memory_space<vmem>>
        %parallel_loop3A_1026 = arith.index_cast %parallel_loop3A_818 : i32 to index
        %parallel_loop3A_1027 = arith.constant 112 : index
        %parallel_loop3A_1028 = tpu.vector_load %parallel_loop3A_1025[%parallel_loop3A_1026, %parallel_loop3A_1027] {strides = array<i32>} : memref<80x128xf32, #tpu.memory_space<vmem>>, vector<1x16xf32>,
        %parallel_loop3A_1029 = vector.shape_cast %parallel_loop3A_1028 : vector<1x16xf32> to vector<16xf32>
        %parallel_loop3A_1030 = arith.constant 7 : i32
        %parallel_loop3A_1031 = vector.broadcast %parallel_loop3A_1030 : i32 to vector<16x1xi32>
        %parallel_loop3A_1032 = vector.shape_cast %parallel_loop3A_1031 : vector<16x1xi32> to vector<16xi32>
        %parallel_loop3A_1033 = tpu.dynamic_gather %parallel_loop3A_842[%parallel_loop3A_1032] in [0] : vector<16xf32>, vector<16xi32> -> vector<16xf32>
        %parallel_loop3A_1034 = arith.mulf %parallel_loop3A_1029, %parallel_loop3A_1033 : vector<16xf32>
        %parallel_loop3A_1035 = arith.constant 0 : i32
        %parallel_loop3A_1036 = arith.constant 0 : i32
        %parallel_loop3A_1037 = arith.constant 0 : i32
        %parallel_loop3A_1038 = tpu.memref_slice %arg14[%parallel_loop3A_1035, %parallel_loop3A_1036, %parallel_loop3A_1037] : memref<3x80x128xf32, #tpu.memory_space<vmem>> -> memref<1x80x128xf32, #tpu.memory_space<vmem>>
        %parallel_loop3A_1039 = tpu.memref_squeeze %parallel_loop3A_1038 : memref<1x80x128xf32, #tpu.memory_space<vmem>> -> memref<80x128xf32, #tpu.memory_space<vmem>>
        %parallel_loop3A_1040 = arith.index_cast %parallel_loop3A_818 : i32 to index
        %parallel_loop3A_1041 = arith.constant 112 : index
        %parallel_loop3A_1042 = tpu.vector_load %parallel_loop3A_1039[%parallel_loop3A_1040, %parallel_loop3A_1041] {strides = array<i32>} : memref<80x128xf32, #tpu.memory_space<vmem>>, vector<1x16xf32>,
        %parallel_loop3A_1043 = vector.shape_cast %parallel_loop3A_1042 : vector<1x16xf32> to vector<16xf32>
        %parallel_loop3A_1044 = vector.shape_cast %parallel_loop3A_1034 : vector<16xf32> to vector<1x16xf32>
        tpu.vector_store %parallel_loop3A_1039[%parallel_loop3A_1040, %parallel_loop3A_1041], %parallel_loop3A_1044 {strides = array<i32>} : memref<80x128xf32, #tpu.memory_space<vmem>>, vector<1x16xf32>,
      } {sc.loop_unroll_factor = 4 : i64, sc.parallel_access}
      %dma_start3A_434 = arith.constant 0 : i32
      %dma_start3A_435 = arith.constant 0 : i32
      %dma_start3A_436 = arith.constant 0 : i32
      %dma_start3A_437 = arith.constant 0 : i32
      %dma_start3A_438 = arith.constant 0 : i32
      %dma_start3A_439 = tpu.memref_slice %arg15[%dma_start3A_434, %dma_start3A_437, %dma_start3A_438] : memref<3x80x16xf32, #tpu.memory_space<vmem>> -> memref<1x80x16xf32, #tpu.memory_space<vmem>>
      %dma_start3A_440 = tpu.memref_squeeze %dma_start3A_439 : memref<1x80x16xf32, #tpu.memory_space<vmem>> -> memref<80x16xf32, #tpu.memory_space<vmem>>
      %dma_start3A_441 = arith.constant 0 : i32
      %dma_start3A_442 = tpu.memref_slice %arg13[%dma_start3A_435, %dma_start3A_441] : memref<3x80xi32, #tpu.memory_space<vmem>> -> memref<1x80xi32, #tpu.memory_space<vmem>>
      %dma_start3A_443 = tpu.memref_squeeze %dma_start3A_442 : memref<1x80xi32, #tpu.memory_space<vmem>> -> memref<80xi32, #tpu.memory_space<vmem>>
      %dma_start3A_444 = arith.constant 0 : i32
      %dma_start3A_445 = arith.constant 0 : i32
      %dma_start3A_446 = tpu.memref_slice %arg11[%dma_start3A_444, %dma_start3A_445] : memref<10016x16xf32, #tpu.memory_space<vmem_shared>> -> memref<10016x16xf32, #tpu.memory_space<vmem_shared>>
      %dma_start3A_447 = tpu.memref_slice %arg22[%dma_start3A_436] : memref<3x!tpu.dma_semaphore, #tpu.memory_space<semaphore_mem>> -> memref<1x!tpu.dma_semaphore, #tpu.memory_space<semaphore_mem>>
      %dma_start3A_448 = tpu.memref_squeeze %dma_start3A_447 : memref<1x!tpu.dma_semaphore, #tpu.memory_space<semaphore_mem>> -> memref<!tpu.dma_semaphore, #tpu.memory_space<semaphore_mem>>
      tpu.enqueue_indirect_dma source(%dma_start3A_440 : memref<80x16xf32, #tpu.memory_space<vmem>>) target(%dma_start3A_446 : memref<10016x16xf32, #tpu.memory_space<vmem_shared>>) offsets(%dma_start3A_443 : memref<80xi32, #tpu.memory_space<vmem>>) semaphore(%dma_start3A_448 : memref<!tpu.dma_semaphore, #tpu.memory_space<semaphore_mem>>) {add = true}
      %dma_start3A_449 = arith.constant 0 : i32
      %dma_start3A_450 = arith.constant 0 : i32
      %dma_start3A_451 = arith.constant 0 : i32
      %dma_start3A_452 = arith.constant 0 : i32
      %dma_start3A_453 = arith.constant 0 : i32
      %dma_start3A_454 = tpu.memref_slice %arg14[%dma_start3A_449, %dma_start3A_452, %dma_start3A_453] : memref<3x80x128xf32, #tpu.memory_space<vmem>> -> memref<1x80x128xf32, #tpu.memory_space<vmem>>
      %dma_start3A_455 = tpu.memref_squeeze %dma_start3A_454 : memref<1x80x128xf32, #tpu.memory_space<vmem>> -> memref<80x128xf32, #tpu.memory_space<vmem>>
      %dma_start3A_456 = arith.constant 0 : i32
      %dma_start3A_457 = tpu.memref_slice %arg13[%dma_start3A_450, %dma_start3A_456] : memref<3x80xi32, #tpu.memory_space<vmem>> -> memref<1x80xi32, #tpu.memory_space<vmem>>
      %dma_start3A_458 = tpu.memref_squeeze %dma_start3A_457 : memref<1x80xi32, #tpu.memory_space<vmem>> -> memref<80xi32, #tpu.memory_space<vmem>>
      %dma_start3A_459 = arith.constant 0 : i32
      %dma_start3A_460 = arith.constant 0 : i32
      %dma_start3A_461 = tpu.memref_slice %arg10[%dma_start3A_459, %dma_start3A_460] : memref<10016x128xf32, #tpu.memory_space<vmem_shared>> -> memref<10016x128xf32, #tpu.memory_space<vmem_shared>>
      %dma_start3A_462 = tpu.memref_slice %arg21[%dma_start3A_451] : memref<3x!tpu.dma_semaphore, #tpu.memory_space<semaphore_mem>> -> memref<1x!tpu.dma_semaphore, #tpu.memory_space<semaphore_mem>>
      %dma_start3A_463 = tpu.memref_squeeze %dma_start3A_462 : memref<1x!tpu.dma_semaphore, #tpu.memory_space<semaphore_mem>> -> memref<!tpu.dma_semaphore, #tpu.memory_space<semaphore_mem>>
      tpu.enqueue_indirect_dma source(%dma_start3A_455 : memref<80x128xf32, #tpu.memory_space<vmem>>) target(%dma_start3A_461 : memref<10016x128xf32, #tpu.memory_space<vmem_shared>>) offsets(%dma_start3A_458 : memref<80xi32, #tpu.memory_space<vmem>>) semaphore(%dma_start3A_463 : memref<!tpu.dma_semaphore, #tpu.memory_space<semaphore_mem>>) {add = true}
      %add3A_464 = arith.constant 1 : i32
      %add3A_465 = arith.addi %add3A_292, %add3A_464 : i32
      %dma_wait3A_466 = arith.constant 1 : i32
      %dma_wait3A_467 = arith.constant 0 : i32
      %dma_wait3A_468 = arith.constant 1 : i32
      %dma_wait3A_469 = arith.constant 1 : i32
      %dma_wait3A_470 = arith.constant 0 : i32
      %dma_wait3A_471 = arith.constant 0 : i32
      %dma_wait3A_472 = tpu.memref_slice %arg14[%dma_wait3A_468, %dma_wait3A_470, %dma_wait3A_471] : memref<3x80x128xf32, #tpu.memory_space<vmem>> -> memref<1x80x128xf32, #tpu.memory_space<vmem>>
      %dma_wait3A_473 = tpu.memref_squeeze %dma_wait3A_472 : memref<1x80x128xf32, #tpu.memory_space<vmem>> -> memref<80x128xf32, #tpu.memory_space<vmem>>
      %dma_wait3A_474 = arith.constant 0 : i32
      %dma_wait3A_475 = tpu.memref_slice %arg12[%dma_wait3A_466, %dma_wait3A_467, %dma_wait3A_474] : memref<3x2x80xi32, #tpu.memory_space<vmem>> -> memref<1x1x80xi32, #tpu.memory_space<vmem>>
      %dma_wait3A_476 = tpu.memref_squeeze %dma_wait3A_475 : memref<1x1x80xi32, #tpu.memory_space<vmem>> -> memref<80xi32, #tpu.memory_space<vmem>>
      %dma_wait3A_477 = arith.constant 0 : i32
      %dma_wait3A_478 = arith.constant 0 : i32
      %dma_wait3A_479 = tpu.memref_slice %arg2[%dma_wait3A_477, %dma_wait3A_478] : memref<10000x128xf32, #tpu.memory_space<hbm>> -> memref<10000x128xf32, #tpu.memory_space<hbm>>
      %dma_wait3A_480 = tpu.memref_slice %arg18[%dma_wait3A_469] : memref<3x!tpu.dma_semaphore, #tpu.memory_space<semaphore_mem>> -> memref<1x!tpu.dma_semaphore, #tpu.memory_space<semaphore_mem>>
      %dma_wait3A_481 = tpu.memref_squeeze %dma_wait3A_480 : memref<1x!tpu.dma_semaphore, #tpu.memory_space<semaphore_mem>> -> memref<!tpu.dma_semaphore, #tpu.memory_space<semaphore_mem>>
      tpu.wait_indirect_dma semaphore(%dma_wait3A_481 : memref<!tpu.dma_semaphore, #tpu.memory_space<semaphore_mem>>) src(%dma_wait3A_479 : memref<10000x128xf32, #tpu.memory_space<hbm>>) dst(%dma_wait3A_473 : memref<80x128xf32, #tpu.memory_space<vmem>>)
      %dma_wait3A_482 = arith.constant 1 : i32
      %dma_wait3A_483 = arith.constant 0 : i32
      %dma_wait3A_484 = arith.constant 1 : i32
      %dma_wait3A_485 = arith.constant 1 : i32
      %dma_wait3A_486 = arith.constant 0 : i32
      %dma_wait3A_487 = arith.constant 0 : i32
      %dma_wait3A_488 = tpu.memref_slice %arg15[%dma_wait3A_484, %dma_wait3A_486, %dma_wait3A_487] : memref<3x80x16xf32, #tpu.memory_space<vmem>> -> memref<1x80x16xf32, #tpu.memory_space<vmem>>
      %dma_wait3A_489 = tpu.memref_squeeze %dma_wait3A_488 : memref<1x80x16xf32, #tpu.memory_space<vmem>> -> memref<80x16xf32, #tpu.memory_space<vmem>>
      %dma_wait3A_490 = arith.constant 0 : i32
      %dma_wait3A_491 = tpu.memref_slice %arg12[%dma_wait3A_482, %dma_wait3A_483, %dma_wait3A_490] : memref<3x2x80xi32, #tpu.memory_space<vmem>> -> memref<1x1x80xi32, #tpu.memory_space<vmem>>
      %dma_wait3A_492 = tpu.memref_squeeze %dma_wait3A_491 : memref<1x1x80xi32, #tpu.memory_space<vmem>> -> memref<80xi32, #tpu.memory_space<vmem>>
      %dma_wait3A_493 = arith.constant 0 : i32
      %dma_wait3A_494 = arith.constant 0 : i32
      %dma_wait3A_495 = tpu.memref_slice %arg3[%dma_wait3A_493, %dma_wait3A_494] : memref<10000x16xf32, #tpu.memory_space<hbm>> -> memref<10000x16xf32, #tpu.memory_space<hbm>>
      %dma_wait3A_496 = tpu.memref_slice %arg19[%dma_wait3A_485] : memref<3x!tpu.dma_semaphore, #tpu.memory_space<semaphore_mem>> -> memref<1x!tpu.dma_semaphore, #tpu.memory_space<semaphore_mem>>
      %dma_wait3A_497 = tpu.memref_squeeze %dma_wait3A_496 : memref<1x!tpu.dma_semaphore, #tpu.memory_space<semaphore_mem>> -> memref<!tpu.dma_semaphore, #tpu.memory_space<semaphore_mem>>
      tpu.wait_indirect_dma semaphore(%dma_wait3A_497 : memref<!tpu.dma_semaphore, #tpu.memory_space<semaphore_mem>>) src(%dma_wait3A_495 : memref<10000x16xf32, #tpu.memory_space<hbm>>) dst(%dma_wait3A_489 : memref<80x16xf32, #tpu.memory_space<vmem>>)
      %dma_wait3A_498 = arith.constant 1 : i32
      %dma_wait3A_499 = arith.constant 1 : i32
      %dma_wait3A_500 = arith.constant 1 : i32
      %dma_wait3A_501 = arith.constant 1 : i32
      %dma_wait3A_502 = arith.constant 0 : i32
      %dma_wait3A_503 = arith.constant 0 : i32
      %dma_wait3A_504 = tpu.memref_slice %arg16[%dma_wait3A_500, %dma_wait3A_502, %dma_wait3A_503] : memref<3x80x16xf32, #tpu.memory_space<vmem>> -> memref<1x80x16xf32, #tpu.memory_space<vmem>>
      %dma_wait3A_505 = tpu.memref_squeeze %dma_wait3A_504 : memref<1x80x16xf32, #tpu.memory_space<vmem>> -> memref<80x16xf32, #tpu.memory_space<vmem>>
      %dma_wait3A_506 = arith.constant 0 : i32
      %dma_wait3A_507 = tpu.memref_slice %arg12[%dma_wait3A_498, %dma_wait3A_499, %dma_wait3A_506] : memref<3x2x80xi32, #tpu.memory_space<vmem>> -> memref<1x1x80xi32, #tpu.memory_space<vmem>>
      %dma_wait3A_508 = tpu.memref_squeeze %dma_wait3A_507 : memref<1x1x80xi32, #tpu.memory_space<vmem>> -> memref<80xi32, #tpu.memory_space<vmem>>
      %dma_wait3A_509 = arith.constant 0 : i32
      %dma_wait3A_510 = arith.constant 0 : i32
      %dma_wait3A_511 = tpu.memref_slice %arg4[%dma_wait3A_509, %dma_wait3A_510] : memref<10000x16xf32, #tpu.memory_space<hbm>> -> memref<10000x16xf32, #tpu.memory_space<hbm>>
      %dma_wait3A_512 = tpu.memref_slice %arg20[%dma_wait3A_501] : memref<3x!tpu.dma_semaphore, #tpu.memory_space<semaphore_mem>> -> memref<1x!tpu.dma_semaphore, #tpu.memory_space<semaphore_mem>>
      %dma_wait3A_513 = tpu.memref_squeeze %dma_wait3A_512 : memref<1x!tpu.dma_semaphore, #tpu.memory_space<semaphore_mem>> -> memref<!tpu.dma_semaphore, #tpu.memory_space<semaphore_mem>>
      tpu.wait_indirect_dma semaphore(%dma_wait3A_513 : memref<!tpu.dma_semaphore, #tpu.memory_space<semaphore_mem>>) src(%dma_wait3A_511 : memref<10000x16xf32, #tpu.memory_space<hbm>>) dst(%dma_wait3A_505 : memref<80x16xf32, #tpu.memory_space<vmem>>)
      %get3A_514 = arith.constant 1 : i32
      %get3A_515 = arith.constant 1 : i32
      %get3A_516 = arith.constant 0 : i32
      %get3A_517 = tpu.memref_slice %arg12[%get3A_514, %get3A_515, %get3A_516] : memref<3x2x80xi32, #tpu.memory_space<vmem>> -> memref<1x1x80xi32, #tpu.memory_space<vmem>>
      %get3A_518 = tpu.memref_squeeze %get3A_517 : memref<1x1x80xi32, #tpu.memory_space<vmem>> -> memref<80xi32, #tpu.memory_space<vmem>>
      %get3A_519 = arith.constant 0 : index
      %get3A_520 = tpu.vector_load %get3A_518[%get3A_519] {strides = array<i32>} : memref<80xi32, #tpu.memory_space<vmem>>, vector<16xi32>,
      %get3A_521 = vector.shape_cast %get3A_520 : vector<16xi32> to vector<16xi32>
      %swap3A_522 = arith.constant 1 : i32
      %swap3A_523 = arith.constant 0 : i32
      %swap3A_524 = tpu.memref_slice %arg13[%swap3A_522, %swap3A_523] : memref<3x80xi32, #tpu.memory_space<vmem>> -> memref<1x80xi32, #tpu.memory_space<vmem>>
      %swap3A_525 = tpu.memref_squeeze %swap3A_524 : memref<1x80xi32, #tpu.memory_space<vmem>> -> memref<80xi32, #tpu.memory_space<vmem>>
      %swap3A_526 = arith.constant 0 : index
      %swap3A_527 = tpu.vector_load %swap3A_525[%swap3A_526] {strides = array<i32>} : memref<80xi32, #tpu.memory_space<vmem>>, vector<16xi32>,
      %swap3A_528 = vector.shape_cast %swap3A_527 : vector<16xi32> to vector<16xi32>
      %swap3A_529 = vector.shape_cast %get3A_521 : vector<16xi32> to vector<16xi32>
      tpu.vector_store %swap3A_525[%swap3A_526], %swap3A_529 {strides = array<i32>} : memref<80xi32, #tpu.memory_space<vmem>>, vector<16xi32>,
      %get3A_530 = arith.constant 1 : i32
      %get3A_531 = arith.constant 1 : i32
      %get3A_532 = arith.constant 0 : i32
      %get3A_533 = tpu.memref_slice %arg12[%get3A_530, %get3A_531, %get3A_532] : memref<3x2x80xi32, #tpu.memory_space<vmem>> -> memref<1x1x80xi32, #tpu.memory_space<vmem>>
      %get3A_534 = tpu.memref_squeeze %get3A_533 : memref<1x1x80xi32, #tpu.memory_space<vmem>> -> memref<80xi32, #tpu.memory_space<vmem>>
      %get3A_535 = arith.constant 16 : index
      %get3A_536 = tpu.vector_load %get3A_534[%get3A_535] {strides = array<i32>} : memref<80xi32, #tpu.memory_space<vmem>>, vector<16xi32>,
      %get3A_537 = vector.shape_cast %get3A_536 : vector<16xi32> to vector<16xi32>
      %swap3A_538 = arith.constant 1 : i32
      %swap3A_539 = arith.constant 0 : i32
      %swap3A_540 = tpu.memref_slice %arg13[%swap3A_538, %swap3A_539] : memref<3x80xi32, #tpu.memory_space<vmem>> -> memref<1x80xi32, #tpu.memory_space<vmem>>
      %swap3A_541 = tpu.memref_squeeze %swap3A_540 : memref<1x80xi32, #tpu.memory_space<vmem>> -> memref<80xi32, #tpu.memory_space<vmem>>
      %swap3A_542 = arith.constant 16 : index
      %swap3A_543 = tpu.vector_load %swap3A_541[%swap3A_542] {strides = array<i32>} : memref<80xi32, #tpu.memory_space<vmem>>, vector<16xi32>,
      %swap3A_544 = vector.shape_cast %swap3A_543 : vector<16xi32> to vector<16xi32>
      %swap3A_545 = vector.shape_cast %get3A_537 : vector<16xi32> to vector<16xi32>
      tpu.vector_store %swap3A_541[%swap3A_542], %swap3A_545 {strides = array<i32>} : memref<80xi32, #tpu.memory_space<vmem>>, vector<16xi32>,
      %get3A_546 = arith.constant 1 : i32
      %get3A_547 = arith.constant 1 : i32
      %get3A_548 = arith.constant 0 : i32
      %get3A_549 = tpu.memref_slice %arg12[%get3A_546, %get3A_547, %get3A_548] : memref<3x2x80xi32, #tpu.memory_space<vmem>> -> memref<1x1x80xi32, #tpu.memory_space<vmem>>
      %get3A_550 = tpu.memref_squeeze %get3A_549 : memref<1x1x80xi32, #tpu.memory_space<vmem>> -> memref<80xi32, #tpu.memory_space<vmem>>
      %get3A_551 = arith.constant 32 : index
      %get3A_552 = tpu.vector_load %get3A_550[%get3A_551] {strides = array<i32>} : memref<80xi32, #tpu.memory_space<vmem>>, vector<16xi32>,
      %get3A_553 = vector.shape_cast %get3A_552 : vector<16xi32> to vector<16xi32>
      %swap3A_554 = arith.constant 1 : i32
      %swap3A_555 = arith.constant 0 : i32
      %swap3A_556 = tpu.memref_slice %arg13[%swap3A_554, %swap3A_555] : memref<3x80xi32, #tpu.memory_space<vmem>> -> memref<1x80xi32, #tpu.memory_space<vmem>>
      %swap3A_557 = tpu.memref_squeeze %swap3A_556 : memref<1x80xi32, #tpu.memory_space<vmem>> -> memref<80xi32, #tpu.memory_space<vmem>>
      %swap3A_558 = arith.constant 32 : index
      %swap3A_559 = tpu.vector_load %swap3A_557[%swap3A_558] {strides = array<i32>} : memref<80xi32, #tpu.memory_space<vmem>>, vector<16xi32>,
      %swap3A_560 = vector.shape_cast %swap3A_559 : vector<16xi32> to vector<16xi32>
      %swap3A_561 = vector.shape_cast %get3A_553 : vector<16xi32> to vector<16xi32>
      tpu.vector_store %swap3A_557[%swap3A_558], %swap3A_561 {strides = array<i32>} : memref<80xi32, #tpu.memory_space<vmem>>, vector<16xi32>,
      %get3A_562 = arith.constant 1 : i32
      %get3A_563 = arith.constant 1 : i32
      %get3A_564 = arith.constant 0 : i32
      %get3A_565 = tpu.memref_slice %arg12[%get3A_562, %get3A_563, %get3A_564] : memref<3x2x80xi32, #tpu.memory_space<vmem>> -> memref<1x1x80xi32, #tpu.memory_space<vmem>>
      %get3A_566 = tpu.memref_squeeze %get3A_565 : memref<1x1x80xi32, #tpu.memory_space<vmem>> -> memref<80xi32, #tpu.memory_space<vmem>>
      %get3A_567 = arith.constant 48 : index
      %get3A_568 = tpu.vector_load %get3A_566[%get3A_567] {strides = array<i32>} : memref<80xi32, #tpu.memory_space<vmem>>, vector<16xi32>,
      %get3A_569 = vector.shape_cast %get3A_568 : vector<16xi32> to vector<16xi32>
      %swap3A_570 = arith.constant 1 : i32
      %swap3A_571 = arith.constant 0 : i32
      %swap3A_572 = tpu.memref_slice %arg13[%swap3A_570, %swap3A_571] : memref<3x80xi32, #tpu.memory_space<vmem>> -> memref<1x80xi32, #tpu.memory_space<vmem>>
      %swap3A_573 = tpu.memref_squeeze %swap3A_572 : memref<1x80xi32, #tpu.memory_space<vmem>> -> memref<80xi32, #tpu.memory_space<vmem>>
      %swap3A_574 = arith.constant 48 : index
      %swap3A_575 = tpu.vector_load %swap3A_573[%swap3A_574] {strides = array<i32>} : memref<80xi32, #tpu.memory_space<vmem>>, vector<16xi32>,
      %swap3A_576 = vector.shape_cast %swap3A_575 : vector<16xi32> to vector<16xi32>
      %swap3A_577 = vector.shape_cast %get3A_569 : vector<16xi32> to vector<16xi32>
      tpu.vector_store %swap3A_573[%swap3A_574], %swap3A_577 {strides = array<i32>} : memref<80xi32, #tpu.memory_space<vmem>>, vector<16xi32>,
      %get3A_578 = arith.constant 1 : i32
      %get3A_579 = arith.constant 1 : i32
      %get3A_580 = arith.constant 0 : i32
      %get3A_581 = tpu.memref_slice %arg12[%get3A_578, %get3A_579, %get3A_580] : memref<3x2x80xi32, #tpu.memory_space<vmem>> -> memref<1x1x80xi32, #tpu.memory_space<vmem>>
      %get3A_582 = tpu.memref_squeeze %get3A_581 : memref<1x1x80xi32, #tpu.memory_space<vmem>> -> memref<80xi32, #tpu.memory_space<vmem>>
      %get3A_583 = arith.constant 64 : index
      %get3A_584 = tpu.vector_load %get3A_582[%get3A_583] {strides = array<i32>} : memref<80xi32, #tpu.memory_space<vmem>>, vector<16xi32>,
      %get3A_585 = vector.shape_cast %get3A_584 : vector<16xi32> to vector<16xi32>
      %swap3A_586 = arith.constant 1 : i32
      %swap3A_587 = arith.constant 0 : i32
      %swap3A_588 = tpu.memref_slice %arg13[%swap3A_586, %swap3A_587] : memref<3x80xi32, #tpu.memory_space<vmem>> -> memref<1x80xi32, #tpu.memory_space<vmem>>
      %swap3A_589 = tpu.memref_squeeze %swap3A_588 : memref<1x80xi32, #tpu.memory_space<vmem>> -> memref<80xi32, #tpu.memory_space<vmem>>
      %swap3A_590 = arith.constant 64 : index
      %swap3A_591 = tpu.vector_load %swap3A_589[%swap3A_590] {strides = array<i32>} : memref<80xi32, #tpu.memory_space<vmem>>, vector<16xi32>,
      %swap3A_592 = vector.shape_cast %swap3A_591 : vector<16xi32> to vector<16xi32>
      %swap3A_593 = vector.shape_cast %get3A_585 : vector<16xi32> to vector<16xi32>
      tpu.vector_store %swap3A_589[%swap3A_590], %swap3A_593 {strides = array<i32>} : memref<80xi32, #tpu.memory_space<vmem>>, vector<16xi32>,
      %add3A_594 = arith.constant 3 : i32
      %add3A_595 = arith.addi %add3A_465, %add3A_594 : i32
      %lt3A_596 = arith.constant 129 : i32
      %lt3A_597 = arith.cmpi slt, %add3A_595, %lt3A_596 : i32
      %convert_element_type3A_598 = arith.extui %lt3A_597 : i1 to i32
      %cond3A_599 = arith.constant 0 : i32
      %cond3A_600 = arith.cmpi ne, %convert_element_type3A_598, %cond3A_599 : i32
      scf.if %cond3A_600 {
        %add3A_818 = arith.constant 3 : i32
        %add3A_819 = arith.addi %add3A_465, %add3A_818 : i32
        %mul3A_820 = arith.constant 80 : i32
        %mul3A_821 = arith.muli %add3A_819, %mul3A_820 : i32
        %add3A_822 = arith.addi %mul3A_6, %mul3A_821 : i32
        %dma_start3A_823 = arith.constant 1 : i32
        %dma_start3A_824 = arith.constant 1 : i32
        %dma_start3A_825 = arith.constant 0 : i32
        %dma_start3A_826 = arith.constant 0 : i32
        %dma_start3A_827 = tpu.memref_slice %arg12[%dma_start3A_823, %dma_start3A_825, %dma_start3A_826] : memref<3x2x80xi32, #tpu.memory_space<vmem>> -> memref<1x2x80xi32, #tpu.memory_space<vmem>>
        %dma_start3A_828 = tpu.memref_squeeze %dma_start3A_827 : memref<1x2x80xi32, #tpu.memory_space<vmem>> -> memref<2x80xi32, #tpu.memory_space<vmem>>
        %dma_start3A_829 = arith.constant 0 : i32
        %dma_start3A_830 = tpu.memref_slice %arg5[%dma_start3A_829, %add3A_822] : memref<2x330240xi32, #tpu.memory_space<hbm>> -> memref<2x80xi32, #tpu.memory_space<hbm>>
        %dma_start3A_831 = tpu.memref_slice %arg17[%dma_start3A_824] : memref<3x!tpu.dma_semaphore, #tpu.memory_space<semaphore_mem>> -> memref<1x!tpu.dma_semaphore, #tpu.memory_space<semaphore_mem>>
        %dma_start3A_832 = tpu.memref_squeeze %dma_start3A_831 : memref<1x!tpu.dma_semaphore, #tpu.memory_space<semaphore_mem>> -> memref<!tpu.dma_semaphore, #tpu.memory_space<semaphore_mem>>
        %dma_start3A_833 = arith.constant 0 : i32
        %dma_start3A_834 = arith.constant 0 : i32
        %dma_start3A_835 = tpu.memref_slice %arg12[%dma_start3A_823, %dma_start3A_833, %dma_start3A_834] : memref<3x2x80xi32, #tpu.memory_space<vmem>> -> memref<1x2x80xi32, #tpu.memory_space<vmem>>
        %dma_start3A_836 = tpu.memref_squeeze %dma_start3A_835 : memref<1x2x80xi32, #tpu.memory_space<vmem>> -> memref<2x80xi32, #tpu.memory_space<vmem>>
        %dma_start3A_837 = arith.constant 0 : i32
        %dma_start3A_838 = tpu.memref_slice %arg5[%dma_start3A_837, %add3A_822] : memref<2x330240xi32, #tpu.memory_space<hbm>> -> memref<2x80xi32, #tpu.memory_space<hbm>>
        tpu.enqueue_dma source(%dma_start3A_838 : memref<2x80xi32, #tpu.memory_space<hbm>>) target(%dma_start3A_836 : memref<2x80xi32, #tpu.memory_space<vmem>>) target_semaphore(%dma_start3A_832 : memref<!tpu.dma_semaphore, #tpu.memory_space<semaphore_mem>>)
      } else {
      }
      %add3A_601 = arith.constant 2 : i32
      %add3A_602 = arith.addi %add3A_465, %add3A_601 : i32
      %lt3A_603 = arith.constant 129 : i32
      %lt3A_604 = arith.cmpi slt, %add3A_602, %lt3A_603 : i32
      %convert_element_type3A_605 = arith.extui %lt3A_604 : i1 to i32
      %cond3A_606 = arith.constant 0 : i32
      %cond3A_607 = arith.cmpi ne, %convert_element_type3A_605, %cond3A_606 : i32
      scf.if %cond3A_607 {
        %ge3A = arith.constant 1 : i32
        %ge3A_818 = arith.cmpi sge, %add3A_465, %ge3A : i32
        %convert_element_type3A_819 = arith.extui %ge3A_818 : i1 to i32
        %cond3A_820 = arith.constant 0 : i32
        %cond3A_821 = arith.cmpi ne, %convert_element_type3A_819, %cond3A_820 : i32
        scf.if %cond3A_821 {
          %dma_wait3A_888 = arith.constant 0 : i32
          %dma_wait3A_889 = arith.constant 0 : i32
          %dma_wait3A_890 = arith.constant 0 : i32
          %dma_wait3A_891 = arith.constant 0 : i32
          %dma_wait3A_892 = arith.constant 0 : i32
          %dma_wait3A_893 = tpu.memref_slice %arg15[%dma_wait3A_888, %dma_wait3A_891, %dma_wait3A_892] : memref<3x80x16xf32, #tpu.memory_space<vmem>> -> memref<1x80x16xf32, #tpu.memory_space<vmem>>
          %dma_wait3A_894 = tpu.memref_squeeze %dma_wait3A_893 : memref<1x80x16xf32, #tpu.memory_space<vmem>> -> memref<80x16xf32, #tpu.memory_space<vmem>>
          %dma_wait3A_895 = arith.constant 0 : i32
          %dma_wait3A_896 = tpu.memref_slice %arg13[%dma_wait3A_889, %dma_wait3A_895] : memref<3x80xi32, #tpu.memory_space<vmem>> -> memref<1x80xi32, #tpu.memory_space<vmem>>
          %dma_wait3A_897 = tpu.memref_squeeze %dma_wait3A_896 : memref<1x80xi32, #tpu.memory_space<vmem>> -> memref<80xi32, #tpu.memory_space<vmem>>
          %dma_wait3A_898 = arith.constant 0 : i32
          %dma_wait3A_899 = arith.constant 0 : i32
          %dma_wait3A_900 = tpu.memref_slice %arg11[%dma_wait3A_898, %dma_wait3A_899] : memref<10016x16xf32, #tpu.memory_space<vmem_shared>> -> memref<10016x16xf32, #tpu.memory_space<vmem_shared>>
          %dma_wait3A_901 = tpu.memref_slice %arg22[%dma_wait3A_890] : memref<3x!tpu.dma_semaphore, #tpu.memory_space<semaphore_mem>> -> memref<1x!tpu.dma_semaphore, #tpu.memory_space<semaphore_mem>>
          %dma_wait3A_902 = tpu.memref_squeeze %dma_wait3A_901 : memref<1x!tpu.dma_semaphore, #tpu.memory_space<semaphore_mem>> -> memref<!tpu.dma_semaphore, #tpu.memory_space<semaphore_mem>>
          tpu.wait_indirect_dma semaphore(%dma_wait3A_902 : memref<!tpu.dma_semaphore, #tpu.memory_space<semaphore_mem>>) src(%dma_wait3A_894 : memref<80x16xf32, #tpu.memory_space<vmem>>) dst(%dma_wait3A_900 : memref<10016x16xf32, #tpu.memory_space<vmem_shared>>)
          %dma_wait3A_903 = arith.constant 0 : i32
          %dma_wait3A_904 = arith.constant 0 : i32
          %dma_wait3A_905 = arith.constant 0 : i32
          %dma_wait3A_906 = arith.constant 0 : i32
          %dma_wait3A_907 = arith.constant 0 : i32
          %dma_wait3A_908 = tpu.memref_slice %arg14[%dma_wait3A_903, %dma_wait3A_906, %dma_wait3A_907] : memref<3x80x128xf32, #tpu.memory_space<vmem>> -> memref<1x80x128xf32, #tpu.memory_space<vmem>>
          %dma_wait3A_909 = tpu.memref_squeeze %dma_wait3A_908 : memref<1x80x128xf32, #tpu.memory_space<vmem>> -> memref<80x128xf32, #tpu.memory_space<vmem>>
          %dma_wait3A_910 = arith.constant 0 : i32
          %dma_wait3A_911 = tpu.memref_slice %arg13[%dma_wait3A_904, %dma_wait3A_910] : memref<3x80xi32, #tpu.memory_space<vmem>> -> memref<1x80xi32, #tpu.memory_space<vmem>>
          %dma_wait3A_912 = tpu.memref_squeeze %dma_wait3A_911 : memref<1x80xi32, #tpu.memory_space<vmem>> -> memref<80xi32, #tpu.memory_space<vmem>>
          %dma_wait3A_913 = arith.constant 0 : i32
          %dma_wait3A_914 = arith.constant 0 : i32
          %dma_wait3A_915 = tpu.memref_slice %arg10[%dma_wait3A_913, %dma_wait3A_914] : memref<10016x128xf32, #tpu.memory_space<vmem_shared>> -> memref<10016x128xf32, #tpu.memory_space<vmem_shared>>
          %dma_wait3A_916 = tpu.memref_slice %arg21[%dma_wait3A_905] : memref<3x!tpu.dma_semaphore, #tpu.memory_space<semaphore_mem>> -> memref<1x!tpu.dma_semaphore, #tpu.memory_space<semaphore_mem>>
          %dma_wait3A_917 = tpu.memref_squeeze %dma_wait3A_916 : memref<1x!tpu.dma_semaphore, #tpu.memory_space<semaphore_mem>> -> memref<!tpu.dma_semaphore, #tpu.memory_space<semaphore_mem>>
          tpu.wait_indirect_dma semaphore(%dma_wait3A_917 : memref<!tpu.dma_semaphore, #tpu.memory_space<semaphore_mem>>) src(%dma_wait3A_909 : memref<80x128xf32, #tpu.memory_space<vmem>>) dst(%dma_wait3A_915 : memref<10016x128xf32, #tpu.memory_space<vmem_shared>>)
        } else {
        }
        %dma_wait3A_822 = arith.constant 0 : i32
        %dma_wait3A_823 = arith.constant 0 : i32
        %dma_wait3A_824 = arith.constant 0 : i32
        %dma_wait3A_825 = arith.constant 0 : i32
        %dma_wait3A_826 = tpu.memref_slice %arg12[%dma_wait3A_822, %dma_wait3A_824, %dma_wait3A_825] : memref<3x2x80xi32, #tpu.memory_space<vmem>> -> memref<1x2x80xi32, #tpu.memory_space<vmem>>
        %dma_wait3A_827 = tpu.memref_squeeze %dma_wait3A_826 : memref<1x2x80xi32, #tpu.memory_space<vmem>> -> memref<2x80xi32, #tpu.memory_space<vmem>>
        %dma_wait3A_828 = arith.constant 0 : i32
        %dma_wait3A_829 = arith.constant 0 : i32
        %dma_wait3A_830 = tpu.memref_slice %arg5[%dma_wait3A_828, %dma_wait3A_829] : memref<2x330240xi32, #tpu.memory_space<hbm>> -> memref<2x80xi32, #tpu.memory_space<hbm>>
        %dma_wait3A_831 = tpu.memref_slice %arg17[%dma_wait3A_823] : memref<3x!tpu.dma_semaphore, #tpu.memory_space<semaphore_mem>> -> memref<1x!tpu.dma_semaphore, #tpu.memory_space<semaphore_mem>>
        %dma_wait3A_832 = tpu.memref_squeeze %dma_wait3A_831 : memref<1x!tpu.dma_semaphore, #tpu.memory_space<semaphore_mem>> -> memref<!tpu.dma_semaphore, #tpu.memory_space<semaphore_mem>>
        %dma_wait3A_833 = arith.constant 0 : i32
        %dma_wait3A_834 = arith.constant 0 : i32
        %dma_wait3A_835 = tpu.memref_slice %arg12[%dma_wait3A_822, %dma_wait3A_833, %dma_wait3A_834] : memref<3x2x80xi32, #tpu.memory_space<vmem>> -> memref<1x2x80xi32, #tpu.memory_space<vmem>>
        %dma_wait3A_836 = tpu.memref_squeeze %dma_wait3A_835 : memref<1x2x80xi32, #tpu.memory_space<vmem>> -> memref<2x80xi32, #tpu.memory_space<vmem>>
        %dma_wait3A_837 = arith.constant 0 : i32
        %dma_wait3A_838 = arith.constant 0 : i32
        %dma_wait3A_839 = tpu.memref_slice %arg5[%dma_wait3A_837, %dma_wait3A_838] : memref<2x330240xi32, #tpu.memory_space<hbm>> -> memref<2x80xi32, #tpu.memory_space<hbm>>
        tpu.wait_dma2 semaphore(%dma_wait3A_832 : memref<!tpu.dma_semaphore, #tpu.memory_space<semaphore_mem>>) src(%dma_wait3A_839 : memref<2x80xi32, #tpu.memory_space<hbm>>) dst(%dma_wait3A_836 : memref<2x80xi32, #tpu.memory_space<vmem>>)
        %dma_start3A_840 = arith.constant 0 : i32
        %dma_start3A_841 = arith.constant 0 : i32
        %dma_start3A_842 = arith.constant 0 : i32
        %dma_start3A_843 = arith.constant 0 : i32
        %dma_start3A_844 = arith.constant 0 : i32
        %dma_start3A_845 = arith.constant 0 : i32
        %dma_start3A_846 = tpu.memref_slice %arg14[%dma_start3A_842, %dma_start3A_844, %dma_start3A_845] : memref<3x80x128xf32, #tpu.memory_space<vmem>> -> memref<1x80x128xf32, #tpu.memory_space<vmem>>
        %dma_start3A_847 = tpu.memref_squeeze %dma_start3A_846 : memref<1x80x128xf32, #tpu.memory_space<vmem>> -> memref<80x128xf32, #tpu.memory_space<vmem>>
        %dma_start3A_848 = arith.constant 0 : i32
        %dma_start3A_849 = tpu.memref_slice %arg12[%dma_start3A_840, %dma_start3A_841, %dma_start3A_848] : memref<3x2x80xi32, #tpu.memory_space<vmem>> -> memref<1x1x80xi32, #tpu.memory_space<vmem>>
        %dma_start3A_850 = tpu.memref_squeeze %dma_start3A_849 : memref<1x1x80xi32, #tpu.memory_space<vmem>> -> memref<80xi32, #tpu.memory_space<vmem>>
        %dma_start3A_851 = arith.constant 0 : i32
        %dma_start3A_852 = arith.constant 0 : i32
        %dma_start3A_853 = tpu.memref_slice %arg2[%dma_start3A_851, %dma_start3A_852] : memref<10000x128xf32, #tpu.memory_space<hbm>> -> memref<10000x128xf32, #tpu.memory_space<hbm>>
        %dma_start3A_854 = tpu.memref_slice %arg18[%dma_start3A_843] : memref<3x!tpu.dma_semaphore, #tpu.memory_space<semaphore_mem>> -> memref<1x!tpu.dma_semaphore, #tpu.memory_space<semaphore_mem>>
        %dma_start3A_855 = tpu.memref_squeeze %dma_start3A_854 : memref<1x!tpu.dma_semaphore, #tpu.memory_space<semaphore_mem>> -> memref<!tpu.dma_semaphore, #tpu.memory_space<semaphore_mem>>
        tpu.enqueue_indirect_dma source(%dma_start3A_853 : memref<10000x128xf32, #tpu.memory_space<hbm>>) target(%dma_start3A_847 : memref<80x128xf32, #tpu.memory_space<vmem>>) offsets(%dma_start3A_850 : memref<80xi32, #tpu.memory_space<vmem>>) semaphore(%dma_start3A_855 : memref<!tpu.dma_semaphore, #tpu.memory_space<semaphore_mem>>)
        %dma_start3A_856 = arith.constant 0 : i32
        %dma_start3A_857 = arith.constant 0 : i32
        %dma_start3A_858 = arith.constant 0 : i32
        %dma_start3A_859 = arith.constant 0 : i32
        %dma_start3A_860 = arith.constant 0 : i32
        %dma_start3A_861 = arith.constant 0 : i32
        %dma_start3A_862 = tpu.memref_slice %arg15[%dma_start3A_858, %dma_start3A_860, %dma_start3A_861] : memref<3x80x16xf32, #tpu.memory_space<vmem>> -> memref<1x80x16xf32, #tpu.memory_space<vmem>>
        %dma_start3A_863 = tpu.memref_squeeze %dma_start3A_862 : memref<1x80x16xf32, #tpu.memory_space<vmem>> -> memref<80x16xf32, #tpu.memory_space<vmem>>
        %dma_start3A_864 = arith.constant 0 : i32
        %dma_start3A_865 = tpu.memref_slice %arg12[%dma_start3A_856, %dma_start3A_857, %dma_start3A_864] : memref<3x2x80xi32, #tpu.memory_space<vmem>> -> memref<1x1x80xi32, #tpu.memory_space<vmem>>
        %dma_start3A_866 = tpu.memref_squeeze %dma_start3A_865 : memref<1x1x80xi32, #tpu.memory_space<vmem>> -> memref<80xi32, #tpu.memory_space<vmem>>
        %dma_start3A_867 = arith.constant 0 : i32
        %dma_start3A_868 = arith.constant 0 : i32
        %dma_start3A_869 = tpu.memref_slice %arg3[%dma_start3A_867, %dma_start3A_868] : memref<10000x16xf32, #tpu.memory_space<hbm>> -> memref<10000x16xf32, #tpu.memory_space<hbm>>
        %dma_start3A_870 = tpu.memref_slice %arg19[%dma_start3A_859] : memref<3x!tpu.dma_semaphore, #tpu.memory_space<semaphore_mem>> -> memref<1x!tpu.dma_semaphore, #tpu.memory_space<semaphore_mem>>
        %dma_start3A_871 = tpu.memref_squeeze %dma_start3A_870 : memref<1x!tpu.dma_semaphore, #tpu.memory_space<semaphore_mem>> -> memref<!tpu.dma_semaphore, #tpu.memory_space<semaphore_mem>>
        tpu.enqueue_indirect_dma source(%dma_start3A_869 : memref<10000x16xf32, #tpu.memory_space<hbm>>) target(%dma_start3A_863 : memref<80x16xf32, #tpu.memory_space<vmem>>) offsets(%dma_start3A_866 : memref<80xi32, #tpu.memory_space<vmem>>) semaphore(%dma_start3A_871 : memref<!tpu.dma_semaphore, #tpu.memory_space<semaphore_mem>>)
        %dma_start3A_872 = arith.constant 0 : i32
        %dma_start3A_873 = arith.constant 1 : i32
        %dma_start3A_874 = arith.constant 0 : i32
        %dma_start3A_875 = arith.constant 0 : i32
        %dma_start3A_876 = arith.constant 0 : i32
        %dma_start3A_877 = arith.constant 0 : i32
        %dma_start3A_878 = tpu.memref_slice %arg16[%dma_start3A_874, %dma_start3A_876, %dma_start3A_877] : memref<3x80x16xf32, #tpu.memory_space<vmem>> -> memref<1x80x16xf32, #tpu.memory_space<vmem>>
        %dma_start3A_879 = tpu.memref_squeeze %dma_start3A_878 : memref<1x80x16xf32, #tpu.memory_space<vmem>> -> memref<80x16xf32, #tpu.memory_space<vmem>>
        %dma_start3A_880 = arith.constant 0 : i32
        %dma_start3A_881 = tpu.memref_slice %arg12[%dma_start3A_872, %dma_start3A_873, %dma_start3A_880] : memref<3x2x80xi32, #tpu.memory_space<vmem>> -> memref<1x1x80xi32, #tpu.memory_space<vmem>>
        %dma_start3A_882 = tpu.memref_squeeze %dma_start3A_881 : memref<1x1x80xi32, #tpu.memory_space<vmem>> -> memref<80xi32, #tpu.memory_space<vmem>>
        %dma_start3A_883 = arith.constant 0 : i32
        %dma_start3A_884 = arith.constant 0 : i32
        %dma_start3A_885 = tpu.memref_slice %arg4[%dma_start3A_883, %dma_start3A_884] : memref<10000x16xf32, #tpu.memory_space<hbm>> -> memref<10000x16xf32, #tpu.memory_space<hbm>>
        %dma_start3A_886 = tpu.memref_slice %arg20[%dma_start3A_875] : memref<3x!tpu.dma_semaphore, #tpu.memory_space<semaphore_mem>> -> memref<1x!tpu.dma_semaphore, #tpu.memory_space<semaphore_mem>>
        %dma_start3A_887 = tpu.memref_squeeze %dma_start3A_886 : memref<1x!tpu.dma_semaphore, #tpu.memory_space<semaphore_mem>> -> memref<!tpu.dma_semaphore, #tpu.memory_space<semaphore_mem>>
        tpu.enqueue_indirect_dma source(%dma_start3A_885 : memref<10000x16xf32, #tpu.memory_space<hbm>>) target(%dma_start3A_879 : memref<80x16xf32, #tpu.memory_space<vmem>>) offsets(%dma_start3A_882 : memref<80xi32, #tpu.memory_space<vmem>>) semaphore(%dma_start3A_887 : memref<!tpu.dma_semaphore, #tpu.memory_space<semaphore_mem>>)
      } else {
      }
      %parallel_loop3A_608 = arith.constant 0 : i32
      %parallel_loop3A_609 = arith.constant 80 : i32
      %parallel_loop3A_610 = arith.constant 1 : i32
      scf.for %parallel_loop3A_818 = %parallel_loop3A_608 to %parallel_loop3A_609 step %parallel_loop3A_610  : i32 {
        %parallel_loop3A_819 = arith.constant 1 : i32
        %parallel_loop3A_820 = arith.constant 0 : i32
        %parallel_loop3A_821 = arith.constant 0 : i32
        %parallel_loop3A_822 = tpu.memref_slice %arg15[%parallel_loop3A_819, %parallel_loop3A_820, %parallel_loop3A_821] : memref<3x80x16xf32, #tpu.memory_space<vmem>> -> memref<1x80x16xf32, #tpu.memory_space<vmem>>
        %parallel_loop3A_823 = tpu.memref_squeeze %parallel_loop3A_822 : memref<1x80x16xf32, #tpu.memory_space<vmem>> -> memref<80x16xf32, #tpu.memory_space<vmem>>
        %parallel_loop3A_824 = arith.index_cast %parallel_loop3A_818 : i32 to index
        %parallel_loop3A_825 = arith.constant 0 : index
        %parallel_loop3A_826 = tpu.vector_load %parallel_loop3A_823[%parallel_loop3A_824, %parallel_loop3A_825] {strides = array<i32>} : memref<80x16xf32, #tpu.memory_space<vmem>>, vector<1x16xf32>,
        %parallel_loop3A_827 = vector.shape_cast %parallel_loop3A_826 : vector<1x16xf32> to vector<16xf32>
        %parallel_loop3A_828 = arith.constant 1 : i32
        %parallel_loop3A_829 = arith.constant 0 : i32
        %parallel_loop3A_830 = arith.constant 0 : i32
        %parallel_loop3A_831 = tpu.memref_slice %arg16[%parallel_loop3A_828, %parallel_loop3A_829, %parallel_loop3A_830] : memref<3x80x16xf32, #tpu.memory_space<vmem>> -> memref<1x80x16xf32, #tpu.memory_space<vmem>>
        %parallel_loop3A_832 = tpu.memref_squeeze %parallel_loop3A_831 : memref<1x80x16xf32, #tpu.memory_space<vmem>> -> memref<80x16xf32, #tpu.memory_space<vmem>>
        %parallel_loop3A_833 = arith.index_cast %parallel_loop3A_818 : i32 to index
        %parallel_loop3A_834 = arith.constant 0 : index
        %parallel_loop3A_835 = tpu.vector_load %parallel_loop3A_832[%parallel_loop3A_833, %parallel_loop3A_834] {strides = array<i32>} : memref<80x16xf32, #tpu.memory_space<vmem>>, vector<1x16xf32>,
        %parallel_loop3A_836 = vector.shape_cast %parallel_loop3A_835 : vector<1x16xf32> to vector<16xf32>
        %parallel_loop3A_837 = arith.addf %parallel_loop3A_827, %parallel_loop3A_836 : vector<16xf32>
        %parallel_loop3A_838 = arith.constant 2.000000e-01 : f32
        %parallel_loop3A_839 = vector.broadcast %parallel_loop3A_838 : f32 to vector<16xf32>
        %parallel_loop3A_840 = arith.mulf %parallel_loop3A_839, %parallel_loop3A_837 : vector<16xf32>
        %parallel_loop3A_841 = arith.maximumf %parallel_loop3A_837, %parallel_loop3A_840 : vector<16xf32>
        %parallel_loop3A_842 = math.exp %parallel_loop3A_841 : vector<16xf32>
        %parallel_loop3A_843 = arith.constant 1 : i32
        %parallel_loop3A_844 = arith.constant 0 : i32
        %parallel_loop3A_845 = arith.constant 0 : i32
        %parallel_loop3A_846 = tpu.memref_slice %arg15[%parallel_loop3A_843, %parallel_loop3A_844, %parallel_loop3A_845] : memref<3x80x16xf32, #tpu.memory_space<vmem>> -> memref<1x80x16xf32, #tpu.memory_space<vmem>>
        %parallel_loop3A_847 = tpu.memref_squeeze %parallel_loop3A_846 : memref<1x80x16xf32, #tpu.memory_space<vmem>> -> memref<80x16xf32, #tpu.memory_space<vmem>>
        %parallel_loop3A_848 = arith.index_cast %parallel_loop3A_818 : i32 to index
        %parallel_loop3A_849 = arith.constant 0 : index
        %parallel_loop3A_850 = tpu.vector_load %parallel_loop3A_847[%parallel_loop3A_848, %parallel_loop3A_849] {strides = array<i32>} : memref<80x16xf32, #tpu.memory_space<vmem>>, vector<1x16xf32>,
        %parallel_loop3A_851 = vector.shape_cast %parallel_loop3A_850 : vector<1x16xf32> to vector<16xf32>
        %parallel_loop3A_852 = vector.shape_cast %parallel_loop3A_842 : vector<16xf32> to vector<1x16xf32>
        tpu.vector_store %parallel_loop3A_847[%parallel_loop3A_848, %parallel_loop3A_849], %parallel_loop3A_852 {strides = array<i32>} : memref<80x16xf32, #tpu.memory_space<vmem>>, vector<1x16xf32>,
        %parallel_loop3A_853 = arith.constant 1 : i32
        %parallel_loop3A_854 = arith.constant 0 : i32
        %parallel_loop3A_855 = arith.constant 0 : i32
        %parallel_loop3A_856 = tpu.memref_slice %arg14[%parallel_loop3A_853, %parallel_loop3A_854, %parallel_loop3A_855] : memref<3x80x128xf32, #tpu.memory_space<vmem>> -> memref<1x80x128xf32, #tpu.memory_space<vmem>>
        %parallel_loop3A_857 = tpu.memref_squeeze %parallel_loop3A_856 : memref<1x80x128xf32, #tpu.memory_space<vmem>> -> memref<80x128xf32, #tpu.memory_space<vmem>>
        %parallel_loop3A_858 = arith.index_cast %parallel_loop3A_818 : i32 to index
        %parallel_loop3A_859 = arith.constant 0 : index
        %parallel_loop3A_860 = tpu.vector_load %parallel_loop3A_857[%parallel_loop3A_858, %parallel_loop3A_859] {strides = array<i32>} : memref<80x128xf32, #tpu.memory_space<vmem>>, vector<1x16xf32>,
        %parallel_loop3A_861 = vector.shape_cast %parallel_loop3A_860 : vector<1x16xf32> to vector<16xf32>
        %parallel_loop3A_862 = arith.constant 0 : i32
        %parallel_loop3A_863 = vector.broadcast %parallel_loop3A_862 : i32 to vector<16x1xi32>
        %parallel_loop3A_864 = vector.shape_cast %parallel_loop3A_863 : vector<16x1xi32> to vector<16xi32>
        %parallel_loop3A_865 = tpu.dynamic_gather %parallel_loop3A_842[%parallel_loop3A_864] in [0] : vector<16xf32>, vector<16xi32> -> vector<16xf32>
        %parallel_loop3A_866 = arith.mulf %parallel_loop3A_861, %parallel_loop3A_865 : vector<16xf32>
        %parallel_loop3A_867 = arith.constant 1 : i32
        %parallel_loop3A_868 = arith.constant 0 : i32
        %parallel_loop3A_869 = arith.constant 0 : i32
        %parallel_loop3A_870 = tpu.memref_slice %arg14[%parallel_loop3A_867, %parallel_loop3A_868, %parallel_loop3A_869] : memref<3x80x128xf32, #tpu.memory_space<vmem>> -> memref<1x80x128xf32, #tpu.memory_space<vmem>>
        %parallel_loop3A_871 = tpu.memref_squeeze %parallel_loop3A_870 : memref<1x80x128xf32, #tpu.memory_space<vmem>> -> memref<80x128xf32, #tpu.memory_space<vmem>>
        %parallel_loop3A_872 = arith.index_cast %parallel_loop3A_818 : i32 to index
        %parallel_loop3A_873 = arith.constant 0 : index
        %parallel_loop3A_874 = tpu.vector_load %parallel_loop3A_871[%parallel_loop3A_872, %parallel_loop3A_873] {strides = array<i32>} : memref<80x128xf32, #tpu.memory_space<vmem>>, vector<1x16xf32>,
        %parallel_loop3A_875 = vector.shape_cast %parallel_loop3A_874 : vector<1x16xf32> to vector<16xf32>
        %parallel_loop3A_876 = vector.shape_cast %parallel_loop3A_866 : vector<16xf32> to vector<1x16xf32>
        tpu.vector_store %parallel_loop3A_871[%parallel_loop3A_872, %parallel_loop3A_873], %parallel_loop3A_876 {strides = array<i32>} : memref<80x128xf32, #tpu.memory_space<vmem>>, vector<1x16xf32>,
        %parallel_loop3A_877 = arith.constant 1 : i32
        %parallel_loop3A_878 = arith.constant 0 : i32
        %parallel_loop3A_879 = arith.constant 0 : i32
        %parallel_loop3A_880 = tpu.memref_slice %arg14[%parallel_loop3A_877, %parallel_loop3A_878, %parallel_loop3A_879] : memref<3x80x128xf32, #tpu.memory_space<vmem>> -> memref<1x80x128xf32, #tpu.memory_space<vmem>>
        %parallel_loop3A_881 = tpu.memref_squeeze %parallel_loop3A_880 : memref<1x80x128xf32, #tpu.memory_space<vmem>> -> memref<80x128xf32, #tpu.memory_space<vmem>>
        %parallel_loop3A_882 = arith.index_cast %parallel_loop3A_818 : i32 to index
        %parallel_loop3A_883 = arith.constant 16 : index
        %parallel_loop3A_884 = tpu.vector_load %parallel_loop3A_881[%parallel_loop3A_882, %parallel_loop3A_883] {strides = array<i32>} : memref<80x128xf32, #tpu.memory_space<vmem>>, vector<1x16xf32>,
        %parallel_loop3A_885 = vector.shape_cast %parallel_loop3A_884 : vector<1x16xf32> to vector<16xf32>
        %parallel_loop3A_886 = arith.constant 1 : i32
        %parallel_loop3A_887 = vector.broadcast %parallel_loop3A_886 : i32 to vector<16x1xi32>
        %parallel_loop3A_888 = vector.shape_cast %parallel_loop3A_887 : vector<16x1xi32> to vector<16xi32>
        %parallel_loop3A_889 = tpu.dynamic_gather %parallel_loop3A_842[%parallel_loop3A_888] in [0] : vector<16xf32>, vector<16xi32> -> vector<16xf32>
        %parallel_loop3A_890 = arith.mulf %parallel_loop3A_885, %parallel_loop3A_889 : vector<16xf32>
        %parallel_loop3A_891 = arith.constant 1 : i32
        %parallel_loop3A_892 = arith.constant 0 : i32
        %parallel_loop3A_893 = arith.constant 0 : i32
        %parallel_loop3A_894 = tpu.memref_slice %arg14[%parallel_loop3A_891, %parallel_loop3A_892, %parallel_loop3A_893] : memref<3x80x128xf32, #tpu.memory_space<vmem>> -> memref<1x80x128xf32, #tpu.memory_space<vmem>>
        %parallel_loop3A_895 = tpu.memref_squeeze %parallel_loop3A_894 : memref<1x80x128xf32, #tpu.memory_space<vmem>> -> memref<80x128xf32, #tpu.memory_space<vmem>>
        %parallel_loop3A_896 = arith.index_cast %parallel_loop3A_818 : i32 to index
        %parallel_loop3A_897 = arith.constant 16 : index
        %parallel_loop3A_898 = tpu.vector_load %parallel_loop3A_895[%parallel_loop3A_896, %parallel_loop3A_897] {strides = array<i32>} : memref<80x128xf32, #tpu.memory_space<vmem>>, vector<1x16xf32>,
        %parallel_loop3A_899 = vector.shape_cast %parallel_loop3A_898 : vector<1x16xf32> to vector<16xf32>
        %parallel_loop3A_900 = vector.shape_cast %parallel_loop3A_890 : vector<16xf32> to vector<1x16xf32>
        tpu.vector_store %parallel_loop3A_895[%parallel_loop3A_896, %parallel_loop3A_897], %parallel_loop3A_900 {strides = array<i32>} : memref<80x128xf32, #tpu.memory_space<vmem>>, vector<1x16xf32>,
        %parallel_loop3A_901 = arith.constant 1 : i32
        %parallel_loop3A_902 = arith.constant 0 : i32
        %parallel_loop3A_903 = arith.constant 0 : i32
        %parallel_loop3A_904 = tpu.memref_slice %arg14[%parallel_loop3A_901, %parallel_loop3A_902, %parallel_loop3A_903] : memref<3x80x128xf32, #tpu.memory_space<vmem>> -> memref<1x80x128xf32, #tpu.memory_space<vmem>>
        %parallel_loop3A_905 = tpu.memref_squeeze %parallel_loop3A_904 : memref<1x80x128xf32, #tpu.memory_space<vmem>> -> memref<80x128xf32, #tpu.memory_space<vmem>>
        %parallel_loop3A_906 = arith.index_cast %parallel_loop3A_818 : i32 to index
        %parallel_loop3A_907 = arith.constant 32 : index
        %parallel_loop3A_908 = tpu.vector_load %parallel_loop3A_905[%parallel_loop3A_906, %parallel_loop3A_907] {strides = array<i32>} : memref<80x128xf32, #tpu.memory_space<vmem>>, vector<1x16xf32>,
        %parallel_loop3A_909 = vector.shape_cast %parallel_loop3A_908 : vector<1x16xf32> to vector<16xf32>
        %parallel_loop3A_910 = arith.constant 2 : i32
        %parallel_loop3A_911 = vector.broadcast %parallel_loop3A_910 : i32 to vector<16x1xi32>
        %parallel_loop3A_912 = vector.shape_cast %parallel_loop3A_911 : vector<16x1xi32> to vector<16xi32>
        %parallel_loop3A_913 = tpu.dynamic_gather %parallel_loop3A_842[%parallel_loop3A_912] in [0] : vector<16xf32>, vector<16xi32> -> vector<16xf32>
        %parallel_loop3A_914 = arith.mulf %parallel_loop3A_909, %parallel_loop3A_913 : vector<16xf32>
        %parallel_loop3A_915 = arith.constant 1 : i32
        %parallel_loop3A_916 = arith.constant 0 : i32
        %parallel_loop3A_917 = arith.constant 0 : i32
        %parallel_loop3A_918 = tpu.memref_slice %arg14[%parallel_loop3A_915, %parallel_loop3A_916, %parallel_loop3A_917] : memref<3x80x128xf32, #tpu.memory_space<vmem>> -> memref<1x80x128xf32, #tpu.memory_space<vmem>>
        %parallel_loop3A_919 = tpu.memref_squeeze %parallel_loop3A_918 : memref<1x80x128xf32, #tpu.memory_space<vmem>> -> memref<80x128xf32, #tpu.memory_space<vmem>>
        %parallel_loop3A_920 = arith.index_cast %parallel_loop3A_818 : i32 to index
        %parallel_loop3A_921 = arith.constant 32 : index
        %parallel_loop3A_922 = tpu.vector_load %parallel_loop3A_919[%parallel_loop3A_920, %parallel_loop3A_921] {strides = array<i32>} : memref<80x128xf32, #tpu.memory_space<vmem>>, vector<1x16xf32>,
        %parallel_loop3A_923 = vector.shape_cast %parallel_loop3A_922 : vector<1x16xf32> to vector<16xf32>
        %parallel_loop3A_924 = vector.shape_cast %parallel_loop3A_914 : vector<16xf32> to vector<1x16xf32>
        tpu.vector_store %parallel_loop3A_919[%parallel_loop3A_920, %parallel_loop3A_921], %parallel_loop3A_924 {strides = array<i32>} : memref<80x128xf32, #tpu.memory_space<vmem>>, vector<1x16xf32>,
        %parallel_loop3A_925 = arith.constant 1 : i32
        %parallel_loop3A_926 = arith.constant 0 : i32
        %parallel_loop3A_927 = arith.constant 0 : i32
        %parallel_loop3A_928 = tpu.memref_slice %arg14[%parallel_loop3A_925, %parallel_loop3A_926, %parallel_loop3A_927] : memref<3x80x128xf32, #tpu.memory_space<vmem>> -> memref<1x80x128xf32, #tpu.memory_space<vmem>>
        %parallel_loop3A_929 = tpu.memref_squeeze %parallel_loop3A_928 : memref<1x80x128xf32, #tpu.memory_space<vmem>> -> memref<80x128xf32, #tpu.memory_space<vmem>>
        %parallel_loop3A_930 = arith.index_cast %parallel_loop3A_818 : i32 to index
        %parallel_loop3A_931 = arith.constant 48 : index
        %parallel_loop3A_932 = tpu.vector_load %parallel_loop3A_929[%parallel_loop3A_930, %parallel_loop3A_931] {strides = array<i32>} : memref<80x128xf32, #tpu.memory_space<vmem>>, vector<1x16xf32>,
        %parallel_loop3A_933 = vector.shape_cast %parallel_loop3A_932 : vector<1x16xf32> to vector<16xf32>
        %parallel_loop3A_934 = arith.constant 3 : i32
        %parallel_loop3A_935 = vector.broadcast %parallel_loop3A_934 : i32 to vector<16x1xi32>
        %parallel_loop3A_936 = vector.shape_cast %parallel_loop3A_935 : vector<16x1xi32> to vector<16xi32>
        %parallel_loop3A_937 = tpu.dynamic_gather %parallel_loop3A_842[%parallel_loop3A_936] in [0] : vector<16xf32>, vector<16xi32> -> vector<16xf32>
        %parallel_loop3A_938 = arith.mulf %parallel_loop3A_933, %parallel_loop3A_937 : vector<16xf32>
        %parallel_loop3A_939 = arith.constant 1 : i32
        %parallel_loop3A_940 = arith.constant 0 : i32
        %parallel_loop3A_941 = arith.constant 0 : i32
        %parallel_loop3A_942 = tpu.memref_slice %arg14[%parallel_loop3A_939, %parallel_loop3A_940, %parallel_loop3A_941] : memref<3x80x128xf32, #tpu.memory_space<vmem>> -> memref<1x80x128xf32, #tpu.memory_space<vmem>>
        %parallel_loop3A_943 = tpu.memref_squeeze %parallel_loop3A_942 : memref<1x80x128xf32, #tpu.memory_space<vmem>> -> memref<80x128xf32, #tpu.memory_space<vmem>>
        %parallel_loop3A_944 = arith.index_cast %parallel_loop3A_818 : i32 to index
        %parallel_loop3A_945 = arith.constant 48 : index
        %parallel_loop3A_946 = tpu.vector_load %parallel_loop3A_943[%parallel_loop3A_944, %parallel_loop3A_945] {strides = array<i32>} : memref<80x128xf32, #tpu.memory_space<vmem>>, vector<1x16xf32>,
        %parallel_loop3A_947 = vector.shape_cast %parallel_loop3A_946 : vector<1x16xf32> to vector<16xf32>
        %parallel_loop3A_948 = vector.shape_cast %parallel_loop3A_938 : vector<16xf32> to vector<1x16xf32>
        tpu.vector_store %parallel_loop3A_943[%parallel_loop3A_944, %parallel_loop3A_945], %parallel_loop3A_948 {strides = array<i32>} : memref<80x128xf32, #tpu.memory_space<vmem>>, vector<1x16xf32>,
        %parallel_loop3A_949 = arith.constant 1 : i32
        %parallel_loop3A_950 = arith.constant 0 : i32
        %parallel_loop3A_951 = arith.constant 0 : i32
        %parallel_loop3A_952 = tpu.memref_slice %arg14[%parallel_loop3A_949, %parallel_loop3A_950, %parallel_loop3A_951] : memref<3x80x128xf32, #tpu.memory_space<vmem>> -> memref<1x80x128xf32, #tpu.memory_space<vmem>>
        %parallel_loop3A_953 = tpu.memref_squeeze %parallel_loop3A_952 : memref<1x80x128xf32, #tpu.memory_space<vmem>> -> memref<80x128xf32, #tpu.memory_space<vmem>>
        %parallel_loop3A_954 = arith.index_cast %parallel_loop3A_818 : i32 to index
        %parallel_loop3A_955 = arith.constant 64 : index
        %parallel_loop3A_956 = tpu.vector_load %parallel_loop3A_953[%parallel_loop3A_954, %parallel_loop3A_955] {strides = array<i32>} : memref<80x128xf32, #tpu.memory_space<vmem>>, vector<1x16xf32>,
        %parallel_loop3A_957 = vector.shape_cast %parallel_loop3A_956 : vector<1x16xf32> to vector<16xf32>
        %parallel_loop3A_958 = arith.constant 4 : i32
        %parallel_loop3A_959 = vector.broadcast %parallel_loop3A_958 : i32 to vector<16x1xi32>
        %parallel_loop3A_960 = vector.shape_cast %parallel_loop3A_959 : vector<16x1xi32> to vector<16xi32>
        %parallel_loop3A_961 = tpu.dynamic_gather %parallel_loop3A_842[%parallel_loop3A_960] in [0] : vector<16xf32>, vector<16xi32> -> vector<16xf32>
        %parallel_loop3A_962 = arith.mulf %parallel_loop3A_957, %parallel_loop3A_961 : vector<16xf32>
        %parallel_loop3A_963 = arith.constant 1 : i32
        %parallel_loop3A_964 = arith.constant 0 : i32
        %parallel_loop3A_965 = arith.constant 0 : i32
        %parallel_loop3A_966 = tpu.memref_slice %arg14[%parallel_loop3A_963, %parallel_loop3A_964, %parallel_loop3A_965] : memref<3x80x128xf32, #tpu.memory_space<vmem>> -> memref<1x80x128xf32, #tpu.memory_space<vmem>>
        %parallel_loop3A_967 = tpu.memref_squeeze %parallel_loop3A_966 : memref<1x80x128xf32, #tpu.memory_space<vmem>> -> memref<80x128xf32, #tpu.memory_space<vmem>>
        %parallel_loop3A_968 = arith.index_cast %parallel_loop3A_818 : i32 to index
        %parallel_loop3A_969 = arith.constant 64 : index
        %parallel_loop3A_970 = tpu.vector_load %parallel_loop3A_967[%parallel_loop3A_968, %parallel_loop3A_969] {strides = array<i32>} : memref<80x128xf32, #tpu.memory_space<vmem>>, vector<1x16xf32>,
        %parallel_loop3A_971 = vector.shape_cast %parallel_loop3A_970 : vector<1x16xf32> to vector<16xf32>
        %parallel_loop3A_972 = vector.shape_cast %parallel_loop3A_962 : vector<16xf32> to vector<1x16xf32>
        tpu.vector_store %parallel_loop3A_967[%parallel_loop3A_968, %parallel_loop3A_969], %parallel_loop3A_972 {strides = array<i32>} : memref<80x128xf32, #tpu.memory_space<vmem>>, vector<1x16xf32>,
        %parallel_loop3A_973 = arith.constant 1 : i32
        %parallel_loop3A_974 = arith.constant 0 : i32
        %parallel_loop3A_975 = arith.constant 0 : i32
        %parallel_loop3A_976 = tpu.memref_slice %arg14[%parallel_loop3A_973, %parallel_loop3A_974, %parallel_loop3A_975] : memref<3x80x128xf32, #tpu.memory_space<vmem>> -> memref<1x80x128xf32, #tpu.memory_space<vmem>>
        %parallel_loop3A_977 = tpu.memref_squeeze %parallel_loop3A_976 : memref<1x80x128xf32, #tpu.memory_space<vmem>> -> memref<80x128xf32, #tpu.memory_space<vmem>>
        %parallel_loop3A_978 = arith.index_cast %parallel_loop3A_818 : i32 to index
        %parallel_loop3A_979 = arith.constant 80 : index
        %parallel_loop3A_980 = tpu.vector_load %parallel_loop3A_977[%parallel_loop3A_978, %parallel_loop3A_979] {strides = array<i32>} : memref<80x128xf32, #tpu.memory_space<vmem>>, vector<1x16xf32>,
        %parallel_loop3A_981 = vector.shape_cast %parallel_loop3A_980 : vector<1x16xf32> to vector<16xf32>
        %parallel_loop3A_982 = arith.constant 5 : i32
        %parallel_loop3A_983 = vector.broadcast %parallel_loop3A_982 : i32 to vector<16x1xi32>
        %parallel_loop3A_984 = vector.shape_cast %parallel_loop3A_983 : vector<16x1xi32> to vector<16xi32>
        %parallel_loop3A_985 = tpu.dynamic_gather %parallel_loop3A_842[%parallel_loop3A_984] in [0] : vector<16xf32>, vector<16xi32> -> vector<16xf32>
        %parallel_loop3A_986 = arith.mulf %parallel_loop3A_981, %parallel_loop3A_985 : vector<16xf32>
        %parallel_loop3A_987 = arith.constant 1 : i32
        %parallel_loop3A_988 = arith.constant 0 : i32
        %parallel_loop3A_989 = arith.constant 0 : i32
        %parallel_loop3A_990 = tpu.memref_slice %arg14[%parallel_loop3A_987, %parallel_loop3A_988, %parallel_loop3A_989] : memref<3x80x128xf32, #tpu.memory_space<vmem>> -> memref<1x80x128xf32, #tpu.memory_space<vmem>>
        %parallel_loop3A_991 = tpu.memref_squeeze %parallel_loop3A_990 : memref<1x80x128xf32, #tpu.memory_space<vmem>> -> memref<80x128xf32, #tpu.memory_space<vmem>>
        %parallel_loop3A_992 = arith.index_cast %parallel_loop3A_818 : i32 to index
        %parallel_loop3A_993 = arith.constant 80 : index
        %parallel_loop3A_994 = tpu.vector_load %parallel_loop3A_991[%parallel_loop3A_992, %parallel_loop3A_993] {strides = array<i32>} : memref<80x128xf32, #tpu.memory_space<vmem>>, vector<1x16xf32>,
        %parallel_loop3A_995 = vector.shape_cast %parallel_loop3A_994 : vector<1x16xf32> to vector<16xf32>
        %parallel_loop3A_996 = vector.shape_cast %parallel_loop3A_986 : vector<16xf32> to vector<1x16xf32>
        tpu.vector_store %parallel_loop3A_991[%parallel_loop3A_992, %parallel_loop3A_993], %parallel_loop3A_996 {strides = array<i32>} : memref<80x128xf32, #tpu.memory_space<vmem>>, vector<1x16xf32>,
        %parallel_loop3A_997 = arith.constant 1 : i32
        %parallel_loop3A_998 = arith.constant 0 : i32
        %parallel_loop3A_999 = arith.constant 0 : i32
        %parallel_loop3A_1000 = tpu.memref_slice %arg14[%parallel_loop3A_997, %parallel_loop3A_998, %parallel_loop3A_999] : memref<3x80x128xf32, #tpu.memory_space<vmem>> -> memref<1x80x128xf32, #tpu.memory_space<vmem>>
        %parallel_loop3A_1001 = tpu.memref_squeeze %parallel_loop3A_1000 : memref<1x80x128xf32, #tpu.memory_space<vmem>> -> memref<80x128xf32, #tpu.memory_space<vmem>>
        %parallel_loop3A_1002 = arith.index_cast %parallel_loop3A_818 : i32 to index
        %parallel_loop3A_1003 = arith.constant 96 : index
        %parallel_loop3A_1004 = tpu.vector_load %parallel_loop3A_1001[%parallel_loop3A_1002, %parallel_loop3A_1003] {strides = array<i32>} : memref<80x128xf32, #tpu.memory_space<vmem>>, vector<1x16xf32>,
        %parallel_loop3A_1005 = vector.shape_cast %parallel_loop3A_1004 : vector<1x16xf32> to vector<16xf32>
        %parallel_loop3A_1006 = arith.constant 6 : i32
        %parallel_loop3A_1007 = vector.broadcast %parallel_loop3A_1006 : i32 to vector<16x1xi32>
        %parallel_loop3A_1008 = vector.shape_cast %parallel_loop3A_1007 : vector<16x1xi32> to vector<16xi32>
        %parallel_loop3A_1009 = tpu.dynamic_gather %parallel_loop3A_842[%parallel_loop3A_1008] in [0] : vector<16xf32>, vector<16xi32> -> vector<16xf32>
        %parallel_loop3A_1010 = arith.mulf %parallel_loop3A_1005, %parallel_loop3A_1009 : vector<16xf32>
        %parallel_loop3A_1011 = arith.constant 1 : i32
        %parallel_loop3A_1012 = arith.constant 0 : i32
        %parallel_loop3A_1013 = arith.constant 0 : i32
        %parallel_loop3A_1014 = tpu.memref_slice %arg14[%parallel_loop3A_1011, %parallel_loop3A_1012, %parallel_loop3A_1013] : memref<3x80x128xf32, #tpu.memory_space<vmem>> -> memref<1x80x128xf32, #tpu.memory_space<vmem>>
        %parallel_loop3A_1015 = tpu.memref_squeeze %parallel_loop3A_1014 : memref<1x80x128xf32, #tpu.memory_space<vmem>> -> memref<80x128xf32, #tpu.memory_space<vmem>>
        %parallel_loop3A_1016 = arith.index_cast %parallel_loop3A_818 : i32 to index
        %parallel_loop3A_1017 = arith.constant 96 : index
        %parallel_loop3A_1018 = tpu.vector_load %parallel_loop3A_1015[%parallel_loop3A_1016, %parallel_loop3A_1017] {strides = array<i32>} : memref<80x128xf32, #tpu.memory_space<vmem>>, vector<1x16xf32>,
        %parallel_loop3A_1019 = vector.shape_cast %parallel_loop3A_1018 : vector<1x16xf32> to vector<16xf32>
        %parallel_loop3A_1020 = vector.shape_cast %parallel_loop3A_1010 : vector<16xf32> to vector<1x16xf32>
        tpu.vector_store %parallel_loop3A_1015[%parallel_loop3A_1016, %parallel_loop3A_1017], %parallel_loop3A_1020 {strides = array<i32>} : memref<80x128xf32, #tpu.memory_space<vmem>>, vector<1x16xf32>,
        %parallel_loop3A_1021 = arith.constant 1 : i32
        %parallel_loop3A_1022 = arith.constant 0 : i32
        %parallel_loop3A_1023 = arith.constant 0 : i32
        %parallel_loop3A_1024 = tpu.memref_slice %arg14[%parallel_loop3A_1021, %parallel_loop3A_1022, %parallel_loop3A_1023] : memref<3x80x128xf32, #tpu.memory_space<vmem>> -> memref<1x80x128xf32, #tpu.memory_space<vmem>>
        %parallel_loop3A_1025 = tpu.memref_squeeze %parallel_loop3A_1024 : memref<1x80x128xf32, #tpu.memory_space<vmem>> -> memref<80x128xf32, #tpu.memory_space<vmem>>
        %parallel_loop3A_1026 = arith.index_cast %parallel_loop3A_818 : i32 to index
        %parallel_loop3A_1027 = arith.constant 112 : index
        %parallel_loop3A_1028 = tpu.vector_load %parallel_loop3A_1025[%parallel_loop3A_1026, %parallel_loop3A_1027] {strides = array<i32>} : memref<80x128xf32, #tpu.memory_space<vmem>>, vector<1x16xf32>,
        %parallel_loop3A_1029 = vector.shape_cast %parallel_loop3A_1028 : vector<1x16xf32> to vector<16xf32>
        %parallel_loop3A_1030 = arith.constant 7 : i32
        %parallel_loop3A_1031 = vector.broadcast %parallel_loop3A_1030 : i32 to vector<16x1xi32>
        %parallel_loop3A_1032 = vector.shape_cast %parallel_loop3A_1031 : vector<16x1xi32> to vector<16xi32>
        %parallel_loop3A_1033 = tpu.dynamic_gather %parallel_loop3A_842[%parallel_loop3A_1032] in [0] : vector<16xf32>, vector<16xi32> -> vector<16xf32>
        %parallel_loop3A_1034 = arith.mulf %parallel_loop3A_1029, %parallel_loop3A_1033 : vector<16xf32>
        %parallel_loop3A_1035 = arith.constant 1 : i32
        %parallel_loop3A_1036 = arith.constant 0 : i32
        %parallel_loop3A_1037 = arith.constant 0 : i32
        %parallel_loop3A_1038 = tpu.memref_slice %arg14[%parallel_loop3A_1035, %parallel_loop3A_1036, %parallel_loop3A_1037] : memref<3x80x128xf32, #tpu.memory_space<vmem>> -> memref<1x80x128xf32, #tpu.memory_space<vmem>>
        %parallel_loop3A_1039 = tpu.memref_squeeze %parallel_loop3A_1038 : memref<1x80x128xf32, #tpu.memory_space<vmem>> -> memref<80x128xf32, #tpu.memory_space<vmem>>
        %parallel_loop3A_1040 = arith.index_cast %parallel_loop3A_818 : i32 to index
        %parallel_loop3A_1041 = arith.constant 112 : index
        %parallel_loop3A_1042 = tpu.vector_load %parallel_loop3A_1039[%parallel_loop3A_1040, %parallel_loop3A_1041] {strides = array<i32>} : memref<80x128xf32, #tpu.memory_space<vmem>>, vector<1x16xf32>,
        %parallel_loop3A_1043 = vector.shape_cast %parallel_loop3A_1042 : vector<1x16xf32> to vector<16xf32>
        %parallel_loop3A_1044 = vector.shape_cast %parallel_loop3A_1034 : vector<16xf32> to vector<1x16xf32>
        tpu.vector_store %parallel_loop3A_1039[%parallel_loop3A_1040, %parallel_loop3A_1041], %parallel_loop3A_1044 {strides = array<i32>} : memref<80x128xf32, #tpu.memory_space<vmem>>, vector<1x16xf32>,
      } {sc.loop_unroll_factor = 4 : i64, sc.parallel_access}
      %dma_start3A_611 = arith.constant 1 : i32
      %dma_start3A_612 = arith.constant 1 : i32
      %dma_start3A_613 = arith.constant 1 : i32
      %dma_start3A_614 = arith.constant 0 : i32
      %dma_start3A_615 = arith.constant 0 : i32
      %dma_start3A_616 = tpu.memref_slice %arg15[%dma_start3A_611, %dma_start3A_614, %dma_start3A_615] : memref<3x80x16xf32, #tpu.memory_space<vmem>> -> memref<1x80x16xf32, #tpu.memory_space<vmem>>
      %dma_start3A_617 = tpu.memref_squeeze %dma_start3A_616 : memref<1x80x16xf32, #tpu.memory_space<vmem>> -> memref<80x16xf32, #tpu.memory_space<vmem>>
      %dma_start3A_618 = arith.constant 0 : i32
      %dma_start3A_619 = tpu.memref_slice %arg13[%dma_start3A_612, %dma_start3A_618] : memref<3x80xi32, #tpu.memory_space<vmem>> -> memref<1x80xi32, #tpu.memory_space<vmem>>
      %dma_start3A_620 = tpu.memref_squeeze %dma_start3A_619 : memref<1x80xi32, #tpu.memory_space<vmem>> -> memref<80xi32, #tpu.memory_space<vmem>>
      %dma_start3A_621 = arith.constant 0 : i32
      %dma_start3A_622 = arith.constant 0 : i32
      %dma_start3A_623 = tpu.memref_slice %arg11[%dma_start3A_621, %dma_start3A_622] : memref<10016x16xf32, #tpu.memory_space<vmem_shared>> -> memref<10016x16xf32, #tpu.memory_space<vmem_shared>>
      %dma_start3A_624 = tpu.memref_slice %arg22[%dma_start3A_613] : memref<3x!tpu.dma_semaphore, #tpu.memory_space<semaphore_mem>> -> memref<1x!tpu.dma_semaphore, #tpu.memory_space<semaphore_mem>>
      %dma_start3A_625 = tpu.memref_squeeze %dma_start3A_624 : memref<1x!tpu.dma_semaphore, #tpu.memory_space<semaphore_mem>> -> memref<!tpu.dma_semaphore, #tpu.memory_space<semaphore_mem>>
      tpu.enqueue_indirect_dma source(%dma_start3A_617 : memref<80x16xf32, #tpu.memory_space<vmem>>) target(%dma_start3A_623 : memref<10016x16xf32, #tpu.memory_space<vmem_shared>>) offsets(%dma_start3A_620 : memref<80xi32, #tpu.memory_space<vmem>>) semaphore(%dma_start3A_625 : memref<!tpu.dma_semaphore, #tpu.memory_space<semaphore_mem>>) {add = true}
      %dma_start3A_626 = arith.constant 1 : i32
      %dma_start3A_627 = arith.constant 1 : i32
      %dma_start3A_628 = arith.constant 1 : i32
      %dma_start3A_629 = arith.constant 0 : i32
      %dma_start3A_630 = arith.constant 0 : i32
      %dma_start3A_631 = tpu.memref_slice %arg14[%dma_start3A_626, %dma_start3A_629, %dma_start3A_630] : memref<3x80x128xf32, #tpu.memory_space<vmem>> -> memref<1x80x128xf32, #tpu.memory_space<vmem>>
      %dma_start3A_632 = tpu.memref_squeeze %dma_start3A_631 : memref<1x80x128xf32, #tpu.memory_space<vmem>> -> memref<80x128xf32, #tpu.memory_space<vmem>>
      %dma_start3A_633 = arith.constant 0 : i32
      %dma_start3A_634 = tpu.memref_slice %arg13[%dma_start3A_627, %dma_start3A_633] : memref<3x80xi32, #tpu.memory_space<vmem>> -> memref<1x80xi32, #tpu.memory_space<vmem>>
      %dma_start3A_635 = tpu.memref_squeeze %dma_start3A_634 : memref<1x80xi32, #tpu.memory_space<vmem>> -> memref<80xi32, #tpu.memory_space<vmem>>
      %dma_start3A_636 = arith.constant 0 : i32
      %dma_start3A_637 = arith.constant 0 : i32
      %dma_start3A_638 = tpu.memref_slice %arg10[%dma_start3A_636, %dma_start3A_637] : memref<10016x128xf32, #tpu.memory_space<vmem_shared>> -> memref<10016x128xf32, #tpu.memory_space<vmem_shared>>
      %dma_start3A_639 = tpu.memref_slice %arg21[%dma_start3A_628] : memref<3x!tpu.dma_semaphore, #tpu.memory_space<semaphore_mem>> -> memref<1x!tpu.dma_semaphore, #tpu.memory_space<semaphore_mem>>
      %dma_start3A_640 = tpu.memref_squeeze %dma_start3A_639 : memref<1x!tpu.dma_semaphore, #tpu.memory_space<semaphore_mem>> -> memref<!tpu.dma_semaphore, #tpu.memory_space<semaphore_mem>>
      tpu.enqueue_indirect_dma source(%dma_start3A_632 : memref<80x128xf32, #tpu.memory_space<vmem>>) target(%dma_start3A_638 : memref<10016x128xf32, #tpu.memory_space<vmem_shared>>) offsets(%dma_start3A_635 : memref<80xi32, #tpu.memory_space<vmem>>) semaphore(%dma_start3A_640 : memref<!tpu.dma_semaphore, #tpu.memory_space<semaphore_mem>>) {add = true}
      %add3A_641 = arith.constant 2 : i32
      %add3A_642 = arith.addi %add3A_292, %add3A_641 : i32
      %dma_wait3A_643 = arith.constant 2 : i32
      %dma_wait3A_644 = arith.constant 0 : i32
      %dma_wait3A_645 = arith.constant 2 : i32
      %dma_wait3A_646 = arith.constant 2 : i32
      %dma_wait3A_647 = arith.constant 0 : i32
      %dma_wait3A_648 = arith.constant 0 : i32
      %dma_wait3A_649 = tpu.memref_slice %arg14[%dma_wait3A_645, %dma_wait3A_647, %dma_wait3A_648] : memref<3x80x128xf32, #tpu.memory_space<vmem>> -> memref<1x80x128xf32, #tpu.memory_space<vmem>>
      %dma_wait3A_650 = tpu.memref_squeeze %dma_wait3A_649 : memref<1x80x128xf32, #tpu.memory_space<vmem>> -> memref<80x128xf32, #tpu.memory_space<vmem>>
      %dma_wait3A_651 = arith.constant 0 : i32
      %dma_wait3A_652 = tpu.memref_slice %arg12[%dma_wait3A_643, %dma_wait3A_644, %dma_wait3A_651] : memref<3x2x80xi32, #tpu.memory_space<vmem>> -> memref<1x1x80xi32, #tpu.memory_space<vmem>>
      %dma_wait3A_653 = tpu.memref_squeeze %dma_wait3A_652 : memref<1x1x80xi32, #tpu.memory_space<vmem>> -> memref<80xi32, #tpu.memory_space<vmem>>
      %dma_wait3A_654 = arith.constant 0 : i32
      %dma_wait3A_655 = arith.constant 0 : i32
      %dma_wait3A_656 = tpu.memref_slice %arg2[%dma_wait3A_654, %dma_wait3A_655] : memref<10000x128xf32, #tpu.memory_space<hbm>> -> memref<10000x128xf32, #tpu.memory_space<hbm>>
      %dma_wait3A_657 = tpu.memref_slice %arg18[%dma_wait3A_646] : memref<3x!tpu.dma_semaphore, #tpu.memory_space<semaphore_mem>> -> memref<1x!tpu.dma_semaphore, #tpu.memory_space<semaphore_mem>>
      %dma_wait3A_658 = tpu.memref_squeeze %dma_wait3A_657 : memref<1x!tpu.dma_semaphore, #tpu.memory_space<semaphore_mem>> -> memref<!tpu.dma_semaphore, #tpu.memory_space<semaphore_mem>>
      tpu.wait_indirect_dma semaphore(%dma_wait3A_658 : memref<!tpu.dma_semaphore, #tpu.memory_space<semaphore_mem>>) src(%dma_wait3A_656 : memref<10000x128xf32, #tpu.memory_space<hbm>>) dst(%dma_wait3A_650 : memref<80x128xf32, #tpu.memory_space<vmem>>)
      %dma_wait3A_659 = arith.constant 2 : i32
      %dma_wait3A_660 = arith.constant 0 : i32
      %dma_wait3A_661 = arith.constant 2 : i32
      %dma_wait3A_662 = arith.constant 2 : i32
      %dma_wait3A_663 = arith.constant 0 : i32
      %dma_wait3A_664 = arith.constant 0 : i32
      %dma_wait3A_665 = tpu.memref_slice %arg15[%dma_wait3A_661, %dma_wait3A_663, %dma_wait3A_664] : memref<3x80x16xf32, #tpu.memory_space<vmem>> -> memref<1x80x16xf32, #tpu.memory_space<vmem>>
      %dma_wait3A_666 = tpu.memref_squeeze %dma_wait3A_665 : memref<1x80x16xf32, #tpu.memory_space<vmem>> -> memref<80x16xf32, #tpu.memory_space<vmem>>
      %dma_wait3A_667 = arith.constant 0 : i32
      %dma_wait3A_668 = tpu.memref_slice %arg12[%dma_wait3A_659, %dma_wait3A_660, %dma_wait3A_667] : memref<3x2x80xi32, #tpu.memory_space<vmem>> -> memref<1x1x80xi32, #tpu.memory_space<vmem>>
      %dma_wait3A_669 = tpu.memref_squeeze %dma_wait3A_668 : memref<1x1x80xi32, #tpu.memory_space<vmem>> -> memref<80xi32, #tpu.memory_space<vmem>>
      %dma_wait3A_670 = arith.constant 0 : i32
      %dma_wait3A_671 = arith.constant 0 : i32
      %dma_wait3A_672 = tpu.memref_slice %arg3[%dma_wait3A_670, %dma_wait3A_671] : memref<10000x16xf32, #tpu.memory_space<hbm>> -> memref<10000x16xf32, #tpu.memory_space<hbm>>
      %dma_wait3A_673 = tpu.memref_slice %arg19[%dma_wait3A_662] : memref<3x!tpu.dma_semaphore, #tpu.memory_space<semaphore_mem>> -> memref<1x!tpu.dma_semaphore, #tpu.memory_space<semaphore_mem>>
      %dma_wait3A_674 = tpu.memref_squeeze %dma_wait3A_673 : memref<1x!tpu.dma_semaphore, #tpu.memory_space<semaphore_mem>> -> memref<!tpu.dma_semaphore, #tpu.memory_space<semaphore_mem>>
      tpu.wait_indirect_dma semaphore(%dma_wait3A_674 : memref<!tpu.dma_semaphore, #tpu.memory_space<semaphore_mem>>) src(%dma_wait3A_672 : memref<10000x16xf32, #tpu.memory_space<hbm>>) dst(%dma_wait3A_666 : memref<80x16xf32, #tpu.memory_space<vmem>>)
      %dma_wait3A_675 = arith.constant 2 : i32
      %dma_wait3A_676 = arith.constant 1 : i32
      %dma_wait3A_677 = arith.constant 2 : i32
      %dma_wait3A_678 = arith.constant 2 : i32
      %dma_wait3A_679 = arith.constant 0 : i32
      %dma_wait3A_680 = arith.constant 0 : i32
      %dma_wait3A_681 = tpu.memref_slice %arg16[%dma_wait3A_677, %dma_wait3A_679, %dma_wait3A_680] : memref<3x80x16xf32, #tpu.memory_space<vmem>> -> memref<1x80x16xf32, #tpu.memory_space<vmem>>
      %dma_wait3A_682 = tpu.memref_squeeze %dma_wait3A_681 : memref<1x80x16xf32, #tpu.memory_space<vmem>> -> memref<80x16xf32, #tpu.memory_space<vmem>>
      %dma_wait3A_683 = arith.constant 0 : i32
      %dma_wait3A_684 = tpu.memref_slice %arg12[%dma_wait3A_675, %dma_wait3A_676, %dma_wait3A_683] : memref<3x2x80xi32, #tpu.memory_space<vmem>> -> memref<1x1x80xi32, #tpu.memory_space<vmem>>
      %dma_wait3A_685 = tpu.memref_squeeze %dma_wait3A_684 : memref<1x1x80xi32, #tpu.memory_space<vmem>> -> memref<80xi32, #tpu.memory_space<vmem>>
      %dma_wait3A_686 = arith.constant 0 : i32
      %dma_wait3A_687 = arith.constant 0 : i32
      %dma_wait3A_688 = tpu.memref_slice %arg4[%dma_wait3A_686, %dma_wait3A_687] : memref<10000x16xf32, #tpu.memory_space<hbm>> -> memref<10000x16xf32, #tpu.memory_space<hbm>>
      %dma_wait3A_689 = tpu.memref_slice %arg20[%dma_wait3A_678] : memref<3x!tpu.dma_semaphore, #tpu.memory_space<semaphore_mem>> -> memref<1x!tpu.dma_semaphore, #tpu.memory_space<semaphore_mem>>
      %dma_wait3A_690 = tpu.memref_squeeze %dma_wait3A_689 : memref<1x!tpu.dma_semaphore, #tpu.memory_space<semaphore_mem>> -> memref<!tpu.dma_semaphore, #tpu.memory_space<semaphore_mem>>
      tpu.wait_indirect_dma semaphore(%dma_wait3A_690 : memref<!tpu.dma_semaphore, #tpu.memory_space<semaphore_mem>>) src(%dma_wait3A_688 : memref<10000x16xf32, #tpu.memory_space<hbm>>) dst(%dma_wait3A_682 : memref<80x16xf32, #tpu.memory_space<vmem>>)
      %get3A_691 = arith.constant 2 : i32
      %get3A_692 = arith.constant 1 : i32
      %get3A_693 = arith.constant 0 : i32
      %get3A_694 = tpu.memref_slice %arg12[%get3A_691, %get3A_692, %get3A_693] : memref<3x2x80xi32, #tpu.memory_space<vmem>> -> memref<1x1x80xi32, #tpu.memory_space<vmem>>
      %get3A_695 = tpu.memref_squeeze %get3A_694 : memref<1x1x80xi32, #tpu.memory_space<vmem>> -> memref<80xi32, #tpu.memory_space<vmem>>
      %get3A_696 = arith.constant 0 : index
      %get3A_697 = tpu.vector_load %get3A_695[%get3A_696] {strides = array<i32>} : memref<80xi32, #tpu.memory_space<vmem>>, vector<16xi32>,
      %get3A_698 = vector.shape_cast %get3A_697 : vector<16xi32> to vector<16xi32>
      %swap3A_699 = arith.constant 2 : i32
      %swap3A_700 = arith.constant 0 : i32
      %swap3A_701 = tpu.memref_slice %arg13[%swap3A_699, %swap3A_700] : memref<3x80xi32, #tpu.memory_space<vmem>> -> memref<1x80xi32, #tpu.memory_space<vmem>>
      %swap3A_702 = tpu.memref_squeeze %swap3A_701 : memref<1x80xi32, #tpu.memory_space<vmem>> -> memref<80xi32, #tpu.memory_space<vmem>>
      %swap3A_703 = arith.constant 0 : index
      %swap3A_704 = tpu.vector_load %swap3A_702[%swap3A_703] {strides = array<i32>} : memref<80xi32, #tpu.memory_space<vmem>>, vector<16xi32>,
      %swap3A_705 = vector.shape_cast %swap3A_704 : vector<16xi32> to vector<16xi32>
      %swap3A_706 = vector.shape_cast %get3A_698 : vector<16xi32> to vector<16xi32>
      tpu.vector_store %swap3A_702[%swap3A_703], %swap3A_706 {strides = array<i32>} : memref<80xi32, #tpu.memory_space<vmem>>, vector<16xi32>,
      %get3A_707 = arith.constant 2 : i32
      %get3A_708 = arith.constant 1 : i32
      %get3A_709 = arith.constant 0 : i32
      %get3A_710 = tpu.memref_slice %arg12[%get3A_707, %get3A_708, %get3A_709] : memref<3x2x80xi32, #tpu.memory_space<vmem>> -> memref<1x1x80xi32, #tpu.memory_space<vmem>>
      %get3A_711 = tpu.memref_squeeze %get3A_710 : memref<1x1x80xi32, #tpu.memory_space<vmem>> -> memref<80xi32, #tpu.memory_space<vmem>>
      %get3A_712 = arith.constant 16 : index
      %get3A_713 = tpu.vector_load %get3A_711[%get3A_712] {strides = array<i32>} : memref<80xi32, #tpu.memory_space<vmem>>, vector<16xi32>,
      %get3A_714 = vector.shape_cast %get3A_713 : vector<16xi32> to vector<16xi32>
      %swap3A_715 = arith.constant 2 : i32
      %swap3A_716 = arith.constant 0 : i32
      %swap3A_717 = tpu.memref_slice %arg13[%swap3A_715, %swap3A_716] : memref<3x80xi32, #tpu.memory_space<vmem>> -> memref<1x80xi32, #tpu.memory_space<vmem>>
      %swap3A_718 = tpu.memref_squeeze %swap3A_717 : memref<1x80xi32, #tpu.memory_space<vmem>> -> memref<80xi32, #tpu.memory_space<vmem>>
      %swap3A_719 = arith.constant 16 : index
      %swap3A_720 = tpu.vector_load %swap3A_718[%swap3A_719] {strides = array<i32>} : memref<80xi32, #tpu.memory_space<vmem>>, vector<16xi32>,
      %swap3A_721 = vector.shape_cast %swap3A_720 : vector<16xi32> to vector<16xi32>
      %swap3A_722 = vector.shape_cast %get3A_714 : vector<16xi32> to vector<16xi32>
      tpu.vector_store %swap3A_718[%swap3A_719], %swap3A_722 {strides = array<i32>} : memref<80xi32, #tpu.memory_space<vmem>>, vector<16xi32>,
      %get3A_723 = arith.constant 2 : i32
      %get3A_724 = arith.constant 1 : i32
      %get3A_725 = arith.constant 0 : i32
      %get3A_726 = tpu.memref_slice %arg12[%get3A_723, %get3A_724, %get3A_725] : memref<3x2x80xi32, #tpu.memory_space<vmem>> -> memref<1x1x80xi32, #tpu.memory_space<vmem>>
      %get3A_727 = tpu.memref_squeeze %get3A_726 : memref<1x1x80xi32, #tpu.memory_space<vmem>> -> memref<80xi32, #tpu.memory_space<vmem>>
      %get3A_728 = arith.constant 32 : index
      %get3A_729 = tpu.vector_load %get3A_727[%get3A_728] {strides = array<i32>} : memref<80xi32, #tpu.memory_space<vmem>>, vector<16xi32>,
      %get3A_730 = vector.shape_cast %get3A_729 : vector<16xi32> to vector<16xi32>
      %swap3A_731 = arith.constant 2 : i32
      %swap3A_732 = arith.constant 0 : i32
      %swap3A_733 = tpu.memref_slice %arg13[%swap3A_731, %swap3A_732] : memref<3x80xi32, #tpu.memory_space<vmem>> -> memref<1x80xi32, #tpu.memory_space<vmem>>
      %swap3A_734 = tpu.memref_squeeze %swap3A_733 : memref<1x80xi32, #tpu.memory_space<vmem>> -> memref<80xi32, #tpu.memory_space<vmem>>
      %swap3A_735 = arith.constant 32 : index
      %swap3A_736 = tpu.vector_load %swap3A_734[%swap3A_735] {strides = array<i32>} : memref<80xi32, #tpu.memory_space<vmem>>, vector<16xi32>,
      %swap3A_737 = vector.shape_cast %swap3A_736 : vector<16xi32> to vector<16xi32>
      %swap3A_738 = vector.shape_cast %get3A_730 : vector<16xi32> to vector<16xi32>
      tpu.vector_store %swap3A_734[%swap3A_735], %swap3A_738 {strides = array<i32>} : memref<80xi32, #tpu.memory_space<vmem>>, vector<16xi32>,
      %get3A_739 = arith.constant 2 : i32
      %get3A_740 = arith.constant 1 : i32
      %get3A_741 = arith.constant 0 : i32
      %get3A_742 = tpu.memref_slice %arg12[%get3A_739, %get3A_740, %get3A_741] : memref<3x2x80xi32, #tpu.memory_space<vmem>> -> memref<1x1x80xi32, #tpu.memory_space<vmem>>
      %get3A_743 = tpu.memref_squeeze %get3A_742 : memref<1x1x80xi32, #tpu.memory_space<vmem>> -> memref<80xi32, #tpu.memory_space<vmem>>
      %get3A_744 = arith.constant 48 : index
      %get3A_745 = tpu.vector_load %get3A_743[%get3A_744] {strides = array<i32>} : memref<80xi32, #tpu.memory_space<vmem>>, vector<16xi32>,
      %get3A_746 = vector.shape_cast %get3A_745 : vector<16xi32> to vector<16xi32>
      %swap3A_747 = arith.constant 2 : i32
      %swap3A_748 = arith.constant 0 : i32
      %swap3A_749 = tpu.memref_slice %arg13[%swap3A_747, %swap3A_748] : memref<3x80xi32, #tpu.memory_space<vmem>> -> memref<1x80xi32, #tpu.memory_space<vmem>>
      %swap3A_750 = tpu.memref_squeeze %swap3A_749 : memref<1x80xi32, #tpu.memory_space<vmem>> -> memref<80xi32, #tpu.memory_space<vmem>>
      %swap3A_751 = arith.constant 48 : index
      %swap3A_752 = tpu.vector_load %swap3A_750[%swap3A_751] {strides = array<i32>} : memref<80xi32, #tpu.memory_space<vmem>>, vector<16xi32>,
      %swap3A_753 = vector.shape_cast %swap3A_752 : vector<16xi32> to vector<16xi32>
      %swap3A_754 = vector.shape_cast %get3A_746 : vector<16xi32> to vector<16xi32>
      tpu.vector_store %swap3A_750[%swap3A_751], %swap3A_754 {strides = array<i32>} : memref<80xi32, #tpu.memory_space<vmem>>, vector<16xi32>,
      %get3A_755 = arith.constant 2 : i32
      %get3A_756 = arith.constant 1 : i32
      %get3A_757 = arith.constant 0 : i32
      %get3A_758 = tpu.memref_slice %arg12[%get3A_755, %get3A_756, %get3A_757] : memref<3x2x80xi32, #tpu.memory_space<vmem>> -> memref<1x1x80xi32, #tpu.memory_space<vmem>>
      %get3A_759 = tpu.memref_squeeze %get3A_758 : memref<1x1x80xi32, #tpu.memory_space<vmem>> -> memref<80xi32, #tpu.memory_space<vmem>>
      %get3A_760 = arith.constant 64 : index
      %get3A_761 = tpu.vector_load %get3A_759[%get3A_760] {strides = array<i32>} : memref<80xi32, #tpu.memory_space<vmem>>, vector<16xi32>,
      %get3A_762 = vector.shape_cast %get3A_761 : vector<16xi32> to vector<16xi32>
      %swap3A_763 = arith.constant 2 : i32
      %swap3A_764 = arith.constant 0 : i32
      %swap3A_765 = tpu.memref_slice %arg13[%swap3A_763, %swap3A_764] : memref<3x80xi32, #tpu.memory_space<vmem>> -> memref<1x80xi32, #tpu.memory_space<vmem>>
      %swap3A_766 = tpu.memref_squeeze %swap3A_765 : memref<1x80xi32, #tpu.memory_space<vmem>> -> memref<80xi32, #tpu.memory_space<vmem>>
      %swap3A_767 = arith.constant 64 : index
      %swap3A_768 = tpu.vector_load %swap3A_766[%swap3A_767] {strides = array<i32>} : memref<80xi32, #tpu.memory_space<vmem>>, vector<16xi32>,
      %swap3A_769 = vector.shape_cast %swap3A_768 : vector<16xi32> to vector<16xi32>
      %swap3A_770 = vector.shape_cast %get3A_762 : vector<16xi32> to vector<16xi32>
      tpu.vector_store %swap3A_766[%swap3A_767], %swap3A_770 {strides = array<i32>} : memref<80xi32, #tpu.memory_space<vmem>>, vector<16xi32>,
      %add3A_771 = arith.constant 3 : i32
      %add3A_772 = arith.addi %add3A_642, %add3A_771 : i32
      %lt3A_773 = arith.constant 129 : i32
      %lt3A_774 = arith.cmpi slt, %add3A_772, %lt3A_773 : i32
      %convert_element_type3A_775 = arith.extui %lt3A_774 : i1 to i32
      %cond3A_776 = arith.constant 0 : i32
      %cond3A_777 = arith.cmpi ne, %convert_element_type3A_775, %cond3A_776 : i32
      scf.if %cond3A_777 {
        %add3A_818 = arith.constant 3 : i32
        %add3A_819 = arith.addi %add3A_642, %add3A_818 : i32
        %mul3A_820 = arith.constant 80 : i32
        %mul3A_821 = arith.muli %add3A_819, %mul3A_820 : i32
        %add3A_822 = arith.addi %mul3A_6, %mul3A_821 : i32
        %dma_start3A_823 = arith.constant 2 : i32
        %dma_start3A_824 = arith.constant 2 : i32
        %dma_start3A_825 = arith.constant 0 : i32
        %dma_start3A_826 = arith.constant 0 : i32
        %dma_start3A_827 = tpu.memref_slice %arg12[%dma_start3A_823, %dma_start3A_825, %dma_start3A_826] : memref<3x2x80xi32, #tpu.memory_space<vmem>> -> memref<1x2x80xi32, #tpu.memory_space<vmem>>
        %dma_start3A_828 = tpu.memref_squeeze %dma_start3A_827 : memref<1x2x80xi32, #tpu.memory_space<vmem>> -> memref<2x80xi32, #tpu.memory_space<vmem>>
        %dma_start3A_829 = arith.constant 0 : i32
        %dma_start3A_830 = tpu.memref_slice %arg5[%dma_start3A_829, %add3A_822] : memref<2x330240xi32, #tpu.memory_space<hbm>> -> memref<2x80xi32, #tpu.memory_space<hbm>>
        %dma_start3A_831 = tpu.memref_slice %arg17[%dma_start3A_824] : memref<3x!tpu.dma_semaphore, #tpu.memory_space<semaphore_mem>> -> memref<1x!tpu.dma_semaphore, #tpu.memory_space<semaphore_mem>>
        %dma_start3A_832 = tpu.memref_squeeze %dma_start3A_831 : memref<1x!tpu.dma_semaphore, #tpu.memory_space<semaphore_mem>> -> memref<!tpu.dma_semaphore, #tpu.memory_space<semaphore_mem>>
        %dma_start3A_833 = arith.constant 0 : i32
        %dma_start3A_834 = arith.constant 0 : i32
        %dma_start3A_835 = tpu.memref_slice %arg12[%dma_start3A_823, %dma_start3A_833, %dma_start3A_834] : memref<3x2x80xi32, #tpu.memory_space<vmem>> -> memref<1x2x80xi32, #tpu.memory_space<vmem>>
        %dma_start3A_836 = tpu.memref_squeeze %dma_start3A_835 : memref<1x2x80xi32, #tpu.memory_space<vmem>> -> memref<2x80xi32, #tpu.memory_space<vmem>>
        %dma_start3A_837 = arith.constant 0 : i32
        %dma_start3A_838 = tpu.memref_slice %arg5[%dma_start3A_837, %add3A_822] : memref<2x330240xi32, #tpu.memory_space<hbm>> -> memref<2x80xi32, #tpu.memory_space<hbm>>
        tpu.enqueue_dma source(%dma_start3A_838 : memref<2x80xi32, #tpu.memory_space<hbm>>) target(%dma_start3A_836 : memref<2x80xi32, #tpu.memory_space<vmem>>) target_semaphore(%dma_start3A_832 : memref<!tpu.dma_semaphore, #tpu.memory_space<semaphore_mem>>)
      } else {
      }
      %add3A_778 = arith.constant 2 : i32
      %add3A_779 = arith.addi %add3A_642, %add3A_778 : i32
      %lt3A_780 = arith.constant 129 : i32
      %lt3A_781 = arith.cmpi slt, %add3A_779, %lt3A_780 : i32
      %convert_element_type3A_782 = arith.extui %lt3A_781 : i1 to i32
      %cond3A_783 = arith.constant 0 : i32
      %cond3A_784 = arith.cmpi ne, %convert_element_type3A_782, %cond3A_783 : i32
      scf.if %cond3A_784 {
        %ge3A = arith.constant 1 : i32
        %ge3A_818 = arith.cmpi sge, %add3A_642, %ge3A : i32
        %convert_element_type3A_819 = arith.extui %ge3A_818 : i1 to i32
        %cond3A_820 = arith.constant 0 : i32
        %cond3A_821 = arith.cmpi ne, %convert_element_type3A_819, %cond3A_820 : i32
        scf.if %cond3A_821 {
          %dma_wait3A_888 = arith.constant 1 : i32
          %dma_wait3A_889 = arith.constant 1 : i32
          %dma_wait3A_890 = arith.constant 1 : i32
          %dma_wait3A_891 = arith.constant 0 : i32
          %dma_wait3A_892 = arith.constant 0 : i32
          %dma_wait3A_893 = tpu.memref_slice %arg15[%dma_wait3A_888, %dma_wait3A_891, %dma_wait3A_892] : memref<3x80x16xf32, #tpu.memory_space<vmem>> -> memref<1x80x16xf32, #tpu.memory_space<vmem>>
          %dma_wait3A_894 = tpu.memref_squeeze %dma_wait3A_893 : memref<1x80x16xf32, #tpu.memory_space<vmem>> -> memref<80x16xf32, #tpu.memory_space<vmem>>
          %dma_wait3A_895 = arith.constant 0 : i32
          %dma_wait3A_896 = tpu.memref_slice %arg13[%dma_wait3A_889, %dma_wait3A_895] : memref<3x80xi32, #tpu.memory_space<vmem>> -> memref<1x80xi32, #tpu.memory_space<vmem>>
          %dma_wait3A_897 = tpu.memref_squeeze %dma_wait3A_896 : memref<1x80xi32, #tpu.memory_space<vmem>> -> memref<80xi32, #tpu.memory_space<vmem>>
          %dma_wait3A_898 = arith.constant 0 : i32
          %dma_wait3A_899 = arith.constant 0 : i32
          %dma_wait3A_900 = tpu.memref_slice %arg11[%dma_wait3A_898, %dma_wait3A_899] : memref<10016x16xf32, #tpu.memory_space<vmem_shared>> -> memref<10016x16xf32, #tpu.memory_space<vmem_shared>>
          %dma_wait3A_901 = tpu.memref_slice %arg22[%dma_wait3A_890] : memref<3x!tpu.dma_semaphore, #tpu.memory_space<semaphore_mem>> -> memref<1x!tpu.dma_semaphore, #tpu.memory_space<semaphore_mem>>
          %dma_wait3A_902 = tpu.memref_squeeze %dma_wait3A_901 : memref<1x!tpu.dma_semaphore, #tpu.memory_space<semaphore_mem>> -> memref<!tpu.dma_semaphore, #tpu.memory_space<semaphore_mem>>
          tpu.wait_indirect_dma semaphore(%dma_wait3A_902 : memref<!tpu.dma_semaphore, #tpu.memory_space<semaphore_mem>>) src(%dma_wait3A_894 : memref<80x16xf32, #tpu.memory_space<vmem>>) dst(%dma_wait3A_900 : memref<10016x16xf32, #tpu.memory_space<vmem_shared>>)
          %dma_wait3A_903 = arith.constant 1 : i32
          %dma_wait3A_904 = arith.constant 1 : i32
          %dma_wait3A_905 = arith.constant 1 : i32
          %dma_wait3A_906 = arith.constant 0 : i32
          %dma_wait3A_907 = arith.constant 0 : i32
          %dma_wait3A_908 = tpu.memref_slice %arg14[%dma_wait3A_903, %dma_wait3A_906, %dma_wait3A_907] : memref<3x80x128xf32, #tpu.memory_space<vmem>> -> memref<1x80x128xf32, #tpu.memory_space<vmem>>
          %dma_wait3A_909 = tpu.memref_squeeze %dma_wait3A_908 : memref<1x80x128xf32, #tpu.memory_space<vmem>> -> memref<80x128xf32, #tpu.memory_space<vmem>>
          %dma_wait3A_910 = arith.constant 0 : i32
          %dma_wait3A_911 = tpu.memref_slice %arg13[%dma_wait3A_904, %dma_wait3A_910] : memref<3x80xi32, #tpu.memory_space<vmem>> -> memref<1x80xi32, #tpu.memory_space<vmem>>
          %dma_wait3A_912 = tpu.memref_squeeze %dma_wait3A_911 : memref<1x80xi32, #tpu.memory_space<vmem>> -> memref<80xi32, #tpu.memory_space<vmem>>
          %dma_wait3A_913 = arith.constant 0 : i32
          %dma_wait3A_914 = arith.constant 0 : i32
          %dma_wait3A_915 = tpu.memref_slice %arg10[%dma_wait3A_913, %dma_wait3A_914] : memref<10016x128xf32, #tpu.memory_space<vmem_shared>> -> memref<10016x128xf32, #tpu.memory_space<vmem_shared>>
          %dma_wait3A_916 = tpu.memref_slice %arg21[%dma_wait3A_905] : memref<3x!tpu.dma_semaphore, #tpu.memory_space<semaphore_mem>> -> memref<1x!tpu.dma_semaphore, #tpu.memory_space<semaphore_mem>>
          %dma_wait3A_917 = tpu.memref_squeeze %dma_wait3A_916 : memref<1x!tpu.dma_semaphore, #tpu.memory_space<semaphore_mem>> -> memref<!tpu.dma_semaphore, #tpu.memory_space<semaphore_mem>>
          tpu.wait_indirect_dma semaphore(%dma_wait3A_917 : memref<!tpu.dma_semaphore, #tpu.memory_space<semaphore_mem>>) src(%dma_wait3A_909 : memref<80x128xf32, #tpu.memory_space<vmem>>) dst(%dma_wait3A_915 : memref<10016x128xf32, #tpu.memory_space<vmem_shared>>)
        } else {
        }
        %dma_wait3A_822 = arith.constant 1 : i32
        %dma_wait3A_823 = arith.constant 1 : i32
        %dma_wait3A_824 = arith.constant 0 : i32
        %dma_wait3A_825 = arith.constant 0 : i32
        %dma_wait3A_826 = tpu.memref_slice %arg12[%dma_wait3A_822, %dma_wait3A_824, %dma_wait3A_825] : memref<3x2x80xi32, #tpu.memory_space<vmem>> -> memref<1x2x80xi32, #tpu.memory_space<vmem>>
        %dma_wait3A_827 = tpu.memref_squeeze %dma_wait3A_826 : memref<1x2x80xi32, #tpu.memory_space<vmem>> -> memref<2x80xi32, #tpu.memory_space<vmem>>
        %dma_wait3A_828 = arith.constant 0 : i32
        %dma_wait3A_829 = arith.constant 0 : i32
        %dma_wait3A_830 = tpu.memref_slice %arg5[%dma_wait3A_828, %dma_wait3A_829] : memref<2x330240xi32, #tpu.memory_space<hbm>> -> memref<2x80xi32, #tpu.memory_space<hbm>>
        %dma_wait3A_831 = tpu.memref_slice %arg17[%dma_wait3A_823] : memref<3x!tpu.dma_semaphore, #tpu.memory_space<semaphore_mem>> -> memref<1x!tpu.dma_semaphore, #tpu.memory_space<semaphore_mem>>
        %dma_wait3A_832 = tpu.memref_squeeze %dma_wait3A_831 : memref<1x!tpu.dma_semaphore, #tpu.memory_space<semaphore_mem>> -> memref<!tpu.dma_semaphore, #tpu.memory_space<semaphore_mem>>
        %dma_wait3A_833 = arith.constant 0 : i32
        %dma_wait3A_834 = arith.constant 0 : i32
        %dma_wait3A_835 = tpu.memref_slice %arg12[%dma_wait3A_822, %dma_wait3A_833, %dma_wait3A_834] : memref<3x2x80xi32, #tpu.memory_space<vmem>> -> memref<1x2x80xi32, #tpu.memory_space<vmem>>
        %dma_wait3A_836 = tpu.memref_squeeze %dma_wait3A_835 : memref<1x2x80xi32, #tpu.memory_space<vmem>> -> memref<2x80xi32, #tpu.memory_space<vmem>>
        %dma_wait3A_837 = arith.constant 0 : i32
        %dma_wait3A_838 = arith.constant 0 : i32
        %dma_wait3A_839 = tpu.memref_slice %arg5[%dma_wait3A_837, %dma_wait3A_838] : memref<2x330240xi32, #tpu.memory_space<hbm>> -> memref<2x80xi32, #tpu.memory_space<hbm>>
        tpu.wait_dma2 semaphore(%dma_wait3A_832 : memref<!tpu.dma_semaphore, #tpu.memory_space<semaphore_mem>>) src(%dma_wait3A_839 : memref<2x80xi32, #tpu.memory_space<hbm>>) dst(%dma_wait3A_836 : memref<2x80xi32, #tpu.memory_space<vmem>>)
        %dma_start3A_840 = arith.constant 1 : i32
        %dma_start3A_841 = arith.constant 0 : i32
        %dma_start3A_842 = arith.constant 1 : i32
        %dma_start3A_843 = arith.constant 1 : i32
        %dma_start3A_844 = arith.constant 0 : i32
        %dma_start3A_845 = arith.constant 0 : i32
        %dma_start3A_846 = tpu.memref_slice %arg14[%dma_start3A_842, %dma_start3A_844, %dma_start3A_845] : memref<3x80x128xf32, #tpu.memory_space<vmem>> -> memref<1x80x128xf32, #tpu.memory_space<vmem>>
        %dma_start3A_847 = tpu.memref_squeeze %dma_start3A_846 : memref<1x80x128xf32, #tpu.memory_space<vmem>> -> memref<80x128xf32, #tpu.memory_space<vmem>>
        %dma_start3A_848 = arith.constant 0 : i32
        %dma_start3A_849 = tpu.memref_slice %arg12[%dma_start3A_840, %dma_start3A_841, %dma_start3A_848] : memref<3x2x80xi32, #tpu.memory_space<vmem>> -> memref<1x1x80xi32, #tpu.memory_space<vmem>>
        %dma_start3A_850 = tpu.memref_squeeze %dma_start3A_849 : memref<1x1x80xi32, #tpu.memory_space<vmem>> -> memref<80xi32, #tpu.memory_space<vmem>>
        %dma_start3A_851 = arith.constant 0 : i32
        %dma_start3A_852 = arith.constant 0 : i32
        %dma_start3A_853 = tpu.memref_slice %arg2[%dma_start3A_851, %dma_start3A_852] : memref<10000x128xf32, #tpu.memory_space<hbm>> -> memref<10000x128xf32, #tpu.memory_space<hbm>>
        %dma_start3A_854 = tpu.memref_slice %arg18[%dma_start3A_843] : memref<3x!tpu.dma_semaphore, #tpu.memory_space<semaphore_mem>> -> memref<1x!tpu.dma_semaphore, #tpu.memory_space<semaphore_mem>>
        %dma_start3A_855 = tpu.memref_squeeze %dma_start3A_854 : memref<1x!tpu.dma_semaphore, #tpu.memory_space<semaphore_mem>> -> memref<!tpu.dma_semaphore, #tpu.memory_space<semaphore_mem>>
        tpu.enqueue_indirect_dma source(%dma_start3A_853 : memref<10000x128xf32, #tpu.memory_space<hbm>>) target(%dma_start3A_847 : memref<80x128xf32, #tpu.memory_space<vmem>>) offsets(%dma_start3A_850 : memref<80xi32, #tpu.memory_space<vmem>>) semaphore(%dma_start3A_855 : memref<!tpu.dma_semaphore, #tpu.memory_space<semaphore_mem>>)
        %dma_start3A_856 = arith.constant 1 : i32
        %dma_start3A_857 = arith.constant 0 : i32
        %dma_start3A_858 = arith.constant 1 : i32
        %dma_start3A_859 = arith.constant 1 : i32
        %dma_start3A_860 = arith.constant 0 : i32
        %dma_start3A_861 = arith.constant 0 : i32
        %dma_start3A_862 = tpu.memref_slice %arg15[%dma_start3A_858, %dma_start3A_860, %dma_start3A_861] : memref<3x80x16xf32, #tpu.memory_space<vmem>> -> memref<1x80x16xf32, #tpu.memory_space<vmem>>
        %dma_start3A_863 = tpu.memref_squeeze %dma_start3A_862 : memref<1x80x16xf32, #tpu.memory_space<vmem>> -> memref<80x16xf32, #tpu.memory_space<vmem>>
        %dma_start3A_864 = arith.constant 0 : i32
        %dma_start3A_865 = tpu.memref_slice %arg12[%dma_start3A_856, %dma_start3A_857, %dma_start3A_864] : memref<3x2x80xi32, #tpu.memory_space<vmem>> -> memref<1x1x80xi32, #tpu.memory_space<vmem>>
        %dma_start3A_866 = tpu.memref_squeeze %dma_start3A_865 : memref<1x1x80xi32, #tpu.memory_space<vmem>> -> memref<80xi32, #tpu.memory_space<vmem>>
        %dma_start3A_867 = arith.constant 0 : i32
        %dma_start3A_868 = arith.constant 0 : i32
        %dma_start3A_869 = tpu.memref_slice %arg3[%dma_start3A_867, %dma_start3A_868] : memref<10000x16xf32, #tpu.memory_space<hbm>> -> memref<10000x16xf32, #tpu.memory_space<hbm>>
        %dma_start3A_870 = tpu.memref_slice %arg19[%dma_start3A_859] : memref<3x!tpu.dma_semaphore, #tpu.memory_space<semaphore_mem>> -> memref<1x!tpu.dma_semaphore, #tpu.memory_space<semaphore_mem>>
        %dma_start3A_871 = tpu.memref_squeeze %dma_start3A_870 : memref<1x!tpu.dma_semaphore, #tpu.memory_space<semaphore_mem>> -> memref<!tpu.dma_semaphore, #tpu.memory_space<semaphore_mem>>
        tpu.enqueue_indirect_dma source(%dma_start3A_869 : memref<10000x16xf32, #tpu.memory_space<hbm>>) target(%dma_start3A_863 : memref<80x16xf32, #tpu.memory_space<vmem>>) offsets(%dma_start3A_866 : memref<80xi32, #tpu.memory_space<vmem>>) semaphore(%dma_start3A_871 : memref<!tpu.dma_semaphore, #tpu.memory_space<semaphore_mem>>)
        %dma_start3A_872 = arith.constant 1 : i32
        %dma_start3A_873 = arith.constant 1 : i32
        %dma_start3A_874 = arith.constant 1 : i32
        %dma_start3A_875 = arith.constant 1 : i32
        %dma_start3A_876 = arith.constant 0 : i32
        %dma_start3A_877 = arith.constant 0 : i32
        %dma_start3A_878 = tpu.memref_slice %arg16[%dma_start3A_874, %dma_start3A_876, %dma_start3A_877] : memref<3x80x16xf32, #tpu.memory_space<vmem>> -> memref<1x80x16xf32, #tpu.memory_space<vmem>>
        %dma_start3A_879 = tpu.memref_squeeze %dma_start3A_878 : memref<1x80x16xf32, #tpu.memory_space<vmem>> -> memref<80x16xf32, #tpu.memory_space<vmem>>
        %dma_start3A_880 = arith.constant 0 : i32
        %dma_start3A_881 = tpu.memref_slice %arg12[%dma_start3A_872, %dma_start3A_873, %dma_start3A_880] : memref<3x2x80xi32, #tpu.memory_space<vmem>> -> memref<1x1x80xi32, #tpu.memory_space<vmem>>
        %dma_start3A_882 = tpu.memref_squeeze %dma_start3A_881 : memref<1x1x80xi32, #tpu.memory_space<vmem>> -> memref<80xi32, #tpu.memory_space<vmem>>
        %dma_start3A_883 = arith.constant 0 : i32
        %dma_start3A_884 = arith.constant 0 : i32
        %dma_start3A_885 = tpu.memref_slice %arg4[%dma_start3A_883, %dma_start3A_884] : memref<10000x16xf32, #tpu.memory_space<hbm>> -> memref<10000x16xf32, #tpu.memory_space<hbm>>
        %dma_start3A_886 = tpu.memref_slice %arg20[%dma_start3A_875] : memref<3x!tpu.dma_semaphore, #tpu.memory_space<semaphore_mem>> -> memref<1x!tpu.dma_semaphore, #tpu.memory_space<semaphore_mem>>
        %dma_start3A_887 = tpu.memref_squeeze %dma_start3A_886 : memref<1x!tpu.dma_semaphore, #tpu.memory_space<semaphore_mem>> -> memref<!tpu.dma_semaphore, #tpu.memory_space<semaphore_mem>>
        tpu.enqueue_indirect_dma source(%dma_start3A_885 : memref<10000x16xf32, #tpu.memory_space<hbm>>) target(%dma_start3A_879 : memref<80x16xf32, #tpu.memory_space<vmem>>) offsets(%dma_start3A_882 : memref<80xi32, #tpu.memory_space<vmem>>) semaphore(%dma_start3A_887 : memref<!tpu.dma_semaphore, #tpu.memory_space<semaphore_mem>>)
      } else {
      }
      %parallel_loop3A_785 = arith.constant 0 : i32
      %parallel_loop3A_786 = arith.constant 80 : i32
      %parallel_loop3A_787 = arith.constant 1 : i32
      scf.for %parallel_loop3A_818 = %parallel_loop3A_785 to %parallel_loop3A_786 step %parallel_loop3A_787  : i32 {
        %parallel_loop3A_819 = arith.constant 2 : i32
        %parallel_loop3A_820 = arith.constant 0 : i32
        %parallel_loop3A_821 = arith.constant 0 : i32
        %parallel_loop3A_822 = tpu.memref_slice %arg15[%parallel_loop3A_819, %parallel_loop3A_820, %parallel_loop3A_821] : memref<3x80x16xf32, #tpu.memory_space<vmem>> -> memref<1x80x16xf32, #tpu.memory_space<vmem>>
        %parallel_loop3A_823 = tpu.memref_squeeze %parallel_loop3A_822 : memref<1x80x16xf32, #tpu.memory_space<vmem>> -> memref<80x16xf32, #tpu.memory_space<vmem>>
        %parallel_loop3A_824 = arith.index_cast %parallel_loop3A_818 : i32 to index
        %parallel_loop3A_825 = arith.constant 0 : index
        %parallel_loop3A_826 = tpu.vector_load %parallel_loop3A_823[%parallel_loop3A_824, %parallel_loop3A_825] {strides = array<i32>} : memref<80x16xf32, #tpu.memory_space<vmem>>, vector<1x16xf32>,
        %parallel_loop3A_827 = vector.shape_cast %parallel_loop3A_826 : vector<1x16xf32> to vector<16xf32>
        %parallel_loop3A_828 = arith.constant 2 : i32
        %parallel_loop3A_829 = arith.constant 0 : i32
        %parallel_loop3A_830 = arith.constant 0 : i32
        %parallel_loop3A_831 = tpu.memref_slice %arg16[%parallel_loop3A_828, %parallel_loop3A_829, %parallel_loop3A_830] : memref<3x80x16xf32, #tpu.memory_space<vmem>> -> memref<1x80x16xf32, #tpu.memory_space<vmem>>
        %parallel_loop3A_832 = tpu.memref_squeeze %parallel_loop3A_831 : memref<1x80x16xf32, #tpu.memory_space<vmem>> -> memref<80x16xf32, #tpu.memory_space<vmem>>
        %parallel_loop3A_833 = arith.index_cast %parallel_loop3A_818 : i32 to index
        %parallel_loop3A_834 = arith.constant 0 : index
        %parallel_loop3A_835 = tpu.vector_load %parallel_loop3A_832[%parallel_loop3A_833, %parallel_loop3A_834] {strides = array<i32>} : memref<80x16xf32, #tpu.memory_space<vmem>>, vector<1x16xf32>,
        %parallel_loop3A_836 = vector.shape_cast %parallel_loop3A_835 : vector<1x16xf32> to vector<16xf32>
        %parallel_loop3A_837 = arith.addf %parallel_loop3A_827, %parallel_loop3A_836 : vector<16xf32>
        %parallel_loop3A_838 = arith.constant 2.000000e-01 : f32
        %parallel_loop3A_839 = vector.broadcast %parallel_loop3A_838 : f32 to vector<16xf32>
        %parallel_loop3A_840 = arith.mulf %parallel_loop3A_839, %parallel_loop3A_837 : vector<16xf32>
        %parallel_loop3A_841 = arith.maximumf %parallel_loop3A_837, %parallel_loop3A_840 : vector<16xf32>
        %parallel_loop3A_842 = math.exp %parallel_loop3A_841 : vector<16xf32>
        %parallel_loop3A_843 = arith.constant 2 : i32
        %parallel_loop3A_844 = arith.constant 0 : i32
        %parallel_loop3A_845 = arith.constant 0 : i32
        %parallel_loop3A_846 = tpu.memref_slice %arg15[%parallel_loop3A_843, %parallel_loop3A_844, %parallel_loop3A_845] : memref<3x80x16xf32, #tpu.memory_space<vmem>> -> memref<1x80x16xf32, #tpu.memory_space<vmem>>
        %parallel_loop3A_847 = tpu.memref_squeeze %parallel_loop3A_846 : memref<1x80x16xf32, #tpu.memory_space<vmem>> -> memref<80x16xf32, #tpu.memory_space<vmem>>
        %parallel_loop3A_848 = arith.index_cast %parallel_loop3A_818 : i32 to index
        %parallel_loop3A_849 = arith.constant 0 : index
        %parallel_loop3A_850 = tpu.vector_load %parallel_loop3A_847[%parallel_loop3A_848, %parallel_loop3A_849] {strides = array<i32>} : memref<80x16xf32, #tpu.memory_space<vmem>>, vector<1x16xf32>,
        %parallel_loop3A_851 = vector.shape_cast %parallel_loop3A_850 : vector<1x16xf32> to vector<16xf32>
        %parallel_loop3A_852 = vector.shape_cast %parallel_loop3A_842 : vector<16xf32> to vector<1x16xf32>
        tpu.vector_store %parallel_loop3A_847[%parallel_loop3A_848, %parallel_loop3A_849], %parallel_loop3A_852 {strides = array<i32>} : memref<80x16xf32, #tpu.memory_space<vmem>>, vector<1x16xf32>,
        %parallel_loop3A_853 = arith.constant 2 : i32
        %parallel_loop3A_854 = arith.constant 0 : i32
        %parallel_loop3A_855 = arith.constant 0 : i32
        %parallel_loop3A_856 = tpu.memref_slice %arg14[%parallel_loop3A_853, %parallel_loop3A_854, %parallel_loop3A_855] : memref<3x80x128xf32, #tpu.memory_space<vmem>> -> memref<1x80x128xf32, #tpu.memory_space<vmem>>
        %parallel_loop3A_857 = tpu.memref_squeeze %parallel_loop3A_856 : memref<1x80x128xf32, #tpu.memory_space<vmem>> -> memref<80x128xf32, #tpu.memory_space<vmem>>
        %parallel_loop3A_858 = arith.index_cast %parallel_loop3A_818 : i32 to index
        %parallel_loop3A_859 = arith.constant 0 : index
        %parallel_loop3A_860 = tpu.vector_load %parallel_loop3A_857[%parallel_loop3A_858, %parallel_loop3A_859] {strides = array<i32>} : memref<80x128xf32, #tpu.memory_space<vmem>>, vector<1x16xf32>,
        %parallel_loop3A_861 = vector.shape_cast %parallel_loop3A_860 : vector<1x16xf32> to vector<16xf32>
        %parallel_loop3A_862 = arith.constant 0 : i32
        %parallel_loop3A_863 = vector.broadcast %parallel_loop3A_862 : i32 to vector<16x1xi32>
        %parallel_loop3A_864 = vector.shape_cast %parallel_loop3A_863 : vector<16x1xi32> to vector<16xi32>
        %parallel_loop3A_865 = tpu.dynamic_gather %parallel_loop3A_842[%parallel_loop3A_864] in [0] : vector<16xf32>, vector<16xi32> -> vector<16xf32>
        %parallel_loop3A_866 = arith.mulf %parallel_loop3A_861, %parallel_loop3A_865 : vector<16xf32>
        %parallel_loop3A_867 = arith.constant 2 : i32
        %parallel_loop3A_868 = arith.constant 0 : i32
        %parallel_loop3A_869 = arith.constant 0 : i32
        %parallel_loop3A_870 = tpu.memref_slice %arg14[%parallel_loop3A_867, %parallel_loop3A_868, %parallel_loop3A_869] : memref<3x80x128xf32, #tpu.memory_space<vmem>> -> memref<1x80x128xf32, #tpu.memory_space<vmem>>
        %parallel_loop3A_871 = tpu.memref_squeeze %parallel_loop3A_870 : memref<1x80x128xf32, #tpu.memory_space<vmem>> -> memref<80x128xf32, #tpu.memory_space<vmem>>
        %parallel_loop3A_872 = arith.index_cast %parallel_loop3A_818 : i32 to index
        %parallel_loop3A_873 = arith.constant 0 : index
        %parallel_loop3A_874 = tpu.vector_load %parallel_loop3A_871[%parallel_loop3A_872, %parallel_loop3A_873] {strides = array<i32>} : memref<80x128xf32, #tpu.memory_space<vmem>>, vector<1x16xf32>,
        %parallel_loop3A_875 = vector.shape_cast %parallel_loop3A_874 : vector<1x16xf32> to vector<16xf32>
        %parallel_loop3A_876 = vector.shape_cast %parallel_loop3A_866 : vector<16xf32> to vector<1x16xf32>
        tpu.vector_store %parallel_loop3A_871[%parallel_loop3A_872, %parallel_loop3A_873], %parallel_loop3A_876 {strides = array<i32>} : memref<80x128xf32, #tpu.memory_space<vmem>>, vector<1x16xf32>,
        %parallel_loop3A_877 = arith.constant 2 : i32
        %parallel_loop3A_878 = arith.constant 0 : i32
        %parallel_loop3A_879 = arith.constant 0 : i32
        %parallel_loop3A_880 = tpu.memref_slice %arg14[%parallel_loop3A_877, %parallel_loop3A_878, %parallel_loop3A_879] : memref<3x80x128xf32, #tpu.memory_space<vmem>> -> memref<1x80x128xf32, #tpu.memory_space<vmem>>
        %parallel_loop3A_881 = tpu.memref_squeeze %parallel_loop3A_880 : memref<1x80x128xf32, #tpu.memory_space<vmem>> -> memref<80x128xf32, #tpu.memory_space<vmem>>
        %parallel_loop3A_882 = arith.index_cast %parallel_loop3A_818 : i32 to index
        %parallel_loop3A_883 = arith.constant 16 : index
        %parallel_loop3A_884 = tpu.vector_load %parallel_loop3A_881[%parallel_loop3A_882, %parallel_loop3A_883] {strides = array<i32>} : memref<80x128xf32, #tpu.memory_space<vmem>>, vector<1x16xf32>,
        %parallel_loop3A_885 = vector.shape_cast %parallel_loop3A_884 : vector<1x16xf32> to vector<16xf32>
        %parallel_loop3A_886 = arith.constant 1 : i32
        %parallel_loop3A_887 = vector.broadcast %parallel_loop3A_886 : i32 to vector<16x1xi32>
        %parallel_loop3A_888 = vector.shape_cast %parallel_loop3A_887 : vector<16x1xi32> to vector<16xi32>
        %parallel_loop3A_889 = tpu.dynamic_gather %parallel_loop3A_842[%parallel_loop3A_888] in [0] : vector<16xf32>, vector<16xi32> -> vector<16xf32>
        %parallel_loop3A_890 = arith.mulf %parallel_loop3A_885, %parallel_loop3A_889 : vector<16xf32>
        %parallel_loop3A_891 = arith.constant 2 : i32
        %parallel_loop3A_892 = arith.constant 0 : i32
        %parallel_loop3A_893 = arith.constant 0 : i32
        %parallel_loop3A_894 = tpu.memref_slice %arg14[%parallel_loop3A_891, %parallel_loop3A_892, %parallel_loop3A_893] : memref<3x80x128xf32, #tpu.memory_space<vmem>> -> memref<1x80x128xf32, #tpu.memory_space<vmem>>
        %parallel_loop3A_895 = tpu.memref_squeeze %parallel_loop3A_894 : memref<1x80x128xf32, #tpu.memory_space<vmem>> -> memref<80x128xf32, #tpu.memory_space<vmem>>
        %parallel_loop3A_896 = arith.index_cast %parallel_loop3A_818 : i32 to index
        %parallel_loop3A_897 = arith.constant 16 : index
        %parallel_loop3A_898 = tpu.vector_load %parallel_loop3A_895[%parallel_loop3A_896, %parallel_loop3A_897] {strides = array<i32>} : memref<80x128xf32, #tpu.memory_space<vmem>>, vector<1x16xf32>,
        %parallel_loop3A_899 = vector.shape_cast %parallel_loop3A_898 : vector<1x16xf32> to vector<16xf32>
        %parallel_loop3A_900 = vector.shape_cast %parallel_loop3A_890 : vector<16xf32> to vector<1x16xf32>
        tpu.vector_store %parallel_loop3A_895[%parallel_loop3A_896, %parallel_loop3A_897], %parallel_loop3A_900 {strides = array<i32>} : memref<80x128xf32, #tpu.memory_space<vmem>>, vector<1x16xf32>,
        %parallel_loop3A_901 = arith.constant 2 : i32
        %parallel_loop3A_902 = arith.constant 0 : i32
        %parallel_loop3A_903 = arith.constant 0 : i32
        %parallel_loop3A_904 = tpu.memref_slice %arg14[%parallel_loop3A_901, %parallel_loop3A_902, %parallel_loop3A_903] : memref<3x80x128xf32, #tpu.memory_space<vmem>> -> memref<1x80x128xf32, #tpu.memory_space<vmem>>
        %parallel_loop3A_905 = tpu.memref_squeeze %parallel_loop3A_904 : memref<1x80x128xf32, #tpu.memory_space<vmem>> -> memref<80x128xf32, #tpu.memory_space<vmem>>
        %parallel_loop3A_906 = arith.index_cast %parallel_loop3A_818 : i32 to index
        %parallel_loop3A_907 = arith.constant 32 : index
        %parallel_loop3A_908 = tpu.vector_load %parallel_loop3A_905[%parallel_loop3A_906, %parallel_loop3A_907] {strides = array<i32>} : memref<80x128xf32, #tpu.memory_space<vmem>>, vector<1x16xf32>,
        %parallel_loop3A_909 = vector.shape_cast %parallel_loop3A_908 : vector<1x16xf32> to vector<16xf32>
        %parallel_loop3A_910 = arith.constant 2 : i32
        %parallel_loop3A_911 = vector.broadcast %parallel_loop3A_910 : i32 to vector<16x1xi32>
        %parallel_loop3A_912 = vector.shape_cast %parallel_loop3A_911 : vector<16x1xi32> to vector<16xi32>
        %parallel_loop3A_913 = tpu.dynamic_gather %parallel_loop3A_842[%parallel_loop3A_912] in [0] : vector<16xf32>, vector<16xi32> -> vector<16xf32>
        %parallel_loop3A_914 = arith.mulf %parallel_loop3A_909, %parallel_loop3A_913 : vector<16xf32>
        %parallel_loop3A_915 = arith.constant 2 : i32
        %parallel_loop3A_916 = arith.constant 0 : i32
        %parallel_loop3A_917 = arith.constant 0 : i32
        %parallel_loop3A_918 = tpu.memref_slice %arg14[%parallel_loop3A_915, %parallel_loop3A_916, %parallel_loop3A_917] : memref<3x80x128xf32, #tpu.memory_space<vmem>> -> memref<1x80x128xf32, #tpu.memory_space<vmem>>
        %parallel_loop3A_919 = tpu.memref_squeeze %parallel_loop3A_918 : memref<1x80x128xf32, #tpu.memory_space<vmem>> -> memref<80x128xf32, #tpu.memory_space<vmem>>
        %parallel_loop3A_920 = arith.index_cast %parallel_loop3A_818 : i32 to index
        %parallel_loop3A_921 = arith.constant 32 : index
        %parallel_loop3A_922 = tpu.vector_load %parallel_loop3A_919[%parallel_loop3A_920, %parallel_loop3A_921] {strides = array<i32>} : memref<80x128xf32, #tpu.memory_space<vmem>>, vector<1x16xf32>,
        %parallel_loop3A_923 = vector.shape_cast %parallel_loop3A_922 : vector<1x16xf32> to vector<16xf32>
        %parallel_loop3A_924 = vector.shape_cast %parallel_loop3A_914 : vector<16xf32> to vector<1x16xf32>
        tpu.vector_store %parallel_loop3A_919[%parallel_loop3A_920, %parallel_loop3A_921], %parallel_loop3A_924 {strides = array<i32>} : memref<80x128xf32, #tpu.memory_space<vmem>>, vector<1x16xf32>,
        %parallel_loop3A_925 = arith.constant 2 : i32
        %parallel_loop3A_926 = arith.constant 0 : i32
        %parallel_loop3A_927 = arith.constant 0 : i32
        %parallel_loop3A_928 = tpu.memref_slice %arg14[%parallel_loop3A_925, %parallel_loop3A_926, %parallel_loop3A_927] : memref<3x80x128xf32, #tpu.memory_space<vmem>> -> memref<1x80x128xf32, #tpu.memory_space<vmem>>
        %parallel_loop3A_929 = tpu.memref_squeeze %parallel_loop3A_928 : memref<1x80x128xf32, #tpu.memory_space<vmem>> -> memref<80x128xf32, #tpu.memory_space<vmem>>
        %parallel_loop3A_930 = arith.index_cast %parallel_loop3A_818 : i32 to index
        %parallel_loop3A_931 = arith.constant 48 : index
        %parallel_loop3A_932 = tpu.vector_load %parallel_loop3A_929[%parallel_loop3A_930, %parallel_loop3A_931] {strides = array<i32>} : memref<80x128xf32, #tpu.memory_space<vmem>>, vector<1x16xf32>,
        %parallel_loop3A_933 = vector.shape_cast %parallel_loop3A_932 : vector<1x16xf32> to vector<16xf32>
        %parallel_loop3A_934 = arith.constant 3 : i32
        %parallel_loop3A_935 = vector.broadcast %parallel_loop3A_934 : i32 to vector<16x1xi32>
        %parallel_loop3A_936 = vector.shape_cast %parallel_loop3A_935 : vector<16x1xi32> to vector<16xi32>
        %parallel_loop3A_937 = tpu.dynamic_gather %parallel_loop3A_842[%parallel_loop3A_936] in [0] : vector<16xf32>, vector<16xi32> -> vector<16xf32>
        %parallel_loop3A_938 = arith.mulf %parallel_loop3A_933, %parallel_loop3A_937 : vector<16xf32>
        %parallel_loop3A_939 = arith.constant 2 : i32
        %parallel_loop3A_940 = arith.constant 0 : i32
        %parallel_loop3A_941 = arith.constant 0 : i32
        %parallel_loop3A_942 = tpu.memref_slice %arg14[%parallel_loop3A_939, %parallel_loop3A_940, %parallel_loop3A_941] : memref<3x80x128xf32, #tpu.memory_space<vmem>> -> memref<1x80x128xf32, #tpu.memory_space<vmem>>
        %parallel_loop3A_943 = tpu.memref_squeeze %parallel_loop3A_942 : memref<1x80x128xf32, #tpu.memory_space<vmem>> -> memref<80x128xf32, #tpu.memory_space<vmem>>
        %parallel_loop3A_944 = arith.index_cast %parallel_loop3A_818 : i32 to index
        %parallel_loop3A_945 = arith.constant 48 : index
        %parallel_loop3A_946 = tpu.vector_load %parallel_loop3A_943[%parallel_loop3A_944, %parallel_loop3A_945] {strides = array<i32>} : memref<80x128xf32, #tpu.memory_space<vmem>>, vector<1x16xf32>,
        %parallel_loop3A_947 = vector.shape_cast %parallel_loop3A_946 : vector<1x16xf32> to vector<16xf32>
        %parallel_loop3A_948 = vector.shape_cast %parallel_loop3A_938 : vector<16xf32> to vector<1x16xf32>
        tpu.vector_store %parallel_loop3A_943[%parallel_loop3A_944, %parallel_loop3A_945], %parallel_loop3A_948 {strides = array<i32>} : memref<80x128xf32, #tpu.memory_space<vmem>>, vector<1x16xf32>,
        %parallel_loop3A_949 = arith.constant 2 : i32
        %parallel_loop3A_950 = arith.constant 0 : i32
        %parallel_loop3A_951 = arith.constant 0 : i32
        %parallel_loop3A_952 = tpu.memref_slice %arg14[%parallel_loop3A_949, %parallel_loop3A_950, %parallel_loop3A_951] : memref<3x80x128xf32, #tpu.memory_space<vmem>> -> memref<1x80x128xf32, #tpu.memory_space<vmem>>
        %parallel_loop3A_953 = tpu.memref_squeeze %parallel_loop3A_952 : memref<1x80x128xf32, #tpu.memory_space<vmem>> -> memref<80x128xf32, #tpu.memory_space<vmem>>
        %parallel_loop3A_954 = arith.index_cast %parallel_loop3A_818 : i32 to index
        %parallel_loop3A_955 = arith.constant 64 : index
        %parallel_loop3A_956 = tpu.vector_load %parallel_loop3A_953[%parallel_loop3A_954, %parallel_loop3A_955] {strides = array<i32>} : memref<80x128xf32, #tpu.memory_space<vmem>>, vector<1x16xf32>,
        %parallel_loop3A_957 = vector.shape_cast %parallel_loop3A_956 : vector<1x16xf32> to vector<16xf32>
        %parallel_loop3A_958 = arith.constant 4 : i32
        %parallel_loop3A_959 = vector.broadcast %parallel_loop3A_958 : i32 to vector<16x1xi32>
        %parallel_loop3A_960 = vector.shape_cast %parallel_loop3A_959 : vector<16x1xi32> to vector<16xi32>
        %parallel_loop3A_961 = tpu.dynamic_gather %parallel_loop3A_842[%parallel_loop3A_960] in [0] : vector<16xf32>, vector<16xi32> -> vector<16xf32>
        %parallel_loop3A_962 = arith.mulf %parallel_loop3A_957, %parallel_loop3A_961 : vector<16xf32>
        %parallel_loop3A_963 = arith.constant 2 : i32
        %parallel_loop3A_964 = arith.constant 0 : i32
        %parallel_loop3A_965 = arith.constant 0 : i32
        %parallel_loop3A_966 = tpu.memref_slice %arg14[%parallel_loop3A_963, %parallel_loop3A_964, %parallel_loop3A_965] : memref<3x80x128xf32, #tpu.memory_space<vmem>> -> memref<1x80x128xf32, #tpu.memory_space<vmem>>
        %parallel_loop3A_967 = tpu.memref_squeeze %parallel_loop3A_966 : memref<1x80x128xf32, #tpu.memory_space<vmem>> -> memref<80x128xf32, #tpu.memory_space<vmem>>
        %parallel_loop3A_968 = arith.index_cast %parallel_loop3A_818 : i32 to index
        %parallel_loop3A_969 = arith.constant 64 : index
        %parallel_loop3A_970 = tpu.vector_load %parallel_loop3A_967[%parallel_loop3A_968, %parallel_loop3A_969] {strides = array<i32>} : memref<80x128xf32, #tpu.memory_space<vmem>>, vector<1x16xf32>,
        %parallel_loop3A_971 = vector.shape_cast %parallel_loop3A_970 : vector<1x16xf32> to vector<16xf32>
        %parallel_loop3A_972 = vector.shape_cast %parallel_loop3A_962 : vector<16xf32> to vector<1x16xf32>
        tpu.vector_store %parallel_loop3A_967[%parallel_loop3A_968, %parallel_loop3A_969], %parallel_loop3A_972 {strides = array<i32>} : memref<80x128xf32, #tpu.memory_space<vmem>>, vector<1x16xf32>,
        %parallel_loop3A_973 = arith.constant 2 : i32
        %parallel_loop3A_974 = arith.constant 0 : i32
        %parallel_loop3A_975 = arith.constant 0 : i32
        %parallel_loop3A_976 = tpu.memref_slice %arg14[%parallel_loop3A_973, %parallel_loop3A_974, %parallel_loop3A_975] : memref<3x80x128xf32, #tpu.memory_space<vmem>> -> memref<1x80x128xf32, #tpu.memory_space<vmem>>
        %parallel_loop3A_977 = tpu.memref_squeeze %parallel_loop3A_976 : memref<1x80x128xf32, #tpu.memory_space<vmem>> -> memref<80x128xf32, #tpu.memory_space<vmem>>
        %parallel_loop3A_978 = arith.index_cast %parallel_loop3A_818 : i32 to index
        %parallel_loop3A_979 = arith.constant 80 : index
        %parallel_loop3A_980 = tpu.vector_load %parallel_loop3A_977[%parallel_loop3A_978, %parallel_loop3A_979] {strides = array<i32>} : memref<80x128xf32, #tpu.memory_space<vmem>>, vector<1x16xf32>,
        %parallel_loop3A_981 = vector.shape_cast %parallel_loop3A_980 : vector<1x16xf32> to vector<16xf32>
        %parallel_loop3A_982 = arith.constant 5 : i32
        %parallel_loop3A_983 = vector.broadcast %parallel_loop3A_982 : i32 to vector<16x1xi32>
        %parallel_loop3A_984 = vector.shape_cast %parallel_loop3A_983 : vector<16x1xi32> to vector<16xi32>
        %parallel_loop3A_985 = tpu.dynamic_gather %parallel_loop3A_842[%parallel_loop3A_984] in [0] : vector<16xf32>, vector<16xi32> -> vector<16xf32>
        %parallel_loop3A_986 = arith.mulf %parallel_loop3A_981, %parallel_loop3A_985 : vector<16xf32>
        %parallel_loop3A_987 = arith.constant 2 : i32
        %parallel_loop3A_988 = arith.constant 0 : i32
        %parallel_loop3A_989 = arith.constant 0 : i32
        %parallel_loop3A_990 = tpu.memref_slice %arg14[%parallel_loop3A_987, %parallel_loop3A_988, %parallel_loop3A_989] : memref<3x80x128xf32, #tpu.memory_space<vmem>> -> memref<1x80x128xf32, #tpu.memory_space<vmem>>
        %parallel_loop3A_991 = tpu.memref_squeeze %parallel_loop3A_990 : memref<1x80x128xf32, #tpu.memory_space<vmem>> -> memref<80x128xf32, #tpu.memory_space<vmem>>
        %parallel_loop3A_992 = arith.index_cast %parallel_loop3A_818 : i32 to index
        %parallel_loop3A_993 = arith.constant 80 : index
        %parallel_loop3A_994 = tpu.vector_load %parallel_loop3A_991[%parallel_loop3A_992, %parallel_loop3A_993] {strides = array<i32>} : memref<80x128xf32, #tpu.memory_space<vmem>>, vector<1x16xf32>,
        %parallel_loop3A_995 = vector.shape_cast %parallel_loop3A_994 : vector<1x16xf32> to vector<16xf32>
        %parallel_loop3A_996 = vector.shape_cast %parallel_loop3A_986 : vector<16xf32> to vector<1x16xf32>
        tpu.vector_store %parallel_loop3A_991[%parallel_loop3A_992, %parallel_loop3A_993], %parallel_loop3A_996 {strides = array<i32>} : memref<80x128xf32, #tpu.memory_space<vmem>>, vector<1x16xf32>,
        %parallel_loop3A_997 = arith.constant 2 : i32
        %parallel_loop3A_998 = arith.constant 0 : i32
        %parallel_loop3A_999 = arith.constant 0 : i32
        %parallel_loop3A_1000 = tpu.memref_slice %arg14[%parallel_loop3A_997, %parallel_loop3A_998, %parallel_loop3A_999] : memref<3x80x128xf32, #tpu.memory_space<vmem>> -> memref<1x80x128xf32, #tpu.memory_space<vmem>>
        %parallel_loop3A_1001 = tpu.memref_squeeze %parallel_loop3A_1000 : memref<1x80x128xf32, #tpu.memory_space<vmem>> -> memref<80x128xf32, #tpu.memory_space<vmem>>
        %parallel_loop3A_1002 = arith.index_cast %parallel_loop3A_818 : i32 to index
        %parallel_loop3A_1003 = arith.constant 96 : index
        %parallel_loop3A_1004 = tpu.vector_load %parallel_loop3A_1001[%parallel_loop3A_1002, %parallel_loop3A_1003] {strides = array<i32>} : memref<80x128xf32, #tpu.memory_space<vmem>>, vector<1x16xf32>,
        %parallel_loop3A_1005 = vector.shape_cast %parallel_loop3A_1004 : vector<1x16xf32> to vector<16xf32>
        %parallel_loop3A_1006 = arith.constant 6 : i32
        %parallel_loop3A_1007 = vector.broadcast %parallel_loop3A_1006 : i32 to vector<16x1xi32>
        %parallel_loop3A_1008 = vector.shape_cast %parallel_loop3A_1007 : vector<16x1xi32> to vector<16xi32>
        %parallel_loop3A_1009 = tpu.dynamic_gather %parallel_loop3A_842[%parallel_loop3A_1008] in [0] : vector<16xf32>, vector<16xi32> -> vector<16xf32>
        %parallel_loop3A_1010 = arith.mulf %parallel_loop3A_1005, %parallel_loop3A_1009 : vector<16xf32>
        %parallel_loop3A_1011 = arith.constant 2 : i32
        %parallel_loop3A_1012 = arith.constant 0 : i32
        %parallel_loop3A_1013 = arith.constant 0 : i32
        %parallel_loop3A_1014 = tpu.memref_slice %arg14[%parallel_loop3A_1011, %parallel_loop3A_1012, %parallel_loop3A_1013] : memref<3x80x128xf32, #tpu.memory_space<vmem>> -> memref<1x80x128xf32, #tpu.memory_space<vmem>>
        %parallel_loop3A_1015 = tpu.memref_squeeze %parallel_loop3A_1014 : memref<1x80x128xf32, #tpu.memory_space<vmem>> -> memref<80x128xf32, #tpu.memory_space<vmem>>
        %parallel_loop3A_1016 = arith.index_cast %parallel_loop3A_818 : i32 to index
        %parallel_loop3A_1017 = arith.constant 96 : index
        %parallel_loop3A_1018 = tpu.vector_load %parallel_loop3A_1015[%parallel_loop3A_1016, %parallel_loop3A_1017] {strides = array<i32>} : memref<80x128xf32, #tpu.memory_space<vmem>>, vector<1x16xf32>,
        %parallel_loop3A_1019 = vector.shape_cast %parallel_loop3A_1018 : vector<1x16xf32> to vector<16xf32>
        %parallel_loop3A_1020 = vector.shape_cast %parallel_loop3A_1010 : vector<16xf32> to vector<1x16xf32>
        tpu.vector_store %parallel_loop3A_1015[%parallel_loop3A_1016, %parallel_loop3A_1017], %parallel_loop3A_1020 {strides = array<i32>} : memref<80x128xf32, #tpu.memory_space<vmem>>, vector<1x16xf32>,
        %parallel_loop3A_1021 = arith.constant 2 : i32
        %parallel_loop3A_1022 = arith.constant 0 : i32
        %parallel_loop3A_1023 = arith.constant 0 : i32
        %parallel_loop3A_1024 = tpu.memref_slice %arg14[%parallel_loop3A_1021, %parallel_loop3A_1022, %parallel_loop3A_1023] : memref<3x80x128xf32, #tpu.memory_space<vmem>> -> memref<1x80x128xf32, #tpu.memory_space<vmem>>
        %parallel_loop3A_1025 = tpu.memref_squeeze %parallel_loop3A_1024 : memref<1x80x128xf32, #tpu.memory_space<vmem>> -> memref<80x128xf32, #tpu.memory_space<vmem>>
        %parallel_loop3A_1026 = arith.index_cast %parallel_loop3A_818 : i32 to index
        %parallel_loop3A_1027 = arith.constant 112 : index
        %parallel_loop3A_1028 = tpu.vector_load %parallel_loop3A_1025[%parallel_loop3A_1026, %parallel_loop3A_1027] {strides = array<i32>} : memref<80x128xf32, #tpu.memory_space<vmem>>, vector<1x16xf32>,
        %parallel_loop3A_1029 = vector.shape_cast %parallel_loop3A_1028 : vector<1x16xf32> to vector<16xf32>
        %parallel_loop3A_1030 = arith.constant 7 : i32
        %parallel_loop3A_1031 = vector.broadcast %parallel_loop3A_1030 : i32 to vector<16x1xi32>
        %parallel_loop3A_1032 = vector.shape_cast %parallel_loop3A_1031 : vector<16x1xi32> to vector<16xi32>
        %parallel_loop3A_1033 = tpu.dynamic_gather %parallel_loop3A_842[%parallel_loop3A_1032] in [0] : vector<16xf32>, vector<16xi32> -> vector<16xf32>
        %parallel_loop3A_1034 = arith.mulf %parallel_loop3A_1029, %parallel_loop3A_1033 : vector<16xf32>
        %parallel_loop3A_1035 = arith.constant 2 : i32
        %parallel_loop3A_1036 = arith.constant 0 : i32
        %parallel_loop3A_1037 = arith.constant 0 : i32
        %parallel_loop3A_1038 = tpu.memref_slice %arg14[%parallel_loop3A_1035, %parallel_loop3A_1036, %parallel_loop3A_1037] : memref<3x80x128xf32, #tpu.memory_space<vmem>> -> memref<1x80x128xf32, #tpu.memory_space<vmem>>
        %parallel_loop3A_1039 = tpu.memref_squeeze %parallel_loop3A_1038 : memref<1x80x128xf32, #tpu.memory_space<vmem>> -> memref<80x128xf32, #tpu.memory_space<vmem>>
        %parallel_loop3A_1040 = arith.index_cast %parallel_loop3A_818 : i32 to index
        %parallel_loop3A_1041 = arith.constant 112 : index
        %parallel_loop3A_1042 = tpu.vector_load %parallel_loop3A_1039[%parallel_loop3A_1040, %parallel_loop3A_1041] {strides = array<i32>} : memref<80x128xf32, #tpu.memory_space<vmem>>, vector<1x16xf32>,
        %parallel_loop3A_1043 = vector.shape_cast %parallel_loop3A_1042 : vector<1x16xf32> to vector<16xf32>
        %parallel_loop3A_1044 = vector.shape_cast %parallel_loop3A_1034 : vector<16xf32> to vector<1x16xf32>
        tpu.vector_store %parallel_loop3A_1039[%parallel_loop3A_1040, %parallel_loop3A_1041], %parallel_loop3A_1044 {strides = array<i32>} : memref<80x128xf32, #tpu.memory_space<vmem>>, vector<1x16xf32>,
      } {sc.loop_unroll_factor = 4 : i64, sc.parallel_access}
      %dma_start3A_788 = arith.constant 2 : i32
      %dma_start3A_789 = arith.constant 2 : i32
      %dma_start3A_790 = arith.constant 2 : i32
      %dma_start3A_791 = arith.constant 0 : i32
      %dma_start3A_792 = arith.constant 0 : i32
      %dma_start3A_793 = tpu.memref_slice %arg15[%dma_start3A_788, %dma_start3A_791, %dma_start3A_792] : memref<3x80x16xf32, #tpu.memory_space<vmem>> -> memref<1x80x16xf32, #tpu.memory_space<vmem>>
      %dma_start3A_794 = tpu.memref_squeeze %dma_start3A_793 : memref<1x80x16xf32, #tpu.memory_space<vmem>> -> memref<80x16xf32, #tpu.memory_space<vmem>>
      %dma_start3A_795 = arith.constant 0 : i32
      %dma_start3A_796 = tpu.memref_slice %arg13[%dma_start3A_789, %dma_start3A_795] : memref<3x80xi32, #tpu.memory_space<vmem>> -> memref<1x80xi32, #tpu.memory_space<vmem>>
      %dma_start3A_797 = tpu.memref_squeeze %dma_start3A_796 : memref<1x80xi32, #tpu.memory_space<vmem>> -> memref<80xi32, #tpu.memory_space<vmem>>
      %dma_start3A_798 = arith.constant 0 : i32
      %dma_start3A_799 = arith.constant 0 : i32
      %dma_start3A_800 = tpu.memref_slice %arg11[%dma_start3A_798, %dma_start3A_799] : memref<10016x16xf32, #tpu.memory_space<vmem_shared>> -> memref<10016x16xf32, #tpu.memory_space<vmem_shared>>
      %dma_start3A_801 = tpu.memref_slice %arg22[%dma_start3A_790] : memref<3x!tpu.dma_semaphore, #tpu.memory_space<semaphore_mem>> -> memref<1x!tpu.dma_semaphore, #tpu.memory_space<semaphore_mem>>
      %dma_start3A_802 = tpu.memref_squeeze %dma_start3A_801 : memref<1x!tpu.dma_semaphore, #tpu.memory_space<semaphore_mem>> -> memref<!tpu.dma_semaphore, #tpu.memory_space<semaphore_mem>>
      tpu.enqueue_indirect_dma source(%dma_start3A_794 : memref<80x16xf32, #tpu.memory_space<vmem>>) target(%dma_start3A_800 : memref<10016x16xf32, #tpu.memory_space<vmem_shared>>) offsets(%dma_start3A_797 : memref<80xi32, #tpu.memory_space<vmem>>) semaphore(%dma_start3A_802 : memref<!tpu.dma_semaphore, #tpu.memory_space<semaphore_mem>>) {add = true}
      %dma_start3A_803 = arith.constant 2 : i32
      %dma_start3A_804 = arith.constant 2 : i32
      %dma_start3A_805 = arith.constant 2 : i32
      %dma_start3A_806 = arith.constant 0 : i32
      %dma_start3A_807 = arith.constant 0 : i32
      %dma_start3A_808 = tpu.memref_slice %arg14[%dma_start3A_803, %dma_start3A_806, %dma_start3A_807] : memref<3x80x128xf32, #tpu.memory_space<vmem>> -> memref<1x80x128xf32, #tpu.memory_space<vmem>>
      %dma_start3A_809 = tpu.memref_squeeze %dma_start3A_808 : memref<1x80x128xf32, #tpu.memory_space<vmem>> -> memref<80x128xf32, #tpu.memory_space<vmem>>
      %dma_start3A_810 = arith.constant 0 : i32
      %dma_start3A_811 = tpu.memref_slice %arg13[%dma_start3A_804, %dma_start3A_810] : memref<3x80xi32, #tpu.memory_space<vmem>> -> memref<1x80xi32, #tpu.memory_space<vmem>>
      %dma_start3A_812 = tpu.memref_squeeze %dma_start3A_811 : memref<1x80xi32, #tpu.memory_space<vmem>> -> memref<80xi32, #tpu.memory_space<vmem>>
      %dma_start3A_813 = arith.constant 0 : i32
      %dma_start3A_814 = arith.constant 0 : i32
      %dma_start3A_815 = tpu.memref_slice %arg10[%dma_start3A_813, %dma_start3A_814] : memref<10016x128xf32, #tpu.memory_space<vmem_shared>> -> memref<10016x128xf32, #tpu.memory_space<vmem_shared>>
      %dma_start3A_816 = tpu.memref_slice %arg21[%dma_start3A_805] : memref<3x!tpu.dma_semaphore, #tpu.memory_space<semaphore_mem>> -> memref<1x!tpu.dma_semaphore, #tpu.memory_space<semaphore_mem>>
      %dma_start3A_817 = tpu.memref_squeeze %dma_start3A_816 : memref<1x!tpu.dma_semaphore, #tpu.memory_space<semaphore_mem>> -> memref<!tpu.dma_semaphore, #tpu.memory_space<semaphore_mem>>
      tpu.enqueue_indirect_dma source(%dma_start3A_809 : memref<80x128xf32, #tpu.memory_space<vmem>>) target(%dma_start3A_815 : memref<10016x128xf32, #tpu.memory_space<vmem_shared>>) offsets(%dma_start3A_812 : memref<80xi32, #tpu.memory_space<vmem>>) semaphore(%dma_start3A_817 : memref<!tpu.dma_semaphore, #tpu.memory_space<semaphore_mem>>) {add = true}
    }
    %scan3A_194 = arith.constant 43 : i32
    %dma_wait3A_195 = arith.constant 0 : i32
    %dma_wait3A_196 = arith.constant 0 : i32
    %dma_wait3A_197 = arith.constant 0 : i32
    %dma_wait3A_198 = arith.constant 0 : i32
    %dma_wait3A_199 = arith.constant 0 : i32
    %dma_wait3A_200 = tpu.memref_slice %arg15[%dma_wait3A_195, %dma_wait3A_198, %dma_wait3A_199] : memref<3x80x16xf32, #tpu.memory_space<vmem>> -> memref<1x80x16xf32, #tpu.memory_space<vmem>>
    %dma_wait3A_201 = tpu.memref_squeeze %dma_wait3A_200 : memref<1x80x16xf32, #tpu.memory_space<vmem>> -> memref<80x16xf32, #tpu.memory_space<vmem>>
    %dma_wait3A_202 = arith.constant 0 : i32
    %dma_wait3A_203 = tpu.memref_slice %arg13[%dma_wait3A_196, %dma_wait3A_202] : memref<3x80xi32, #tpu.memory_space<vmem>> -> memref<1x80xi32, #tpu.memory_space<vmem>>
    %dma_wait3A_204 = tpu.memref_squeeze %dma_wait3A_203 : memref<1x80xi32, #tpu.memory_space<vmem>> -> memref<80xi32, #tpu.memory_space<vmem>>
    %dma_wait3A_205 = arith.constant 0 : i32
    %dma_wait3A_206 = arith.constant 0 : i32
    %dma_wait3A_207 = tpu.memref_slice %arg11[%dma_wait3A_205, %dma_wait3A_206] : memref<10016x16xf32, #tpu.memory_space<vmem_shared>> -> memref<10016x16xf32, #tpu.memory_space<vmem_shared>>
    %dma_wait3A_208 = tpu.memref_slice %arg22[%dma_wait3A_197] : memref<3x!tpu.dma_semaphore, #tpu.memory_space<semaphore_mem>> -> memref<1x!tpu.dma_semaphore, #tpu.memory_space<semaphore_mem>>
    %dma_wait3A_209 = tpu.memref_squeeze %dma_wait3A_208 : memref<1x!tpu.dma_semaphore, #tpu.memory_space<semaphore_mem>> -> memref<!tpu.dma_semaphore, #tpu.memory_space<semaphore_mem>>
    tpu.wait_indirect_dma semaphore(%dma_wait3A_209 : memref<!tpu.dma_semaphore, #tpu.memory_space<semaphore_mem>>) src(%dma_wait3A_201 : memref<80x16xf32, #tpu.memory_space<vmem>>) dst(%dma_wait3A_207 : memref<10016x16xf32, #tpu.memory_space<vmem_shared>>)
    %dma_wait3A_210 = arith.constant 0 : i32
    %dma_wait3A_211 = arith.constant 0 : i32
    %dma_wait3A_212 = arith.constant 0 : i32
    %dma_wait3A_213 = arith.constant 0 : i32
    %dma_wait3A_214 = arith.constant 0 : i32
    %dma_wait3A_215 = tpu.memref_slice %arg14[%dma_wait3A_210, %dma_wait3A_213, %dma_wait3A_214] : memref<3x80x128xf32, #tpu.memory_space<vmem>> -> memref<1x80x128xf32, #tpu.memory_space<vmem>>
    %dma_wait3A_216 = tpu.memref_squeeze %dma_wait3A_215 : memref<1x80x128xf32, #tpu.memory_space<vmem>> -> memref<80x128xf32, #tpu.memory_space<vmem>>
    %dma_wait3A_217 = arith.constant 0 : i32
    %dma_wait3A_218 = tpu.memref_slice %arg13[%dma_wait3A_211, %dma_wait3A_217] : memref<3x80xi32, #tpu.memory_space<vmem>> -> memref<1x80xi32, #tpu.memory_space<vmem>>
    %dma_wait3A_219 = tpu.memref_squeeze %dma_wait3A_218 : memref<1x80xi32, #tpu.memory_space<vmem>> -> memref<80xi32, #tpu.memory_space<vmem>>
    %dma_wait3A_220 = arith.constant 0 : i32
    %dma_wait3A_221 = arith.constant 0 : i32
    %dma_wait3A_222 = tpu.memref_slice %arg10[%dma_wait3A_220, %dma_wait3A_221] : memref<10016x128xf32, #tpu.memory_space<vmem_shared>> -> memref<10016x128xf32, #tpu.memory_space<vmem_shared>>
    %dma_wait3A_223 = tpu.memref_slice %arg21[%dma_wait3A_212] : memref<3x!tpu.dma_semaphore, #tpu.memory_space<semaphore_mem>> -> memref<1x!tpu.dma_semaphore, #tpu.memory_space<semaphore_mem>>
    %dma_wait3A_224 = tpu.memref_squeeze %dma_wait3A_223 : memref<1x!tpu.dma_semaphore, #tpu.memory_space<semaphore_mem>> -> memref<!tpu.dma_semaphore, #tpu.memory_space<semaphore_mem>>
    tpu.wait_indirect_dma semaphore(%dma_wait3A_224 : memref<!tpu.dma_semaphore, #tpu.memory_space<semaphore_mem>>) src(%dma_wait3A_216 : memref<80x128xf32, #tpu.memory_space<vmem>>) dst(%dma_wait3A_222 : memref<10016x128xf32, #tpu.memory_space<vmem_shared>>)
    %dma_wait3A_225 = arith.constant 1 : i32
    %dma_wait3A_226 = arith.constant 1 : i32
    %dma_wait3A_227 = arith.constant 1 : i32
    %dma_wait3A_228 = arith.constant 0 : i32
    %dma_wait3A_229 = arith.constant 0 : i32
    %dma_wait3A_230 = tpu.memref_slice %arg15[%dma_wait3A_225, %dma_wait3A_228, %dma_wait3A_229] : memref<3x80x16xf32, #tpu.memory_space<vmem>> -> memref<1x80x16xf32, #tpu.memory_space<vmem>>
    %dma_wait3A_231 = tpu.memref_squeeze %dma_wait3A_230 : memref<1x80x16xf32, #tpu.memory_space<vmem>> -> memref<80x16xf32, #tpu.memory_space<vmem>>
    %dma_wait3A_232 = arith.constant 0 : i32
    %dma_wait3A_233 = tpu.memref_slice %arg13[%dma_wait3A_226, %dma_wait3A_232] : memref<3x80xi32, #tpu.memory_space<vmem>> -> memref<1x80xi32, #tpu.memory_space<vmem>>
    %dma_wait3A_234 = tpu.memref_squeeze %dma_wait3A_233 : memref<1x80xi32, #tpu.memory_space<vmem>> -> memref<80xi32, #tpu.memory_space<vmem>>
    %dma_wait3A_235 = arith.constant 0 : i32
    %dma_wait3A_236 = arith.constant 0 : i32
    %dma_wait3A_237 = tpu.memref_slice %arg11[%dma_wait3A_235, %dma_wait3A_236] : memref<10016x16xf32, #tpu.memory_space<vmem_shared>> -> memref<10016x16xf32, #tpu.memory_space<vmem_shared>>
    %dma_wait3A_238 = tpu.memref_slice %arg22[%dma_wait3A_227] : memref<3x!tpu.dma_semaphore, #tpu.memory_space<semaphore_mem>> -> memref<1x!tpu.dma_semaphore, #tpu.memory_space<semaphore_mem>>
    %dma_wait3A_239 = tpu.memref_squeeze %dma_wait3A_238 : memref<1x!tpu.dma_semaphore, #tpu.memory_space<semaphore_mem>> -> memref<!tpu.dma_semaphore, #tpu.memory_space<semaphore_mem>>
    tpu.wait_indirect_dma semaphore(%dma_wait3A_239 : memref<!tpu.dma_semaphore, #tpu.memory_space<semaphore_mem>>) src(%dma_wait3A_231 : memref<80x16xf32, #tpu.memory_space<vmem>>) dst(%dma_wait3A_237 : memref<10016x16xf32, #tpu.memory_space<vmem_shared>>)
    %dma_wait3A_240 = arith.constant 1 : i32
    %dma_wait3A_241 = arith.constant 1 : i32
    %dma_wait3A_242 = arith.constant 1 : i32
    %dma_wait3A_243 = arith.constant 0 : i32
    %dma_wait3A_244 = arith.constant 0 : i32
    %dma_wait3A_245 = tpu.memref_slice %arg14[%dma_wait3A_240, %dma_wait3A_243, %dma_wait3A_244] : memref<3x80x128xf32, #tpu.memory_space<vmem>> -> memref<1x80x128xf32, #tpu.memory_space<vmem>>
    %dma_wait3A_246 = tpu.memref_squeeze %dma_wait3A_245 : memref<1x80x128xf32, #tpu.memory_space<vmem>> -> memref<80x128xf32, #tpu.memory_space<vmem>>
    %dma_wait3A_247 = arith.constant 0 : i32
    %dma_wait3A_248 = tpu.memref_slice %arg13[%dma_wait3A_241, %dma_wait3A_247] : memref<3x80xi32, #tpu.memory_space<vmem>> -> memref<1x80xi32, #tpu.memory_space<vmem>>
    %dma_wait3A_249 = tpu.memref_squeeze %dma_wait3A_248 : memref<1x80xi32, #tpu.memory_space<vmem>> -> memref<80xi32, #tpu.memory_space<vmem>>
    %dma_wait3A_250 = arith.constant 0 : i32
    %dma_wait3A_251 = arith.constant 0 : i32
    %dma_wait3A_252 = tpu.memref_slice %arg10[%dma_wait3A_250, %dma_wait3A_251] : memref<10016x128xf32, #tpu.memory_space<vmem_shared>> -> memref<10016x128xf32, #tpu.memory_space<vmem_shared>>
    %dma_wait3A_253 = tpu.memref_slice %arg21[%dma_wait3A_242] : memref<3x!tpu.dma_semaphore, #tpu.memory_space<semaphore_mem>> -> memref<1x!tpu.dma_semaphore, #tpu.memory_space<semaphore_mem>>
    %dma_wait3A_254 = tpu.memref_squeeze %dma_wait3A_253 : memref<1x!tpu.dma_semaphore, #tpu.memory_space<semaphore_mem>> -> memref<!tpu.dma_semaphore, #tpu.memory_space<semaphore_mem>>
    tpu.wait_indirect_dma semaphore(%dma_wait3A_254 : memref<!tpu.dma_semaphore, #tpu.memory_space<semaphore_mem>>) src(%dma_wait3A_246 : memref<80x128xf32, #tpu.memory_space<vmem>>) dst(%dma_wait3A_252 : memref<10016x128xf32, #tpu.memory_space<vmem_shared>>)
    %dma_wait3A_255 = arith.constant 2 : i32
    %dma_wait3A_256 = arith.constant 2 : i32
    %dma_wait3A_257 = arith.constant 2 : i32
    %dma_wait3A_258 = arith.constant 0 : i32
    %dma_wait3A_259 = arith.constant 0 : i32
    %dma_wait3A_260 = tpu.memref_slice %arg15[%dma_wait3A_255, %dma_wait3A_258, %dma_wait3A_259] : memref<3x80x16xf32, #tpu.memory_space<vmem>> -> memref<1x80x16xf32, #tpu.memory_space<vmem>>
    %dma_wait3A_261 = tpu.memref_squeeze %dma_wait3A_260 : memref<1x80x16xf32, #tpu.memory_space<vmem>> -> memref<80x16xf32, #tpu.memory_space<vmem>>
    %dma_wait3A_262 = arith.constant 0 : i32
    %dma_wait3A_263 = tpu.memref_slice %arg13[%dma_wait3A_256, %dma_wait3A_262] : memref<3x80xi32, #tpu.memory_space<vmem>> -> memref<1x80xi32, #tpu.memory_space<vmem>>
    %dma_wait3A_264 = tpu.memref_squeeze %dma_wait3A_263 : memref<1x80xi32, #tpu.memory_space<vmem>> -> memref<80xi32, #tpu.memory_space<vmem>>
    %dma_wait3A_265 = arith.constant 0 : i32
    %dma_wait3A_266 = arith.constant 0 : i32
    %dma_wait3A_267 = tpu.memref_slice %arg11[%dma_wait3A_265, %dma_wait3A_266] : memref<10016x16xf32, #tpu.memory_space<vmem_shared>> -> memref<10016x16xf32, #tpu.memory_space<vmem_shared>>
    %dma_wait3A_268 = tpu.memref_slice %arg22[%dma_wait3A_257] : memref<3x!tpu.dma_semaphore, #tpu.memory_space<semaphore_mem>> -> memref<1x!tpu.dma_semaphore, #tpu.memory_space<semaphore_mem>>
    %dma_wait3A_269 = tpu.memref_squeeze %dma_wait3A_268 : memref<1x!tpu.dma_semaphore, #tpu.memory_space<semaphore_mem>> -> memref<!tpu.dma_semaphore, #tpu.memory_space<semaphore_mem>>
    tpu.wait_indirect_dma semaphore(%dma_wait3A_269 : memref<!tpu.dma_semaphore, #tpu.memory_space<semaphore_mem>>) src(%dma_wait3A_261 : memref<80x16xf32, #tpu.memory_space<vmem>>) dst(%dma_wait3A_267 : memref<10016x16xf32, #tpu.memory_space<vmem_shared>>)
    %dma_wait3A_270 = arith.constant 2 : i32
    %dma_wait3A_271 = arith.constant 2 : i32
    %dma_wait3A_272 = arith.constant 2 : i32
    %dma_wait3A_273 = arith.constant 0 : i32
    %dma_wait3A_274 = arith.constant 0 : i32
    %dma_wait3A_275 = tpu.memref_slice %arg14[%dma_wait3A_270, %dma_wait3A_273, %dma_wait3A_274] : memref<3x80x128xf32, #tpu.memory_space<vmem>> -> memref<1x80x128xf32, #tpu.memory_space<vmem>>
    %dma_wait3A_276 = tpu.memref_squeeze %dma_wait3A_275 : memref<1x80x128xf32, #tpu.memory_space<vmem>> -> memref<80x128xf32, #tpu.memory_space<vmem>>
    %dma_wait3A_277 = arith.constant 0 : i32
    %dma_wait3A_278 = tpu.memref_slice %arg13[%dma_wait3A_271, %dma_wait3A_277] : memref<3x80xi32, #tpu.memory_space<vmem>> -> memref<1x80xi32, #tpu.memory_space<vmem>>
    %dma_wait3A_279 = tpu.memref_squeeze %dma_wait3A_278 : memref<1x80xi32, #tpu.memory_space<vmem>> -> memref<80xi32, #tpu.memory_space<vmem>>
    %dma_wait3A_280 = arith.constant 0 : i32
    %dma_wait3A_281 = arith.constant 0 : i32
    %dma_wait3A_282 = tpu.memref_slice %arg10[%dma_wait3A_280, %dma_wait3A_281] : memref<10016x128xf32, #tpu.memory_space<vmem_shared>> -> memref<10016x128xf32, #tpu.memory_space<vmem_shared>>
    %dma_wait3A_283 = tpu.memref_slice %arg21[%dma_wait3A_272] : memref<3x!tpu.dma_semaphore, #tpu.memory_space<semaphore_mem>> -> memref<1x!tpu.dma_semaphore, #tpu.memory_space<semaphore_mem>>
    %dma_wait3A_284 = tpu.memref_squeeze %dma_wait3A_283 : memref<1x!tpu.dma_semaphore, #tpu.memory_space<semaphore_mem>> -> memref<!tpu.dma_semaphore, #tpu.memory_space<semaphore_mem>>
    tpu.wait_indirect_dma semaphore(%dma_wait3A_284 : memref<!tpu.dma_semaphore, #tpu.memory_space<semaphore_mem>>) src(%dma_wait3A_276 : memref<80x128xf32, #tpu.memory_space<vmem>>) dst(%dma_wait3A_282 : memref<10016x128xf32, #tpu.memory_space<vmem_shared>>)
    %barrier3A_285 = arith.constant 0 : index
    tpu.barrier barrier_id(%barrier3A_285)
    %mul3A_286 = arith.constant 626 : i32
    %mul3A_287 = arith.muli %arg1, %mul3A_286 : i32
    "tpu.region"() ({
      %run_scoped3A = tpu.sem_alloc : memref<!tpu.dma_semaphore, #tpu.memory_space<semaphore_mem>>
      %dma_start3A_288 = arith.constant 0 : i32
      %dma_start3A_289 = arith.constant 0 : i32
      %dma_start3A_290 = tpu.memref_slice %arg8[%arg0, %dma_start3A_288, %dma_start3A_289] : memref<2x10016x128xf32, #tpu.memory_space<hbm>> -> memref<1x10016x128xf32, #tpu.memory_space<hbm>>
      %dma_start3A_291 = tpu.memref_squeeze %dma_start3A_290 : memref<1x10016x128xf32, #tpu.memory_space<hbm>> -> memref<10016x128xf32, #tpu.memory_space<hbm>>
      %dma_start3A_292 = arith.constant 0 : i32
      %dma_start3A_293 = tpu.memref_slice %dma_start3A_291[%mul3A_287, %dma_start3A_292] : memref<10016x128xf32, #tpu.memory_space<hbm>> -> memref<626x128xf32, #tpu.memory_space<hbm>>
      %dma_start3A_294 = arith.constant 0 : i32
      %dma_start3A_295 = tpu.memref_slice %arg10[%mul3A_287, %dma_start3A_294] : memref<10016x128xf32, #tpu.memory_space<vmem_shared>> -> memref<626x128xf32, #tpu.memory_space<vmem_shared>>
      tpu.enqueue_dma source(%dma_start3A_295 : memref<626x128xf32, #tpu.memory_space<vmem_shared>>) target(%dma_start3A_293 : memref<626x128xf32, #tpu.memory_space<hbm>>) target_semaphore(%run_scoped3A : memref<!tpu.dma_semaphore, #tpu.memory_space<semaphore_mem>>)
      %dma_wait3A_296 = arith.constant 0 : i32
      %dma_wait3A_297 = arith.constant 0 : i32
      %dma_wait3A_298 = tpu.memref_slice %arg8[%arg0, %dma_wait3A_296, %dma_wait3A_297] : memref<2x10016x128xf32, #tpu.memory_space<hbm>> -> memref<1x10016x128xf32, #tpu.memory_space<hbm>>
      %dma_wait3A_299 = tpu.memref_squeeze %dma_wait3A_298 : memref<1x10016x128xf32, #tpu.memory_space<hbm>> -> memref<10016x128xf32, #tpu.memory_space<hbm>>
      %dma_wait3A_300 = arith.constant 0 : i32
      %dma_wait3A_301 = tpu.memref_slice %dma_wait3A_299[%mul3A_287, %dma_wait3A_300] : memref<10016x128xf32, #tpu.memory_space<hbm>> -> memref<626x128xf32, #tpu.memory_space<hbm>>
      %dma_wait3A_302 = arith.constant 0 : i32
      %dma_wait3A_303 = tpu.memref_slice %arg10[%mul3A_287, %dma_wait3A_302] : memref<10016x128xf32, #tpu.memory_space<vmem_shared>> -> memref<626x128xf32, #tpu.memory_space<vmem_shared>>
      tpu.wait_dma2 semaphore(%run_scoped3A : memref<!tpu.dma_semaphore, #tpu.memory_space<semaphore_mem>>) src(%dma_wait3A_303 : memref<626x128xf32, #tpu.memory_space<vmem_shared>>) dst(%dma_wait3A_301 : memref<626x128xf32, #tpu.memory_space<hbm>>)
      tpu.yield
    }) : () -> ()
    "tpu.region"() ({
      %run_scoped3A = tpu.sem_alloc : memref<!tpu.dma_semaphore, #tpu.memory_space<semaphore_mem>>
      %dma_start3A_288 = arith.constant 0 : i32
      %dma_start3A_289 = arith.constant 0 : i32
      %dma_start3A_290 = tpu.memref_slice %arg9[%arg0, %dma_start3A_288, %dma_start3A_289] : memref<2x10016x16xf32, #tpu.memory_space<hbm>> -> memref<1x10016x16xf32, #tpu.memory_space<hbm>>
      %dma_start3A_291 = tpu.memref_squeeze %dma_start3A_290 : memref<1x10016x16xf32, #tpu.memory_space<hbm>> -> memref<10016x16xf32, #tpu.memory_space<hbm>>
      %dma_start3A_292 = arith.constant 0 : i32
      %dma_start3A_293 = tpu.memref_slice %dma_start3A_291[%mul3A_287, %dma_start3A_292] : memref<10016x16xf32, #tpu.memory_space<hbm>> -> memref<626x16xf32, #tpu.memory_space<hbm>>
      %dma_start3A_294 = arith.constant 0 : i32
      %dma_start3A_295 = tpu.memref_slice %arg11[%mul3A_287, %dma_start3A_294] : memref<10016x16xf32, #tpu.memory_space<vmem_shared>> -> memref<626x16xf32, #tpu.memory_space<vmem_shared>>
      tpu.enqueue_dma source(%dma_start3A_295 : memref<626x16xf32, #tpu.memory_space<vmem_shared>>) target(%dma_start3A_293 : memref<626x16xf32, #tpu.memory_space<hbm>>) target_semaphore(%run_scoped3A : memref<!tpu.dma_semaphore, #tpu.memory_space<semaphore_mem>>)
      %dma_wait3A_296 = arith.constant 0 : i32
      %dma_wait3A_297 = arith.constant 0 : i32
      %dma_wait3A_298 = tpu.memref_slice %arg9[%arg0, %dma_wait3A_296, %dma_wait3A_297] : memref<2x10016x16xf32, #tpu.memory_space<hbm>> -> memref<1x10016x16xf32, #tpu.memory_space<hbm>>
      %dma_wait3A_299 = tpu.memref_squeeze %dma_wait3A_298 : memref<1x10016x16xf32, #tpu.memory_space<hbm>> -> memref<10016x16xf32, #tpu.memory_space<hbm>>
      %dma_wait3A_300 = arith.constant 0 : i32
      %dma_wait3A_301 = tpu.memref_slice %dma_wait3A_299[%mul3A_287, %dma_wait3A_300] : memref<10016x16xf32, #tpu.memory_space<hbm>> -> memref<626x16xf32, #tpu.memory_space<hbm>>
      %dma_wait3A_302 = arith.constant 0 : i32
      %dma_wait3A_303 = tpu.memref_slice %arg11[%mul3A_287, %dma_wait3A_302] : memref<10016x16xf32, #tpu.memory_space<vmem_shared>> -> memref<626x16xf32, #tpu.memory_space<vmem_shared>>
      tpu.wait_dma2 semaphore(%run_scoped3A : memref<!tpu.dma_semaphore, #tpu.memory_space<semaphore_mem>>) src(%dma_wait3A_303 : memref<626x16xf32, #tpu.memory_space<vmem_shared>>) dst(%dma_wait3A_301 : memref<626x16xf32, #tpu.memory_space<hbm>>)
      tpu.yield
    }) : () -> ()
    return
  }
}

module attributes {stable_mosaic.version = 14 : i64} {
  func.func @_tc_prep_body(%arg0: i32, %arg1: memref<2000x128xf32, #tpu.memory_space<vmem>>, %arg2: memref<128x128xf32, #tpu.memory_space<vmem>>, %arg3: memref<1x128xf32, #tpu.memory_space<vmem>>, %arg4: memref<1x128xf32, #tpu.memory_space<vmem>>, %arg5: memref<128x16xf32, #tpu.memory_space<vmem>>, %arg6: memref<2000x128xf32, #tpu.memory_space<vmem>>, %arg7: memref<2000x16xf32, #tpu.memory_space<vmem>>, %arg8: memref<2000x16xf32, #tpu.memory_space<vmem>>) attributes {dimension_semantics = [#tpu.dimension_semantics<arbitrary>], iteration_bounds = array<i64: 5>, scalar_prefetch = 0 : i64, scratch_operands = 0 : i64, tpu.core_type = #tpu.core_type<tc>, window_params = [{transform_indices = @transform_0, window_bounds = array<i64: 2000, 128>}, {pipeline_mode = #tpu.pipeline_mode<synchronous>, transform_indices = @transform_1, window_bounds = array<i64: 128, 128>}, {pipeline_mode = #tpu.pipeline_mode<synchronous>, transform_indices = @transform_2, window_bounds = array<i64: 1, 128>}, {pipeline_mode = #tpu.pipeline_mode<synchronous>, transform_indices = @transform_3, window_bounds = array<i64: 1, 128>}, {pipeline_mode = #tpu.pipeline_mode<synchronous>, transform_indices = @transform_4, window_bounds = array<i64: 128, 16>}, {transform_indices = @transform_5, window_bounds = array<i64: 2000, 128>}, {transform_indices = @transform_6, window_bounds = array<i64: 2000, 16>}, {transform_indices = @transform_7, window_bounds = array<i64: 2000, 16>}]} {
    %get3A = arith.constant 0 : index
    %get3A_0 = arith.constant 0 : index
    %get3A_1 = vector.load %arg1[%get3A, %get3A_0] : memref<2000x128xf32, #tpu.memory_space<vmem>>, vector<2000x128xf32>
    %get3A_2 = arith.constant 0 : index
    %get3A_3 = arith.constant 0 : index
    %get3A_4 = vector.load %arg2[%get3A_2, %get3A_3] : memref<128x128xf32, #tpu.memory_space<vmem>>, vector<128x128xf32>
    %dot_general3A = arith.constant dense<0.000000e+00> : vector<2000x128xf32>
    %dot_general3A_5 = tpu.matmul %get3A_1, %get3A_4, %dot_general3A {dimension_numbers = #tpu.dot_dimension_numbers<[1], [0], [0], [1], [0, 0, 1, 1], [], []>, precision = #tpu.contract_precision<fp32>, transpose_lhs_hint = false} : vector<2000x128xf32>, vector<128x128xf32>, vector<2000x128xf32> -> vector<2000x128xf32>
    %swap3A = arith.constant 0 : index
    %swap3A_6 = arith.constant 0 : index
    %swap3A_7 = vector.load %arg6[%swap3A, %swap3A_6] : memref<2000x128xf32, #tpu.memory_space<vmem>>, vector<2000x128xf32>
    tpu.vector_store %arg6[%swap3A, %swap3A_6], %dot_general3A_5 {strides = array<i32>} : memref<2000x128xf32, #tpu.memory_space<vmem>>, vector<2000x128xf32>,
    %get3A_8 = arith.constant 0 : index
    %get3A_9 = arith.constant 0 : index
    %get3A_10 = vector.load %arg3[%get3A_8, %get3A_9] : memref<1x128xf32, #tpu.memory_space<vmem>>, vector<1x128xf32>
    %mul3A = vector.broadcast %get3A_10 : vector<1x128xf32> to vector<2000x128xf32>
    %mul3A_11 = arith.mulf %dot_general3A_5, %mul3A : vector<2000x128xf32>
    %get3A_12 = arith.constant 0 : index
    %get3A_13 = arith.constant 0 : index
    %get3A_14 = vector.load %arg5[%get3A_12, %get3A_13] : memref<128x16xf32, #tpu.memory_space<vmem>>, vector<128x16xf32>
    %dot_general3A_15 = arith.constant dense<0.000000e+00> : vector<2000x16xf32>
    %dot_general3A_16 = tpu.matmul %mul3A_11, %get3A_14, %dot_general3A_15 {dimension_numbers = #tpu.dot_dimension_numbers<[1], [0], [0], [1], [0, 0, 1, 1], [], []>, precision = #tpu.contract_precision<fp32>, transpose_lhs_hint = false} : vector<2000x128xf32>, vector<128x16xf32>, vector<2000x16xf32> -> vector<2000x16xf32>
    %swap3A_17 = arith.constant 0 : index
    %swap3A_18 = arith.constant 0 : index
    %swap3A_19 = vector.load %arg7[%swap3A_17, %swap3A_18] : memref<2000x16xf32, #tpu.memory_space<vmem>>, vector<2000x16xf32>
    tpu.vector_store %arg7[%swap3A_17, %swap3A_18], %dot_general3A_16 {strides = array<i32>} : memref<2000x16xf32, #tpu.memory_space<vmem>>, vector<2000x16xf32>,
    %get3A_20 = arith.constant 0 : index
    %get3A_21 = arith.constant 0 : index
    %get3A_22 = vector.load %arg4[%get3A_20, %get3A_21] : memref<1x128xf32, #tpu.memory_space<vmem>>, vector<1x128xf32>
    %mul3A_23 = vector.broadcast %get3A_22 : vector<1x128xf32> to vector<2000x128xf32>
    %mul3A_24 = arith.mulf %dot_general3A_5, %mul3A_23 : vector<2000x128xf32>
    %get3A_25 = arith.constant 0 : index
    %get3A_26 = arith.constant 0 : index
    %get3A_27 = vector.load %arg5[%get3A_25, %get3A_26] : memref<128x16xf32, #tpu.memory_space<vmem>>, vector<128x16xf32>
    %dot_general3A_28 = arith.constant dense<0.000000e+00> : vector<2000x16xf32>
    %dot_general3A_29 = tpu.matmul %mul3A_24, %get3A_27, %dot_general3A_28 {dimension_numbers = #tpu.dot_dimension_numbers<[1], [0], [0], [1], [0, 0, 1, 1], [], []>, precision = #tpu.contract_precision<fp32>, transpose_lhs_hint = false} : vector<2000x128xf32>, vector<128x16xf32>, vector<2000x16xf32> -> vector<2000x16xf32>
    %swap3A_30 = arith.constant 0 : index
    %swap3A_31 = arith.constant 0 : index
    %swap3A_32 = vector.load %arg8[%swap3A_30, %swap3A_31] : memref<2000x16xf32, #tpu.memory_space<vmem>>, vector<2000x16xf32>
    tpu.vector_store %arg8[%swap3A_30, %swap3A_31], %dot_general3A_29 {strides = array<i32>} : memref<2000x16xf32, #tpu.memory_space<vmem>>, vector<2000x16xf32>,
    return
  }
  func.func @transform_0(%arg0: i32) -> (i32, i32) {
    %c0_i32 = arith.constant 0 : i32
    %c0_i32_0 = arith.constant 0 : i32
    return %arg0, %c0_i32 : i32, i32
  }
  func.func @transform_1(%arg0: i32) -> (i32, i32) {
    %c0_i32 = arith.constant 0 : i32
    %c0_i32_0 = arith.constant 0 : i32
    %c0_i32_1 = arith.constant 0 : i32
    return %c0_i32, %c0_i32_0 : i32, i32
  }
  func.func @transform_2(%arg0: i32) -> (i32, i32) {
    %c0_i32 = arith.constant 0 : i32
    %c0_i32_0 = arith.constant 0 : i32
    %c0_i32_1 = arith.constant 0 : i32
    return %c0_i32, %c0_i32_0 : i32, i32
  }
  func.func @transform_3(%arg0: i32) -> (i32, i32) {
    %c0_i32 = arith.constant 0 : i32
    %c0_i32_0 = arith.constant 0 : i32
    %c0_i32_1 = arith.constant 0 : i32
    return %c0_i32, %c0_i32_0 : i32, i32
  }
  func.func @transform_4(%arg0: i32) -> (i32, i32) {
    %c0_i32 = arith.constant 0 : i32
    %c0_i32_0 = arith.constant 0 : i32
    %c0_i32_1 = arith.constant 0 : i32
    return %c0_i32, %c0_i32_0 : i32, i32
  }
  func.func @transform_5(%arg0: i32) -> (i32, i32) {
    %c0_i32 = arith.constant 0 : i32
    %c0_i32_0 = arith.constant 0 : i32
    return %arg0, %c0_i32 : i32, i32
  }
  func.func @transform_6(%arg0: i32) -> (i32, i32) {
    %c0_i32 = arith.constant 0 : i32
    %c0_i32_0 = arith.constant 0 : i32
    return %arg0, %c0_i32 : i32, i32
  }
  func.func @transform_7(%arg0: i32) -> (i32, i32) {
    %c0_i32 = arith.constant 0 : i32
    %c0_i32_0 = arith.constant 0 : i32
    return %arg0, %c0_i32 : i32, i32
  }
}

module attributes {stable_mosaic.version = 14 : i64} {
  func.func @_tc_combine_body(%arg0: i32, %arg1: memref<2x2000x128xf32, #tpu.memory_space<vmem>>, %arg2: memref<2x2000x16xf32, #tpu.memory_space<vmem>>, %arg3: memref<16x128xf32, #tpu.memory_space<vmem>>, %arg4: memref<1x128xf32, #tpu.memory_space<vmem>>, %arg5: memref<2000x128xf32, #tpu.memory_space<vmem>>) attributes {dimension_semantics = [#tpu.dimension_semantics<arbitrary>], iteration_bounds = array<i64: 5>, scalar_prefetch = 0 : i64, scratch_operands = 0 : i64, tpu.core_type = #tpu.core_type<tc>, window_params = [{transform_indices = @transform_0, window_bounds = array<i64: 2, 2000, 128>}, {transform_indices = @transform_1, window_bounds = array<i64: 2, 2000, 16>}, {pipeline_mode = #tpu.pipeline_mode<synchronous>, transform_indices = @transform_2, window_bounds = array<i64: 16, 128>}, {pipeline_mode = #tpu.pipeline_mode<synchronous>, transform_indices = @transform_3, window_bounds = array<i64: 1, 128>}, {transform_indices = @transform_4, window_bounds = array<i64: 2000, 128>}]} {
    %get3A = arith.constant 0 : index
    %get3A_0 = arith.constant 0 : index
    %get3A_1 = arith.constant 0 : index
    %get3A_2 = vector.load %arg1[%get3A, %get3A_0, %get3A_1] : memref<2x2000x128xf32, #tpu.memory_space<vmem>>, vector<1x2000x128xf32>
    %get3A_3 = vector.shape_cast %get3A_2 : vector<1x2000x128xf32> to vector<2000x128xf32>
    %get3A_4 = arith.constant 1 : index
    %get3A_5 = arith.constant 0 : index
    %get3A_6 = arith.constant 0 : index
    %get3A_7 = vector.load %arg1[%get3A_4, %get3A_5, %get3A_6] : memref<2x2000x128xf32, #tpu.memory_space<vmem>>, vector<1x2000x128xf32>
    %get3A_8 = vector.shape_cast %get3A_7 : vector<1x2000x128xf32> to vector<2000x128xf32>
    %add3A = arith.addf %get3A_3, %get3A_8 : vector<2000x128xf32>
    %get3A_9 = arith.constant 0 : index
    %get3A_10 = arith.constant 0 : index
    %get3A_11 = arith.constant 0 : index
    %get3A_12 = vector.load %arg2[%get3A_9, %get3A_10, %get3A_11] : memref<2x2000x16xf32, #tpu.memory_space<vmem>>, vector<1x2000x16xf32>
    %get3A_13 = vector.shape_cast %get3A_12 : vector<1x2000x16xf32> to vector<2000x16xf32>
    %get3A_14 = arith.constant 1 : index
    %get3A_15 = arith.constant 0 : index
    %get3A_16 = arith.constant 0 : index
    %get3A_17 = vector.load %arg2[%get3A_14, %get3A_15, %get3A_16] : memref<2x2000x16xf32, #tpu.memory_space<vmem>>, vector<1x2000x16xf32>
    %get3A_18 = vector.shape_cast %get3A_17 : vector<1x2000x16xf32> to vector<2000x16xf32>
    %add3A_19 = arith.addf %get3A_13, %get3A_18 : vector<2000x16xf32>
    %add3A_20 = arith.constant 1.000000e-16 : f32
    %add3A_21 = vector.broadcast %add3A_20 : f32 to vector<2000x16xf32>
    %add3A_22 = arith.addf %add3A_19, %add3A_21 : vector<2000x16xf32>
    %div3A = arith.constant 1.000000e+00 : f32
    %div3A_23 = vector.broadcast %div3A : f32 to vector<2000x16xf32>
    %div3A_24 = arith.divf %div3A_23, %add3A_22 : vector<2000x16xf32>
    %get3A_25 = arith.constant 0 : index
    %get3A_26 = arith.constant 0 : index
    %get3A_27 = vector.load %arg3[%get3A_25, %get3A_26] : memref<16x128xf32, #tpu.memory_space<vmem>>, vector<16x128xf32>
    %dot_general3A = arith.constant dense<0.000000e+00> : vector<2000x128xf32>
    %dot_general3A_28 = tpu.matmul %div3A_24, %get3A_27, %dot_general3A {dimension_numbers = #tpu.dot_dimension_numbers<[1], [0], [0], [1], [0, 0, 1, 1], [], []>, precision = #tpu.contract_precision<fp32>, transpose_lhs_hint = false} : vector<2000x16xf32>, vector<16x128xf32>, vector<2000x128xf32> -> vector<2000x128xf32>
    %mul3A = arith.mulf %add3A, %dot_general3A_28 : vector<2000x128xf32>
    %get3A_29 = arith.constant 0 : index
    %get3A_30 = arith.constant 0 : index
    %get3A_31 = vector.load %arg4[%get3A_29, %get3A_30] : memref<1x128xf32, #tpu.memory_space<vmem>>, vector<1x128xf32>
    %add3A_32 = vector.broadcast %get3A_31 : vector<1x128xf32> to vector<2000x128xf32>
    %add3A_33 = arith.addf %mul3A, %add3A_32 : vector<2000x128xf32>
    %max3A = arith.constant 0.000000e+00 : f32
    %max3A_34 = vector.broadcast %max3A : f32 to vector<2000x128xf32>
    %max3A_35 = arith.maximumf %add3A_33, %max3A_34 : vector<2000x128xf32>
    %swap3A = arith.constant 0 : index
    %swap3A_36 = arith.constant 0 : index
    %swap3A_37 = vector.load %arg5[%swap3A, %swap3A_36] : memref<2000x128xf32, #tpu.memory_space<vmem>>, vector<2000x128xf32>
    tpu.vector_store %arg5[%swap3A, %swap3A_36], %max3A_35 {strides = array<i32>} : memref<2000x128xf32, #tpu.memory_space<vmem>>, vector<2000x128xf32>,
    return
  }
  func.func @transform_0(%arg0: i32) -> (i32, i32, i32) {
    %c0_i32 = arith.constant 0 : i32
    %c0_i32_0 = arith.constant 0 : i32
    %c0_i32_1 = arith.constant 0 : i32
    return %c0_i32, %arg0, %c0_i32_0 : i32, i32, i32
  }
  func.func @transform_1(%arg0: i32) -> (i32, i32, i32) {
    %c0_i32 = arith.constant 0 : i32
    %c0_i32_0 = arith.constant 0 : i32
    %c0_i32_1 = arith.constant 0 : i32
    return %c0_i32, %arg0, %c0_i32_0 : i32, i32, i32
  }
  func.func @transform_2(%arg0: i32) -> (i32, i32) {
    %c0_i32 = arith.constant 0 : i32
    %c0_i32_0 = arith.constant 0 : i32
    %c0_i32_1 = arith.constant 0 : i32
    return %c0_i32, %c0_i32_0 : i32, i32
  }
  func.func @transform_3(%arg0: i32) -> (i32, i32) {
    %c0_i32 = arith.constant 0 : i32
    %c0_i32_0 = arith.constant 0 : i32
    %c0_i32_1 = arith.constant 0 : i32
    return %c0_i32, %c0_i32_0 : i32, i32
  }
  func.func @transform_4(%arg0: i32) -> (i32, i32) {
    %c0_i32 = arith.constant 0 : i32
    %c0_i32_0 = arith.constant 0 : i32
    return %arg0, %c0_i32 : i32, i32
  }
}

</mosaic_0001>

<sc_bundles>
// kernel: kernel.5.cloned.1.call-start
scs
__scs_entry_jumppad:
0x0: {  	(pc) =	sbr.rel $0x88, $3  }
0x1: {  	(tag) =	ssettag $0x0;
	lr =	simm.s32 $0x1  }
0x2: {  	[smem:$0x3F9B] =	sst lr;
	_ =	strace $0xD0000000  }
0x3: {  	_ = 	snop  }
0x4: {  	_ = 	snop  }
0x5: {  	_ = 	snop  }
0x6: {  	_ = 	snop  }
0x7: {  	_ = 	snop  }
__scs_overlays_trampoline_lowered:
0x8: {  	[smem:$0x3FAA] =	sst s0  }
0x9: {  	[smem:$0x3FAB] =	sst s1  }
0xa: {  	[smem:$0x3FAC] =	sst s2  }
0xb: {  	[smem:$0x3FAD] =	sst s3  }
0xc: {  	[smem:$0x3FAE] =	sst s4  }
0xd: {  	[smem:$0x3FAF] =	sst s5  }
0xe: {  	[smem:$0x3FB0] =	sst s6  }
0xf: {  	[smem:$0x3FB1] =	sst s7  }
0x10: {  	[smem:$0x3FB2] =	sst s8  }
0x11: {  	[smem:$0x3FB3] =	sst s9;
	s0 =	simm.s32 @!p0 $0x0  }
0x12: {  	s1 =	sld [smem:$0x3F99];
	s0 =	simm.s32 @p0 $0x1  }
0x13: {  	[smem:$0x3FB4] =	sst s0;
	s0 =	simm.s32 @!p1 $0x0  }
0x14: {  	s2 =	sld [smem:$0x3F98];
	s0 =	simm.s32 @p1 $0x1  }
0x15: {  	[smem:$0x3FB5] =	sst s0;
	s0 =	simm.s32 @!p2 $0x0  }
0x16: {  	s3 =	sld [smem:$0x3FDB];
	s0 =	simm.s32 @p2 $0x1  }
0x17: {  	s4 =	simm.s32 $0x1BF5;
	[smem:$0x3FB7] =	sst s0  }
0x18: {  	s0 =	sld [smem:$0x3F9A];
	_ =	swait.ge [sflag:s4], $0x0  }
0x19: {  	s7 =	sld [smem:$0x3F9B]  }
0x1a: {  	s8 =	sadd.s32 $0xFFFFE003, lr  }
0x1b: {  	s9 =	sadd.s32 $0xFFFFFEF7, lr;
	s5 =	simm.s32 $0xFFFFFFFF;
	p2 =	slt.u32 s8, $0xFFFFF086  }
0x1c: {  	p1 =	slt.u32 s9, $0xF7A;
	s5 =	simm.s32 @!p2 $0x0  }
0x1d: {  	s5 =	simm.s32 @p1 $0x1;
	p0 =	seq.s32 s7, s2  }
0x1e: {  	s7 =	smul.u32 @!p0 $0xF7A, s2;
	p2 =	seq.s32 @!p0 s5, $0x0  }
0x1f: {  	s9 =	smul.u32 $0xF7A, s1;
	s8 =	simm.s32 @!p0 $0x1BF5;
	p2 =	por !p2, p0  }
0x20: {  	[sflag:s8] =	ssyncset.s32 @!p0 $0xFFFFF086;
	s6 =	sadd.s32 @!p0 s3, s7;
	s7 =	simm.s32 @!p0 $0x108  }
0x21: {  	s3 =	sadd.s32 s3, s9;
	s6 =	sadd.s32 @!p0 $0x88, s6;
	s7 =	simm.s32 @p2 $0x1082  }
0x22: {  	[simem:s7], [sflag:s8] =	dma.local @!p0 [hbm:s6], $0xF7A  }
0x23: {  	s9 =	sor.u32 $0xD0000000, s2;
	s6 =	simm.s32 $0x108;
	_ =	swait.ge @!p0 [sflag:s8], $0x0  }
0x24: {  	s3 =	sadd.s32 $0x88, s3;
	s6 =	simm.s32 @!p1 $0x1082;
	[sflag:s4] =	ssyncset.s32 $0xFFFFF086  }
0x25: {  	[simem:s6], [sflag:s4] =	dma.local [hbm:s3], $0xF7A  }
0x26: {  	[smem:$0x3F9B] =	sst s1;
	(tag) =	ssettag s2;
	_ =	strace s9  }
0x27: {  	s1 =	sld [smem:$0x3FAB]  }
0x28: {  	s2 =	sld [smem:$0x3FAC]  }
0x29: {  	s4 =	sld [smem:$0x3FAE]  }
0x2a: {  	p0 =	seq.s32 s5, $0x0;
	s5 =	sld [smem:$0x3FAF]  }
0x2b: {  	s6 =	sld [smem:$0x3FB0]  }
0x2c: {  	s7 =	sld [smem:$0x3FB1]  }
0x2d: {  	s3 =	simm.s32 $0x108;
	s8 =	sld [smem:$0x3FB2]  }
0x2e: {  	s3 =	simm.s32 @!p0 $0x1082;
	s9 =	sld [smem:$0x3FB3]  }
0x2f: {  	lr =	sadd.s32 s0, s3;
	s0 =	sld [smem:$0x3FAA]  }
0x30: {  	s3 =	sld [smem:$0x3FAD]  }
0x31: {  	[smem:$0x3FB6] =	sst s10  }
0x32: {  	s10 =	sld [smem:$0x3FB4];
	_ =	sdelay $0x3  }
0x33: {  	p0 =	seq.s32 s10, $0x1;
	s10 =	sld [smem:$0x3FB6];
	_ =	sdelay $0x3  }
0x34: {  	[smem:$0x3FB6] =	sst s10  }
0x35: {  	s10 =	sld [smem:$0x3FB5];
	_ =	sdelay $0x3  }
0x36: {  	p1 =	seq.s32 s10, $0x1;
	s10 =	sld [smem:$0x3FB6];
	_ =	sdelay $0x3  }
0x37: {  	[smem:$0x3FB6] =	sst s10  }
0x38: {  	s10 =	sld [smem:$0x3FB7]  }
0x39: {  	_ = 	snop;
	(pc) =	sbr.ind lr, $3  }
0x3a: {  	_ = 	snop  }
0x3b: {  	_ = 	snop  }
0x3c: {  	p2 =	seq.s32 s10, $0x1;
	s10 =	sld [smem:$0x3FB6]  }
0x3d: {  	_ =	shalt  }
0x3e: {  	_ =	shalt  }
0x3f: {  	_ =	shalt  }
0x40: {  	_ =	shalt  }
0x41: {  	_ =	shalt  }
0x42: {  	_ =	shalt  }
0x43: {  	_ =	shalt  }
0x44: {  	_ =	shalt  }
0x45: {  	_ =	shalt  }
0x46: {  	_ =	shalt  }
0x47: {  	_ =	shalt  }
0x48: {  	_ =	shalt  }
0x49: {  	_ =	shalt  }
0x4a: {  	_ =	shalt  }
0x4b: {  	_ =	shalt  }
0x4c: {  	_ =	shalt  }
0x4d: {  	_ =	shalt  }
0x4e: {  	_ =	shalt  }
0x4f: {  	_ =	shalt  }
0x50: {  	_ =	shalt  }
0x51: {  	_ =	shalt  }
0x52: {  	_ =	shalt  }
0x53: {  	_ =	shalt  }
0x54: {  	_ =	shalt  }
0x55: {  	_ =	shalt  }
0x56: {  	_ =	shalt  }
0x57: {  	_ =	shalt  }
0x58: {  	_ =	shalt  }
0x59: {  	_ =	shalt  }
0x5a: {  	_ =	shalt  }
0x5b: {  	_ =	shalt  }
0x5c: {  	_ =	shalt  }
0x5d: {  	_ =	shalt  }
0x5e: {  	_ =	shalt  }
0x5f: {  	_ =	shalt  }
0x60: {  	_ =	shalt  }
0x61: {  	_ =	shalt  }
0x62: {  	_ =	shalt  }
0x63: {  	_ =	shalt  }
0x64: {  	_ =	shalt  }
0x65: {  	_ =	shalt  }
0x66: {  	_ =	shalt  }
0x67: {  	_ =	shalt  }
0x68: {  	_ =	shalt  }
0x69: {  	_ =	shalt  }
0x6a: {  	_ =	shalt  }
0x6b: {  	_ =	shalt  }
0x6c: {  	_ =	shalt  }
0x6d: {  	_ =	shalt  }
0x6e: {  	_ =	shalt  }
0x6f: {  	_ =	shalt  }
0x70: {  	_ =	shalt  }
0x71: {  	_ =	shalt  }
0x72: {  	_ =	shalt  }
0x73: {  	_ =	shalt  }
0x74: {  	_ =	shalt  }
0x75: {  	_ =	shalt  }
0x76: {  	_ =	shalt  }
0x77: {  	_ =	shalt  }
0x78: {  	_ =	shalt  }
0x79: {  	_ =	shalt  }
0x7a: {  	_ =	shalt  }
0x7b: {  	_ =	shalt  }
0x7c: {  	_ =	shalt  }
0x7d: {  	_ =	shalt  }
0x7e: {  	_ =	shalt  }
0x7f: {  	_ =	shalt  }
0x80: {  	_ =	shalt  }
0x81: {  	_ =	shalt  }
0x82: {  	_ =	shalt  }
0x83: {  	_ =	shalt  }
0x84: {  	_ =	shalt  }
0x85: {  	_ =	shalt  }
0x86: {  	_ =	shalt  }
0x87: {  	_ =	shalt  }
.Lfunc_end0:
.L_simem_size_0:
called_computation_lowered:
.L_overlay_start_0:
0x88: {  	s2 =	sld [smem:$0x3FD9]  }
0x89: {  	s3 =	sld [smem:$0x3FFE];
	_ =	sdelay $0x1  }
0x8a: {  	s1 =	srdreg.scid  }
0x8b: {  	s0 =	sand.u32 $0x1, s1  }
0x8c: {  	s17 =	sshll.u32 s0, $0xA;
	s2 =	sadd.s32 s3, s2  }
0x8d: {  	s2 =	sadd.s32 s2, s17  }
0x8e: {  	[smem:$0x3FC2] =	sst s2  }
0x8f: {  	_ = 	snop  }
0x90: {  	s2 =	sld [smem:$0x3FD0];
	(tm) =	ssettm $0x1  }
0x91: {  	s18 =	sld [smem:$0x3FFB];
	_ =	sdelay $0x3  }
0x92: {  	_ =	strace s18  }
0x93: {  	s3 =	sld [smem:$0x3FFC];
	_ =	sdelay $0x3  }
0x94: {  	_ =	strace s3  }
0x95: {  	s3 =	sld [smem:$0x3FFD];
	_ =	sdelay $0x3  }
0x96: {  	_ =	strace s3  }
0x97: {  	_ =	strace $0x8FFFFFFF  }
0x98: {  	s19 =	sld [smem:$0x3FDB];
	_ =	sdelay $0x1  }
0x99: {  	s4 =	simm.s32 $_scs_section_size  }
0x9a: {  	s5 =	simm.s32 $_size__tile_overlayer_lowered;
	s6 =	simm.s32 $_tile_overlayer_lowered  }
0x9b: {  	s22 =	simm.s32 $0x1BFF;
	s21 =	sshll.u32 s6, $0x1;
	s3 =	sadd.s32 s4, s19  }
0x9c: {  	s7 =	simm.s32 $0x0;
	s20 =	sshll.u32 s5, $0x1;
	s5 =	sadd.s32 s21, s3  }
0x9d: {  	[timem:s7], [sflag:s22] =	dma.local [hbm:s5], s20  }
0x9e: {  	_ =	swait.ge [sflag:s22], s20  }
0x9f: {  	s4 =	ssub.s32 $0x0, s20;
	[sflag:s22] =	ssyncset.done $0x0  }
0xa0: {  	[sflag:s22] =	ssyncadd.s32 s4;
	_ =	sdelay $0x1  }
0xa1: {  	s23 =	simm.s32 $0x1B8B  }
0xa2: {  	_ =	swait.ge [sflag:s23], $0x1  }
0xa3: {  	[sflag:s23] =	ssyncset.done $0x0  }
0xa4: {  	s25 =	simm.s32 $0x1B8E;
	s24 =	sld [smem:$0x3FFE];
	[sflag:s23] =	ssyncadd.s32 $0xFFFFFFFF  }
0xa5: {  	s26 =	simm.s32 $execute0_lowered;
	[smem:$0x3FD2] =	sst s25  }
0xa6: {  	s5 =	sshll.u32 s26, $0x1;
	_ =	strace $0x80000046;
	[dreg:$0x1] =	wrdreg $0xFFFFFFFF  }
0xa7: {  	s28 =	simm.s32 $_size_execute0_lowered;
	s3 =	sadd.s32 s3, s5;
	[dreg:$0x0] =	wrdreg $0x0  }
0xa8: {  	s5 =	sshll.u32 s28, $0x1;
	[dreg:$0x2] =	wrdreg s3  }
0xa9: {  	[dreg:$0x3] =	wrdreg s5  }
0xaa: {  	[dreg:$0x4] =	wrdreg $0xC0  }
0xab: {  	_ =	task [dreg:s7], $0x5FFFF  }
0xac: {  	[dreg:$0x1] =	wrdreg $0xFFFFFFFF  }
0xad: {  	[dreg:$0x0] =	wrdreg $0x60  }
0xae: {  	[dreg:$0x2] =	wrdreg s2  }
0xaf: {  	[dreg:$0x3] =	wrdreg s24  }
0xb0: {  	[dreg:$0x4] =	wrdreg $0x0  }
0xb1: {  	[dreg:$0x5] =	wrdreg $0x139000  }
0xb2: {  	[dreg:$0x6] =	wrdreg $0x9  }
0xb3: {  	_ =	task.clear_ibuf [dreg:s7], $0x7FFFF;
	_ =	strace $0x90000046  }
0xb4: {  	s29 =	simm.s32 $0x9;
	_ =	strace $0x80000048  }
0xb5: {  	_ =	swait.ge [sflag:s29], $0x1  }
0xb6: {  	[sflag:s29] =	ssyncadd.s32 $0xFFFFFFFF  }
0xb7: {  	_ =	strace $0x90000048  }
0xb8: {  	_ =	sfence  }
0xb9: {  	s30 =	sld [smem:$0x0];
	_ =	sdelay $0x2  }
0xba: {  	s31 =	sshll.u32 s1, $0xD;
	s1 =	sshrl.u32 s1, $0x2  }
0xbb: {  	s3 =	sand.u32 $0x4000, s31;
	s1 =	sadd.s32 s1, s30  }
0xbc: {  	s0 =	sor.u32 s3, s0;
	s1 =	sshll.u32 s1, $0x11  }
0xbd: {  	s0 =	sor.u32 s1, s0  }
0xbe: {  	s0 =	sadd.s32 $0x8F2B, s0  }
0xbf: {  	[sflag:s0] =	ssyncadd.remote.s32 $0x1  }
0xc0: {  	_ =	sfence.sel $0xFFFF  }
0xc1: {  	[dreg:$0x0] =	wrdreg $0xFFFFFFFF;
	(pc) =	sbr.abs _section_cstart, $3  }
0xc2: {  	[dreg:$0x1] =	wrdreg $0xFFFFFFFF  }
0xc3: {  	_ =	task.clear_ibuf [dreg:s7], $0x2FFFF;
	_ =	strace $0x9FFFFFFF  }
0xc4: {  	(tm) =	ssettm $0x7FFFFFFF  }
0xc5: {  	_ =	shalt  }
tec
execute0_lowered:
.L_overlay_start_1:
0x0: {  	(tag) =	ssettag $0x1  }
0x1: {  	s1 =	rddreg [dreg:$0x0]  }
0x2: {  	s0 =	rddreg [dreg:$0x1]  }
0x3: {  	s2 =	rddreg [dreg:$0x2]  }
0x4: {  	s3 =	rddreg [dreg:$0x3];
	s14 =	simm.s32 $0x0  }
0x5: {  	s4 =	srdreg.scid;
	s13 =	stileid.u32;
	s28 =	simm.s32 $0x8  }
0x6: {  	s31 =	simm.s32 $0x16250;
	[smem:$0x7FF] =	sst s14;
	s5 =	sadd.s32 $0x15600, s0  }
0x7: {  	s6 =	sadd.s32 $0x1A600, s0;
	s8 =	sadd.s32 $0x1200, s0;
	s4 =	sand.u32 $0x1, s4  }
0x8: {  	s7 =	sadd.s32 $0x1FC00, s0;
	s9 =	sadd.s32 $0x1F600, s0;
	s15 =	smul.u32 $0x13900, s13  }
0x9: {  	s10 =	sshll.u32 s13, $0x1;
	s18 =	smul.u32 $0x2720, s13;
	s20 =	sshll.u32 s13, $0x6  }
0xa: {  	_ =	strace $0x80000047;
	[dreg:$0x6] =	wrdreg s7;
	s29 =	smul.u32 $0x27200, s4  }
0xb: {  	[dreg:$0x7] =	wrdreg s9;
	s30 =	smul.u32 $0x4E40, s4;
	s11 =	ssub.s32 $0x2, s4  }
0xc: {  	s4 =	sor.u32 s4, s10;
	s17 =	sor.u32 $0x1C13, s20;
	s10 =	simm.s32 $0x16160  }
0xd: {  	s20 =	simm.s32 $0x1B2F0;
	s12 =	sshrl.u32 s11, $0x1;
	s4 =	smul.u32 $0x2850, s4  }
0xe: {  	s19 =	sadd.s32 s15, s2;
	s22 =	sadd.s32 s18, s3;
	[dreg:$0x9] =	wrdreg s17  }
0xf: {  	s7 =	sadd.s32 s29, s0;
	s0 =	sadd.s32 s30, s0;
	[dreg:$0x8] =	wrdreg s19  }
0x10: {  	s16 =	ssub.s32 s11, s12;
	[dreg:$0xa] =	wrdreg s22;
	s29 =	sshrl.u32 s15, $0x3  }
0x11: {  	s30 =	sshrl.u32 s18, $0x3;
	s11 =	simm.s32 $0x4;
	s15 =	simm.s32 $0xA  }
0x12: {  	s22 =	simm.s32 $0x1E4F0;
	s21 =	sshrl.u32 s4, $0x3;
	s24 =	sadd.s32 $0xF0, s4  }
0x13: {  	s25 =	sadd.s32 $0x140, s4;
	s4 =	sadd.s32 $0x190, s4;
	[dreg:$0xe] =	wrdreg s24  }
0x14: {  	s26 =	sadd.s32 $0x2C200, s7;
	s0 =	sadd.s32 $0x22400, s0;
	[dreg:$0xf] =	wrdreg s25  }
0x15: {  	s9 =	smax.u32 s16, $0x1;
	s16 =	simm.s32 $0x3;
	[dreg:$0x10] =	wrdreg s4  }
0x16: {  	s7 =	simm.s32 $0xB;
	s23 =	sadd.s32 s8, s21;
	[dreg:$0x11] =	wrdreg s9  }
0x17: {  	s9 =	simm.s32 $0x13;
	s4 =	sadd.s32 s29, s26;
	s0 =	sadd.s32 s30, s0  }
0x18: {  	s25 =	simm.s32 $0x16200;
	s26 =	simm.s32 $0x5;
	[dreg:$0xb] =	wrdreg s23  }
0x19: {  	s21 =	simm.s32 $0x9;
	s24 =	simm.s32 $0x162A0;
	[dreg:$0x12] =	wrdreg s4  }
0x1a: {  	s13 =	sadd.s32 $0xA, s23;
	s12 =	sadd.s32 $0x14, s23;
	[dreg:$0x13] =	wrdreg s0  }
0x1b: {  	v5 =	vimm.s32 $0x0;
	v6 =	vimm.s32 $0x1;
	v7 =	vimm.s32 $0x2;
	s23 =	simm.s32 $0x50;
	s4 =	simm.s32 $0xC;
	[dreg:$0xc] =	wrdreg s13  }
0x1c: {  	v62 =	vimm.s32 $0x3;
	v1 =	vimm.s32 $0x4;
	v2 =	vimm.s32 $0x5;
	[dreg:$0xd] =	wrdreg s12;
	s13 =	simm.s32 $0x7;
	s12 =	simm.s32 $0x6  }
.LBB2_1:
0x1d: {  	[dreg:$0x5] =	wrdreg s14  }
0x1e: {  	s0 =	rddreg [dreg:$0x8]  }
0x1f: {  	s29 =	rddreg [dreg:$0x6];
	s19 =	sshrl.u32 s0, $0x3  }
0x20: {  	[dreg:$0x14] =	wrdreg s19  }
0x21: {  	[spmem:s19], [sflag:s17] =	dma.local [hbm:s29], $0x2720  }
0x22: {  	_ =	swait.ge [sflag:s9], $0x2720  }
0x23: {  	s18 =	rddreg [dreg:$0xa]  }
0x24: {  	[sflag:s9] =	ssyncset.done $0x0;
	s29 =	rddreg [dreg:$0x7];
	s19 =	sshrl.u32 s18, $0x3  }
0x25: {  	[sflag:s9] =	ssyncadd.s32 $0xFFFFD8E0;
	[dreg:$0x15] =	wrdreg s19  }
0x26: {  	[spmem:s19], [sflag:s17] =	dma.local [hbm:s29], $0x4E4  }
0x27: {  	_ =	swait.ge [sflag:s9], $0x4E4  }
0x28: {  	[sflag:s9] =	ssyncset.done $0x0  }
0x29: {  	[sflag:s9] =	ssyncadd.s32 $0xFFFFFB1C  }
0x2a: {  	s19 =	simm.s32 $0x16020;
	[bflag:$0x0] =	sbarrier.arrive $0xFFFF  }
0x2b: {  	s29 =	simm.s32 $0x1;
	s9 =	simm.s32 $0x50A00;
	s18 =	rddreg [dreg:$0xb]  }
0x2c: {  	[tilespmem:s19], [sflag:$0x1] =	stream.strided.gather [hbm4b:s18+s23], $0xA0, s9, s23, $0x38;
	[tilespmem:$0x1F8F0] =	vst v63  }
0x2d: {  	_ =	swait.ge [sflag:s29], $0xA0  }
0x2e: {  	[sflag:s29] =	ssyncset.done $0x0  }
0x2f: {  	s17 =	simm.s32 $0x162F0;
	[sflag:s29] =	ssyncadd.s32 $0xFFFFFF60  }
0x30: {  	[tilespmem:s17], [sflag:$0x4] =	stream.indirect.gather [hbm4b:s1+s23], $0x80, s19, s23, $0xb8;
	[tilespmem:$0x1F8F0] =	vst v63  }
0x31: {  	s18 =	simm.s32 $0x1DAF0  }
0x32: {  	[tilespmem:s18], [sflag:$0x7] =	stream.indirect.gather [hbm4b:s5+s23], $0x10, s19, s23, $0xb8;
	[tilespmem:$0x1F8F0] =	vst v63  }
0x33: {  	s29 =	simm.s32 $0x1E9F0;
	s19 =	simm.s32 $0x16070  }
0x34: {  	[tilespmem:s29], [sflag:$0xA] =	stream.indirect.gather [hbm4b:s6+s23], $0x10, s19, s23, $0xb8;
	[tilespmem:$0x1F8F0] =	vst v63  }
0x35: {  	s17 =	rddreg [dreg:$0xc];
	s18 =	simm.s32 $0x160C0;
	s19 =	simm.s32 $0x2  }
0x36: {  	[tilespmem:s18], [sflag:$0x2] =	stream.strided.gather [hbm4b:s17+s23], $0xA0, s9, s23, $0x38;
	[tilespmem:$0x1F8F0] =	vst v63  }
0x37: {  	_ =	swait.ge [sflag:s19], $0xA0  }
0x38: {  	[sflag:s19] =	ssyncset.done $0x0  }
0x39: {  	s29 =	simm.s32 $0x18AF0;
	[sflag:s19] =	ssyncadd.s32 $0xFFFFFF60  }
0x3a: {  	[tilespmem:s29], [sflag:$0x5] =	stream.indirect.gather [hbm4b:s1+s23], $0x80, s18, s23, $0xb8;
	[tilespmem:$0x1F8F0] =	vst v63  }
0x3b: {  	s17 =	simm.s32 $0x1DFF0  }
0x3c: {  	[tilespmem:s17], [sflag:$0x8] =	stream.indirect.gather [hbm4b:s5+s23], $0x10, s18, s23, $0xb8;
	[tilespmem:$0x1F8F0] =	vst v63  }
0x3d: {  	s19 =	simm.s32 $0x1EEF0;
	s18 =	simm.s32 $0x16110  }
0x3e: {  	[tilespmem:s19], [sflag:$0xB] =	stream.indirect.gather [hbm4b:s6+s23], $0x10, s18, s23, $0xb8;
	[tilespmem:$0x1F8F0] =	vst v63  }
0x3f: {  	s30 =	simm.s32 $0x0;
	s29 =	rddreg [dreg:$0xd]  }
0x40: {  	[tilespmem:s10], [sflag:$0x3] =	stream.strided.gather [hbm4b:s29+s23], $0xA0, s9, s23, $0x38;
	[tilespmem:$0x1F8F0] =	vst v63  }
.LBB2_2:
0x41: {  	_ =	swait.ge [sflag:s11], $0x2800  }
0x42: {  	[sflag:s11] =	ssyncset.done $0x0  }
0x43: {  	[sflag:s11] =	ssyncadd.s32 $0xFFFFD800  }
0x44: {  	_ =	swait.ge [sflag:s13], $0x500  }
0x45: {  	[sflag:s13] =	ssyncset.done $0x0  }
0x46: {  	[sflag:s13] =	ssyncadd.s32 $0xFFFFFB00  }
0x47: {  	_ =	swait.ge [sflag:s15], $0x500  }
0x48: {  	[sflag:s15] =	ssyncset.done $0x0  }
0x49: {  	[sflag:s15] =	ssyncadd.s32 $0xFFFFFB00  }
0x4a: {  	v0 =	vld [tilespmem:$0x16070]  }
0x4b: {  	v8 =	vld [tilespmem:$0x16080]  }
0x4c: {  	v9 =	vld [tilespmem:$0x16090]  }
0x4d: {  	v10 =	vld [tilespmem:$0x160A0]  }
0x4e: {  	p0 =	seq.s32 s30, $0x2A;
	v11 =	vld [tilespmem:$0x160B0]  }
0x4f: {  	s0 =	smul.u32 @!p0 $0xF0, s30;
	[tilespmem:$0x16200] =	vst v0  }
0x50: {  	s9 =	rddreg [dreg:$0xe];
	[tilespmem:$0x16210] =	vst v8  }
0x51: {  	s14 =	simm.s32 @!p0 $0x50;
	s9 =	sadd.s32 @!p0 s0, s9;
	[tilespmem:$0x16220] =	vst v9  }
0x52: {  	s17 =	simm.s32 @!p0 $0x50A00;
	p1 =	seq.s32 @!p0 s30, $0x0;
	s9 =	sshrl.u32 @!p0 s9, $0x3;
	[tilespmem:$0x16230] =	vst v10  }
0x53: {  	s18 =	simm.s32 @!p0 $0x16020;
	p1 =	por p0, !p1;
	s9 =	sadd.s32 @!p0 s8, s9;
	[tilespmem:$0x16240] =	vst v11  }
0x54: {  	[tilespmem:s18], [sflag:$0x1] =	stream.strided.gather @!p0 [hbm4b:s9+s14], $0xA0, s17, s14, $0x38;
	[tilespmem:$0x1F8F0] =	vst v63  }
0x55: {  	s9 =	simm.s32 @p1 $0x12  }
0x56: {  	_ =	swait.ge @p1 [sflag:s9], $0x500  }
0x57: {  	[sflag:s9] =	ssyncset.done @p1 $0x0  }
0x58: {  	[sflag:s9] =	ssyncadd.s32 @p1 $0xFFFFFB00;
	s9 =	simm.s32 @p1 $0xF  }
0x59: {  	_ =	swait.ge @p1 [sflag:s9], $0x2800  }
0x5a: {  	[sflag:s9] =	ssyncset.done @p1 $0x0  }
0x5b: {  	[sflag:s9] =	ssyncadd.s32 @p1 $0xFFFFD800  }
0x5c: {  	_ =	swait.ge [sflag:s16], $0xA0  }
0x5d: {  	[sflag:s16] =	ssyncset.done $0x0  }
0x5e: {  	[sflag:s16] =	ssyncadd.s32 $0xFFFFFF60  }
0x5f: {  	[tilespmem:s20], [sflag:$0x6] =	stream.indirect.gather [hbm4b:s1+s23], $0x80, s10, s23, $0xb8;
	[tilespmem:$0x1F8F0] =	vst v63  }
0x60: {  	_ = 	snop  }
0x61: {  	[tilespmem:s22], [sflag:$0x9] =	stream.indirect.gather [hbm4b:s5+s23], $0x10, s10, s23, $0xb8;
	[tilespmem:$0x1F8F0] =	vst v63  }
0x62: {  	s19 =	simm.s32 $0x1F3F0;
	s18 =	simm.s32 $0x161B0;
	s14 =	simm.s32 $0x1DB10  }
0x63: {  	[tilespmem:s19], [sflag:$0xC] =	stream.indirect.gather [hbm4b:s6+s23], $0x10, s18, s23, $0xb8;
	[tilespmem:$0x1F8F0] =	vst v63  }
0x64: {  	s17 =	simm.s32 $0x1EA10;
	v0 =	vld [tilespmem:s14+$0x10]  }
0x65: {  	v8 =	vld [tilespmem:s17+$0x10];
	_ =	sdelay $0x1  }
0x66: {  	v10 =	vld [tilespmem:s14+$0xFFFFFFF0]  }
0x67: {  	v11 =	vld [tilespmem:s17+$0xFFFFFFF0];
	_ =	sdelay $0x1  }
0x68: {  	v9 =	vld [tilespmem:s17+$0xFFFFFFE0];
	v0 =	vadd.f32 v8, v0  }
0x69: {  	v12 =	vld [tilespmem:s14+$0x0]  }
0x6a: {  	v8 =	vld [tilespmem:s14+$0xFFFFFFE0];
	v14 =	vmul.f32 $2.000000030e-01, v0  }
0x6b: {  	v13 =	vld [tilespmem:s17+$0x0];
	v10 =	vadd.f32 v11, v10  }
0x6c: {  	v0 =	vmax.f32 v0, v14  }
0x6d: {  	v11 =	vmul.f32 $2.000000030e-01, v10;
	v0 =	vmul.f32 $1.442695020e+00, v0;
	_ =	sdelay $0x1  }
0x6e: {  	v8 =	vadd.f32 v9, v8;
	v9 =	vmax.f32 v10, v11;
	(erf) = vpow2.f32 v0  }
0x6f: {  	s19 =	simm.s32 $0x1DB50;
	v12 =	vadd.f32 v13, v12;
	v9 =	vmul.f32 $1.442695020e+00, v9  }
0x70: {  	v48 =	vld [tilespmem:s19+$0x10];
	s17 =	simm.s32 $0x1EA50;
	v0 =	vmul.f32 $2.000000030e-01, v8  }
0x71: {  	v51 =	vld [tilespmem:s17+$0x10];
	v10 =	vmul.f32 $2.000000030e-01, v12;
	(erf) = vpow2.f32 v9  }
0x72: {  	v0 =	vmax.f32 v8, v0  }
0x73: {  	v10 =	vmax.f32 v12, v10;
	v0 =	vmul.f32 $1.442695020e+00, v0  }
0x74: {  	v8 =	vmul.f32 $1.442695020e+00, v10;
	_ =	sdelay $0x1  }
0x75: {  	v57 =	vld [tilespmem:s19+$0xFFFFFFF0];
	v60 =	vadd.f32 v51, v48;
	(erf) = vpow2.f32 v8  }
0x76: {  	v54 =	vld [tilespmem:s17+$0xFFFFFFE0];
	(erf) = vpow2.f32 v0;
	v0 =	vpop (erf)  }
0x77: {  	s9 =	simm.s32 $0x163F0;
	v59 =	vld [tilespmem:s17+$0xFFFFFFF0];
	v63 =	vmul.f32 $2.000000030e-01, v60;
	[tilespmem:s14+$0x10] =	vst v0;
	v19 =	vperm.xlane v0, v5  }
0x78: {  	v20 =	vperm.xlane v0, v6;
	v9 =	vperm.xlane v0, v7;
	v12 =	vld [tilespmem:s9+$0xF0]  }
0x79: {  	v3 =	vimm.s32 $0x7;
	v13 =	vpop (erf);
	v8 =	vperm.xlane v0, v62;
	v11 =	vperm.xlane v0, v1;
	v14 =	vld [tilespmem:s9+$0x80]  }
0x7a: {  	v10 =	vperm.xlane v0, v2;
	v28 =	vperm.xlane v0, v3;
	[tilespmem:s14+$0xFFFFFFF0] =	vst v13;
	v51 =	vld [tilespmem:s9+$0x90]  }
0x7b: {  	v1 =	vimm.s32 $0x4;
	v24 =	vperm.xlane v13, v5;
	v25 =	vperm.xlane v13, v6;
	v15 =	vld [tilespmem:s9+$0xFFFFFF80]  }
0x7c: {  	v2 =	vimm.s32 $0x5;
	v27 =	vperm.xlane v13, v7;
	v30 =	vperm.xlane v13, v62;
	v17 =	vld [tilespmem:s9+$0xFFFFFF90]  }
0x7d: {  	v4 =	vimm.s32 $0x6;
	v31 =	vperm.xlane v13, v1;
	v44 =	vperm.xlane v13, v2;
	v21 =	vld [tilespmem:s9+$0xFFFFFFA0]  }
0x7e: {  	v46 =	vperm.xlane v13, v4;
	v47 =	vperm.xlane v13, v3;
	v43 =	vld [tilespmem:s9+$0xFFFFFFB0];
	v16 =	vpop (erf)  }
0x7f: {  	v45 =	vld [tilespmem:s9+$0xFFFFFFC0];
	v49 =	vperm.xlane v16, v5;
	v50 =	vperm.xlane v16, v6  }
0x80: {  	v61 =	vld [tilespmem:s9+$0xFFFFFFD0];
	v18 =	vpop (erf);
	v52 =	vperm.xlane v16, v7;
	v53 =	vperm.xlane v16, v62  }
0x81: {  	v48 =	vld [tilespmem:s9+$0xFFFFFFE0];
	v55 =	vperm.xlane v16, v1;
	v56 =	vperm.xlane v16, v2;
	[tilespmem:s14+$0xFFFFFFE0] =	vst v18  }
0x82: {  	v58 =	vperm.xlane v16, v4;
	v13 =	vperm.xlane v16, v3;
	v22 =	vld [tilespmem:s9+$0xFFFFFF00]  }
0x83: {  	v33 =	vperm.xlane v18, v5;
	v35 =	vperm.xlane v18, v6;
	v23 =	vld [tilespmem:s9+$0xFFFFFF10]  }
0x84: {  	v36 =	vperm.xlane v18, v7;
	v38 =	vperm.xlane v18, v62;
	v26 =	vld [tilespmem:s9+$0xFFFFFF20]  }
0x85: {  	v28 =	vmul.f32 v28, v12;
	v12 =	vperm.xlane v0, v4;
	v0 =	vld [tilespmem:s19+$0x0]  }
0x86: {  	v39 =	vperm.xlane v18, v1;
	v15 =	vmul.f32 v24, v15;
	v24 =	vld [tilespmem:s17+$0x0]  }
0x87: {  	[tilespmem:s14+$0x0] =	vst v16;
	v16 =	vmax.f32 v60, v63;
	v41 =	vperm.xlane v18, v2;
	v17 =	vmul.f32 v25, v17;
	v25 =	vld [tilespmem:s19+$0xFFFFFFE0]  }
0x88: {  	v57 =	vadd.f32 v59, v57;
	v42 =	vperm.xlane v18, v4;
	v16 =	vmul.f32 $1.442695020e+00, v16;
	v29 =	vld [tilespmem:s9+$0xFFFFFF30]  }
0x89: {  	v34 =	vld [tilespmem:s9+$0xFFFFFF50];
	v14 =	vmul.f32 v19, v14;
	v20 =	vmul.f32 v20, v51  }
0x8a: {  	(erf) = vpow2.f32 v16;
	v16 =	vld [tilespmem:s9+$0x20];
	[tilespmem:s9+$0xF0] =	vst v28;
	v28 =	vmul.f32 $2.000000030e-01, v57  }
0x8b: {  	v32 =	vld [tilespmem:s9+$0xFFFFFF40];
	[tilespmem:s9+$0xFFFFFF90] =	vst v17;
	v17 =	vmul.f32 v27, v21;
	v22 =	vmul.f32 v33, v22  }
0x8c: {  	v37 =	vld [tilespmem:s9+$0xFFFFFF60];
	[tilespmem:s9+$0x80] =	vst v14;
	v26 =	vmul.f32 v36, v26;
	v0 =	vadd.f32 v24, v0;
	v19 =	vadd.f32 v54, v25  }
0x8d: {  	v40 =	vld [tilespmem:s9+$0xFFFFFF70];
	[tilespmem:s9+$0xFFFFFF80] =	vst v15;
	v23 =	vmul.f32 v35, v23;
	v29 =	vmul.f32 v38, v29  }
0x8e: {  	v27 =	vld [tilespmem:s9+$0xFFFFFFF0];
	[tilespmem:s9+$0xFFFFFF20] =	vst v26;
	v25 =	vmul.f32 $2.000000030e-01, v0;
	v26 =	vmul.f32 $2.000000030e-01, v19  }
0x8f: {  	v15 =	vmul.f32 v41, v34;
	v24 =	vld [tilespmem:s9+$0x0];
	v34 =	vmul.f32 v52, v16;
	[tilespmem:s9+$0xFFFFFF10] =	vst v23;
	v23 =	vmax.f32 v57, v28  }
0x90: {  	[tilespmem:s9+$0x90] =	vst v20;
	v16 =	vld [tilespmem:s9+$0xC0];
	v23 =	vmul.f32 $1.442695020e+00, v23;
	v0 =	vmax.f32 v0, v25;
	v19 =	vmax.f32 v19, v26  }
0x91: {  	[tilespmem:s9+$0xFFFFFFA0] =	vst v17;
	v0 =	vmul.f32 $1.442695020e+00, v0;
	v14 =	vmul.f32 $1.442695020e+00, v19;
	v19 =	vld [tilespmem:s9+$0x60]  }
0x92: {  	v18 =	vperm.xlane v18, v3;
	[tilespmem:s9+$0xFFFFFF00] =	vst v22;
	v22 =	vld [tilespmem:s9+$0x10];
	(erf) = vpow2.f32 v23  }
0x93: {  	v32 =	vmul.f32 v39, v32;
	v28 =	vld [tilespmem:s9+$0x30];
	[tilespmem:s9+$0xFFFFFF30] =	vst v29;
	(erf) = vpow2.f32 v0  }
0x94: {  	v37 =	vmul.f32 v42, v37;
	[tilespmem:s9+$0xFFFFFF50] =	vst v15;
	v15 =	vld [tilespmem:s9+$0xB0];
	(erf) = vpow2.f32 v14  }
0x95: {  	v18 =	vmul.f32 v18, v40;
	[tilespmem:s9+$0xFFFFFF40] =	vst v32;
	v25 =	vld [tilespmem:s9+$0x40]  }
0x96: {  	[tilespmem:s9+$0xFFFFFF60] =	vst v37;
	v26 =	vld [tilespmem:s9+$0x50];
	v0 =	vmul.f32 v58, v19  }
0x97: {  	v21 =	vmul.f32 v30, v43;
	v30 =	vmul.f32 v31, v45;
	[tilespmem:s9+$0xFFFFFF70] =	vst v18;
	v23 =	vld [tilespmem:s9+$0x70]  }
0x98: {  	v43 =	vpop (erf);
	v14 =	vld [tilespmem:s9+$0xA0];
	[tilespmem:$0x1FFE0] =	vst v0  }
0x99: {  	[tilespmem:s19+$0x10] =	vst v43  }
0x9a: {  	v29 =	vmul.f32 v44, v61;
	v17 =	vld [tilespmem:s9+$0xD0];
	[tilespmem:s9+$0xFFFFFFB0] =	vst v21  }
0x9b: {  	s18 =	simm.s32 $0x165F0;
	v59 =	vmul.f32 v46, v48;
	v18 =	vld [tilespmem:s9+$0xE0];
	[tilespmem:s9+$0xFFFFFFC0] =	vst v30;
	v30 =	vpop (erf)  }
0x9c: {  	v27 =	vmul.f32 v47, v27;
	v36 =	vmul.f32 v49, v24;
	[tilespmem:s9+$0xFFFFFFD0] =	vst v29;
	v49 =	vld [tilespmem:s18+$0xF0];
	v47 =	vpop (erf)  }
0x9d: {  	v33 =	vmul.f32 v50, v22;
	v61 =	vmul.f32 v56, v26;
	[tilespmem:s9+$0xFFFFFFE0] =	vst v59;
	v26 =	vld [tilespmem:s18+$0x80];
	v50 =	vpop (erf)  }
0x9e: {  	[tilespmem:s19+$0xFFFFFFF0] =	vst v30;
	v31 =	vld [tilespmem:s18+$0x90];
	v0 =	vperm.xlane v50, v5  }
0x9f: {  	v44 =	vld [tilespmem:s18+$0xFFFFFF80];
	[tilespmem:s19+$0xFFFFFFE0] =	vst v50  }
0xa0: {  	v45 =	vld [tilespmem:s18+$0xFFFFFF90];
	[tilespmem:$0x1FFF0] =	vst v0  }
0xa1: {  	[tilespmem:s9+$0xFFFFFFF0] =	vst v27  }
0xa2: {  	[tilespmem:s9+$0x0] =	vst v36  }
0xa3: {  	v28 =	vmul.f32 v53, v28;
	[tilespmem:s9+$0x10] =	vst v33  }
0xa4: {  	v24 =	vperm.xlane v43, v6;
	v48 =	vmul.f32 v55, v25;
	[tilespmem:s9+$0x20] =	vst v34  }
0xa5: {  	v20 =	vperm.xlane v43, v1;
	v22 =	vperm.xlane v43, v7;
	[tilespmem:s9+$0x30] =	vst v28  }
0xa6: {  	v25 =	vperm.xlane v43, v5;
	v19 =	vperm.xlane v43, v2;
	[tilespmem:s9+$0x40] =	vst v48  }
0xa7: {  	v21 =	vperm.xlane v43, v62;
	v29 =	vperm.xlane v43, v3;
	[tilespmem:s9+$0x50] =	vst v61  }
0xa8: {  	v43 =	vperm.xlane v43, v4;
	v40 =	vperm.xlane v30, v1;
	v46 =	vld [tilespmem:s18+$0xFFFFFFA0];
	[tilespmem:s19+$0x0] =	vst v47  }
0xa9: {  	v53 =	vperm.xlane v50, v1;
	v33 =	vperm.xlane v47, v1;
	v1 =	vld [tilespmem:$0x1FFE0]  }
0xaa: {  	v41 =	vperm.xlane v30, v5;
	v38 =	vperm.xlane v30, v6;
	v63 =	vld [tilespmem:s18+$0xFFFFFF00]  }
0xab: {  	v39 =	vperm.xlane v30, v7;
	v0 =	vmul.f32 v29, v49;
	v58 =	vld [tilespmem:s18+$0xFFFFFF10]  }
0xac: {  	v56 =	vperm.xlane v50, v6;
	v57 =	vperm.xlane v50, v7;
	v59 =	vld [tilespmem:s18+$0xFFFFFF20]  }
0xad: {  	v55 =	vperm.xlane v50, v62;
	v54 =	vperm.xlane v50, v2;
	v60 =	vld [tilespmem:s18+$0xFFFFFF30];
	[tilespmem:s18+$0xF0] =	vst v0  }
0xae: {  	v52 =	vperm.xlane v50, v4;
	v49 =	vperm.xlane v50, v3;
	v50 =	vld [tilespmem:s18+$0xFFFFFF40];
	[tilespmem:s9+$0x60] =	vst v1  }
0xaf: {  	v42 =	vperm.xlane v30, v62;
	v37 =	vperm.xlane v30, v4;
	v0 =	vld [tilespmem:$0x1FFF0]  }
0xb0: {  	v35 =	vperm.xlane v30, v3;
	v32 =	vperm.xlane v47, v2;
	v51 =	vld [tilespmem:s18+$0xFFFFFF50]  }
0xb1: {  	v29 =	vperm.xlane v47, v62;
	v36 =	vperm.xlane v30, v2;
	v61 =	vld [tilespmem:s18+$0xFFFFFF60]  }
0xb2: {  	v34 =	vperm.xlane v47, v5;
	v27 =	vperm.xlane v47, v6;
	v62 =	vld [tilespmem:s18+$0xFFFFFF70]  }
0xb3: {  	v28 =	vperm.xlane v47, v7;
	v48 =	vld [tilespmem:s18+$0xFFFFFFB0];
	v30 =	vperm.xlane v47, v4  }
0xb4: {  	s29 =	simm.s32 $0x1DB90;
	s14 =	simm.s32 $0x4;
	v47 =	vperm.xlane v47, v3;
	s19 =	simm.s32 $0x165F0;
	v0 =	vmul.f32 v0, v63;
	v63 =	vld [tilespmem:s18+$0xFFFFFFC0]  }
.LBB2_3:
0xb5: {  	v1 =	vld [tilespmem:s29+$0x10];
	v56 =	vmul.f32 v56, v58;
	v57 =	vmul.f32 v57, v59;
	s17 =	sadd.s32 $0x40, s17  }
0xb6: {  	s14 =	sadd.s32 $0x4, s14;
	v50 =	vmul.f32 v53, v50;
	v58 =	vld [tilespmem:s17+$0x10];
	[tilespmem:s18+$0xFFFFFF00] =	vst v0;
	v0 =	vmul.f32 v55, v60  }
0xb7: {  	v51 =	vmul.f32 v54, v51;
	p1 =	slt.u32 s14, $0x4C;
	v52 =	vmul.f32 v52, v61;
	v53 =	vld [tilespmem:s17+$0xFFFFFFE0];
	[tilespmem:s18+$0xFFFFFF10] =	vst v56  }
0xb8: {  	v41 =	vmul.f32 v41, v44;
	v55 =	vmul.f32 v49, v62;
	v54 =	vld [tilespmem:s29+$0xFFFFFFF0];
	[tilespmem:s18+$0xFFFFFF20] =	vst v57  }
0xb9: {  	v44 =	vld [tilespmem:s17+$0xFFFFFFF0];
	[tilespmem:s18+$0xFFFFFF30] =	vst v0;
	v0 =	vmul.f32 v38, v45;
	v38 =	vmul.f32 v39, v46  }
0xba: {  	v42 =	vmul.f32 v42, v48;
	v40 =	vmul.f32 v40, v63;
	v39 =	vld [tilespmem:s29+$0x0];
	[tilespmem:s18+$0xFFFFFF40] =	vst v50  }
0xbb: {  	v25 =	vmul.f32 v25, v26;
	v23 =	vmul.f32 v13, v23;
	v45 =	vld [tilespmem:s17+$0x0];
	v1 =	vadd.f32 v58, v1;
	[tilespmem:s18+$0xFFFFFF50] =	vst v51  }
0xbc: {  	v24 =	vmul.f32 v24, v31;
	v13 =	vmovc v47;
	v49 =	vmul.f32 v9, v14;
	v9 =	vmov v22;
	v26 =	vld [tilespmem:s29+$0xFFFFFFE0];
	[tilespmem:s18+$0xFFFFFF60] =	vst v52  }
0xbd: {  	v50 =	vmul.f32 v8, v15;
	v8 =	vmov v21;
	v14 =	vmul.f32 $2.000000030e-01, v1;
	[tilespmem:s18+$0xFFFFFF70] =	vst v55;
	v22 =	vld [tilespmem:s18+$0xFFFFFFD0]  }
0xbe: {  	v47 =	vmul.f32 v10, v17;
	v51 =	vmul.f32 v11, v16;
	v15 =	vadd.f32 v44, v54;
	[tilespmem:s18+$0xFFFFFF80] =	vst v41;
	v21 =	vld [tilespmem:s18+$0xFFFFFFE0]  }
0xbf: {  	v10 =	vmovc v19;
	v48 =	vmul.f32 v12, v18;
	v11 =	vmov v20;
	v1 =	vmax.f32 v1, v14;
	[tilespmem:s18+$0xFFFFFF90] =	vst v0;
	v0 =	vld [tilespmem:s18+$0xFFFFFFF0]  }
0xc0: {  	v12 =	vmovc v43;
	v14 =	vmul.f32 $2.000000030e-01, v15;
	v16 =	vadd.f32 v45, v39;
	v1 =	vmul.f32 $1.442695020e+00, v1;
	[tilespmem:s18+$0xFFFFFFA0] =	vst v38;
	v17 =	vld [tilespmem:s18+$0x0]  }
0xc1: {  	v18 =	vadd.f32 v53, v26;
	[tilespmem:s18+$0xFFFFFFB0] =	vst v42;
	v19 =	vld [tilespmem:s18+$0x10]  }
0xc2: {  	v14 =	vmax.f32 v15, v14;
	v15 =	vmul.f32 $2.000000030e-01, v16;
	(erf) = vpow2.f32 v1;
	[tilespmem:s18+$0xFFFFFFC0] =	vst v40;
	v1 =	vld [tilespmem:s18+$0x20]  }
0xc3: {  	v20 =	vmul.f32 $2.000000030e-01, v18;
	v14 =	vmul.f32 $1.442695020e+00, v14;
	v26 =	vld [tilespmem:s18+$0x30];
	[tilespmem:s9+$0x70] =	vst v23  }
0xc4: {  	v21 =	vmul.f32 v37, v21;
	v15 =	vmax.f32 v16, v15;
	v16 =	vmul.f32 v36, v22;
	v22 =	vld [tilespmem:s18+$0x40];
	[tilespmem:s18+$0x80] =	vst v25  }
0xc5: {  	v18 =	vmax.f32 v18, v20;
	v15 =	vmul.f32 $1.442695020e+00, v15;
	(erf) = vpow2.f32 v14;
	v20 =	vld [tilespmem:s18+$0x50];
	[tilespmem:s18+$0x90] =	vst v24  }
0xc6: {  	v0 =	vmul.f32 v35, v0;
	v14 =	vmul.f32 $1.442695020e+00, v18;
	[tilespmem:s18+$0xFFFFFFD0] =	vst v16;
	v18 =	vld [tilespmem:s18+$0x60]  }
0xc7: {  	(erf) = vpow2.f32 v15;
	[tilespmem:s18+$0xFFFFFFE0] =	vst v21;
	v15 =	vmul.f32 v34, v17;
	v23 =	vld [tilespmem:s18+$0x70]  }
0xc8: {  	(erf) = vpow2.f32 v14;
	[tilespmem:s18+$0xFFFFFFF0] =	vst v0;
	v0 =	vmul.f32 v27, v19;
	v14 =	vld [tilespmem:s18+$0xA0]  }
0xc9: {  	v1 =	vmul.f32 v28, v1;
	v19 =	vmul.f32 v29, v26;
	[tilespmem:s18+$0x0] =	vst v15;
	v15 =	vld [tilespmem:s18+$0xB0]  }
0xca: {  	[tilespmem:s18+$0x10] =	vst v0;
	v0 =	vmul.f32 v33, v22;
	v27 =	vmul.f32 v32, v20;
	v16 =	vld [tilespmem:s18+$0xC0]  }
0xcb: {  	v33 =	vimm.s32 $0x3;
	v43 =	vpop (erf);
	[tilespmem:s18+$0x20] =	vst v1;
	v1 =	vmul.f32 v30, v18;
	v17 =	vld [tilespmem:s18+$0xD0]  }
0xcc: {  	v32 =	vimm.s32 $0x5;
	s18 =	sadd.s32 $0x200, s18;
	[tilespmem:s29+$0x10] =	vst v43;
	v25 =	vperm.xlane v43, v5;
	v24 =	vperm.xlane v43, v6;
	v18 =	vld [tilespmem:s19+$0xE0]  }
0xcd: {  	v30 =	vimm.s32 $0x4;
	v22 =	vperm.xlane v43, v7;
	v21 =	vperm.xlane v43, v33;
	v28 =	vld [tilespmem:s18+$0xF0];
	[tilespmem:s19+$0x30] =	vst v19  }
0xce: {  	v20 =	vperm.xlane v43, v30;
	v19 =	vperm.xlane v43, v32;
	v26 =	vld [tilespmem:s18+$0x80];
	v29 =	vpop (erf);
	[tilespmem:s19+$0x40] =	vst v0  }
0xcf: {  	v4 =	vimm.s32 $0x7;
	[tilespmem:s29+$0xFFFFFFF0] =	vst v29;
	v41 =	vperm.xlane v29, v5;
	v38 =	vperm.xlane v29, v6;
	v31 =	vld [tilespmem:s18+$0x90]  }
0xd0: {  	v0 =	vperm.xlane v43, v4;
	v39 =	vperm.xlane v29, v7;
	v44 =	vld [tilespmem:s18+$0xFFFFFF80];
	v63 =	vpop (erf);
	[tilespmem:s19+$0x50] =	vst v27  }
0xd1: {  	v42 =	vperm.xlane v29, v33;
	v40 =	vperm.xlane v29, v30;
	v45 =	vld [tilespmem:s18+$0xFFFFFF90];
	[tilespmem:s29+$0x0] =	vst v63;
	v27 =	vpop (erf)  }
0xd2: {  	[tilespmem:s29+$0xFFFFFFE0] =	vst v27;
	v2 =	vperm.xlane v27, v5;
	v46 =	vld [tilespmem:s18+$0xFFFFFFA0];
	v0 =	vmul.f32 v0, v28  }
0xd3: {  	v56 =	vperm.xlane v27, v6;
	v57 =	vperm.xlane v27, v7;
	v3 =	vld [tilespmem:s18+$0xFFFFFF00];
	[tilespmem:s19+$0x60] =	vst v1  }
0xd4: {  	v55 =	vperm.xlane v27, v33;
	v53 =	vperm.xlane v27, v30;
	v1 =	vimm.s32 $0x6;
	v58 =	vld [tilespmem:s18+$0xFFFFFF10];
	[tilespmem:s18+$0xF0] =	vst v0  }
0xd5: {  	v54 =	vperm.xlane v27, v32;
	v52 =	vperm.xlane v27, v1;
	v59 =	vld [tilespmem:s18+$0xFFFFFF20];
	[tilespmem:s9+$0xA0] =	vst v49  }
0xd6: {  	v36 =	vperm.xlane v29, v32;
	v49 =	vperm.xlane v27, v4;
	v60 =	vld [tilespmem:s18+$0xFFFFFF30];
	[tilespmem:s9+$0xB0] =	vst v50  }
0xd7: {  	v35 =	vperm.xlane v29, v4;
	v37 =	vperm.xlane v29, v1;
	v50 =	vld [tilespmem:s18+$0xFFFFFF40];
	[tilespmem:s9+$0xC0] =	vst v51  }
.Ltmp0:
0xd8: {  	v34 =	vperm.xlane v63, v5;
	v27 =	vperm.xlane v63, v6;
	v51 =	vld [tilespmem:s18+$0xFFFFFF50];
	[tilespmem:s9+$0xD0] =	vst v47;
	(pc) =	sbr.rel @p1 .LBB2_3-.Ltmp0, $4  }
0xd9: {  	v28 =	vperm.xlane v63, v7;
	v29 =	vperm.xlane v63, v33;
	v61 =	vld [tilespmem:s18+$0xFFFFFF60];
	[tilespmem:s9+$0xE0] =	vst v48;
	s9 =	smov.u32 s19;
	s19 =	smov.u32 s18  }
0xda: {  	v32 =	vperm.xlane v63, v32;
	v33 =	vperm.xlane v63, v30;
	v62 =	vld [tilespmem:s18+$0xFFFFFF70]  }
0xdb: {  	v30 =	vperm.xlane v63, v1;
	v47 =	vperm.xlane v63, v4;
	v48 =	vld [tilespmem:s18+$0xFFFFFFB0]  }
0xdc: {  	s29 =	sadd.s32 $0x40, s29;
	v43 =	vperm.xlane v43, v1;
	v0 =	vmul.f32 v2, v3;
	v63 =	vld [tilespmem:s18+$0xFFFFFFC0]  }
0xdd: {  	v1 =	vmul.f32 v56, v58  }
0xde: {  	v2 =	vmul.f32 v57, v59;
	[tilespmem:s18+$0xFFFFFF00] =	vst v0  }
0xdf: {  	v3 =	vmul.f32 v38, v45;
	[tilespmem:s18+$0xFFFFFF10] =	vst v1  }
0xe0: {  	v59 =	vmul.f32 v39, v46;
	[tilespmem:s18+$0xFFFFFF20] =	vst v2  }
0xe1: {  	v13 =	vmul.f32 v13, v23;
	[tilespmem:s18+$0xFFFFFF90] =	vst v3  }
0xe2: {  	v0 =	vmul.f32 v55, v60;
	[tilespmem:s18+$0xFFFFFFA0] =	vst v59  }
0xe3: {  	v1 =	vmul.f32 v53, v50;
	[tilespmem:s9+$0x70] =	vst v13  }
0xe4: {  	v2 =	vmul.f32 v54, v51;
	[tilespmem:s18+$0xFFFFFF30] =	vst v0  }
0xe5: {  	v0 =	vmul.f32 v41, v44;
	[tilespmem:s18+$0xFFFFFF40] =	vst v1  }
0xe6: {  	v1 =	vmul.f32 v52, v61;
	[tilespmem:s18+$0xFFFFFF50] =	vst v2  }
0xe7: {  	v2 =	vld [tilespmem:s18+$0xFFFFFFD0];
	[tilespmem:s18+$0xFFFFFF80] =	vst v0;
	v0 =	vmul.f32 v49, v62  }
0xe8: {  	v24 =	vmul.f32 v24, v31;
	[tilespmem:s18+$0xFFFFFF60] =	vst v1;
	v1 =	vld [tilespmem:s18+$0xFFFFFFE0]  }
0xe9: {  	v3 =	vmul.f32 v42, v48;
	[tilespmem:s18+$0xFFFFFF70] =	vst v0;
	v0 =	vld [tilespmem:s18+$0xFFFFFFF0]  }
0xea: {  	v23 =	vld [tilespmem:s18+$0x0];
	[tilespmem:s18+$0x90] =	vst v24;
	v60 =	vmul.f32 v40, v63  }
0xeb: {  	[tilespmem:s18+$0xFFFFFFB0] =	vst v3;
	v3 =	vmul.f32 v25, v26;
	v25 =	vld [tilespmem:s18+$0x10]  }
0xec: {  	v26 =	vld [tilespmem:s18+$0x20];
	[tilespmem:s18+$0xFFFFFFC0] =	vst v60;
	v2 =	vmul.f32 v36, v2  }
0xed: {  	v13 =	vld [tilespmem:s18+$0x30];
	[tilespmem:s18+$0x80] =	vst v3;
	v1 =	vmul.f32 v37, v1  }
0xee: {  	v3 =	vld [tilespmem:s18+$0x40];
	[tilespmem:s18+$0xFFFFFFD0] =	vst v2;
	v0 =	vmul.f32 v35, v0  }
0xef: {  	v2 =	vld [tilespmem:s18+$0x60];
	[tilespmem:s18+$0xFFFFFFE0] =	vst v1;
	v1 =	vmul.f32 v34, v23  }
0xf0: {  	v24 =	vld [tilespmem:s18+$0x50];
	[tilespmem:s18+$0xFFFFFFF0] =	vst v0;
	v0 =	vmul.f32 v27, v25  }
0xf1: {  	[tilespmem:s18+$0x0] =	vst v1;
	v1 =	vmul.f32 v28, v26  }
0xf2: {  	v13 =	vmul.f32 v29, v13;
	[tilespmem:s18+$0x10] =	vst v0  }
0xf3: {  	v0 =	vmul.f32 v33, v3;
	[tilespmem:s18+$0x20] =	vst v1  }
0xf4: {  	v23 =	vld [tilespmem:s18+$0x70];
	v2 =	vmul.f32 v30, v2;
	[tilespmem:s19+$0x30] =	vst v13  }
0xf5: {  	v1 =	vmul.f32 v32, v24;
	[tilespmem:s19+$0x40] =	vst v0  }
0xf6: {  	v0 =	vmul.f32 v9, v14;
	[tilespmem:s19+$0x60] =	vst v2  }
0xf7: {  	v3 =	vld [tilespmem:s18+$0xA0];
	v2 =	vmul.f32 v11, v16;
	[tilespmem:s19+$0x50] =	vst v1  }
0xf8: {  	v1 =	vmul.f32 v8, v15;
	v8 =	vld [tilespmem:s18+$0xB0];
	[tilespmem:s9+$0xA0] =	vst v0  }
0xf9: {  	v9 =	vld [tilespmem:s18+$0xC0];
	v0 =	vmul.f32 v10, v17;
	[tilespmem:s9+$0xC0] =	vst v2  }
0xfa: {  	v10 =	vld [tilespmem:s18+$0xD0];
	[tilespmem:s9+$0xB0] =	vst v1;
	v1 =	vmul.f32 v12, v18  }
0xfb: {  	v2 =	vld [tilespmem:s19+$0xE0];
	[tilespmem:s9+$0xD0] =	vst v0;
	v0 =	vmul.f32 v47, v23  }
0xfc: {  	[tilespmem:s9+$0xE0] =	vst v1;
	v1 =	vmul.f32 v22, v3  }
0xfd: {  	v3 =	vmul.f32 v21, v8;
	[tilespmem:s19+$0x70] =	vst v0  }
0xfe: {  	v0 =	vmul.f32 v20, v9;
	[tilespmem:s19+$0xA0] =	vst v1  }
0xff: {  	v1 =	vmul.f32 v19, v10;
	[tilespmem:s19+$0xB0] =	vst v3  }
0x100: {  	v2 =	vmul.f32 v43, v2;
	[tilespmem:s19+$0xC0] =	vst v0  }
0x101: {  	[tilespmem:s19+$0xD0] =	vst v1  }
0x102: {  	s18 =	simm.s32 $0x1DAF0;
	[tilespmem:s19+$0xE0] =	vst v2  }
0x103: {  	[spmem:s3] =	stream.indirect.scatter.add.f32 [tilespmem:s18], [sflag:$0x10], $0x10, s25, s23, $0xb8;
	[tilespmem:$0x1F8F0] =	vst v63  }
0x104: {  	s19 =	simm.s32 $0x162F0  }
0x105: {  	[spmem:s2] =	stream.indirect.scatter.add.f32 [tilespmem:s19], [sflag:$0xD], $0x80, s25, s23, $0xb8;
	[tilespmem:$0x1F8F0] =	vst v63  }
0x106: {  	_ =	swait.ge [sflag:s26], $0x2800  }
0x107: {  	[sflag:s26] =	ssyncset.done $0x0  }
0x108: {  	[sflag:s26] =	ssyncadd.s32 $0xFFFFD800  }
0x109: {  	_ =	swait.ge [sflag:s28], $0x500  }
0x10a: {  	[sflag:s28] =	ssyncset.done $0x0  }
0x10b: {  	[sflag:s28] =	ssyncadd.s32 $0xFFFFFB00  }
0x10c: {  	_ =	swait.ge [sflag:s7], $0x500  }
0x10d: {  	[sflag:s7] =	ssyncset.done $0x0  }
0x10e: {  	[sflag:s7] =	ssyncadd.s32 $0xFFFFFB00  }
0x10f: {  	v0 =	vld [tilespmem:$0x16110]  }
0x110: {  	v1 =	vld [tilespmem:$0x16120]  }
0x111: {  	v2 =	vld [tilespmem:$0x16130]  }
0x112: {  	v3 =	vld [tilespmem:$0x16140]  }
0x113: {  	v8 =	vld [tilespmem:$0x16150]  }
0x114: {  	[tilespmem:$0x16250] =	vst v0  }
0x115: {  	s9 =	rddreg [dreg:$0xf];
	[tilespmem:$0x16260] =	vst v1  }
0x116: {  	s9 =	sadd.s32 @!p0 s0, s9;
	[tilespmem:$0x16270] =	vst v2  }
0x117: {  	s14 =	simm.s32 @!p0 $0x50;
	s9 =	sshrl.u32 @!p0 s9, $0x3;
	[tilespmem:$0x16280] =	vst v3  }
0x118: {  	s17 =	simm.s32 @!p0 $0x50A00;
	s18 =	simm.s32 @!p0 $0x160C0;
	s9 =	sadd.s32 @!p0 s8, s9;
	[tilespmem:$0x16290] =	vst v8  }
0x119: {  	[tilespmem:s18], [sflag:$0x2] =	stream.strided.gather @!p0 [hbm4b:s9+s14], $0xA0, s17, s14, $0x38;
	[tilespmem:$0x1F8F0] =	vst v63  }
0x11a: {  	s9 =	simm.s32 @!p0 $0x10  }
0x11b: {  	_ =	swait.ge @!p0 [sflag:s9], $0x500  }
0x11c: {  	[sflag:s9] =	ssyncset.done @!p0 $0x0  }
0x11d: {  	[sflag:s9] =	ssyncadd.s32 @!p0 $0xFFFFFB00;
	s9 =	simm.s32 @!p0 $0xD  }
0x11e: {  	_ =	swait.ge @!p0 [sflag:s9], $0x2800  }
0x11f: {  	[sflag:s9] =	ssyncset.done @!p0 $0x0  }
0x120: {  	[sflag:s9] =	ssyncadd.s32 @!p0 $0xFFFFD800;
	s9 =	simm.s32 @!p0 $0x1  }
0x121: {  	_ =	swait.ge @!p0 [sflag:s9], $0xA0  }
0x122: {  	[sflag:s9] =	ssyncset.done @!p0 $0x0  }
0x123: {  	s17 =	simm.s32 @!p0 $0x162F0;
	[sflag:s9] =	ssyncadd.s32 @!p0 $0xFFFFFF60;
	s9 =	simm.s32 @!p0 $0x16020  }
0x124: {  	[tilespmem:s17], [sflag:$0x4] =	stream.indirect.gather @!p0 [hbm4b:s1+s14], $0x80, s9, s14, $0xb8;
	[tilespmem:$0x1F8F0] =	vst v63  }
0x125: {  	s17 =	simm.s32 @!p0 $0x1DAF0  }
0x126: {  	[tilespmem:s17], [sflag:$0x7] =	stream.indirect.gather @!p0 [hbm4b:s5+s14], $0x10, s9, s14, $0xb8;
	[tilespmem:$0x1F8F0] =	vst v63  }
0x127: {  	s9 =	simm.s32 @!p0 $0x16070;
	s17 =	simm.s32 @!p0 $0x1E9F0  }
0x128: {  	[tilespmem:s17], [sflag:$0xA] =	stream.indirect.gather @!p0 [hbm4b:s6+s14], $0x10, s9, s14, $0xb8;
	[tilespmem:$0x1F8F0] =	vst v63  }
0x129: {  	s14 =	simm.s32 $0x1E020  }
0x12a: {  	s17 =	simm.s32 $0x1EF20;
	v0 =	vld [tilespmem:s14+$0x0]  }
0x12b: {  	v1 =	vld [tilespmem:s17+$0x0]  }
0x12c: {  	v3 =	vld [tilespmem:s14+$0xFFFFFFE0]  }
0x12d: {  	v8 =	vld [tilespmem:s17+$0xFFFFFFE0];
	_ =	sdelay $0x2  }
0x12e: {  	v2 =	vld [tilespmem:s17+$0xFFFFFFD0];
	v0 =	vadd.f32 v1, v0  }
0x12f: {  	v1 =	vld [tilespmem:s14+$0xFFFFFFD0]  }
0x130: {  	v9 =	vld [tilespmem:s14+$0xFFFFFFF0];
	v3 =	vadd.f32 v8, v3;
	v11 =	vmul.f32 $2.000000030e-01, v0  }
0x131: {  	v10 =	vld [tilespmem:s17+$0xFFFFFFF0]  }
0x132: {  	v8 =	vmul.f32 $2.000000030e-01, v3;
	v0 =	vmax.f32 v0, v11  }
0x133: {  	v0 =	vmul.f32 $1.442695020e+00, v0  }
0x134: {  	v1 =	vadd.f32 v2, v1;
	v2 =	vmax.f32 v3, v8  }
0x135: {  	v2 =	vmul.f32 $1.442695020e+00, v2;
	(erf) = vpow2.f32 v0  }
0x136: {  	v9 =	vadd.f32 v10, v9  }
0x137: {  	v0 =	vmul.f32 $2.000000030e-01, v1;
	(erf) = vpow2.f32 v2  }
0x138: {  	v3 =	vmul.f32 $2.000000030e-01, v9  }
0x139: {  	v0 =	vmax.f32 v1, v0  }
0x13a: {  	v3 =	vmax.f32 v9, v3;
	v0 =	vmul.f32 $1.442695020e+00, v0  }
0x13b: {  	v1 =	vmul.f32 $1.442695020e+00, v3  }
0x13c: {  	s19 =	simm.s32 $0x1E060  }
0x13d: {  	v60 =	vld [tilespmem:s19+$0x0];
	(erf) = vpow2.f32 v1  }
0x13e: {  	s17 =	simm.s32 $0x1EF60;
	v54 =	vld [tilespmem:s19+$0xFFFFFFE0];
	(erf) = vpow2.f32 v0;
	v0 =	vpop (erf)  }
0x13f: {  	s9 =	simm.s32 $0x18CE0;
	v51 =	vld [tilespmem:s17+$0xFFFFFFD0];
	[tilespmem:s14+$0x0] =	vst v0  }
0x140: {  	v2 =	vpop (erf);
	v1 =	vld [tilespmem:s9+$0x0]  }
0x141: {  	v3 =	vld [tilespmem:s9+$0xFFFFFF90];
	[tilespmem:s14+$0xFFFFFFE0] =	vst v2  }
0x142: {  	v4 =	vimm.s32 $0x4;
	v17 =	vperm.xlane v0, v5;
	v14 =	vld [tilespmem:s9+$0xFFFFFE90]  }
0x143: {  	v62 =	vimm.s32 $0x3;
	v18 =	vperm.xlane v0, v6;
	v9 =	vperm.xlane v0, v7;
	v16 =	vld [tilespmem:s9+$0xFFFFFEA0]  }
0x144: {  	v8 =	vperm.xlane v0, v62;
	v11 =	vperm.xlane v0, v4;
	v4 =	vimm.s32 $0x5;
	v19 =	vld [tilespmem:s9+$0xFFFFFEB0]  }
0x145: {  	v10 =	vperm.xlane v0, v4;
	v22 =	vperm.xlane v2, v5;
	v40 =	vld [tilespmem:s9+$0xFFFFFEC0]  }
0x146: {  	v23 =	vperm.xlane v2, v6;
	v25 =	vperm.xlane v2, v7;
	v4 =	vimm.s32 $0x7;
	v43 =	vld [tilespmem:s9+$0xFFFFFED0]  }
0x147: {  	v27 =	vperm.xlane v2, v62;
	v13 =	vperm.xlane v0, v4;
	v4 =	vimm.s32 $0x4;
	v58 =	vld [tilespmem:s9+$0xFFFFFEE0];
	v15 =	vpop (erf)  }
0x148: {  	v61 =	vimm.s32 $0x5;
	v59 =	vld [tilespmem:s9+$0xFFFFFEF0];
	v28 =	vperm.xlane v2, v4;
	v12 =	vpop (erf);
	v46 =	vperm.xlane v15, v5  }
0x149: {  	v47 =	vperm.xlane v15, v6;
	[tilespmem:s14+$0xFFFFFFD0] =	vst v12;
	v38 =	vperm.xlane v12, v61;
	v61 =	vld [tilespmem:s17+$0x0]  }
0x14a: {  	v49 =	vperm.xlane v15, v7;
	v30 =	vperm.xlane v12, v5;
	v20 =	vld [tilespmem:s9+$0xFFFFFE10]  }
0x14b: {  	v32 =	vperm.xlane v12, v6;
	v33 =	vperm.xlane v12, v7;
	v21 =	vld [tilespmem:s9+$0xFFFFFE20]  }
0x14c: {  	v63 =	vimm.s32 $0x7;
	v35 =	vperm.xlane v12, v62;
	v36 =	vperm.xlane v12, v4;
	v24 =	vld [tilespmem:s9+$0xFFFFFE30]  }
0x14d: {  	v4 =	vimm.s32 $0x6;
	v41 =	vperm.xlane v12, v63;
	v26 =	vld [tilespmem:s9+$0xFFFFFE40];
	v1 =	vmul.f32 v13, v1  }
0x14e: {  	v29 =	vld [tilespmem:s9+$0xFFFFFE50];
	v39 =	vperm.xlane v12, v4;
	v12 =	vimm.s32 $0x5;
	v44 =	vperm.xlane v2, v4  }
0x14f: {  	v31 =	vld [tilespmem:s9+$0xFFFFFE60];
	v13 =	vimm.s32 $0x4;
	v42 =	vperm.xlane v2, v12;
	v2 =	vperm.xlane v2, v63  }
0x150: {  	v52 =	vperm.xlane v15, v13;
	v13 =	vperm.xlane v15, v63;
	v63 =	vld [tilespmem:s17+$0xFFFFFFE0]  }
0x151: {  	v50 =	vperm.xlane v15, v62;
	v16 =	vmul.f32 v23, v16;
	v23 =	vld [tilespmem:s19+$0xFFFFFFD0]  }
0x152: {  	v53 =	vperm.xlane v15, v12;
	v12 =	vperm.xlane v0, v4;
	v0 =	vld [tilespmem:s19+$0xFFFFFFF0]  }
0x153: {  	[tilespmem:s14+$0xFFFFFFF0] =	vst v15;
	v3 =	vmul.f32 v17, v3;
	v14 =	vmul.f32 v22, v14;
	v22 =	vld [tilespmem:s17+$0xFFFFFFF0]  }
0x154: {  	v34 =	vld [tilespmem:s9+$0xFFFFFE70];
	v55 =	vperm.xlane v15, v4;
	v19 =	vmul.f32 v25, v19;
	[tilespmem:s9+$0x0] =	vst v1  }
0x155: {  	v37 =	vld [tilespmem:s9+$0xFFFFFE80];
	[tilespmem:s9+$0xFFFFFF90] =	vst v3;
	v20 =	vmul.f32 v30, v20;
	v21 =	vmul.f32 v32, v21  }
0x156: {  	v25 =	vld [tilespmem:s9+$0xFFFFFF20];
	[tilespmem:s9+$0xFFFFFE90] =	vst v14;
	v24 =	vmul.f32 v33, v24;
	v30 =	vadd.f32 v61, v60;
	v17 =	vadd.f32 v51, v23  }
0x157: {  	[tilespmem:s9+$0xFFFFFEA0] =	vst v16;
	v16 =	vld [tilespmem:s9+$0xFFFFFF00];
	v26 =	vmul.f32 v35, v26;
	v14 =	vmul.f32 v38, v31;
	v63 =	vadd.f32 v63, v54  }
0x158: {  	[tilespmem:s9+$0xFFFFFEB0] =	vst v19;
	v60 =	vld [tilespmem:s9+$0xFFFFFFA0];
	v0 =	vadd.f32 v22, v0;
	v31 =	vmul.f32 $2.000000030e-01, v30;
	v23 =	vmul.f32 $2.000000030e-01, v17  }
0x159: {  	v29 =	vmul.f32 v36, v29;
	v22 =	vld [tilespmem:s9+$0xFFFFFF10];
	[tilespmem:s9+$0xFFFFFE20] =	vst v21;
	v1 =	vmul.f32 $2.000000030e-01, v63  }
0x15a: {  	[tilespmem:s9+$0xFFFFFE30] =	vst v24;
	v24 =	vld [tilespmem:s9+$0xFFFFFF40];
	v21 =	vmul.f32 $2.000000030e-01, v0;
	v15 =	vmax.f32 v30, v31;
	v17 =	vmax.f32 v17, v23  }
0x15b: {  	[tilespmem:s9+$0xFFFFFE10] =	vst v20;
	v15 =	vmul.f32 $1.442695020e+00, v15;
	v3 =	vmul.f32 $1.442695020e+00, v17;
	v17 =	vld [tilespmem:s9+$0xFFFFFF70]  }
0x15c: {  	v34 =	vmul.f32 v39, v34;
	v61 =	vmul.f32 v41, v37;
	[tilespmem:s9+$0xFFFFFE60] =	vst v14;
	v14 =	vld [tilespmem:s9+$0xFFFFFFB0];
	v1 =	vmax.f32 v63, v1  }
0x15d: {  	[tilespmem:s9+$0xFFFFFE40] =	vst v26;
	v0 =	vmax.f32 v0, v21;
	v1 =	vmul.f32 $1.442695020e+00, v1;
	(erf) = vpow2.f32 v15;
	v15 =	vld [tilespmem:s9+$0xFFFFFF30]  }
0x15e: {  	[tilespmem:s9+$0xFFFFFE50] =	vst v29;
	v2 =	vmul.f32 v2, v16;
	v16 =	vld [tilespmem:s9+$0xFFFFFFD0];
	v0 =	vmul.f32 $1.442695020e+00, v0  }
0x15f: {  	[tilespmem:s9+$0xFFFFFE70] =	vst v34;
	v18 =	vmul.f32 v18, v60;
	v21 =	vld [tilespmem:s9+$0xFFFFFF50];
	(erf) = vpow2.f32 v1  }
0x160: {  	[tilespmem:s9+$0xFFFFFE80] =	vst v61;
	v23 =	vld [tilespmem:s9+$0xFFFFFF80];
	(erf) = vpow2.f32 v0;
	v0 =	vmul.f32 v55, v17  }
0x161: {  	v27 =	vmul.f32 v27, v40;
	[tilespmem:s9+$0xFFFFFFA0] =	vst v18;
	v1 =	vld [tilespmem:s9+$0xFFFFFF60]  }
0x162: {  	v20 =	vmul.f32 v28, v43;
	v30 =	vmul.f32 v49, v15;
	v15 =	vld [tilespmem:s9+$0xFFFFFFC0];
	[tilespmem:$0x1FFD0] =	vst v0  }
0x163: {  	v28 =	vmul.f32 v42, v58;
	[tilespmem:s9+$0xFFFFFEC0] =	vst v27  }
0x164: {  	v29 =	vmul.f32 v44, v59;
	[tilespmem:s9+$0xFFFFFED0] =	vst v20  }
0x165: {  	(erf) = vpow2.f32 v3;
	[tilespmem:s9+$0xFFFFFEE0] =	vst v28  }
0x166: {  	v35 =	vmul.f32 v46, v22;
	[tilespmem:s9+$0xFFFFFEF0] =	vst v29  }
0x167: {  	v32 =	vmul.f32 v50, v24;
	v3 =	vmul.f32 v47, v25;
	v17 =	vld [tilespmem:s9+$0xFFFFFFE0];
	[tilespmem:s9+$0xFFFFFF00] =	vst v2;
	v43 =	vpop (erf)  }
0x168: {  	s18 =	simm.s32 $0x18EE0;
	v33 =	vmul.f32 v52, v21;
	v48 =	vmul.f32 v53, v1;
	v18 =	vld [tilespmem:s9+$0xFFFFFFF0];
	[tilespmem:s19+$0x0] =	vst v43  }
0x169: {  	v36 =	vimm.s32 $0x5;
	[tilespmem:s9+$0xFFFFFF10] =	vst v35;
	v25 =	vperm.xlane v43, v5;
	v24 =	vperm.xlane v43, v6;
	v27 =	vld [tilespmem:s18+$0x0]  }
0x16a: {  	v0 =	vimm.s32 $0x4;
	[tilespmem:s9+$0xFFFFFF20] =	vst v3;
	v22 =	vperm.xlane v43, v7;
	v21 =	vperm.xlane v43, v62;
	v34 =	vpop (erf);
	v26 =	vld [tilespmem:s18+$0xFFFFFF90]  }
0x16b: {  	v51 =	vimm.s32 $0x7;
	v20 =	vperm.xlane v43, v0;
	v19 =	vperm.xlane v43, v36;
	[tilespmem:s19+$0xFFFFFFE0] =	vst v34;
	v31 =	vld [tilespmem:s18+$0xFFFFFFA0]  }
0x16c: {  	[tilespmem:s9+$0xFFFFFF30] =	vst v30;
	v28 =	vperm.xlane v43, v51;
	v41 =	vperm.xlane v34, v5;
	v44 =	vld [tilespmem:s18+$0xFFFFFE90]  }
0x16d: {  	v4 =	vimm.s32 $0x4;
	[tilespmem:s9+$0xFFFFFF40] =	vst v32;
	v38 =	vperm.xlane v34, v6;
	v39 =	vperm.xlane v34, v7;
	v63 =	vpop (erf);
	v45 =	vld [tilespmem:s18+$0xFFFFFEA0]  }
0x16e: {  	v3 =	vimm.s32 $0x6;
	[tilespmem:s9+$0xFFFFFF60] =	vst v48;
	v42 =	vperm.xlane v34, v62;
	v40 =	vperm.xlane v34, v0;
	v29 =	vpop (erf);
	v46 =	vld [tilespmem:s18+$0xFFFFFEB0]  }
0x16f: {  	v30 =	vimm.s32 $0x5;
	v37 =	vperm.xlane v34, v3;
	v35 =	vperm.xlane v34, v51;
	v48 =	vld [tilespmem:s18+$0xFFFFFEC0];
	[tilespmem:s19+$0xFFFFFFD0] =	vst v29  }
0x170: {  	v47 =	vimm.s32 $0x7;
	[tilespmem:s9+$0xFFFFFF50] =	vst v33;
	v33 =	vperm.xlane v63, v4;
	v32 =	vperm.xlane v63, v30;
	v2 =	vld [tilespmem:s18+$0xFFFFFE10]  }
0x171: {  	v47 =	vperm.xlane v63, v47;
	v1 =	vperm.xlane v29, v5;
	v58 =	vld [tilespmem:s18+$0xFFFFFE20]  }
0x172: {  	v56 =	vperm.xlane v29, v6;
	v57 =	vperm.xlane v29, v7;
	v59 =	vld [tilespmem:s18+$0xFFFFFE30]  }
0x173: {  	[tilespmem:s19+$0xFFFFFFF0] =	vst v63;
	v55 =	vperm.xlane v29, v62;
	v53 =	vperm.xlane v29, v4;
	v60 =	vld [tilespmem:s18+$0xFFFFFE40]  }
0x174: {  	v54 =	vperm.xlane v29, v36;
	v52 =	vperm.xlane v29, v3;
	v4 =	vld [tilespmem:$0x1FFD0]  }
0x175: {  	v49 =	vperm.xlane v29, v51;
	v36 =	vperm.xlane v34, v36;
	v50 =	vld [tilespmem:s18+$0xFFFFFE50]  }
0x176: {  	v3 =	vimm.s32 $0x6;
	v34 =	vperm.xlane v63, v5;
	v51 =	vld [tilespmem:s18+$0xFFFFFE60];
	v0 =	vmul.f32 v28, v27  }
0x177: {  	v29 =	vperm.xlane v63, v62;
	v61 =	vld [tilespmem:s18+$0xFFFFFE70];
	v30 =	vperm.xlane v63, v3  }
0x178: {  	v62 =	vld [tilespmem:s18+$0xFFFFFE80];
	v43 =	vperm.xlane v43, v3;
	v27 =	vperm.xlane v63, v6;
	[tilespmem:s18+$0x0] =	vst v0  }
0x179: {  	s29 =	simm.s32 $0x1E0A0;
	s14 =	simm.s32 $0x4;
	s19 =	simm.s32 $0x18EE0;
	v28 =	vperm.xlane v63, v7;
	v63 =	vld [tilespmem:s18+$0xFFFFFED0];
	[tilespmem:s9+$0xFFFFFF70] =	vst v4;
	v0 =	vmul.f32 v1, v2  }
.LBB2_5:
0x17a: {  	v1 =	vld [tilespmem:s29+$0x0];
	v2 =	vmul.f32 v56, v58;
	v3 =	vmul.f32 v57, v59;
	s17 =	sadd.s32 $0x40, s17  }
0x17b: {  	s14 =	sadd.s32 $0x4, s14;
	v50 =	vmul.f32 v53, v50;
	v56 =	vld [tilespmem:s17+$0x0];
	[tilespmem:s18+$0xFFFFFE10] =	vst v0;
	v0 =	vmul.f32 v55, v60  }
0x17c: {  	p1 =	slt.u32 s14, $0x4C;
	v53 =	vld [tilespmem:s17+$0xFFFFFFD0];
	[tilespmem:s18+$0xFFFFFE20] =	vst v2;
	v2 =	vmul.f32 v54, v51;
	v51 =	vmul.f32 v52, v61  }
0x17d: {  	v41 =	vmul.f32 v41, v44;
	v52 =	vld [tilespmem:s29+$0xFFFFFFE0];
	[tilespmem:s18+$0xFFFFFE30] =	vst v3;
	v3 =	vmul.f32 v49, v62  }
0x17e: {  	v44 =	vld [tilespmem:s17+$0xFFFFFFE0];
	[tilespmem:s18+$0xFFFFFE40] =	vst v0;
	v0 =	vmul.f32 v38, v45;
	v38 =	vmul.f32 v39, v46  }
0x17f: {  	v42 =	vmul.f32 v42, v48;
	v40 =	vmul.f32 v40, v63;
	v39 =	vld [tilespmem:s29+$0xFFFFFFF0];
	[tilespmem:s18+$0xFFFFFE50] =	vst v50  }
0x180: {  	v23 =	vmul.f32 v13, v23;
	v45 =	vld [tilespmem:s17+$0xFFFFFFF0];
	v1 =	vadd.f32 v56, v1;
	[tilespmem:s18+$0xFFFFFE60] =	vst v2;
	v2 =	vmul.f32 v25, v26  }
0x181: {  	v24 =	vmul.f32 v24, v31;
	v13 =	vmovc v47;
	v49 =	vmul.f32 v9, v14;
	v9 =	vmov v22;
	v25 =	vld [tilespmem:s29+$0xFFFFFFD0];
	[tilespmem:s18+$0xFFFFFE70] =	vst v51  }
0x182: {  	v50 =	vmul.f32 v8, v15;
	v8 =	vmov v21;
	v14 =	vmul.f32 $2.000000030e-01, v1;
	[tilespmem:s18+$0xFFFFFE80] =	vst v3;
	v3 =	vld [tilespmem:s18+$0xFFFFFEE0]  }
0x183: {  	v47 =	vmul.f32 v10, v17;
	v51 =	vmul.f32 v11, v16;
	v15 =	vadd.f32 v44, v52;
	[tilespmem:s18+$0xFFFFFE90] =	vst v41;
	v21 =	vld [tilespmem:s18+$0xFFFFFEF0]  }
0x184: {  	v10 =	vmovc v19;
	v48 =	vmul.f32 v12, v18;
	v11 =	vmov v20;
	v1 =	vmax.f32 v1, v14;
	[tilespmem:s18+$0xFFFFFEA0] =	vst v0;
	v0 =	vld [tilespmem:s18+$0xFFFFFF00]  }
0x185: {  	v12 =	vmovc v43;
	v14 =	vmul.f32 $2.000000030e-01, v15;
	v16 =	vadd.f32 v45, v39;
	v1 =	vmul.f32 $1.442695020e+00, v1;
	[tilespmem:s18+$0xFFFFFEB0] =	vst v38;
	v17 =	vld [tilespmem:s18+$0xFFFFFF10]  }
0x186: {  	v18 =	vadd.f32 v53, v25;
	[tilespmem:s18+$0xFFFFFEC0] =	vst v42;
	v19 =	vld [tilespmem:s18+$0xFFFFFF20]  }
0x187: {  	v14 =	vmax.f32 v15, v14;
	v15 =	vmul.f32 $2.000000030e-01, v16;
	(erf) = vpow2.f32 v1;
	[tilespmem:s18+$0xFFFFFED0] =	vst v40;
	v1 =	vld [tilespmem:s18+$0xFFFFFF30]  }
0x188: {  	v20 =	vmul.f32 $2.000000030e-01, v18;
	v14 =	vmul.f32 $1.442695020e+00, v14;
	v22 =	vld [tilespmem:s18+$0xFFFFFF40];
	[tilespmem:s9+$0xFFFFFF80] =	vst v23  }
0x189: {  	v3 =	vmul.f32 v36, v3;
	v15 =	vmax.f32 v16, v15;
	v16 =	vmul.f32 v37, v21;
	v21 =	vld [tilespmem:s18+$0xFFFFFF50];
	[tilespmem:s18+$0xFFFFFF90] =	vst v2  }
0x18a: {  	v2 =	vmax.f32 v18, v20;
	v15 =	vmul.f32 $1.442695020e+00, v15;
	(erf) = vpow2.f32 v14;
	v18 =	vld [tilespmem:s18+$0xFFFFFF60];
	[tilespmem:s18+$0xFFFFFFA0] =	vst v24  }
0x18b: {  	v0 =	vmul.f32 v35, v0;
	v2 =	vmul.f32 $1.442695020e+00, v2;
	[tilespmem:s18+$0xFFFFFEE0] =	vst v3;
	v3 =	vld [tilespmem:s18+$0xFFFFFF70]  }
0x18c: {  	(erf) = vpow2.f32 v15;
	[tilespmem:s18+$0xFFFFFEF0] =	vst v16;
	v15 =	vmul.f32 v34, v17;
	v23 =	vld [tilespmem:s18+$0xFFFFFF80]  }
0x18d: {  	(erf) = vpow2.f32 v2;
	[tilespmem:s18+$0xFFFFFF00] =	vst v0;
	v0 =	vmul.f32 v27, v19;
	v14 =	vld [tilespmem:s18+$0xFFFFFFB0]  }
0x18e: {  	v1 =	vmul.f32 v28, v1;
	v2 =	vmul.f32 v29, v22;
	[tilespmem:s18+$0xFFFFFF10] =	vst v15;
	v15 =	vld [tilespmem:s18+$0xFFFFFFC0]  }
0x18f: {  	[tilespmem:s18+$0xFFFFFF20] =	vst v0;
	v0 =	vmul.f32 v33, v21;
	v27 =	vmul.f32 v32, v18;
	v16 =	vld [tilespmem:s18+$0xFFFFFFD0]  }
0x190: {  	v29 =	vimm.s32 $0x3;
	v43 =	vpop (erf);
	[tilespmem:s18+$0xFFFFFF30] =	vst v1;
	v1 =	vmul.f32 v30, v3;
	v17 =	vld [tilespmem:s18+$0xFFFFFFE0]  }
0x191: {  	v32 =	vimm.s32 $0x5;
	s18 =	sadd.s32 $0x200, s18;
	[tilespmem:s29+$0x0] =	vst v43;
	v25 =	vperm.xlane v43, v5;
	v24 =	vperm.xlane v43, v6;
	v18 =	vld [tilespmem:s19+$0xFFFFFFF0]  }
0x192: {  	v30 =	vimm.s32 $0x4;
	v22 =	vperm.xlane v43, v7;
	v21 =	vperm.xlane v43, v29;
	v3 =	vld [tilespmem:s18+$0x0];
	[tilespmem:s19+$0xFFFFFF40] =	vst v2  }
0x193: {  	v20 =	vperm.xlane v43, v30;
	v19 =	vperm.xlane v43, v32;
	v26 =	vld [tilespmem:s18+$0xFFFFFF90];
	v2 =	vpop (erf);
	[tilespmem:s19+$0xFFFFFF50] =	vst v0  }
0x194: {  	[tilespmem:s29+$0xFFFFFFE0] =	vst v2;
	v41 =	vperm.xlane v2, v5;
	v38 =	vperm.xlane v2, v6;
	v31 =	vld [tilespmem:s18+$0xFFFFFFA0];
	v5 =	vimm.s32 $0x7  }
0x195: {  	v28 =	vimm.s32 $0x0;
	v39 =	vperm.xlane v2, v7;
	v44 =	vld [tilespmem:s18+$0xFFFFFE90];
	v0 =	vperm.xlane v43, v5;
	v63 =	vpop (erf);
	[tilespmem:s19+$0xFFFFFF60] =	vst v27  }
0x196: {  	v42 =	vperm.xlane v2, v29;
	v40 =	vperm.xlane v2, v30;
	v45 =	vld [tilespmem:s18+$0xFFFFFEA0];
	[tilespmem:s29+$0xFFFFFFF0] =	vst v63;
	v27 =	vpop (erf)  }
0x197: {  	[tilespmem:s29+$0xFFFFFFD0] =	vst v27;
	v4 =	vperm.xlane v27, v28;
	v46 =	vld [tilespmem:s18+$0xFFFFFEB0];
	v0 =	vmul.f32 v0, v3  }
0x198: {  	v56 =	vperm.xlane v27, v6;
	v57 =	vperm.xlane v27, v7;
	v3 =	vld [tilespmem:s18+$0xFFFFFE10];
	[tilespmem:s19+$0xFFFFFF70] =	vst v1  }
0x199: {  	v55 =	vperm.xlane v27, v29;
	v53 =	vperm.xlane v27, v30;
	v1 =	vimm.s32 $0x6;
	v58 =	vld [tilespmem:s18+$0xFFFFFE20];
	[tilespmem:s18+$0x0] =	vst v0  }
0x19a: {  	v54 =	vperm.xlane v27, v32;
	v52 =	vperm.xlane v27, v1;
	v59 =	vld [tilespmem:s18+$0xFFFFFE30];
	[tilespmem:s9+$0xFFFFFFB0] =	vst v49  }
0x19b: {  	v36 =	vperm.xlane v2, v32;
	v49 =	vperm.xlane v27, v5;
	v60 =	vld [tilespmem:s18+$0xFFFFFE40];
	[tilespmem:s9+$0xFFFFFFC0] =	vst v50  }
0x19c: {  	v35 =	vperm.xlane v2, v5;
	v37 =	vperm.xlane v2, v1;
	v50 =	vld [tilespmem:s18+$0xFFFFFE50];
	[tilespmem:s9+$0xFFFFFFD0] =	vst v51  }
.Ltmp1:
0x19d: {  	v34 =	vperm.xlane v63, v28;
	v27 =	vperm.xlane v63, v6;
	v51 =	vld [tilespmem:s18+$0xFFFFFE60];
	[tilespmem:s9+$0xFFFFFFE0] =	vst v47;
	(pc) =	sbr.rel @p1 .LBB2_5-.Ltmp1, $4  }
0x19e: {  	v28 =	vperm.xlane v63, v7;
	v29 =	vperm.xlane v63, v29;
	v61 =	vld [tilespmem:s18+$0xFFFFFE70];
	[tilespmem:s9+$0xFFFFFFF0] =	vst v48;
	s9 =	smov.u32 s19;
	s19 =	smov.u32 s18  }
0x19f: {  	v33 =	vperm.xlane v63, v30;
	v32 =	vperm.xlane v63, v32;
	v62 =	vld [tilespmem:s18+$0xFFFFFE80]  }
0x1a0: {  	v30 =	vperm.xlane v63, v1;
	v47 =	vperm.xlane v63, v5;
	v5 =	vimm.s32 $0x0;
	v48 =	vld [tilespmem:s18+$0xFFFFFEC0]  }
0x1a1: {  	s29 =	sadd.s32 $0x40, s29;
	v43 =	vperm.xlane v43, v1;
	v0 =	vmul.f32 v4, v3;
	v63 =	vld [tilespmem:s18+$0xFFFFFED0]  }
0x1a2: {  	v1 =	vmul.f32 v56, v58  }
0x1a3: {  	v2 =	vmul.f32 v57, v59;
	[tilespmem:s18+$0xFFFFFE10] =	vst v0  }
0x1a4: {  	v3 =	vmul.f32 v38, v45;
	[tilespmem:s18+$0xFFFFFE20] =	vst v1  }
0x1a5: {  	v4 =	vmul.f32 v39, v46;
	[tilespmem:s18+$0xFFFFFE30] =	vst v2  }
0x1a6: {  	v24 =	vmul.f32 v24, v31;
	[tilespmem:s18+$0xFFFFFEA0] =	vst v3  }
0x1a7: {  	v0 =	vmul.f32 v55, v60;
	[tilespmem:s18+$0xFFFFFEB0] =	vst v4  }
0x1a8: {  	v1 =	vmul.f32 v53, v50;
	[tilespmem:s18+$0xFFFFFFA0] =	vst v24  }
0x1a9: {  	v2 =	vmul.f32 v54, v51;
	[tilespmem:s18+$0xFFFFFE40] =	vst v0  }
0x1aa: {  	v0 =	vmul.f32 v41, v44;
	[tilespmem:s18+$0xFFFFFE50] =	vst v1  }
0x1ab: {  	v1 =	vmul.f32 v52, v61;
	[tilespmem:s18+$0xFFFFFE60] =	vst v2  }
0x1ac: {  	v2 =	vld [tilespmem:s18+$0xFFFFFEE0];
	[tilespmem:s18+$0xFFFFFE90] =	vst v0;
	v0 =	vmul.f32 v49, v62  }
0x1ad: {  	v4 =	vmul.f32 v13, v23;
	[tilespmem:s18+$0xFFFFFE70] =	vst v1;
	v1 =	vld [tilespmem:s18+$0xFFFFFEF0]  }
0x1ae: {  	v3 =	vmul.f32 v42, v48;
	[tilespmem:s18+$0xFFFFFE80] =	vst v0;
	v0 =	vld [tilespmem:s18+$0xFFFFFF00]  }
0x1af: {  	v13 =	vld [tilespmem:s18+$0xFFFFFF10];
	v55 =	vmul.f32 v40, v63;
	[tilespmem:s9+$0xFFFFFF80] =	vst v4  }
0x1b0: {  	v23 =	vld [tilespmem:s18+$0xFFFFFF20];
	[tilespmem:s18+$0xFFFFFEC0] =	vst v3;
	v3 =	vmul.f32 v25, v26  }
0x1b1: {  	v25 =	vld [tilespmem:s18+$0xFFFFFF30];
	[tilespmem:s18+$0xFFFFFED0] =	vst v55;
	v2 =	vmul.f32 v36, v2  }
0x1b2: {  	v4 =	vld [tilespmem:s18+$0xFFFFFF40];
	[tilespmem:s18+$0xFFFFFF90] =	vst v3;
	v1 =	vmul.f32 v37, v1  }
0x1b3: {  	v3 =	vld [tilespmem:s18+$0xFFFFFF50];
	[tilespmem:s18+$0xFFFFFEE0] =	vst v2;
	v0 =	vmul.f32 v35, v0  }
0x1b4: {  	v2 =	vld [tilespmem:s18+$0xFFFFFF70];
	[tilespmem:s18+$0xFFFFFEF0] =	vst v1;
	v1 =	vmul.f32 v34, v13  }
0x1b5: {  	v24 =	vld [tilespmem:s18+$0xFFFFFF60];
	[tilespmem:s18+$0xFFFFFF00] =	vst v0;
	v0 =	vmul.f32 v27, v23  }
0x1b6: {  	[tilespmem:s18+$0xFFFFFF10] =	vst v1;
	v1 =	vmul.f32 v28, v25  }
0x1b7: {  	v4 =	vmul.f32 v29, v4;
	[tilespmem:s18+$0xFFFFFF20] =	vst v0  }
0x1b8: {  	v0 =	vmul.f32 v33, v3;
	[tilespmem:s18+$0xFFFFFF30] =	vst v1  }
0x1b9: {  	v13 =	vld [tilespmem:s18+$0xFFFFFF80];
	v2 =	vmul.f32 v30, v2;
	[tilespmem:s19+$0xFFFFFF40] =	vst v4  }
0x1ba: {  	v1 =	vmul.f32 v32, v24;
	[tilespmem:s19+$0xFFFFFF50] =	vst v0  }
0x1bb: {  	v0 =	vmul.f32 v9, v14;
	[tilespmem:s19+$0xFFFFFF70] =	vst v2  }
0x1bc: {  	v3 =	vld [tilespmem:s18+$0xFFFFFFB0];
	v2 =	vmul.f32 v11, v16;
	[tilespmem:s19+$0xFFFFFF60] =	vst v1  }
0x1bd: {  	v4 =	vld [tilespmem:s18+$0xFFFFFFC0];
	v1 =	vmul.f32 v8, v15;
	[tilespmem:s9+$0xFFFFFFB0] =	vst v0  }
0x1be: {  	v8 =	vld [tilespmem:s18+$0xFFFFFFD0];
	v0 =	vmul.f32 v10, v17;
	[tilespmem:s9+$0xFFFFFFD0] =	vst v2  }
0x1bf: {  	v9 =	vld [tilespmem:s18+$0xFFFFFFE0];
	[tilespmem:s9+$0xFFFFFFC0] =	vst v1;
	v1 =	vmul.f32 v12, v18  }
0x1c0: {  	v2 =	vld [tilespmem:s19+$0xFFFFFFF0];
	[tilespmem:s9+$0xFFFFFFE0] =	vst v0;
	v0 =	vmul.f32 v47, v13  }
0x1c1: {  	[tilespmem:s9+$0xFFFFFFF0] =	vst v1;
	v1 =	vmul.f32 v22, v3  }
0x1c2: {  	v3 =	vmul.f32 v21, v4;
	[tilespmem:s19+$0xFFFFFF80] =	vst v0  }
0x1c3: {  	v0 =	vmul.f32 v20, v8;
	[tilespmem:s19+$0xFFFFFFB0] =	vst v1  }
0x1c4: {  	v1 =	vmul.f32 v19, v9;
	[tilespmem:s19+$0xFFFFFFC0] =	vst v3  }
0x1c5: {  	v2 =	vmul.f32 v43, v2;
	[tilespmem:s19+$0xFFFFFFD0] =	vst v0  }
0x1c6: {  	[tilespmem:s19+$0xFFFFFFE0] =	vst v1  }
0x1c7: {  	s14 =	simm.s32 $0x1DFF0;
	[tilespmem:s19+$0xFFFFFFF0] =	vst v2  }
0x1c8: {  	[spmem:s3] =	stream.indirect.scatter.add.f32 [tilespmem:s14], [sflag:$0x11], $0x10, s31, s23, $0xb8;
	[tilespmem:$0x1F8F0] =	vst v63  }
0x1c9: {  	s17 =	simm.s32 $0x18AF0  }
0x1ca: {  	[spmem:s2] =	stream.indirect.scatter.add.f32 [tilespmem:s17], [sflag:$0xE], $0x80, s31, s23, $0xb8;
	[tilespmem:$0x1F8F0] =	vst v63  }
0x1cb: {  	_ =	swait.ge [sflag:s12], $0x2800  }
0x1cc: {  	[sflag:s12] =	ssyncset.done $0x0  }
0x1cd: {  	[sflag:s12] =	ssyncadd.s32 $0xFFFFD800  }
0x1ce: {  	_ =	swait.ge [sflag:s21], $0x500  }
0x1cf: {  	[sflag:s21] =	ssyncset.done $0x0  }
0x1d0: {  	[sflag:s21] =	ssyncadd.s32 $0xFFFFFB00  }
0x1d1: {  	_ =	swait.ge [sflag:s4], $0x500  }
0x1d2: {  	[sflag:s4] =	ssyncset.done $0x0  }
0x1d3: {  	[sflag:s4] =	ssyncadd.s32 $0xFFFFFB00  }
0x1d4: {  	v0 =	vld [tilespmem:$0x161B0]  }
0x1d5: {  	v1 =	vld [tilespmem:$0x161C0]  }
0x1d6: {  	v2 =	vld [tilespmem:$0x161D0]  }
0x1d7: {  	v3 =	vld [tilespmem:$0x161E0]  }
0x1d8: {  	v4 =	vld [tilespmem:$0x161F0]  }
0x1d9: {  	[tilespmem:$0x162A0] =	vst v0  }
0x1da: {  	s9 =	rddreg [dreg:$0x10];
	[tilespmem:$0x162B0] =	vst v1  }
0x1db: {  	s0 =	sadd.s32 @!p0 s0, s9;
	[tilespmem:$0x162C0] =	vst v2  }
0x1dc: {  	s14 =	simm.s32 @!p0 $0x50A00;
	s0 =	sshrl.u32 @!p0 s0, $0x3;
	[tilespmem:$0x162D0] =	vst v3  }
0x1dd: {  	s17 =	simm.s32 @!p0 $0x16160;
	s9 =	simm.s32 @!p0 $0x50;
	s0 =	sadd.s32 @!p0 s8, s0;
	[tilespmem:$0x162E0] =	vst v4  }
0x1de: {  	[tilespmem:s17], [sflag:$0x3] =	stream.strided.gather @!p0 [hbm4b:s0+s9], $0xA0, s14, s9, $0x38;
	[tilespmem:$0x1F8F0] =	vst v63  }
0x1df: {  	s0 =	simm.s32 @!p0 $0x11  }
0x1e0: {  	_ =	swait.ge @!p0 [sflag:s0], $0x500  }
0x1e1: {  	[sflag:s0] =	ssyncset.done @!p0 $0x0  }
0x1e2: {  	[sflag:s0] =	ssyncadd.s32 @!p0 $0xFFFFFB00;
	s0 =	simm.s32 @!p0 $0xE  }
0x1e3: {  	_ =	swait.ge @!p0 [sflag:s0], $0x2800  }
0x1e4: {  	[sflag:s0] =	ssyncset.done @!p0 $0x0  }
0x1e5: {  	[sflag:s0] =	ssyncadd.s32 @!p0 $0xFFFFD800;
	s0 =	simm.s32 @!p0 $0x2  }
0x1e6: {  	_ =	swait.ge @!p0 [sflag:s0], $0xA0  }
0x1e7: {  	[sflag:s0] =	ssyncset.done @!p0 $0x0  }
0x1e8: {  	s14 =	simm.s32 @!p0 $0x18AF0;
	[sflag:s0] =	ssyncadd.s32 @!p0 $0xFFFFFF60;
	s0 =	simm.s32 @!p0 $0x160C0  }
0x1e9: {  	[tilespmem:s14], [sflag:$0x5] =	stream.indirect.gather @!p0 [hbm4b:s1+s9], $0x80, s0, s9, $0xb8;
	[tilespmem:$0x1F8F0] =	vst v63  }
0x1ea: {  	s14 =	simm.s32 @!p0 $0x1DFF0  }
0x1eb: {  	[tilespmem:s14], [sflag:$0x8] =	stream.indirect.gather @!p0 [hbm4b:s5+s9], $0x10, s0, s9, $0xb8;
	[tilespmem:$0x1F8F0] =	vst v63  }
0x1ec: {  	s18 =	simm.s32 $0x1E520;
	s0 =	simm.s32 @!p0 $0x16110;
	s14 =	simm.s32 @!p0 $0x1EEF0  }
0x1ed: {  	[tilespmem:s14], [sflag:$0xB] =	stream.indirect.gather @!p0 [hbm4b:s6+s9], $0x10, s0, s9, $0xb8;
	[tilespmem:$0x1F8F0] =	vst v63  }
0x1ee: {  	s19 =	simm.s32 $0x1F420;
	v0 =	vld [tilespmem:s18+$0x0]  }
0x1ef: {  	v1 =	vld [tilespmem:s19+$0x0]  }
0x1f0: {  	v2 =	vld [tilespmem:s19+$0xFFFFFFD0]  }
0x1f1: {  	v3 =	vld [tilespmem:s18+$0xFFFFFFE0]  }
0x1f2: {  	v4 =	vld [tilespmem:s19+$0xFFFFFFE0]  }
0x1f3: {  	v8 =	vld [tilespmem:s18+$0xFFFFFFF0]  }
0x1f4: {  	v9 =	vld [tilespmem:s19+$0xFFFFFFF0]  }
0x1f5: {  	v0 =	vadd.f32 v1, v0;
	v1 =	vld [tilespmem:s18+$0xFFFFFFD0];
	_ =	sdelay $0x1  }
0x1f6: {  	v3 =	vadd.f32 v4, v3;
	v10 =	vmul.f32 $2.000000030e-01, v0;
	_ =	sdelay $0x1  }
0x1f7: {  	v8 =	vadd.f32 v9, v8;
	v4 =	vmul.f32 $2.000000030e-01, v3;
	v0 =	vmax.f32 v0, v10  }
0x1f8: {  	v0 =	vmul.f32 $1.442695020e+00, v0;
	v1 =	vadd.f32 v2, v1  }
0x1f9: {  	v2 =	vmax.f32 v3, v4;
	v3 =	vmul.f32 $2.000000030e-01, v8  }
0x1fa: {  	(erf) = vpow2.f32 v0;
	v0 =	vmul.f32 $2.000000030e-01, v1  }
0x1fb: {  	v2 =	vmul.f32 $1.442695020e+00, v2;
	v3 =	vmax.f32 v8, v3  }
0x1fc: {  	v0 =	vmax.f32 v1, v0;
	v1 =	vmul.f32 $1.442695020e+00, v3  }
0x1fd: {  	(erf) = vpow2.f32 v2;
	v0 =	vmul.f32 $1.442695020e+00, v0  }
0x1fe: {  	(erf) = vpow2.f32 v1  }
0x1ff: {  	(erf) = vpow2.f32 v0;
	_ =	sdelay $0x4  }
0x200: {  	v0 =	vpop (erf)  }
0x201: {  	s0 =	simm.s32 $0x1B4E0;
	[tilespmem:s18+$0x0] =	vst v0  }
0x202: {  	v2 =	vpop (erf);
	v1 =	vld [tilespmem:s0+$0x0]  }
0x203: {  	v3 =	vld [tilespmem:s0+$0xFFFFFF90];
	[tilespmem:s18+$0xFFFFFFE0] =	vst v2;
	v14 =	vpop (erf)  }
0x204: {  	v8 =	vperm.xlane v0, v7;
	v4 =	vld [tilespmem:s0+$0xFFFFFE90];
	v12 =	vpop (erf)  }
0x205: {  	v62 =	vimm.s32 $0x3;
	v15 =	vld [tilespmem:s0+$0xFFFFFEA0];
	[tilespmem:s18+$0xFFFFFFD0] =	vst v12  }
0x206: {  	v18 =	vld [tilespmem:s0+$0xFFFFFEB0];
	[tilespmem:$0x1FFB0] =	vst v8;
	v8 =	vperm.xlane v0, v62;
	_ =	sdelay $0x1  }
0x207: {  	v9 =	vimm.s32 $0x7;
	v16 =	vperm.xlane v0, v5;
	v17 =	vperm.xlane v0, v6;
	[tilespmem:$0x1FFC0] =	vst v8  }
0x208: {  	v13 =	vperm.xlane v0, v9;
	v21 =	vperm.xlane v2, v5;
	v19 =	vld [tilespmem:s0+$0xFFFFFE10]  }
0x209: {  	v56 =	vimm.s32 $0x4;
	v22 =	vperm.xlane v2, v6;
	v24 =	vperm.xlane v2, v7;
	v20 =	vld [tilespmem:s0+$0xFFFFFE20]  }
0x20a: {  	v61 =	vimm.s32 $0x0;
	v26 =	vperm.xlane v2, v62;
	v27 =	vperm.xlane v2, v56;
	v23 =	vld [tilespmem:s0+$0xFFFFFE30]  }
0x20b: {  	v45 =	vperm.xlane v14, v61;
	v46 =	vperm.xlane v14, v6;
	v25 =	vld [tilespmem:s0+$0xFFFFFE40]  }
0x20c: {  	v48 =	vperm.xlane v14, v7;
	v49 =	vperm.xlane v14, v62;
	v28 =	vld [tilespmem:s0+$0xFFFFFE50]  }
0x20d: {  	v51 =	vperm.xlane v14, v56;
	v29 =	vperm.xlane v12, v5;
	v30 =	vld [tilespmem:s0+$0xFFFFFE60]  }
0x20e: {  	v31 =	vperm.xlane v12, v6;
	v32 =	vperm.xlane v12, v7;
	v33 =	vld [tilespmem:s0+$0xFFFFFE70]  }
0x20f: {  	v34 =	vperm.xlane v12, v62;
	v35 =	vperm.xlane v12, v56;
	v36 =	vld [tilespmem:s0+$0xFFFFFE80]  }
0x210: {  	v5 =	vimm.s32 $0x5;
	v40 =	vperm.xlane v12, v9;
	v1 =	vmul.f32 v13, v1;
	v39 =	vld [tilespmem:s0+$0xFFFFFEC0]  }
0x211: {  	s29 =	simm.s32 $0x1E560;
	v37 =	vperm.xlane v12, v5;
	v41 =	vperm.xlane v2, v5;
	v42 =	vld [tilespmem:s0+$0xFFFFFED0]  }
0x212: {  	s9 =	simm.s32 $0x1F460;
	v5 =	vimm.s32 $0x5;
	v13 =	vperm.xlane v14, v9;
	v3 =	vmul.f32 v16, v3;
	v57 =	vld [tilespmem:s29+$0x0]  }
0x213: {  	v52 =	vperm.xlane v14, v5;
	v4 =	vmul.f32 v21, v4;
	v8 =	vimm.s32 $0x4;
	v58 =	vld [tilespmem:s9+$0x0]  }
0x214: {  	v15 =	vmul.f32 v22, v15;
	v11 =	vperm.xlane v0, v8;
	v8 =	vimm.s32 $0x5;
	v50 =	vld [tilespmem:s9+$0xFFFFFFD0]  }
0x215: {  	v18 =	vmul.f32 v24, v18;
	v59 =	vld [tilespmem:s29+$0xFFFFFFE0];
	v10 =	vperm.xlane v0, v8;
	v8 =	vimm.s32 $0x6  }
0x216: {  	v63 =	vld [tilespmem:s9+$0xFFFFFFE0];
	v38 =	vperm.xlane v12, v8;
	v43 =	vperm.xlane v2, v8  }
0x217: {  	v21 =	vld [tilespmem:s9+$0xFFFFFFF0];
	v2 =	vperm.xlane v2, v9;
	v60 =	vperm.xlane v14, v8  }
0x218: {  	v22 =	vld [tilespmem:s29+$0xFFFFFFD0];
	v12 =	vperm.xlane v0, v8;
	v19 =	vmul.f32 v29, v19;
	v29 =	vadd.f32 v58, v57  }
0x219: {  	[tilespmem:s0+$0xFFFFFE90] =	vst v4;
	v56 =	vld [tilespmem:s0+$0xFFFFFFA0];
	v20 =	vmul.f32 v31, v20;
	v23 =	vmul.f32 v32, v23  }
0x21a: {  	[tilespmem:s0+$0xFFFFFEA0] =	vst v15;
	v0 =	vld [tilespmem:s29+$0xFFFFFFF0];
	v4 =	vmul.f32 v37, v30;
	v30 =	vmul.f32 $2.000000030e-01, v29  }
0x21b: {  	[tilespmem:s18+$0xFFFFFFF0] =	vst v14;
	v15 =	vld [tilespmem:s0+$0xFFFFFF00];
	v25 =	vmul.f32 v34, v25;
	v28 =	vmul.f32 v35, v28  }
0x21c: {  	v47 =	vld [tilespmem:s0+$0xFFFFFEF0];
	[tilespmem:s0+$0x0] =	vst v1;
	v33 =	vmul.f32 v38, v33;
	v58 =	vadd.f32 v63, v59;
	v14 =	vmax.f32 v29, v30  }
0x21d: {  	[tilespmem:s0+$0xFFFFFF90] =	vst v3;
	v24 =	vld [tilespmem:s0+$0xFFFFFF30];
	v57 =	vmul.f32 v40, v36;
	v14 =	vmul.f32 $1.442695020e+00, v14  }
0x21e: {  	[tilespmem:s0+$0xFFFFFEB0] =	vst v18;
	v31 =	vld [tilespmem:s0+$0xFFFFFEE0];
	v26 =	vmul.f32 v26, v39;
	v16 =	vadd.f32 v50, v22;
	v1 =	vmul.f32 $2.000000030e-01, v58  }
0x21f: {  	v22 =	vld [tilespmem:s0+$0xFFFFFF20];
	v17 =	vmul.f32 v17, v56;
	v0 =	vadd.f32 v21, v0;
	[tilespmem:s0+$0xFFFFFE10] =	vst v19;
	(erf) = vpow2.f32 v14  }
0x220: {  	v2 =	vmul.f32 v2, v15;
	v19 =	vmul.f32 v27, v42;
	[tilespmem:s0+$0xFFFFFE20] =	vst v20;
	v27 =	vld [tilespmem:s0+$0xFFFFFF40];
	v1 =	vmax.f32 v58, v1  }
0x221: {  	[tilespmem:s0+$0xFFFFFE40] =	vst v25;
	v25 =	vld [tilespmem:s0+$0xFFFFFF70];
	v20 =	vmul.f32 $2.000000030e-01, v0;
	v1 =	vmul.f32 $1.442695020e+00, v1  }
0x222: {  	v34 =	vmul.f32 v48, v24;
	v21 =	vld [tilespmem:s0+$0xFFFFFF10];
	[tilespmem:s0+$0xFFFFFE30] =	vst v23;
	v14 =	vmul.f32 $2.000000030e-01, v16  }
0x223: {  	[tilespmem:s0+$0xFFFFFE50] =	vst v28;
	v28 =	vmul.f32 v43, v47;
	v0 =	vmax.f32 v0, v20;
	v20 =	vld [tilespmem:s0+$0xFFFFFF50];
	(erf) = vpow2.f32 v1  }
0x224: {  	[tilespmem:s0+$0xFFFFFFA0] =	vst v17;
	v29 =	vmul.f32 v41, v31;
	v0 =	vmul.f32 $1.442695020e+00, v0;
	v1 =	vld [tilespmem:s0+$0xFFFFFF60];
	v14 =	vmax.f32 v16, v14  }
0x225: {  	v18 =	vld [tilespmem:s0+$0xFFFFFFF0];
	[tilespmem:s0+$0xFFFFFE70] =	vst v33;
	v27 =	vmul.f32 v49, v27;
	v3 =	vmul.f32 $1.442695020e+00, v14  }
0x226: {  	v15 =	vld [tilespmem:s0+$0xFFFFFFC0];
	[tilespmem:s0+$0xFFFFFEC0] =	vst v26;
	v47 =	vmul.f32 v60, v25;
	(erf) = vpow2.f32 v0  }
0x227: {  	v23 =	vld [tilespmem:s0+$0xFFFFFF80];
	[tilespmem:s0+$0xFFFFFF00] =	vst v2;
	v0 =	vmul.f32 v45, v21;
	(erf) = vpow2.f32 v3  }
0x228: {  	v17 =	vld [tilespmem:s0+$0xFFFFFFE0];
	[tilespmem:s0+$0xFFFFFF30] =	vst v34;
	v30 =	vmul.f32 v51, v20;
	v3 =	vmul.f32 v46, v22;
	v43 =	vpop (erf)  }
0x229: {  	[tilespmem:s0+$0xFFFFFED0] =	vst v19;
	v16 =	vld [tilespmem:s0+$0xFFFFFFD0];
	v48 =	vmul.f32 v52, v1;
	v25 =	vperm.xlane v43, v61  }
0x22a: {  	s17 =	simm.s32 $0x1B6E0;
	v14 =	vld [tilespmem:s0+$0xFFFFFFB0];
	v1 =	vimm.s32 $0x4;
	[tilespmem:s29+$0x0] =	vst v43;
	v24 =	vperm.xlane v43, v6;
	v22 =	vperm.xlane v43, v7  }
0x22b: {  	v35 =	vimm.s32 $0x5;
	[tilespmem:s0+$0xFFFFFEF0] =	vst v28;
	v21 =	vperm.xlane v43, v62;
	v20 =	vperm.xlane v43, v1;
	v59 =	vld [tilespmem:s17+$0x0]  }
0x22c: {  	[tilespmem:s0+$0xFFFFFEE0] =	vst v29;
	v19 =	vperm.xlane v43, v35;
	v33 =	vpop (erf);
	v29 =	vperm.xlane v43, v9;
	v26 =	vld [tilespmem:s17+$0xFFFFFF90]  }
0x22d: {  	v43 =	vperm.xlane v43, v8;
	[tilespmem:s29+$0xFFFFFFE0] =	vst v33;
	v41 =	vperm.xlane v33, v61;
	v31 =	vld [tilespmem:s17+$0xFFFFFFA0]  }
0x22e: {  	[tilespmem:s0+$0xFFFFFF40] =	vst v27;
	v38 =	vperm.xlane v33, v6;
	v39 =	vperm.xlane v33, v7;
	v44 =	vld [tilespmem:s17+$0xFFFFFE90]  }
0x22f: {  	[tilespmem:s0+$0xFFFFFF10] =	vst v0;
	v63 =	vpop (erf);
	v42 =	vperm.xlane v33, v62;
	v40 =	vperm.xlane v33, v1;
	v45 =	vld [tilespmem:s17+$0xFFFFFEA0]  }
0x230: {  	[tilespmem:s0+$0xFFFFFF60] =	vst v48;
	v36 =	vperm.xlane v33, v35;
	v37 =	vperm.xlane v33, v8;
	v46 =	vld [tilespmem:s17+$0xFFFFFEB0];
	v28 =	vpop (erf)  }
0x231: {  	v0 =	vimm.s32 $0x5;
	v34 =	vperm.xlane v63, v61;
	v27 =	vperm.xlane v63, v6;
	v48 =	vld [tilespmem:s17+$0xFFFFFEC0];
	[tilespmem:s29+$0xFFFFFFD0] =	vst v28  }
0x232: {  	[tilespmem:s0+$0xFFFFFF50] =	vst v30;
	v32 =	vperm.xlane v63, v0;
	v30 =	vperm.xlane v63, v8;
	v2 =	vld [tilespmem:s17+$0xFFFFFE10]  }
0x233: {  	[tilespmem:s0+$0xFFFFFF70] =	vst v47;
	v47 =	vperm.xlane v63, v9;
	v1 =	vperm.xlane v28, v61;
	v58 =	vld [tilespmem:s17+$0xFFFFFE20]  }
0x234: {  	[tilespmem:s0+$0xFFFFFE60] =	vst v4;
	v56 =	vperm.xlane v28, v6;
	v4 =	vmul.f32 v29, v59;
	v59 =	vld [tilespmem:s17+$0xFFFFFE30]  }
0x235: {  	v5 =	vimm.s32 $0x4;
	[tilespmem:s0+$0xFFFFFE80] =	vst v57;
	v57 =	vperm.xlane v28, v7;
	v55 =	vperm.xlane v28, v62;
	v60 =	vld [tilespmem:s17+$0xFFFFFE40]  }
0x236: {  	v53 =	vperm.xlane v28, v5;
	v54 =	vperm.xlane v28, v35;
	v50 =	vld [tilespmem:s17+$0xFFFFFE50]  }
0x237: {  	v52 =	vperm.xlane v28, v8;
	v49 =	vperm.xlane v28, v9;
	v51 =	vld [tilespmem:s17+$0xFFFFFE60]  }
0x238: {  	[tilespmem:s0+$0xFFFFFF20] =	vst v3;
	v35 =	vperm.xlane v33, v9;
	v28 =	vperm.xlane v63, v7;
	v61 =	vld [tilespmem:s17+$0xFFFFFE70]  }
0x239: {  	[tilespmem:s29+$0xFFFFFFF0] =	vst v63;
	v33 =	vperm.xlane v63, v5;
	v8 =	vimm.s32 $0x2;
	v29 =	vperm.xlane v63, v62;
	v62 =	vld [tilespmem:s17+$0xFFFFFE80]  }
0x23a: {  	s14 =	simm.s32 $0x4;
	s19 =	simm.s32 $0x1E5A0;
	s18 =	simm.s32 $0x1B6E0;
	v7 =	vimm.s32 $0x1;
	v6 =	vimm.s32 $0x0;
	v63 =	vld [tilespmem:s17+$0xFFFFFED0];
	[tilespmem:s17+$0x0] =	vst v4;
	v0 =	vmul.f32 v1, v2  }
.LBB2_7:
0x23b: {  	v1 =	vld [tilespmem:s19+$0x0]  }
0x23c: {  	s9 =	sadd.s32 $0x40, s9;
	v5 =	vld [tilespmem:$0x1FFB0];
	v2 =	vmul.f32 v56, v58  }
0x23d: {  	v4 =	vld [tilespmem:s9+$0x0];
	[tilespmem:s17+$0xFFFFFE10] =	vst v0;
	v3 =	vmul.f32 v57, v59  }
0x23e: {  	v0 =	vmul.f32 v55, v60;
	v57 =	vld [tilespmem:s9+$0xFFFFFFD0];
	[tilespmem:s17+$0xFFFFFE20] =	vst v2  }
0x23f: {  	v50 =	vmul.f32 v53, v50;
	[tilespmem:s17+$0xFFFFFE30] =	vst v3  }
0x240: {  	v59 =	vld [tilespmem:s19+$0xFFFFFFE0];
	v41 =	vmul.f32 v41, v44;
	[tilespmem:s17+$0xFFFFFE40] =	vst v0  }
0x241: {  	v60 =	vld [tilespmem:s9+$0xFFFFFFE0];
	v40 =	vmul.f32 v40, v63;
	v2 =	vmul.f32 v54, v51;
	[tilespmem:s17+$0xFFFFFE50] =	vst v50  }
0x242: {  	v63 =	vld [tilespmem:s9+$0xFFFFFFF0];
	v3 =	vmul.f32 v49, v62;
	v49 =	vmul.f32 v5, v14;
	v5 =	vmov v22;
	[tilespmem:s17+$0xFFFFFE90] =	vst v41  }
0x243: {  	v0 =	vmul.f32 v38, v45;
	v1 =	vadd.f32 v4, v1;
	[tilespmem:$0x1FFB0] =	vst v5;
	v5 =	vld [tilespmem:$0x1FFC0]  }
0x244: {  	v58 =	vmul.f32 v52, v61;
	v61 =	vmul.f32 v39, v46;
	v62 =	vld [tilespmem:s19+$0xFFFFFFF0];
	[tilespmem:s17+$0xFFFFFE60] =	vst v2  }
0x245: {  	v42 =	vmul.f32 v42, v48;
	v14 =	vmul.f32 $2.000000030e-01, v1;
	[tilespmem:s17+$0xFFFFFEA0] =	vst v0;
	v0 =	vld [tilespmem:s17+$0xFFFFFF00]  }
0x246: {  	v24 =	vmul.f32 v24, v31;
	v4 =	vmul.f32 v13, v23;
	[tilespmem:s17+$0xFFFFFEB0] =	vst v61;
	v23 =	vld [tilespmem:s19+$0xFFFFFFD0]  }
0x247: {  	v13 =	vmov v47;
	v47 =	vmul.f32 v10, v17;
	[tilespmem:s17+$0xFFFFFE80] =	vst v3;
	v3 =	vld [tilespmem:s17+$0xFFFFFEE0];
	v1 =	vmax.f32 v1, v14  }
0x248: {  	v10 =	vmovc v19;
	[tilespmem:s17+$0xFFFFFEC0] =	vst v42;
	v19 =	vld [tilespmem:s17+$0xFFFFFF20];
	v1 =	vmul.f32 $1.442695020e+00, v1;
	v50 =	vmul.f32 v5, v15;
	v15 =	vadd.f32 v60, v59  }
0x249: {  	v48 =	vmul.f32 v12, v18;
	v51 =	vmul.f32 v11, v16;
	[tilespmem:s17+$0xFFFFFED0] =	vst v40;
	v5 =	vmov v21;
	v21 =	vld [tilespmem:s17+$0xFFFFFEF0]  }
0x24a: {  	[tilespmem:s17+$0xFFFFFFA0] =	vst v24;
	v16 =	vadd.f32 v63, v62;
	(erf) = vpow2.f32 v1;
	v1 =	vld [tilespmem:s17+$0xFFFFFF30];
	v14 =	vmul.f32 $2.000000030e-01, v15  }
0x24b: {  	v17 =	vld [tilespmem:s17+$0xFFFFFF10];
	v2 =	vmul.f32 v25, v26;
	[tilespmem:s0+$0xFFFFFF80] =	vst v4;
	v0 =	vmul.f32 v35, v0;
	v18 =	vadd.f32 v57, v23  }
0x24c: {  	v22 =	vld [tilespmem:s17+$0xFFFFFF40];
	[tilespmem:s17+$0xFFFFFE70] =	vst v58;
	v3 =	vmul.f32 v36, v3;
	v14 =	vmax.f32 v15, v14;
	v15 =	vmul.f32 $2.000000030e-01, v16  }
0x24d: {  	v11 =	vmov v20;
	v23 =	vld [tilespmem:s17+$0xFFFFFF80];
	[tilespmem:s17+$0xFFFFFF00] =	vst v0;
	v0 =	vmul.f32 v27, v19;
	v20 =	vmul.f32 $2.000000030e-01, v18  }
0x24e: {  	[tilespmem:s17+$0xFFFFFEE0] =	vst v3;
	v3 =	vld [tilespmem:s17+$0xFFFFFF70];
	v14 =	vmul.f32 $1.442695020e+00, v14;
	v4 =	vmax.f32 v16, v15;
	v15 =	vmul.f32 v37, v21  }
0x24f: {  	[tilespmem:s17+$0xFFFFFF90] =	vst v2;
	v16 =	vld [tilespmem:s17+$0xFFFFFF50];
	v2 =	vmax.f32 v18, v20;
	v1 =	vmul.f32 v28, v1;
	v4 =	vmul.f32 $1.442695020e+00, v4  }
0x250: {  	[tilespmem:s17+$0xFFFFFF20] =	vst v0;
	v18 =	vld [tilespmem:s17+$0xFFFFFF60];
	(erf) = vpow2.f32 v14;
	v2 =	vmul.f32 $1.442695020e+00, v2  }
0x251: {  	v14 =	vld [tilespmem:s17+$0xFFFFFFB0];
	[tilespmem:s17+$0xFFFFFEF0] =	vst v15;
	(erf) = vpow2.f32 v4;
	v4 =	vmul.f32 v34, v17  }
0x252: {  	v15 =	vld [tilespmem:s17+$0xFFFFFFC0];
	[tilespmem:s17+$0xFFFFFF30] =	vst v1  }
0x253: {  	v12 =	vmov v43;
	v17 =	vld [tilespmem:s17+$0xFFFFFFE0];
	(erf) = vpow2.f32 v2;
	v43 =	vpop (erf);
	[tilespmem:s17+$0xFFFFFF10] =	vst v4  }
0x254: {  	v0 =	vmul.f32 v33, v16;
	v16 =	vld [tilespmem:s17+$0xFFFFFFD0];
	[tilespmem:s19+$0x0] =	vst v43;
	s17 =	sadd.s32 $0x200, s17  }
0x255: {  	v1 =	vmul.f32 v30, v3;
	v2 =	vmul.f32 v29, v22;
	v3 =	vld [tilespmem:s17+$0x0]  }
0x256: {  	v9 =	vimm.s32 $0x7;
	v4 =	vmul.f32 v32, v18  }
0x257: {  	v30 =	vimm.s32 $0x4;
	v25 =	vperm.xlane v43, v6;
	v24 =	vperm.xlane v43, v7  }
0x258: {  	v29 =	vimm.s32 $0x3;
	v22 =	vperm.xlane v43, v8;
	v18 =	vld [tilespmem:s18+$0xFFFFFFF0];
	[tilespmem:s18+$0xFFFFFF50] =	vst v0;
	v0 =	vperm.xlane v43, v9  }
0x259: {  	v21 =	vperm.xlane v43, v29;
	v20 =	vperm.xlane v43, v30;
	v32 =	vimm.s32 $0x5;
	[tilespmem:s18+$0xFFFFFF40] =	vst v2;
	v26 =	vld [tilespmem:s17+$0xFFFFFF90];
	v2 =	vpop (erf)  }
0x25a: {  	v19 =	vperm.xlane v43, v32;
	v31 =	vld [tilespmem:s17+$0xFFFFFFA0];
	[tilespmem:s19+$0xFFFFFFE0] =	vst v2;
	v0 =	vmul.f32 v0, v3  }
0x25b: {  	[tilespmem:s18+$0xFFFFFF60] =	vst v4;
	v41 =	vperm.xlane v2, v6;
	v38 =	vperm.xlane v2, v7;
	v44 =	vld [tilespmem:s17+$0xFFFFFE90];
	v63 =	vpop (erf)  }
0x25c: {  	v39 =	vperm.xlane v2, v8;
	v42 =	vperm.xlane v2, v29;
	v45 =	vld [tilespmem:s17+$0xFFFFFEA0];
	v4 =	vpop (erf);
	[tilespmem:s17+$0x0] =	vst v0  }
0x25d: {  	v40 =	vperm.xlane v2, v30;
	v36 =	vperm.xlane v2, v32;
	v46 =	vld [tilespmem:s17+$0xFFFFFEB0];
	[tilespmem:s19+$0xFFFFFFD0] =	vst v4  }
0x25e: {  	v35 =	vperm.xlane v2, v9;
	v34 =	vperm.xlane v63, v6;
	[tilespmem:s0+$0xFFFFFFF0] =	vst v48;
	v48 =	vld [tilespmem:s17+$0xFFFFFEC0]  }
0x25f: {  	[tilespmem:$0x1FFC0] =	vst v5;
	v27 =	vperm.xlane v63, v7;
	v28 =	vperm.xlane v63, v8;
	v3 =	vld [tilespmem:s17+$0xFFFFFE10]  }
0x260: {  	[tilespmem:s0+$0xFFFFFFB0] =	vst v49;
	v33 =	vperm.xlane v63, v30;
	v5 =	vperm.xlane v4, v6;
	v58 =	vld [tilespmem:s17+$0xFFFFFE20]  }
0x261: {  	s14 =	sadd.s32 $0x4, s14;
	[tilespmem:s0+$0xFFFFFFC0] =	vst v50;
	v56 =	vperm.xlane v4, v7;
	v57 =	vperm.xlane v4, v8;
	v59 =	vld [tilespmem:s17+$0xFFFFFE30]  }
0x262: {  	p0 =	slt.u32 s14, $0x4C;
	[tilespmem:s19+$0xFFFFFFF0] =	vst v63;
	v55 =	vperm.xlane v4, v29;
	v53 =	vperm.xlane v4, v30;
	v60 =	vld [tilespmem:s17+$0xFFFFFE40]  }
.Ltmp2:
0x263: {  	[tilespmem:s18+$0xFFFFFF70] =	vst v1;
	v54 =	vperm.xlane v4, v32;
	v49 =	vperm.xlane v4, v9;
	v50 =	vld [tilespmem:s17+$0xFFFFFE50];
	(pc) =	sbr.rel @p0 .LBB2_7-.Ltmp2, $4  }
0x264: {  	v1 =	vimm.s32 $0x6;
	[tilespmem:s0+$0xFFFFFFD0] =	vst v51;
	v29 =	vperm.xlane v63, v29;
	v32 =	vperm.xlane v63, v32;
	v51 =	vld [tilespmem:s17+$0xFFFFFE60]  }
0x265: {  	[tilespmem:s0+$0xFFFFFFE0] =	vst v47;
	v47 =	vperm.xlane v63, v9;
	v52 =	vperm.xlane v4, v1;
	v61 =	vld [tilespmem:s17+$0xFFFFFE70]  }
0x266: {  	v37 =	vperm.xlane v2, v1;
	v62 =	vld [tilespmem:s17+$0xFFFFFE80];
	v30 =	vperm.xlane v63, v1  }
0x267: {  	s0 =	smov.u32 s18;
	s18 =	smov.u32 s17;
	s19 =	sadd.s32 $0x40, s19;
	v63 =	vld [tilespmem:s17+$0xFFFFFED0];
	v43 =	vperm.xlane v43, v1;
	v0 =	vmul.f32 v5, v3  }
0x268: {  	v1 =	vmul.f32 v56, v58  }
0x269: {  	v2 =	vmul.f32 v57, v59;
	[tilespmem:s17+$0xFFFFFE10] =	vst v0  }
0x26a: {  	v3 =	vmul.f32 v38, v45;
	[tilespmem:s17+$0xFFFFFE20] =	vst v1  }
0x26b: {  	v4 =	vmul.f32 v39, v46;
	[tilespmem:s17+$0xFFFFFE30] =	vst v2  }
0x26c: {  	v0 =	vmul.f32 v55, v60;
	[tilespmem:s17+$0xFFFFFEA0] =	vst v3  }
0x26d: {  	v1 =	vmul.f32 v53, v50;
	[tilespmem:s17+$0xFFFFFEB0] =	vst v4  }
0x26e: {  	v2 =	vmul.f32 v54, v51;
	[tilespmem:s17+$0xFFFFFE40] =	vst v0  }
0x26f: {  	v3 =	vmul.f32 v42, v48;
	[tilespmem:s17+$0xFFFFFE50] =	vst v1  }
0x270: {  	v0 =	vmul.f32 v41, v44;
	[tilespmem:s17+$0xFFFFFE60] =	vst v2  }
0x271: {  	v1 =	vmul.f32 v52, v61;
	[tilespmem:s17+$0xFFFFFEC0] =	vst v3  }
0x272: {  	v2 =	vld [tilespmem:s17+$0xFFFFFEE0];
	[tilespmem:s17+$0xFFFFFE90] =	vst v0;
	v0 =	vmul.f32 v49, v62  }
0x273: {  	v4 =	vmul.f32 v13, v23;
	[tilespmem:s17+$0xFFFFFE70] =	vst v1;
	v1 =	vld [tilespmem:s17+$0xFFFFFEF0]  }
0x274: {  	v5 =	vmul.f32 v40, v63;
	[tilespmem:s17+$0xFFFFFE80] =	vst v0;
	v0 =	vld [tilespmem:s17+$0xFFFFFF00]  }
0x275: {  	v60 =	vld [tilespmem:s17+$0xFFFFFF10];
	v3 =	vmul.f32 v25, v26;
	[tilespmem:s0+$0xFFFFFF80] =	vst v4  }
0x276: {  	v61 =	vld [tilespmem:s17+$0xFFFFFF20];
	[tilespmem:s17+$0xFFFFFED0] =	vst v5;
	v5 =	vmul.f32 v24, v31  }
0x277: {  	v62 =	vld [tilespmem:s17+$0xFFFFFF30];
	[tilespmem:s17+$0xFFFFFF90] =	vst v3;
	v2 =	vmul.f32 v36, v2  }
0x278: {  	v4 =	vld [tilespmem:s17+$0xFFFFFF40];
	[tilespmem:s17+$0xFFFFFFA0] =	vst v5;
	v1 =	vmul.f32 v37, v1  }
0x279: {  	v3 =	vld [tilespmem:s17+$0xFFFFFF50];
	[tilespmem:s17+$0xFFFFFEE0] =	vst v2;
	v0 =	vmul.f32 v35, v0  }
0x27a: {  	v5 =	vld [tilespmem:s17+$0xFFFFFF60];
	[tilespmem:s17+$0xFFFFFEF0] =	vst v1;
	v1 =	vmul.f32 v34, v60  }
0x27b: {  	[tilespmem:s17+$0xFFFFFF00] =	vst v0;
	v0 =	vmul.f32 v27, v61  }
0x27c: {  	v2 =	vld [tilespmem:s17+$0xFFFFFF70];
	[tilespmem:s17+$0xFFFFFF10] =	vst v1;
	v1 =	vmul.f32 v28, v62  }
0x27d: {  	v4 =	vmul.f32 v29, v4;
	[tilespmem:s17+$0xFFFFFF20] =	vst v0  }
0x27e: {  	v0 =	vmul.f32 v33, v3;
	[tilespmem:s17+$0xFFFFFF30] =	vst v1  }
0x27f: {  	v63 =	vld [tilespmem:s17+$0xFFFFFF80];
	v1 =	vmul.f32 v32, v5;
	[tilespmem:s18+$0xFFFFFF40] =	vst v4  }
0x280: {  	[tilespmem:s18+$0xFFFFFF50] =	vst v0  }
0x281: {  	v2 =	vmul.f32 v30, v2;
	v0 =	vld [tilespmem:$0x1FFB0];
	[tilespmem:s18+$0xFFFFFF60] =	vst v1  }
0x282: {  	v1 =	vld [tilespmem:$0x1FFC0]  }
0x283: {  	[tilespmem:s18+$0xFFFFFF70] =	vst v2;
	v2 =	vmul.f32 v11, v16;
	_ =	sdelay $0x1  }
0x284: {  	[tilespmem:s0+$0xFFFFFFD0] =	vst v2;
	v2 =	vld [tilespmem:s18+$0xFFFFFFF0]  }
0x285: {  	v0 =	vmul.f32 v0, v14  }
0x286: {  	v3 =	vld [tilespmem:s17+$0xFFFFFFB0];
	v1 =	vmul.f32 v1, v15  }
0x287: {  	v4 =	vld [tilespmem:s17+$0xFFFFFFC0];
	[tilespmem:s0+$0xFFFFFFB0] =	vst v0;
	v0 =	vmul.f32 v10, v17  }
0x288: {  	v5 =	vld [tilespmem:s17+$0xFFFFFFD0];
	[tilespmem:s0+$0xFFFFFFC0] =	vst v1;
	v1 =	vmul.f32 v12, v18  }
0x289: {  	v8 =	vld [tilespmem:s17+$0xFFFFFFE0];
	v2 =	vmul.f32 v43, v2;
	[tilespmem:s0+$0xFFFFFFE0] =	vst v0  }
0x28a: {  	v0 =	vmul.f32 v47, v63;
	[tilespmem:s0+$0xFFFFFFF0] =	vst v1  }
0x28b: {  	v1 =	vmul.f32 v22, v3;
	[tilespmem:s18+$0xFFFFFFF0] =	vst v2  }
0x28c: {  	v3 =	vmul.f32 v21, v4;
	[tilespmem:s18+$0xFFFFFF80] =	vst v0  }
0x28d: {  	s30 =	sadd.s32 $0x1, s30;
	v0 =	vmul.f32 v20, v5;
	[tilespmem:s18+$0xFFFFFFB0] =	vst v1  }
0x28e: {  	p0 =	sne.s32 s30, $0x2B;
	v1 =	vmul.f32 v19, v8;
	[tilespmem:s18+$0xFFFFFFC0] =	vst v3  }
.Ltmp3:
0x28f: {  	[tilespmem:s18+$0xFFFFFFD0] =	vst v0;
	(pc) =	sbr.rel @p0 .LBB2_2-.Ltmp3, $4  }
0x290: {  	[tilespmem:s18+$0xFFFFFFE0] =	vst v1  }
0x291: {  	[spmem:s3] =	stream.indirect.scatter.add.f32 [tilespmem:s22], [sflag:$0x12], $0x10, s24, s23, $0xb8;
	[tilespmem:$0x1F8F0] =	vst v63  }
0x292: {  	v6 =	vimm.s32 $0x1;
	v7 =	vimm.s32 $0x2;
	v62 =	vimm.s32 $0x3  }
0x293: {  	v2 =	vimm.s32 $0x5;
	v5 =	vimm.s32 $0x0;
	v1 =	vimm.s32 $0x4;
	[spmem:s2] =	stream.indirect.scatter.add.f32 [tilespmem:s20], [sflag:$0xF], $0x80, s24, s23, $0xb8;
	[tilespmem:$0x1F8F0] =	vst v63  }
0x294: {  	s0 =	simm.s32 $0x10  }
0x295: {  	_ =	swait.ge [sflag:s0], $0x500  }
0x296: {  	[sflag:s0] =	ssyncset.done $0x0  }
0x297: {  	s29 =	simm.s32 $0xD;
	[sflag:s0] =	ssyncadd.s32 $0xFFFFFB00  }
0x298: {  	_ =	swait.ge [sflag:s29], $0x2800  }
0x299: {  	[sflag:s29] =	ssyncset.done $0x0  }
0x29a: {  	s30 =	simm.s32 $0x11;
	[sflag:s29] =	ssyncadd.s32 $0xFFFFD800  }
0x29b: {  	_ =	swait.ge [sflag:s30], $0x500  }
0x29c: {  	[sflag:s30] =	ssyncset.done $0x0  }
0x29d: {  	s9 =	simm.s32 $0xE;
	[sflag:s30] =	ssyncadd.s32 $0xFFFFFB00  }
0x29e: {  	_ =	swait.ge [sflag:s9], $0x2800  }
0x29f: {  	[sflag:s9] =	ssyncset.done $0x0  }
0x2a0: {  	s14 =	simm.s32 $0x12;
	[sflag:s9] =	ssyncadd.s32 $0xFFFFD800  }
0x2a1: {  	_ =	swait.ge [sflag:s14], $0x500  }
0x2a2: {  	[sflag:s14] =	ssyncset.done $0x0  }
0x2a3: {  	s17 =	simm.s32 $0xF;
	[sflag:s14] =	ssyncadd.s32 $0xFFFFFB00  }
0x2a4: {  	_ =	swait.ge [sflag:s17], $0x2800  }
0x2a5: {  	[sflag:s17] =	ssyncset.done $0x0  }
0x2a6: {  	[sflag:s17] =	ssyncadd.s32 $0xFFFFD800  }
0x2a7: {  	[bflag:$0x0] =	sbarrier.arrive $0xFFFF  }
0x2a8: {  	s17 =	rddreg [dreg:$0x9]  }
0x2a9: {  	s18 =	rddreg [dreg:$0x12]  }
0x2aa: {  	s9 =	rddreg [dreg:$0x14]  }
0x2ab: {  	[hbm:s18], [sflag:s17] =	dma.local [spmem:s9], $0x2720  }
0x2ac: {  	s9 =	simm.s32 $0x13  }
0x2ad: {  	_ =	swait.ge [sflag:s9], $0x2720  }
0x2ae: {  	[sflag:s9] =	ssyncset.done $0x0;
	s19 =	rddreg [dreg:$0x13]  }
0x2af: {  	s14 =	rddreg [dreg:$0x15];
	[sflag:s9] =	ssyncadd.s32 $0xFFFFD8E0  }
0x2b0: {  	[hbm:s19], [sflag:s17] =	dma.local [spmem:s14], $0x4E4  }
0x2b1: {  	_ =	swait.ge [sflag:s9], $0x4E4  }
0x2b2: {  	s29 =	rddreg [dreg:$0x5]  }
0x2b3: {  	s30 =	rddreg [dreg:$0x11];
	s14 =	sadd.s32 $0x1, s29  }
0x2b4: {  	p0 =	sne.s32 s14, s30  }
.Ltmp4:
0x2b5: {  	_ = 	snop;
	(pc) =	sbr.rel @p0 .LBB2_1-.Ltmp4, $3  }
0x2b6: {  	_ =	sdelay $0x1  }
0x2b7: {  	[sflag:s9] =	ssyncset.done $0x0  }
0x2b8: {  	[sflag:s9] =	ssyncadd.s32 $0xFFFFFB1C  }
0x2b9: {  	_ =	sfence.sel $0x180000  }
0x2ba: {  	[bflag:$0x0] =	sbarrier.arrive $0xFFFF  }
0x2bb: {  	_ =	strace $0x90000047  }
0x2bc: {  	s0 =	stileid.u32;
	[bflag:$0x2] =	sbarrier.arrive $0xFFFF  }
0x2bd: {  	p0 =	sne.s32 s0, $0x0;
	s0 =	rddreg [dreg:$0x4]  }
0x2be: {  	s0 =	sadd.s32 @!p0 $0x100000, s0  }
0x2bf: {  	[sflag:s0] =	ssyncadd.tile.s32 @!p0 $0x1;
	_ =	shalt  }
.Lfunc_end2:
_tile_overlayer_lowered:
.L_overlay_start_2:
0x2c0: {  	(tag) =	ssettag $0x2  }
0x2c1: {  	s0 =	rddreg [dreg:$0x0];
	s2 =	stileid.u32  }
0x2c2: {  	s1 =	rddreg [dreg:$0x1];
	p0 =	sne.s32 s2, $0x0  }
0x2c3: {  	s3 =	rddreg [dreg:$0x2];
	[bflag:$0x3] =	sbarrier.arrive $0xFFFF;
	s2 =	simm.s32 @!p0 $0x1C13  }
0x2c4: {  	[timem:s3], [sflag:s2] =	dma.local @!p0 [hbm:s0], s1  }
0x2c5: {  	s0 =	simm.s32 @!p0 $0x13  }
0x2c6: {  	_ =	swait.ge @!p0 [sflag:s0], s1  }
0x2c7: {  	s1 =	ssub.s32 @!p0 $0x0, s1;
	[sflag:s0] =	ssyncset.done @!p0 $0x0  }
0x2c8: {  	[sflag:s0] =	ssyncadd.s32 @!p0 s1  }
0x2c9: {  	[bflag:$0x3] =	sbarrier.arrive $0xFFFF  }
0x2ca: {  	_ =	shalt  }

</sc_bundles>
